<compile_context>
chip_gen: v7x
topology: tpu7x:2x2x1
jax: 0.10.2.dev20260603
libtpu: 0.0.44.dev20260713+nightly
codegen_flags: <defaults>
</compile_context>

<pallas_src>
import functools

import jax
import jax.numpy as jnp
from jax import lax
from jax.experimental import pallas as pl
from jax.experimental.pallas import tpu as pltpu
from jax.experimental.pallas import tpu_sc as plsc

C = 64
N = 50000
K = 16
KW = 9
SIGMA = 0.02

NW = 32
NPW = 1568
NP = NW * NPW
CH_N = 8
CH_E = CH_N * K
NCHUNK = NPW // CH_N
ZROW = N

BLK_A = 3584
NB_A = NP // BLK_A
BLK = 2048
NB = (N + BLK - 1) // BLK
NP2 = (NB - 1) * BLK + BLK + 16


def _stage_a(x0, At, Bt):
    def body(x_ref, a_ref, b_ref, ya_ref, yb_ref):
        i = pl.program_id(0)
        xb = x_ref[...]
        dn = (((0,), (0,)), ((), ()))
        ya = lax.dot_general(xb, a_ref[...], dn,
                             preferred_element_type=jnp.float32)
        yb = lax.dot_general(xb, b_ref[...], dn,
                             preferred_element_type=jnp.float32)
        rows = lax.broadcasted_iota(jnp.int32, (BLK_A, 1), 0) + i * BLK_A
        valid = rows < N
        ya_ref[...] = jnp.where(valid, ya, 0.0).astype(jnp.bfloat16)
        yb_ref[...] = jnp.where(valid, yb, 0.0).astype(jnp.bfloat16)

    return pl.pallas_call(
        body,
        grid=(NB_A,),
        in_specs=[
            pl.BlockSpec((C, BLK_A), lambda i: (0, i)),
            pl.BlockSpec((C, C), lambda i: (0, 0)),
            pl.BlockSpec((C, C), lambda i: (0, 0)),
        ],
        out_specs=[
            pl.BlockSpec((BLK_A, C), lambda i: (i, 0)),
            pl.BlockSpec((BLK_A, C), lambda i: (i, 0)),
        ],
        out_shape=[
            jax.ShapeDtypeStruct((NP, C), jnp.bfloat16),
            jax.ShapeDtypeStruct((NP, C), jnp.bfloat16),
        ],
    )(x0, At, Bt)


def _stage_b(ya, yb, i0f, i1f):
    mesh = plsc.VectorSubcoreMesh(core_axis_name="c", subcore_axis_name="s")

    @functools.partial(
        pl.kernel,
        mesh=mesh,
        compiler_params=pltpu.CompilerParams(use_tc_tiling_on_sc=False,
                                             needs_layout_passes=False),
        out_type=[
            jax.ShapeDtypeStruct((NP2, C), jnp.bfloat16),
            jax.ShapeDtypeStruct((NW, C), jnp.float32),
            jax.ShapeDtypeStruct((NW, C), jnp.float32),
        ],
        scratch_types=[
            pltpu.VMEM((CH_E,), jnp.int32),
            pltpu.VMEM((CH_E,), jnp.int32),
            pltpu.VMEM((CH_E,), jnp.int32),
            pltpu.VMEM((CH_E,), jnp.int32),
            pltpu.VMEM((CH_E, C), jnp.bfloat16),
            pltpu.VMEM((CH_E, C), jnp.bfloat16),
            pltpu.VMEM((CH_E, C), jnp.bfloat16),
            pltpu.VMEM((CH_E, C), jnp.bfloat16),
            pltpu.VMEM((CH_N, C), jnp.bfloat16),
            pltpu.VMEM((CH_N, C), jnp.bfloat16),
            pltpu.VMEM((C,), jnp.float32),
            pltpu.VMEM((C,), jnp.float32),
        ] + [pltpu.SemaphoreType.DMA] * 10,
    )
    def kern(ya_hbm, yb_hbm, i0_hbm, i1_hbm, m_hbm, ps_hbm, pq_hbm,
             idx0_0, idx0_1, idx1_0, idx1_1, bufa_0, bufa_1, bufb_0, bufb_1,
             m_0, m_1, s_v, q_v,
             si0_0, si0_1, si1_0, si1_1, sga_0, sga_1, sgb_0, sgb_1,
             sm_0, sm_1):
        idx0 = (idx0_0, idx0_1)
        idx1 = (idx1_0, idx1_1)
        bufa = (bufa_0, bufa_1)
        bufb = (bufb_0, bufb_1)
        m_v = (m_0, m_1)
        si0 = (si0_0, si0_1)
        si1 = (si1_0, si1_1)
        sga = (sga_0, sga_1)
        sgb = (sgb_0, sgb_1)
        sm = (sm_0, sm_1)

        wid = lax.axis_index("s") * 2 + lax.axis_index("c")
        ebase = wid * (NPW * K)
        nbase = wid * NPW

        def idx_copy(g, s):
            eoff = ebase + g * CH_E
            pltpu.async_copy(i0_hbm.at[pl.ds(eoff, CH_E)], idx0[s], si0[s])
            pltpu.async_copy(i1_hbm.at[pl.ds(eoff, CH_E)], idx1[s], si1[s])

        def idx_wait(s):
            pltpu.make_async_copy(i0_hbm.at[pl.ds(0, CH_E)], idx0[s], si0[s]).wait()
            pltpu.make_async_copy(i1_hbm.at[pl.ds(0, CH_E)], idx1[s], si1[s]).wait()

        def gather_start(s):
            pltpu.async_copy(ya_hbm.at[idx1[s]], bufa[s], sga[s])
            pltpu.async_copy(yb_hbm.at[idx0[s]], bufb[s], sgb[s])

        def gather_wait(s):
            pltpu.make_async_copy(ya_hbm.at[idx1[s]], bufa[s], sga[s]).wait()
            pltpu.make_async_copy(yb_hbm.at[idx0[s]], bufb[s], sgb[s]).wait()

        def m_store(g, s):
            noff = 8 + nbase + g * CH_N
            pltpu.async_copy(m_v[s], m_hbm.at[pl.ds(noff, CH_N)], sm[s])

        def m_wait(s):
            pltpu.make_async_copy(m_v[s], m_hbm.at[pl.ds(8, CH_N)], sm[s]).wait()

        def compute(s, carry):
            ba = bufa[s]
            bb = bufb[s]
            mv = m_v[s]

            def node_body(n, cc):
                row0 = n * K
                ss = list(cc[:4])
                qq = list(cc[4:])
                for cb in range(2):
                    sl = pl.ds(cb * 32, 32)
                    acc = None
                    for k in range(K):
                        h = ba[row0 + k, sl] + bb[row0 + k, sl]
                        acc = h if acc is None else jnp.maximum(acc, h)
                        he, ho = plsc.unpack(h, format=plsc.PackFormat.INTERLEAVED)
                        i0 = cb * 2
                        ss[i0] = ss[i0] + he
                        ss[i0 + 1] = ss[i0 + 1] + ho
                        qq[i0] = qq[i0] + he * he
                        qq[i0 + 1] = qq[i0 + 1] + ho * ho
                    mv[n, sl] = acc
                return tuple(ss) + tuple(qq)

            return lax.fori_loop(0, CH_N, node_body, carry)

        def chunk_step(g, s, carry, prefetch_idx, start_next, wait_m):
            gather_wait(s)
            if prefetch_idx:
                idx_copy(g + 2, s)
            if start_next:
                idx_wait(1 - s)
                gather_start(1 - s)
            if wait_m:
                m_wait(s)
            carry = compute(s, carry)
            m_store(g, s)
            return carry

        idx_copy(0, 0)
        idx_copy(1, 1)
        idx_wait(0)
        gather_start(0)

        def pair_body(gg, carry):
            g0 = gg * 2

            @pl.when(gg >= 1)
            def _():
                m_wait(0)
                m_wait(1)

            carry = chunk_step(g0, 0, carry, True, True, False)
            carry = chunk_step(g0 + 1, 1, carry, True, True, False)
            return carry

        zero = jnp.zeros((16,), jnp.float32)
        carry = lax.fori_loop(0, NCHUNK // 2 - 1, pair_body, (zero,) * 8)
        m_wait(0)
        m_wait(1)
        carry = chunk_step(NCHUNK - 2, 0, carry, False, True, False)
        carry = chunk_step(NCHUNK - 1, 1, carry, False, False, False)
        m_wait(0)
        m_wait(1)

        for cb in range(4):
            s_v[pl.ds(cb * 16, 16)] = carry[cb]
            q_v[pl.ds(cb * 16, 16)] = carry[4 + cb]
        pltpu.sync_copy(s_v, ps_hbm.at[wid])
        pltpu.sync_copy(q_v, pq_hbm.at[wid])

    return kern(ya, yb, i0f, i1f)


def _stage_c(m2, cp_t, ps_t, pq_t, gamma_t, beta_t, w2t):
    inv_cnt = 1.0 / float(N * K)

    def body(m_ref, cp_ref, ps_ref, pq_ref, g_ref, b_ref, w_ref, out_ref):
        j0 = pl.program_id(0) * BLK
        mean = jnp.sum(ps_ref[...], axis=1, keepdims=True) * inv_cnt
        ex2 = jnp.sum(pq_ref[...], axis=1, keepdims=True) * inv_cnt
        var = ex2 - mean * mean
        inv = lax.rsqrt(var + 1e-5)
        scale = inv * g_ref[...]
        shift = b_ref[...] - mean * scale
        ext = m_ref[pl.ds(j0, BLK + 16), :].astype(jnp.float32)
        ext_t = jnp.transpose(ext)
        rows = lax.broadcasted_iota(jnp.int32, (1, BLK + 16), 1) + j0
        valid = jnp.logical_and(rows >= 8, rows < 8 + N)
        x1 = jnp.where(valid, jnp.maximum(ext_t * scale + shift, 0.0), 0.0)
        ext_c = cp_ref[:, pl.ds(j0, BLK + 16)]
        center = lax.slice(ext_c, (0, 8), (3, 8 + BLK))
        ws = []
        wsum = None
        for k in range(KW):
            ck = lax.slice(ext_c, (0, 4 + k), (3, 4 + k + BLK))
            d = ck - center
            dist = jnp.sum(d * d, axis=0, keepdims=True)
            wk = jnp.exp(dist * (-1.0 / (2.0 * SIGMA * SIGMA)))
            ws.append(wk)
            wsum = wk if wsum is None else wsum + wk
        rw = 1.0 / (wsum + 1e-12)
        acc = None
        for k in range(KW):
            xk = lax.slice(x1, (0, 4 + k), (C, 4 + k + BLK))
            z = jnp.dot(w_ref[k], xk, preferred_element_type=jnp.float32)
            t = z * (ws[k] * rw)
            acc = t if acc is None else acc + t
        out_ref[...] = acc

    return pl.pallas_call(
        body,
        grid=(NB,),
        in_specs=[
            pl.BlockSpec((NP2, C), lambda j: (0, 0)),
            pl.BlockSpec((3, NP2), lambda j: (0, 0)),
            pl.BlockSpec((C, NW), lambda j: (0, 0)),
            pl.BlockSpec((C, NW), lambda j: (0, 0)),
            pl.BlockSpec((C, 1), lambda j: (0, 0)),
            pl.BlockSpec((C, 1), lambda j: (0, 0)),
            pl.BlockSpec((KW, C, C), lambda j: (0, 0, 0)),
        ],
        out_specs=pl.BlockSpec((C, BLK), lambda j: (0, j)),
        out_shape=jax.ShapeDtypeStruct((C, N), jnp.float32),
    )(m2, cp_t, ps_t, pq_t, gamma_t, beta_t, w2t)


def kernel(x, coords, edge_index, W1, gamma, beta, W2):
    x0 = x[0]
    At = (W1[:, :C] - W1[:, C:]).T
    Bt = W1[:, C:].T
    ya, yb = _stage_a(x0, At, Bt)

    i0f = jnp.pad(edge_index[0].reshape(N * K), (0, (NP - N) * K),
                  constant_values=ZROW)
    i1f = jnp.pad(edge_index[1].reshape(N * K), (0, (NP - N) * K),
                  constant_values=ZROW)
    m2, ps, pq = _stage_b(ya, yb, i0f, i1f)

    ps = ps.reshape(NW, 2, 2, 16).transpose(0, 1, 3, 2).reshape(NW, C)
    pq = pq.reshape(NW, 2, 2, 16).transpose(0, 1, 3, 2).reshape(NW, C)
    cp_t = jnp.pad(coords[0], ((0, 0), (8, NP2 - 8 - N)))
    w2t = jnp.transpose(W2, (2, 0, 1))
    out = _stage_c(m2, cp_t, ps.T, pq.T,
                   gamma.reshape(C, 1), beta.reshape(C, 1), w2t)
    return out[None]

# --- scband reference (transcript-rebuilt; emitter-appended) ---
"""Pipeline reference for scband-conv-kx-k-73469710565659 (READ-ONLY COPY).

The authoritative reference and input builder live on the scoring server;
editing this copy changes nothing except your own understanding.
"""

import jax, jax.numpy as jnp
import numpy as np

B, C, N, K = 1, 64, 50000, 16
OUT_C, KW, DIL, STRIDE, PAD = 64, 9, 1, 1, 4
SIGMA = 0.02


def setup_inputs(seed: int = 0) -> dict:
    key = jax.random.key(seed)
    ks = jax.random.split(key, 6)
    x = jax.random.normal(ks[0], (B, C, N), dtype=jnp.float32)
    coords = jax.random.normal(ks[1], (B, 3, N), dtype=jnp.float32)
    edge_index = jax.random.randint(ks[2], (2, B, N, K), 0, N, dtype=jnp.int32)
    W1 = jax.random.normal(ks[3], (C, 2 * C), dtype=jnp.float32) * (1.0 / np.sqrt(2 * C))
    gamma = jnp.ones((C,), dtype=jnp.float32)
    beta = jnp.zeros((C,), dtype=jnp.float32)
    W2 = jax.random.normal(ks[4], (OUT_C, C, KW), dtype=jnp.float32) * (1.0 / np.sqrt(C * KW))
    return {"x": x, "coords": coords, "edge_index": edge_index, "W1": W1, "gamma": gamma, "beta": beta, "W2": W2}


def _gather_nodes(x, idx):
    # x: [B,C,N], idx: [B,N,K] -> [B,C,N,K]
    Bb, Cc, Nn = x.shape
    Kk = idx.shape[-1]
    flat = idx.reshape(Bb, 1, Nn * Kk)
    flat = jnp.broadcast_to(flat, (Bb, Cc, Nn * Kk))
    out = jnp.take_along_axis(x, flat, axis=2)
    return out.reshape(Bb, Cc, Nn, Kk)


def reference(x, coords, edge_index, W1, gamma, beta, W2):
    # --- GraphConv2d (EdgeConv: relu(BN(Conv1x1([x_i, x_j - x_i]))), max over neighbors) ---
    x_j = _gather_nodes(x, edge_index[0])          # [B,C,N,K] neighbor features
    x_i = _gather_nodes(x, edge_index[1])          # [B,C,N,K] center features
    feat = jnp.concatenate([x_i, x_j - x_i], axis=1)  # [B,2C,N,K]
    h = jnp.einsum('oc,bcnk->bonk', W1, feat)      # 1x1 conv, bias=False
    mean = jnp.mean(h, axis=(0, 2, 3), keepdims=True)
    var = jnp.var(h, axis=(0, 2, 3), keepdims=True)
    h = (h - mean) / jnp.sqrt(var + 1e-5)
    h = h * gamma[None, :, None, None] + beta[None, :, None, None]
    h = jax.nn.relu(h)
    x1 = jnp.max(h, axis=-1)                       # [B,C,N]
    # --- WeightedConv1D: conv1d along point sequence with Gaussian coordinate weights ---
    xp = jnp.pad(x1, ((0, 0), (0, 0), (PAD, PAD)))
    cp = jnp.pad(coords, ((0, 0), (0, 0), (PAD, PAD)))
    n_out = (N + 2 * PAD - DIL * (KW - 1) - 1) // STRIDE + 1
    idx = (jnp.arange(n_out) * STRIDE)[None, :] + (jnp.arange(KW) * DIL)[:, None]  # [KW, n_out]
    xg = xp[:, :, idx]                             # [B,C,KW,n_out]
    cg = cp[:, :, idx]                             # [B,3,KW,n_out]
    center = cg[:, :, KW // 2, :]                  # [B,3,n_out]
    dist = jnp.sum((cg - center[:, :, None, :]) ** 2, axis=1)  # [B,KW,n_out]
    w = jnp.exp(-dist / (2.0 * SIGMA * SIGMA))
    w = w / (jnp.sum(w, axis=1, keepdims=True) + 1e-12)
    out = jnp.einsum('oik,bikn,bkn->bon', W2, xg, w)  # [B,OUT_C,n_out]
    return out

if __name__ == "__main__":
    import jax
    _d = setup_inputs()
    print(jax.jit(kernel)(*tuple(_d.values())))

</pallas_src>

<mosaic_0001>
#map = affine_map<(d0, d1) -> (0, 0)>
#map1 = affine_map<(d0, d1) -> (0)>
module attributes {stable_mosaic.version = 14 : i64} {
  func.func @kern(%arg0: i32, %arg1: i32, %arg2: memref<50176x64xbf16, #tpu.memory_space<hbm>>, %arg3: memref<50176x64xbf16, #tpu.memory_space<hbm>>, %arg4: memref<802816xi32, #tpu.memory_space<hbm>>, %arg5: memref<802816xi32, #tpu.memory_space<hbm>>, %arg6: memref<51216x64xbf16, #tpu.memory_space<hbm>>, %arg7: memref<32x64xf32, #tpu.memory_space<hbm>>, %arg8: memref<32x64xf32, #tpu.memory_space<hbm>>, %arg9: memref<128xi32, #tpu.memory_space<vmem>>, %arg10: memref<128xi32, #tpu.memory_space<vmem>>, %arg11: memref<128xi32, #tpu.memory_space<vmem>>, %arg12: memref<128xi32, #tpu.memory_space<vmem>>, %arg13: memref<128x64xbf16, #tpu.memory_space<vmem>>, %arg14: memref<128x64xbf16, #tpu.memory_space<vmem>>, %arg15: memref<128x64xbf16, #tpu.memory_space<vmem>>, %arg16: memref<128x64xbf16, #tpu.memory_space<vmem>>, %arg17: memref<8x64xbf16, #tpu.memory_space<vmem>>, %arg18: memref<8x64xbf16, #tpu.memory_space<vmem>>, %arg19: memref<64xf32, #tpu.memory_space<vmem>>, %arg20: memref<64xf32, #tpu.memory_space<vmem>>, %arg21: memref<!tpu.dma_semaphore, #tpu.memory_space<semaphore_mem>>, %arg22: memref<!tpu.dma_semaphore, #tpu.memory_space<semaphore_mem>>, %arg23: memref<!tpu.dma_semaphore, #tpu.memory_space<semaphore_mem>>, %arg24: memref<!tpu.dma_semaphore, #tpu.memory_space<semaphore_mem>>, %arg25: memref<!tpu.dma_semaphore, #tpu.memory_space<semaphore_mem>>, %arg26: memref<!tpu.dma_semaphore, #tpu.memory_space<semaphore_mem>>, %arg27: memref<!tpu.dma_semaphore, #tpu.memory_space<semaphore_mem>>, %arg28: memref<!tpu.dma_semaphore, #tpu.memory_space<semaphore_mem>>, %arg29: memref<!tpu.dma_semaphore, #tpu.memory_space<semaphore_mem>>, %arg30: memref<!tpu.dma_semaphore, #tpu.memory_space<semaphore_mem>>) attributes {dimension_semantics = [#tpu.dimension_semantics<core_parallel>, #tpu.dimension_semantics<subcore_parallel>], iteration_bounds = array<i64: 2, 16>, scalar_prefetch = 0 : i64, scratch_operands = 22 : i64, tpu.core_type = #tpu.core_type<sc_vector_subcore>, window_params = [{transform_indices = #map}, {transform_indices = #map}, {transform_indices = #map1}, {transform_indices = #map1}, {transform_indices = #map}, {transform_indices = #map}, {transform_indices = #map}]} {
    %mul3A = arith.constant 2 : i32
    %mul3A_0 = arith.muli %arg1, %mul3A : i32
    %add3A = arith.addi %mul3A_0, %arg0 : i32
    %mul3A_1 = arith.constant 25088 : i32
    %mul3A_2 = arith.muli %add3A, %mul3A_1 : i32
    %mul3A_3 = arith.constant 1568 : i32
    %mul3A_4 = arith.muli %add3A, %mul3A_3 : i32
    %add3A_5 = arith.constant 0 : i32
    %add3A_6 = arith.addi %mul3A_2, %add3A_5 : i32
    %dma_start3A = tpu.memref_slice %arg4[%add3A_6] : memref<802816xi32, #tpu.memory_space<hbm>> -> memref<128xi32, #tpu.memory_space<hbm>>
    %dma_start3A_7 = tpu.memref_slice %arg4[%add3A_6] : memref<802816xi32, #tpu.memory_space<hbm>> -> memref<128xi32, #tpu.memory_space<hbm>>
    tpu.enqueue_dma source(%dma_start3A_7 : memref<128xi32, #tpu.memory_space<hbm>>) target(%arg9 : memref<128xi32, #tpu.memory_space<vmem>>) target_semaphore(%arg21 : memref<!tpu.dma_semaphore, #tpu.memory_space<semaphore_mem>>)
    %dma_start3A_8 = tpu.memref_slice %arg5[%add3A_6] : memref<802816xi32, #tpu.memory_space<hbm>> -> memref<128xi32, #tpu.memory_space<hbm>>
    %dma_start3A_9 = tpu.memref_slice %arg5[%add3A_6] : memref<802816xi32, #tpu.memory_space<hbm>> -> memref<128xi32, #tpu.memory_space<hbm>>
    tpu.enqueue_dma source(%dma_start3A_9 : memref<128xi32, #tpu.memory_space<hbm>>) target(%arg11 : memref<128xi32, #tpu.memory_space<vmem>>) target_semaphore(%arg23 : memref<!tpu.dma_semaphore, #tpu.memory_space<semaphore_mem>>)
    %add3A_10 = arith.constant 128 : i32
    %add3A_11 = arith.addi %mul3A_2, %add3A_10 : i32
    %dma_start3A_12 = tpu.memref_slice %arg4[%add3A_11] : memref<802816xi32, #tpu.memory_space<hbm>> -> memref<128xi32, #tpu.memory_space<hbm>>
    %dma_start3A_13 = tpu.memref_slice %arg4[%add3A_11] : memref<802816xi32, #tpu.memory_space<hbm>> -> memref<128xi32, #tpu.memory_space<hbm>>
    tpu.enqueue_dma source(%dma_start3A_13 : memref<128xi32, #tpu.memory_space<hbm>>) target(%arg10 : memref<128xi32, #tpu.memory_space<vmem>>) target_semaphore(%arg22 : memref<!tpu.dma_semaphore, #tpu.memory_space<semaphore_mem>>)
    %dma_start3A_14 = tpu.memref_slice %arg5[%add3A_11] : memref<802816xi32, #tpu.memory_space<hbm>> -> memref<128xi32, #tpu.memory_space<hbm>>
    %dma_start3A_15 = tpu.memref_slice %arg5[%add3A_11] : memref<802816xi32, #tpu.memory_space<hbm>> -> memref<128xi32, #tpu.memory_space<hbm>>
    tpu.enqueue_dma source(%dma_start3A_15 : memref<128xi32, #tpu.memory_space<hbm>>) target(%arg12 : memref<128xi32, #tpu.memory_space<vmem>>) target_semaphore(%arg24 : memref<!tpu.dma_semaphore, #tpu.memory_space<semaphore_mem>>)
    %dma_wait3A = arith.constant 0 : i32
    %dma_wait3A_16 = tpu.memref_slice %arg4[%dma_wait3A] : memref<802816xi32, #tpu.memory_space<hbm>> -> memref<128xi32, #tpu.memory_space<hbm>>
    %dma_wait3A_17 = arith.constant 0 : i32
    %dma_wait3A_18 = tpu.memref_slice %arg4[%dma_wait3A_17] : memref<802816xi32, #tpu.memory_space<hbm>> -> memref<128xi32, #tpu.memory_space<hbm>>
    tpu.wait_dma2 semaphore(%arg21 : memref<!tpu.dma_semaphore, #tpu.memory_space<semaphore_mem>>) src(%dma_wait3A_18 : memref<128xi32, #tpu.memory_space<hbm>>) dst(%arg9 : memref<128xi32, #tpu.memory_space<vmem>>)
    %dma_wait3A_19 = arith.constant 0 : i32
    %dma_wait3A_20 = tpu.memref_slice %arg5[%dma_wait3A_19] : memref<802816xi32, #tpu.memory_space<hbm>> -> memref<128xi32, #tpu.memory_space<hbm>>
    %dma_wait3A_21 = arith.constant 0 : i32
    %dma_wait3A_22 = tpu.memref_slice %arg5[%dma_wait3A_21] : memref<802816xi32, #tpu.memory_space<hbm>> -> memref<128xi32, #tpu.memory_space<hbm>>
    tpu.wait_dma2 semaphore(%arg23 : memref<!tpu.dma_semaphore, #tpu.memory_space<semaphore_mem>>) src(%dma_wait3A_22 : memref<128xi32, #tpu.memory_space<hbm>>) dst(%arg11 : memref<128xi32, #tpu.memory_space<vmem>>)
    %dma_start3A_23 = arith.constant 0 : i32
    %dma_start3A_24 = arith.constant 0 : i32
    %dma_start3A_25 = tpu.memref_slice %arg2[%dma_start3A_23, %dma_start3A_24] : memref<50176x64xbf16, #tpu.memory_space<hbm>> -> memref<50176x64xbf16, #tpu.memory_space<hbm>>
    tpu.enqueue_indirect_dma source(%dma_start3A_25 : memref<50176x64xbf16, #tpu.memory_space<hbm>>) target(%arg13 : memref<128x64xbf16, #tpu.memory_space<vmem>>) offsets(%arg11 : memref<128xi32, #tpu.memory_space<vmem>>) semaphore(%arg25 : memref<!tpu.dma_semaphore, #tpu.memory_space<semaphore_mem>>)
    %dma_start3A_26 = arith.constant 0 : i32
    %dma_start3A_27 = arith.constant 0 : i32
    %dma_start3A_28 = tpu.memref_slice %arg3[%dma_start3A_26, %dma_start3A_27] : memref<50176x64xbf16, #tpu.memory_space<hbm>> -> memref<50176x64xbf16, #tpu.memory_space<hbm>>
    tpu.enqueue_indirect_dma source(%dma_start3A_28 : memref<50176x64xbf16, #tpu.memory_space<hbm>>) target(%arg15 : memref<128x64xbf16, #tpu.memory_space<vmem>>) offsets(%arg9 : memref<128xi32, #tpu.memory_space<vmem>>) semaphore(%arg27 : memref<!tpu.dma_semaphore, #tpu.memory_space<semaphore_mem>>)
    %broadcast_in_dim3A = arith.constant 0.000000e+00 : f32
    %broadcast_in_dim3A_29 = vector.broadcast %broadcast_in_dim3A : f32 to vector<16xf32>
    %scan3A = arith.constant 0 : i32
    %scan3A_30 = arith.constant 97 : i32
    %scan3A_31 = arith.addi %scan3A, %scan3A_30 : i32
    %scan3A_32 = arith.constant 1 : i32
    %scan3A_33:8 = scf.for %scan3A_128 = %scan3A to %scan3A_31 step %scan3A_32 iter_args(%scan3A_129 = %broadcast_in_dim3A_29, %scan3A_130 = %broadcast_in_dim3A_29, %scan3A_131 = %broadcast_in_dim3A_29, %scan3A_132 = %broadcast_in_dim3A_29, %scan3A_133 = %broadcast_in_dim3A_29, %scan3A_134 = %broadcast_in_dim3A_29, %scan3A_135 = %broadcast_in_dim3A_29, %scan3A_136 = %broadcast_in_dim3A_29) -> (vector<16xf32>, vector<16xf32>, vector<16xf32>, vector<16xf32>, vector<16xf32>, vector<16xf32>, vector<16xf32>, vector<16xf32>)  : i32 {
      %mul3A_137 = arith.constant 2 : i32
      %mul3A_138 = arith.muli %scan3A_128, %mul3A_137 : i32
      %ge3A = arith.constant 1 : i32
      %ge3A_139 = arith.cmpi sge, %scan3A_128, %ge3A : i32
      %convert_element_type3A = arith.extui %ge3A_139 : i1 to i32
      %cond3A = arith.constant 0 : i32
      %cond3A_140 = arith.cmpi ne, %convert_element_type3A, %cond3A : i32
      scf.if %cond3A_140 {
        %dma_wait3A_231 = arith.constant 8 : i32
        %dma_wait3A_232 = arith.constant 0 : i32
        %dma_wait3A_233 = tpu.memref_slice %arg6[%dma_wait3A_231, %dma_wait3A_232] : memref<51216x64xbf16, #tpu.memory_space<hbm>> -> memref<8x64xbf16, #tpu.memory_space<hbm>>
        %dma_wait3A_234 = arith.constant 8 : i32
        %dma_wait3A_235 = arith.constant 0 : i32
        %dma_wait3A_236 = tpu.memref_slice %arg6[%dma_wait3A_234, %dma_wait3A_235] : memref<51216x64xbf16, #tpu.memory_space<hbm>> -> memref<8x64xbf16, #tpu.memory_space<hbm>>
        tpu.wait_dma2 semaphore(%arg29 : memref<!tpu.dma_semaphore, #tpu.memory_space<semaphore_mem>>) src(%arg17 : memref<8x64xbf16, #tpu.memory_space<vmem>>) dst(%dma_wait3A_236 : memref<8x64xbf16, #tpu.memory_space<hbm>>)
        %dma_wait3A_237 = arith.constant 8 : i32
        %dma_wait3A_238 = arith.constant 0 : i32
        %dma_wait3A_239 = tpu.memref_slice %arg6[%dma_wait3A_237, %dma_wait3A_238] : memref<51216x64xbf16, #tpu.memory_space<hbm>> -> memref<8x64xbf16, #tpu.memory_space<hbm>>
        %dma_wait3A_240 = arith.constant 8 : i32
        %dma_wait3A_241 = arith.constant 0 : i32
        %dma_wait3A_242 = tpu.memref_slice %arg6[%dma_wait3A_240, %dma_wait3A_241] : memref<51216x64xbf16, #tpu.memory_space<hbm>> -> memref<8x64xbf16, #tpu.memory_space<hbm>>
        tpu.wait_dma2 semaphore(%arg30 : memref<!tpu.dma_semaphore, #tpu.memory_space<semaphore_mem>>) src(%arg18 : memref<8x64xbf16, #tpu.memory_space<vmem>>) dst(%dma_wait3A_242 : memref<8x64xbf16, #tpu.memory_space<hbm>>)
      } else {
      }
      %dma_wait3A_141 = arith.constant 0 : i32
      %dma_wait3A_142 = arith.constant 0 : i32
      %dma_wait3A_143 = tpu.memref_slice %arg2[%dma_wait3A_141, %dma_wait3A_142] : memref<50176x64xbf16, #tpu.memory_space<hbm>> -> memref<50176x64xbf16, #tpu.memory_space<hbm>>
      tpu.wait_indirect_dma semaphore(%arg25 : memref<!tpu.dma_semaphore, #tpu.memory_space<semaphore_mem>>) src(%dma_wait3A_143 : memref<50176x64xbf16, #tpu.memory_space<hbm>>) dst(%arg13 : memref<128x64xbf16, #tpu.memory_space<vmem>>)
      %dma_wait3A_144 = arith.constant 0 : i32
      %dma_wait3A_145 = arith.constant 0 : i32
      %dma_wait3A_146 = tpu.memref_slice %arg3[%dma_wait3A_144, %dma_wait3A_145] : memref<50176x64xbf16, #tpu.memory_space<hbm>> -> memref<50176x64xbf16, #tpu.memory_space<hbm>>
      tpu.wait_indirect_dma semaphore(%arg27 : memref<!tpu.dma_semaphore, #tpu.memory_space<semaphore_mem>>) src(%dma_wait3A_146 : memref<50176x64xbf16, #tpu.memory_space<hbm>>) dst(%arg15 : memref<128x64xbf16, #tpu.memory_space<vmem>>)
      %add3A_147 = arith.constant 2 : i32
      %add3A_148 = arith.addi %mul3A_138, %add3A_147 : i32
      %mul3A_149 = arith.constant 128 : i32
      %mul3A_150 = arith.muli %add3A_148, %mul3A_149 : i32
      %add3A_151 = arith.addi %mul3A_2, %mul3A_150 : i32
      %dma_start3A_152 = tpu.memref_slice %arg4[%add3A_151] : memref<802816xi32, #tpu.memory_space<hbm>> -> memref<128xi32, #tpu.memory_space<hbm>>
      %dma_start3A_153 = tpu.memref_slice %arg4[%add3A_151] : memref<802816xi32, #tpu.memory_space<hbm>> -> memref<128xi32, #tpu.memory_space<hbm>>
      tpu.enqueue_dma source(%dma_start3A_153 : memref<128xi32, #tpu.memory_space<hbm>>) target(%arg9 : memref<128xi32, #tpu.memory_space<vmem>>) target_semaphore(%arg21 : memref<!tpu.dma_semaphore, #tpu.memory_space<semaphore_mem>>)
      %dma_start3A_154 = tpu.memref_slice %arg5[%add3A_151] : memref<802816xi32, #tpu.memory_space<hbm>> -> memref<128xi32, #tpu.memory_space<hbm>>
      %dma_start3A_155 = tpu.memref_slice %arg5[%add3A_151] : memref<802816xi32, #tpu.memory_space<hbm>> -> memref<128xi32, #tpu.memory_space<hbm>>
      tpu.enqueue_dma source(%dma_start3A_155 : memref<128xi32, #tpu.memory_space<hbm>>) target(%arg11 : memref<128xi32, #tpu.memory_space<vmem>>) target_semaphore(%arg23 : memref<!tpu.dma_semaphore, #tpu.memory_space<semaphore_mem>>)
      %dma_wait3A_156 = arith.constant 0 : i32
      %dma_wait3A_157 = tpu.memref_slice %arg4[%dma_wait3A_156] : memref<802816xi32, #tpu.memory_space<hbm>> -> memref<128xi32, #tpu.memory_space<hbm>>
      %dma_wait3A_158 = arith.constant 0 : i32
      %dma_wait3A_159 = tpu.memref_slice %arg4[%dma_wait3A_158] : memref<802816xi32, #tpu.memory_space<hbm>> -> memref<128xi32, #tpu.memory_space<hbm>>
      tpu.wait_dma2 semaphore(%arg22 : memref<!tpu.dma_semaphore, #tpu.memory_space<semaphore_mem>>) src(%dma_wait3A_159 : memref<128xi32, #tpu.memory_space<hbm>>) dst(%arg10 : memref<128xi32, #tpu.memory_space<vmem>>)
      %dma_wait3A_160 = arith.constant 0 : i32
      %dma_wait3A_161 = tpu.memref_slice %arg5[%dma_wait3A_160] : memref<802816xi32, #tpu.memory_space<hbm>> -> memref<128xi32, #tpu.memory_space<hbm>>
      %dma_wait3A_162 = arith.constant 0 : i32
      %dma_wait3A_163 = tpu.memref_slice %arg5[%dma_wait3A_162] : memref<802816xi32, #tpu.memory_space<hbm>> -> memref<128xi32, #tpu.memory_space<hbm>>
      tpu.wait_dma2 semaphore(%arg24 : memref<!tpu.dma_semaphore, #tpu.memory_space<semaphore_mem>>) src(%dma_wait3A_163 : memref<128xi32, #tpu.memory_space<hbm>>) dst(%arg12 : memref<128xi32, #tpu.memory_space<vmem>>)
      %dma_start3A_164 = arith.constant 0 : i32
      %dma_start3A_165 = arith.constant 0 : i32
      %dma_start3A_166 = tpu.memref_slice %arg2[%dma_start3A_164, %dma_start3A_165] : memref<50176x64xbf16, #tpu.memory_space<hbm>> -> memref<50176x64xbf16, #tpu.memory_space<hbm>>
      tpu.enqueue_indirect_dma source(%dma_start3A_166 : memref<50176x64xbf16, #tpu.memory_space<hbm>>) target(%arg14 : memref<128x64xbf16, #tpu.memory_space<vmem>>) offsets(%arg12 : memref<128xi32, #tpu.memory_space<vmem>>) semaphore(%arg26 : memref<!tpu.dma_semaphore, #tpu.memory_space<semaphore_mem>>)
      %dma_start3A_167 = arith.constant 0 : i32
      %dma_start3A_168 = arith.constant 0 : i32
      %dma_start3A_169 = tpu.memref_slice %arg3[%dma_start3A_167, %dma_start3A_168] : memref<50176x64xbf16, #tpu.memory_space<hbm>> -> memref<50176x64xbf16, #tpu.memory_space<hbm>>
      tpu.enqueue_indirect_dma source(%dma_start3A_169 : memref<50176x64xbf16, #tpu.memory_space<hbm>>) target(%arg16 : memref<128x64xbf16, #tpu.memory_space<vmem>>) offsets(%arg10 : memref<128xi32, #tpu.memory_space<vmem>>) semaphore(%arg28 : memref<!tpu.dma_semaphore, #tpu.memory_space<semaphore_mem>>)
      %scan3A_170 = arith.constant 0 : i32
      %scan3A_171 = arith.constant 8 : i32
      %scan3A_172 = arith.addi %scan3A_170, %scan3A_171 : i32
      %scan3A_173 = arith.constant 1 : i32
      %scan3A_174:8 = scf.for %scan3A_231 = %scan3A_170 to %scan3A_172 step %scan3A_173 iter_args(%scan3A_232 = %scan3A_129, %scan3A_233 = %scan3A_130, %scan3A_234 = %scan3A_131, %scan3A_235 = %scan3A_132, %scan3A_236 = %scan3A_133, %scan3A_237 = %scan3A_134, %scan3A_238 = %scan3A_135, %scan3A_239 = %scan3A_136) -> (vector<16xf32>, vector<16xf32>, vector<16xf32>, vector<16xf32>, vector<16xf32>, vector<16xf32>, vector<16xf32>, vector<16xf32>)  : i32 {
        %mul3A_240 = arith.constant 16 : i32
        %mul3A_241 = arith.muli %scan3A_231, %mul3A_240 : i32
        %add3A_242 = arith.constant 0 : i32
        %add3A_243 = arith.addi %mul3A_241, %add3A_242 : i32
        %get3A = arith.index_cast %add3A_243 : i32 to index
        %get3A_244 = arith.constant 0 : index
        %get3A_245 = tpu.vector_load %arg13[%get3A, %get3A_244] {strides = array<i32>} : memref<128x64xbf16, #tpu.memory_space<vmem>>, vector<32xbf16>,
        %add3A_246 = arith.constant 0 : i32
        %add3A_247 = arith.addi %mul3A_241, %add3A_246 : i32
        %get3A_248 = arith.index_cast %add3A_247 : i32 to index
        %get3A_249 = arith.constant 0 : index
        %get3A_250 = tpu.vector_load %arg15[%get3A_248, %get3A_249] {strides = array<i32>} : memref<128x64xbf16, #tpu.memory_space<vmem>>, vector<32xbf16>,
        %add3A_251 = arith.addf %get3A_245, %get3A_250 : vector<32xbf16>
        %unpack3A = tpu.unpack_subelements %add3A_251, 0 {pack_format = #tpu.pack_format<interleaved>} : vector<32xbf16> -> vector<16xf32>
        %unpack3A_252 = tpu.unpack_subelements %add3A_251, 1 {pack_format = #tpu.pack_format<interleaved>} : vector<32xbf16> -> vector<16xf32>
        %add3A_253 = arith.addf %scan3A_232, %unpack3A : vector<16xf32>
        %add3A_254 = arith.addf %scan3A_233, %unpack3A_252 : vector<16xf32>
        %mul3A_255 = arith.mulf %unpack3A, %unpack3A : vector<16xf32>
        %add3A_256 = arith.addf %scan3A_236, %mul3A_255 : vector<16xf32>
        %mul3A_257 = arith.mulf %unpack3A_252, %unpack3A_252 : vector<16xf32>
        %add3A_258 = arith.addf %scan3A_237, %mul3A_257 : vector<16xf32>
        %add3A_259 = arith.constant 1 : i32
        %add3A_260 = arith.addi %mul3A_241, %add3A_259 : i32
        %get3A_261 = arith.index_cast %add3A_260 : i32 to index
        %get3A_262 = arith.constant 0 : index
        %get3A_263 = tpu.vector_load %arg13[%get3A_261, %get3A_262] {strides = array<i32>} : memref<128x64xbf16, #tpu.memory_space<vmem>>, vector<32xbf16>,
        %add3A_264 = arith.constant 1 : i32
        %add3A_265 = arith.addi %mul3A_241, %add3A_264 : i32
        %get3A_266 = arith.index_cast %add3A_265 : i32 to index
        %get3A_267 = arith.constant 0 : index
        %get3A_268 = tpu.vector_load %arg15[%get3A_266, %get3A_267] {strides = array<i32>} : memref<128x64xbf16, #tpu.memory_space<vmem>>, vector<32xbf16>,
        %add3A_269 = arith.addf %get3A_263, %get3A_268 : vector<32xbf16>
        %max3A = arith.maximumf %add3A_251, %add3A_269 : vector<32xbf16>
        %unpack3A_270 = tpu.unpack_subelements %add3A_269, 0 {pack_format = #tpu.pack_format<interleaved>} : vector<32xbf16> -> vector<16xf32>
        %unpack3A_271 = tpu.unpack_subelements %add3A_269, 1 {pack_format = #tpu.pack_format<interleaved>} : vector<32xbf16> -> vector<16xf32>
        %add3A_272 = arith.addf %add3A_253, %unpack3A_270 : vector<16xf32>
        %add3A_273 = arith.addf %add3A_254, %unpack3A_271 : vector<16xf32>
        %mul3A_274 = arith.mulf %unpack3A_270, %unpack3A_270 : vector<16xf32>
        %add3A_275 = arith.addf %add3A_256, %mul3A_274 : vector<16xf32>
        %mul3A_276 = arith.mulf %unpack3A_271, %unpack3A_271 : vector<16xf32>
        %add3A_277 = arith.addf %add3A_258, %mul3A_276 : vector<16xf32>
        %add3A_278 = arith.constant 2 : i32
        %add3A_279 = arith.addi %mul3A_241, %add3A_278 : i32
        %get3A_280 = arith.index_cast %add3A_279 : i32 to index
        %get3A_281 = arith.constant 0 : index
        %get3A_282 = tpu.vector_load %arg13[%get3A_280, %get3A_281] {strides = array<i32>} : memref<128x64xbf16, #tpu.memory_space<vmem>>, vector<32xbf16>,
        %add3A_283 = arith.constant 2 : i32
        %add3A_284 = arith.addi %mul3A_241, %add3A_283 : i32
        %get3A_285 = arith.index_cast %add3A_284 : i32 to index
        %get3A_286 = arith.constant 0 : index
        %get3A_287 = tpu.vector_load %arg15[%get3A_285, %get3A_286] {strides = array<i32>} : memref<128x64xbf16, #tpu.memory_space<vmem>>, vector<32xbf16>,
        %add3A_288 = arith.addf %get3A_282, %get3A_287 : vector<32xbf16>
        %max3A_289 = arith.maximumf %max3A, %add3A_288 : vector<32xbf16>
        %unpack3A_290 = tpu.unpack_subelements %add3A_288, 0 {pack_format = #tpu.pack_format<interleaved>} : vector<32xbf16> -> vector<16xf32>
        %unpack3A_291 = tpu.unpack_subelements %add3A_288, 1 {pack_format = #tpu.pack_format<interleaved>} : vector<32xbf16> -> vector<16xf32>
        %add3A_292 = arith.addf %add3A_272, %unpack3A_290 : vector<16xf32>
        %add3A_293 = arith.addf %add3A_273, %unpack3A_291 : vector<16xf32>
        %mul3A_294 = arith.mulf %unpack3A_290, %unpack3A_290 : vector<16xf32>
        %add3A_295 = arith.addf %add3A_275, %mul3A_294 : vector<16xf32>
        %mul3A_296 = arith.mulf %unpack3A_291, %unpack3A_291 : vector<16xf32>
        %add3A_297 = arith.addf %add3A_277, %mul3A_296 : vector<16xf32>
        %add3A_298 = arith.constant 3 : i32
        %add3A_299 = arith.addi %mul3A_241, %add3A_298 : i32
        %get3A_300 = arith.index_cast %add3A_299 : i32 to index
        %get3A_301 = arith.constant 0 : index
        %get3A_302 = tpu.vector_load %arg13[%get3A_300, %get3A_301] {strides = array<i32>} : memref<128x64xbf16, #tpu.memory_space<vmem>>, vector<32xbf16>,
        %add3A_303 = arith.constant 3 : i32
        %add3A_304 = arith.addi %mul3A_241, %add3A_303 : i32
        %get3A_305 = arith.index_cast %add3A_304 : i32 to index
        %get3A_306 = arith.constant 0 : index
        %get3A_307 = tpu.vector_load %arg15[%get3A_305, %get3A_306] {strides = array<i32>} : memref<128x64xbf16, #tpu.memory_space<vmem>>, vector<32xbf16>,
        %add3A_308 = arith.addf %get3A_302, %get3A_307 : vector<32xbf16>
        %max3A_309 = arith.maximumf %max3A_289, %add3A_308 : vector<32xbf16>
        %unpack3A_310 = tpu.unpack_subelements %add3A_308, 0 {pack_format = #tpu.pack_format<interleaved>} : vector<32xbf16> -> vector<16xf32>
        %unpack3A_311 = tpu.unpack_subelements %add3A_308, 1 {pack_format = #tpu.pack_format<interleaved>} : vector<32xbf16> -> vector<16xf32>
        %add3A_312 = arith.addf %add3A_292, %unpack3A_310 : vector<16xf32>
        %add3A_313 = arith.addf %add3A_293, %unpack3A_311 : vector<16xf32>
        %mul3A_314 = arith.mulf %unpack3A_310, %unpack3A_310 : vector<16xf32>
        %add3A_315 = arith.addf %add3A_295, %mul3A_314 : vector<16xf32>
        %mul3A_316 = arith.mulf %unpack3A_311, %unpack3A_311 : vector<16xf32>
        %add3A_317 = arith.addf %add3A_297, %mul3A_316 : vector<16xf32>
        %add3A_318 = arith.constant 4 : i32
        %add3A_319 = arith.addi %mul3A_241, %add3A_318 : i32
        %get3A_320 = arith.index_cast %add3A_319 : i32 to index
        %get3A_321 = arith.constant 0 : index
        %get3A_322 = tpu.vector_load %arg13[%get3A_320, %get3A_321] {strides = array<i32>} : memref<128x64xbf16, #tpu.memory_space<vmem>>, vector<32xbf16>,
        %add3A_323 = arith.constant 4 : i32
        %add3A_324 = arith.addi %mul3A_241, %add3A_323 : i32
        %get3A_325 = arith.index_cast %add3A_324 : i32 to index
        %get3A_326 = arith.constant 0 : index
        %get3A_327 = tpu.vector_load %arg15[%get3A_325, %get3A_326] {strides = array<i32>} : memref<128x64xbf16, #tpu.memory_space<vmem>>, vector<32xbf16>,
        %add3A_328 = arith.addf %get3A_322, %get3A_327 : vector<32xbf16>
        %max3A_329 = arith.maximumf %max3A_309, %add3A_328 : vector<32xbf16>
        %unpack3A_330 = tpu.unpack_subelements %add3A_328, 0 {pack_format = #tpu.pack_format<interleaved>} : vector<32xbf16> -> vector<16xf32>
        %unpack3A_331 = tpu.unpack_subelements %add3A_328, 1 {pack_format = #tpu.pack_format<interleaved>} : vector<32xbf16> -> vector<16xf32>
        %add3A_332 = arith.addf %add3A_312, %unpack3A_330 : vector<16xf32>
        %add3A_333 = arith.addf %add3A_313, %unpack3A_331 : vector<16xf32>
        %mul3A_334 = arith.mulf %unpack3A_330, %unpack3A_330 : vector<16xf32>
        %add3A_335 = arith.addf %add3A_315, %mul3A_334 : vector<16xf32>
        %mul3A_336 = arith.mulf %unpack3A_331, %unpack3A_331 : vector<16xf32>
        %add3A_337 = arith.addf %add3A_317, %mul3A_336 : vector<16xf32>
        %add3A_338 = arith.constant 5 : i32
        %add3A_339 = arith.addi %mul3A_241, %add3A_338 : i32
        %get3A_340 = arith.index_cast %add3A_339 : i32 to index
        %get3A_341 = arith.constant 0 : index
        %get3A_342 = tpu.vector_load %arg13[%get3A_340, %get3A_341] {strides = array<i32>} : memref<128x64xbf16, #tpu.memory_space<vmem>>, vector<32xbf16>,
        %add3A_343 = arith.constant 5 : i32
        %add3A_344 = arith.addi %mul3A_241, %add3A_343 : i32
        %get3A_345 = arith.index_cast %add3A_344 : i32 to index
        %get3A_346 = arith.constant 0 : index
        %get3A_347 = tpu.vector_load %arg15[%get3A_345, %get3A_346] {strides = array<i32>} : memref<128x64xbf16, #tpu.memory_space<vmem>>, vector<32xbf16>,
        %add3A_348 = arith.addf %get3A_342, %get3A_347 : vector<32xbf16>
        %max3A_349 = arith.maximumf %max3A_329, %add3A_348 : vector<32xbf16>
        %unpack3A_350 = tpu.unpack_subelements %add3A_348, 0 {pack_format = #tpu.pack_format<interleaved>} : vector<32xbf16> -> vector<16xf32>
        %unpack3A_351 = tpu.unpack_subelements %add3A_348, 1 {pack_format = #tpu.pack_format<interleaved>} : vector<32xbf16> -> vector<16xf32>
        %add3A_352 = arith.addf %add3A_332, %unpack3A_350 : vector<16xf32>
        %add3A_353 = arith.addf %add3A_333, %unpack3A_351 : vector<16xf32>
        %mul3A_354 = arith.mulf %unpack3A_350, %unpack3A_350 : vector<16xf32>
        %add3A_355 = arith.addf %add3A_335, %mul3A_354 : vector<16xf32>
        %mul3A_356 = arith.mulf %unpack3A_351, %unpack3A_351 : vector<16xf32>
        %add3A_357 = arith.addf %add3A_337, %mul3A_356 : vector<16xf32>
        %add3A_358 = arith.constant 6 : i32
        %add3A_359 = arith.addi %mul3A_241, %add3A_358 : i32
        %get3A_360 = arith.index_cast %add3A_359 : i32 to index
        %get3A_361 = arith.constant 0 : index
        %get3A_362 = tpu.vector_load %arg13[%get3A_360, %get3A_361] {strides = array<i32>} : memref<128x64xbf16, #tpu.memory_space<vmem>>, vector<32xbf16>,
        %add3A_363 = arith.constant 6 : i32
        %add3A_364 = arith.addi %mul3A_241, %add3A_363 : i32
        %get3A_365 = arith.index_cast %add3A_364 : i32 to index
        %get3A_366 = arith.constant 0 : index
        %get3A_367 = tpu.vector_load %arg15[%get3A_365, %get3A_366] {strides = array<i32>} : memref<128x64xbf16, #tpu.memory_space<vmem>>, vector<32xbf16>,
        %add3A_368 = arith.addf %get3A_362, %get3A_367 : vector<32xbf16>
        %max3A_369 = arith.maximumf %max3A_349, %add3A_368 : vector<32xbf16>
        %unpack3A_370 = tpu.unpack_subelements %add3A_368, 0 {pack_format = #tpu.pack_format<interleaved>} : vector<32xbf16> -> vector<16xf32>
        %unpack3A_371 = tpu.unpack_subelements %add3A_368, 1 {pack_format = #tpu.pack_format<interleaved>} : vector<32xbf16> -> vector<16xf32>
        %add3A_372 = arith.addf %add3A_352, %unpack3A_370 : vector<16xf32>
        %add3A_373 = arith.addf %add3A_353, %unpack3A_371 : vector<16xf32>
        %mul3A_374 = arith.mulf %unpack3A_370, %unpack3A_370 : vector<16xf32>
        %add3A_375 = arith.addf %add3A_355, %mul3A_374 : vector<16xf32>
        %mul3A_376 = arith.mulf %unpack3A_371, %unpack3A_371 : vector<16xf32>
        %add3A_377 = arith.addf %add3A_357, %mul3A_376 : vector<16xf32>
        %add3A_378 = arith.constant 7 : i32
        %add3A_379 = arith.addi %mul3A_241, %add3A_378 : i32
        %get3A_380 = arith.index_cast %add3A_379 : i32 to index
        %get3A_381 = arith.constant 0 : index
        %get3A_382 = tpu.vector_load %arg13[%get3A_380, %get3A_381] {strides = array<i32>} : memref<128x64xbf16, #tpu.memory_space<vmem>>, vector<32xbf16>,
        %add3A_383 = arith.constant 7 : i32
        %add3A_384 = arith.addi %mul3A_241, %add3A_383 : i32
        %get3A_385 = arith.index_cast %add3A_384 : i32 to index
        %get3A_386 = arith.constant 0 : index
        %get3A_387 = tpu.vector_load %arg15[%get3A_385, %get3A_386] {strides = array<i32>} : memref<128x64xbf16, #tpu.memory_space<vmem>>, vector<32xbf16>,
        %add3A_388 = arith.addf %get3A_382, %get3A_387 : vector<32xbf16>
        %max3A_389 = arith.maximumf %max3A_369, %add3A_388 : vector<32xbf16>
        %unpack3A_390 = tpu.unpack_subelements %add3A_388, 0 {pack_format = #tpu.pack_format<interleaved>} : vector<32xbf16> -> vector<16xf32>
        %unpack3A_391 = tpu.unpack_subelements %add3A_388, 1 {pack_format = #tpu.pack_format<interleaved>} : vector<32xbf16> -> vector<16xf32>
        %add3A_392 = arith.addf %add3A_372, %unpack3A_390 : vector<16xf32>
        %add3A_393 = arith.addf %add3A_373, %unpack3A_391 : vector<16xf32>
        %mul3A_394 = arith.mulf %unpack3A_390, %unpack3A_390 : vector<16xf32>
        %add3A_395 = arith.addf %add3A_375, %mul3A_394 : vector<16xf32>
        %mul3A_396 = arith.mulf %unpack3A_391, %unpack3A_391 : vector<16xf32>
        %add3A_397 = arith.addf %add3A_377, %mul3A_396 : vector<16xf32>
        %add3A_398 = arith.constant 8 : i32
        %add3A_399 = arith.addi %mul3A_241, %add3A_398 : i32
        %get3A_400 = arith.index_cast %add3A_399 : i32 to index
        %get3A_401 = arith.constant 0 : index
        %get3A_402 = tpu.vector_load %arg13[%get3A_400, %get3A_401] {strides = array<i32>} : memref<128x64xbf16, #tpu.memory_space<vmem>>, vector<32xbf16>,
        %add3A_403 = arith.constant 8 : i32
        %add3A_404 = arith.addi %mul3A_241, %add3A_403 : i32
        %get3A_405 = arith.index_cast %add3A_404 : i32 to index
        %get3A_406 = arith.constant 0 : index
        %get3A_407 = tpu.vector_load %arg15[%get3A_405, %get3A_406] {strides = array<i32>} : memref<128x64xbf16, #tpu.memory_space<vmem>>, vector<32xbf16>,
        %add3A_408 = arith.addf %get3A_402, %get3A_407 : vector<32xbf16>
        %max3A_409 = arith.maximumf %max3A_389, %add3A_408 : vector<32xbf16>
        %unpack3A_410 = tpu.unpack_subelements %add3A_408, 0 {pack_format = #tpu.pack_format<interleaved>} : vector<32xbf16> -> vector<16xf32>
        %unpack3A_411 = tpu.unpack_subelements %add3A_408, 1 {pack_format = #tpu.pack_format<interleaved>} : vector<32xbf16> -> vector<16xf32>
        %add3A_412 = arith.addf %add3A_392, %unpack3A_410 : vector<16xf32>
        %add3A_413 = arith.addf %add3A_393, %unpack3A_411 : vector<16xf32>
        %mul3A_414 = arith.mulf %unpack3A_410, %unpack3A_410 : vector<16xf32>
        %add3A_415 = arith.addf %add3A_395, %mul3A_414 : vector<16xf32>
        %mul3A_416 = arith.mulf %unpack3A_411, %unpack3A_411 : vector<16xf32>
        %add3A_417 = arith.addf %add3A_397, %mul3A_416 : vector<16xf32>
        %add3A_418 = arith.constant 9 : i32
        %add3A_419 = arith.addi %mul3A_241, %add3A_418 : i32
        %get3A_420 = arith.index_cast %add3A_419 : i32 to index
        %get3A_421 = arith.constant 0 : index
        %get3A_422 = tpu.vector_load %arg13[%get3A_420, %get3A_421] {strides = array<i32>} : memref<128x64xbf16, #tpu.memory_space<vmem>>, vector<32xbf16>,
        %add3A_423 = arith.constant 9 : i32
        %add3A_424 = arith.addi %mul3A_241, %add3A_423 : i32
        %get3A_425 = arith.index_cast %add3A_424 : i32 to index
        %get3A_426 = arith.constant 0 : index
        %get3A_427 = tpu.vector_load %arg15[%get3A_425, %get3A_426] {strides = array<i32>} : memref<128x64xbf16, #tpu.memory_space<vmem>>, vector<32xbf16>,
        %add3A_428 = arith.addf %get3A_422, %get3A_427 : vector<32xbf16>
        %max3A_429 = arith.maximumf %max3A_409, %add3A_428 : vector<32xbf16>
        %unpack3A_430 = tpu.unpack_subelements %add3A_428, 0 {pack_format = #tpu.pack_format<interleaved>} : vector<32xbf16> -> vector<16xf32>
        %unpack3A_431 = tpu.unpack_subelements %add3A_428, 1 {pack_format = #tpu.pack_format<interleaved>} : vector<32xbf16> -> vector<16xf32>
        %add3A_432 = arith.addf %add3A_412, %unpack3A_430 : vector<16xf32>
        %add3A_433 = arith.addf %add3A_413, %unpack3A_431 : vector<16xf32>
        %mul3A_434 = arith.mulf %unpack3A_430, %unpack3A_430 : vector<16xf32>
        %add3A_435 = arith.addf %add3A_415, %mul3A_434 : vector<16xf32>
        %mul3A_436 = arith.mulf %unpack3A_431, %unpack3A_431 : vector<16xf32>
        %add3A_437 = arith.addf %add3A_417, %mul3A_436 : vector<16xf32>
        %add3A_438 = arith.constant 10 : i32
        %add3A_439 = arith.addi %mul3A_241, %add3A_438 : i32
        %get3A_440 = arith.index_cast %add3A_439 : i32 to index
        %get3A_441 = arith.constant 0 : index
        %get3A_442 = tpu.vector_load %arg13[%get3A_440, %get3A_441] {strides = array<i32>} : memref<128x64xbf16, #tpu.memory_space<vmem>>, vector<32xbf16>,
        %add3A_443 = arith.constant 10 : i32
        %add3A_444 = arith.addi %mul3A_241, %add3A_443 : i32
        %get3A_445 = arith.index_cast %add3A_444 : i32 to index
        %get3A_446 = arith.constant 0 : index
        %get3A_447 = tpu.vector_load %arg15[%get3A_445, %get3A_446] {strides = array<i32>} : memref<128x64xbf16, #tpu.memory_space<vmem>>, vector<32xbf16>,
        %add3A_448 = arith.addf %get3A_442, %get3A_447 : vector<32xbf16>
        %max3A_449 = arith.maximumf %max3A_429, %add3A_448 : vector<32xbf16>
        %unpack3A_450 = tpu.unpack_subelements %add3A_448, 0 {pack_format = #tpu.pack_format<interleaved>} : vector<32xbf16> -> vector<16xf32>
        %unpack3A_451 = tpu.unpack_subelements %add3A_448, 1 {pack_format = #tpu.pack_format<interleaved>} : vector<32xbf16> -> vector<16xf32>
        %add3A_452 = arith.addf %add3A_432, %unpack3A_450 : vector<16xf32>
        %add3A_453 = arith.addf %add3A_433, %unpack3A_451 : vector<16xf32>
        %mul3A_454 = arith.mulf %unpack3A_450, %unpack3A_450 : vector<16xf32>
        %add3A_455 = arith.addf %add3A_435, %mul3A_454 : vector<16xf32>
        %mul3A_456 = arith.mulf %unpack3A_451, %unpack3A_451 : vector<16xf32>
        %add3A_457 = arith.addf %add3A_437, %mul3A_456 : vector<16xf32>
        %add3A_458 = arith.constant 11 : i32
        %add3A_459 = arith.addi %mul3A_241, %add3A_458 : i32
        %get3A_460 = arith.index_cast %add3A_459 : i32 to index
        %get3A_461 = arith.constant 0 : index
        %get3A_462 = tpu.vector_load %arg13[%get3A_460, %get3A_461] {strides = array<i32>} : memref<128x64xbf16, #tpu.memory_space<vmem>>, vector<32xbf16>,
        %add3A_463 = arith.constant 11 : i32
        %add3A_464 = arith.addi %mul3A_241, %add3A_463 : i32
        %get3A_465 = arith.index_cast %add3A_464 : i32 to index
        %get3A_466 = arith.constant 0 : index
        %get3A_467 = tpu.vector_load %arg15[%get3A_465, %get3A_466] {strides = array<i32>} : memref<128x64xbf16, #tpu.memory_space<vmem>>, vector<32xbf16>,
        %add3A_468 = arith.addf %get3A_462, %get3A_467 : vector<32xbf16>
        %max3A_469 = arith.maximumf %max3A_449, %add3A_468 : vector<32xbf16>
        %unpack3A_470 = tpu.unpack_subelements %add3A_468, 0 {pack_format = #tpu.pack_format<interleaved>} : vector<32xbf16> -> vector<16xf32>
        %unpack3A_471 = tpu.unpack_subelements %add3A_468, 1 {pack_format = #tpu.pack_format<interleaved>} : vector<32xbf16> -> vector<16xf32>
        %add3A_472 = arith.addf %add3A_452, %unpack3A_470 : vector<16xf32>
        %add3A_473 = arith.addf %add3A_453, %unpack3A_471 : vector<16xf32>
        %mul3A_474 = arith.mulf %unpack3A_470, %unpack3A_470 : vector<16xf32>
        %add3A_475 = arith.addf %add3A_455, %mul3A_474 : vector<16xf32>
        %mul3A_476 = arith.mulf %unpack3A_471, %unpack3A_471 : vector<16xf32>
        %add3A_477 = arith.addf %add3A_457, %mul3A_476 : vector<16xf32>
        %add3A_478 = arith.constant 12 : i32
        %add3A_479 = arith.addi %mul3A_241, %add3A_478 : i32
        %get3A_480 = arith.index_cast %add3A_479 : i32 to index
        %get3A_481 = arith.constant 0 : index
        %get3A_482 = tpu.vector_load %arg13[%get3A_480, %get3A_481] {strides = array<i32>} : memref<128x64xbf16, #tpu.memory_space<vmem>>, vector<32xbf16>,
        %add3A_483 = arith.constant 12 : i32
        %add3A_484 = arith.addi %mul3A_241, %add3A_483 : i32
        %get3A_485 = arith.index_cast %add3A_484 : i32 to index
        %get3A_486 = arith.constant 0 : index
        %get3A_487 = tpu.vector_load %arg15[%get3A_485, %get3A_486] {strides = array<i32>} : memref<128x64xbf16, #tpu.memory_space<vmem>>, vector<32xbf16>,
        %add3A_488 = arith.addf %get3A_482, %get3A_487 : vector<32xbf16>
        %max3A_489 = arith.maximumf %max3A_469, %add3A_488 : vector<32xbf16>
        %unpack3A_490 = tpu.unpack_subelements %add3A_488, 0 {pack_format = #tpu.pack_format<interleaved>} : vector<32xbf16> -> vector<16xf32>
        %unpack3A_491 = tpu.unpack_subelements %add3A_488, 1 {pack_format = #tpu.pack_format<interleaved>} : vector<32xbf16> -> vector<16xf32>
        %add3A_492 = arith.addf %add3A_472, %unpack3A_490 : vector<16xf32>
        %add3A_493 = arith.addf %add3A_473, %unpack3A_491 : vector<16xf32>
        %mul3A_494 = arith.mulf %unpack3A_490, %unpack3A_490 : vector<16xf32>
        %add3A_495 = arith.addf %add3A_475, %mul3A_494 : vector<16xf32>
        %mul3A_496 = arith.mulf %unpack3A_491, %unpack3A_491 : vector<16xf32>
        %add3A_497 = arith.addf %add3A_477, %mul3A_496 : vector<16xf32>
        %add3A_498 = arith.constant 13 : i32
        %add3A_499 = arith.addi %mul3A_241, %add3A_498 : i32
        %get3A_500 = arith.index_cast %add3A_499 : i32 to index
        %get3A_501 = arith.constant 0 : index
        %get3A_502 = tpu.vector_load %arg13[%get3A_500, %get3A_501] {strides = array<i32>} : memref<128x64xbf16, #tpu.memory_space<vmem>>, vector<32xbf16>,
        %add3A_503 = arith.constant 13 : i32
        %add3A_504 = arith.addi %mul3A_241, %add3A_503 : i32
        %get3A_505 = arith.index_cast %add3A_504 : i32 to index
        %get3A_506 = arith.constant 0 : index
        %get3A_507 = tpu.vector_load %arg15[%get3A_505, %get3A_506] {strides = array<i32>} : memref<128x64xbf16, #tpu.memory_space<vmem>>, vector<32xbf16>,
        %add3A_508 = arith.addf %get3A_502, %get3A_507 : vector<32xbf16>
        %max3A_509 = arith.maximumf %max3A_489, %add3A_508 : vector<32xbf16>
        %unpack3A_510 = tpu.unpack_subelements %add3A_508, 0 {pack_format = #tpu.pack_format<interleaved>} : vector<32xbf16> -> vector<16xf32>
        %unpack3A_511 = tpu.unpack_subelements %add3A_508, 1 {pack_format = #tpu.pack_format<interleaved>} : vector<32xbf16> -> vector<16xf32>
        %add3A_512 = arith.addf %add3A_492, %unpack3A_510 : vector<16xf32>
        %add3A_513 = arith.addf %add3A_493, %unpack3A_511 : vector<16xf32>
        %mul3A_514 = arith.mulf %unpack3A_510, %unpack3A_510 : vector<16xf32>
        %add3A_515 = arith.addf %add3A_495, %mul3A_514 : vector<16xf32>
        %mul3A_516 = arith.mulf %unpack3A_511, %unpack3A_511 : vector<16xf32>
        %add3A_517 = arith.addf %add3A_497, %mul3A_516 : vector<16xf32>
        %add3A_518 = arith.constant 14 : i32
        %add3A_519 = arith.addi %mul3A_241, %add3A_518 : i32
        %get3A_520 = arith.index_cast %add3A_519 : i32 to index
        %get3A_521 = arith.constant 0 : index
        %get3A_522 = tpu.vector_load %arg13[%get3A_520, %get3A_521] {strides = array<i32>} : memref<128x64xbf16, #tpu.memory_space<vmem>>, vector<32xbf16>,
        %add3A_523 = arith.constant 14 : i32
        %add3A_524 = arith.addi %mul3A_241, %add3A_523 : i32
        %get3A_525 = arith.index_cast %add3A_524 : i32 to index
        %get3A_526 = arith.constant 0 : index
        %get3A_527 = tpu.vector_load %arg15[%get3A_525, %get3A_526] {strides = array<i32>} : memref<128x64xbf16, #tpu.memory_space<vmem>>, vector<32xbf16>,
        %add3A_528 = arith.addf %get3A_522, %get3A_527 : vector<32xbf16>
        %max3A_529 = arith.maximumf %max3A_509, %add3A_528 : vector<32xbf16>
        %unpack3A_530 = tpu.unpack_subelements %add3A_528, 0 {pack_format = #tpu.pack_format<interleaved>} : vector<32xbf16> -> vector<16xf32>
        %unpack3A_531 = tpu.unpack_subelements %add3A_528, 1 {pack_format = #tpu.pack_format<interleaved>} : vector<32xbf16> -> vector<16xf32>
        %add3A_532 = arith.addf %add3A_512, %unpack3A_530 : vector<16xf32>
        %add3A_533 = arith.addf %add3A_513, %unpack3A_531 : vector<16xf32>
        %mul3A_534 = arith.mulf %unpack3A_530, %unpack3A_530 : vector<16xf32>
        %add3A_535 = arith.addf %add3A_515, %mul3A_534 : vector<16xf32>
        %mul3A_536 = arith.mulf %unpack3A_531, %unpack3A_531 : vector<16xf32>
        %add3A_537 = arith.addf %add3A_517, %mul3A_536 : vector<16xf32>
        %add3A_538 = arith.constant 15 : i32
        %add3A_539 = arith.addi %mul3A_241, %add3A_538 : i32
        %get3A_540 = arith.index_cast %add3A_539 : i32 to index
        %get3A_541 = arith.constant 0 : index
        %get3A_542 = tpu.vector_load %arg13[%get3A_540, %get3A_541] {strides = array<i32>} : memref<128x64xbf16, #tpu.memory_space<vmem>>, vector<32xbf16>,
        %add3A_543 = arith.constant 15 : i32
        %add3A_544 = arith.addi %mul3A_241, %add3A_543 : i32
        %get3A_545 = arith.index_cast %add3A_544 : i32 to index
        %get3A_546 = arith.constant 0 : index
        %get3A_547 = tpu.vector_load %arg15[%get3A_545, %get3A_546] {strides = array<i32>} : memref<128x64xbf16, #tpu.memory_space<vmem>>, vector<32xbf16>,
        %add3A_548 = arith.addf %get3A_542, %get3A_547 : vector<32xbf16>
        %max3A_549 = arith.maximumf %max3A_529, %add3A_548 : vector<32xbf16>
        %unpack3A_550 = tpu.unpack_subelements %add3A_548, 0 {pack_format = #tpu.pack_format<interleaved>} : vector<32xbf16> -> vector<16xf32>
        %unpack3A_551 = tpu.unpack_subelements %add3A_548, 1 {pack_format = #tpu.pack_format<interleaved>} : vector<32xbf16> -> vector<16xf32>
        %add3A_552 = arith.addf %add3A_532, %unpack3A_550 : vector<16xf32>
        %add3A_553 = arith.addf %add3A_533, %unpack3A_551 : vector<16xf32>
        %mul3A_554 = arith.mulf %unpack3A_550, %unpack3A_550 : vector<16xf32>
        %add3A_555 = arith.addf %add3A_535, %mul3A_554 : vector<16xf32>
        %mul3A_556 = arith.mulf %unpack3A_551, %unpack3A_551 : vector<16xf32>
        %add3A_557 = arith.addf %add3A_537, %mul3A_556 : vector<16xf32>
        %swap3A_558 = arith.index_cast %scan3A_231 : i32 to index
        %swap3A_559 = arith.constant 0 : index
        %swap3A_560 = tpu.vector_load %arg17[%swap3A_558, %swap3A_559] {strides = array<i32>} : memref<8x64xbf16, #tpu.memory_space<vmem>>, vector<32xbf16>,
        tpu.vector_store %arg17[%swap3A_558, %swap3A_559], %max3A_549 {strides = array<i32>} : memref<8x64xbf16, #tpu.memory_space<vmem>>, vector<32xbf16>,
        %add3A_561 = arith.constant 0 : i32
        %add3A_562 = arith.addi %mul3A_241, %add3A_561 : i32
        %get3A_563 = arith.index_cast %add3A_562 : i32 to index
        %get3A_564 = arith.constant 32 : index
        %get3A_565 = tpu.vector_load %arg13[%get3A_563, %get3A_564] {strides = array<i32>} : memref<128x64xbf16, #tpu.memory_space<vmem>>, vector<32xbf16>,
        %add3A_566 = arith.constant 0 : i32
        %add3A_567 = arith.addi %mul3A_241, %add3A_566 : i32
        %get3A_568 = arith.index_cast %add3A_567 : i32 to index
        %get3A_569 = arith.constant 32 : index
        %get3A_570 = tpu.vector_load %arg15[%get3A_568, %get3A_569] {strides = array<i32>} : memref<128x64xbf16, #tpu.memory_space<vmem>>, vector<32xbf16>,
        %add3A_571 = arith.addf %get3A_565, %get3A_570 : vector<32xbf16>
        %unpack3A_572 = tpu.unpack_subelements %add3A_571, 0 {pack_format = #tpu.pack_format<interleaved>} : vector<32xbf16> -> vector<16xf32>
        %unpack3A_573 = tpu.unpack_subelements %add3A_571, 1 {pack_format = #tpu.pack_format<interleaved>} : vector<32xbf16> -> vector<16xf32>
        %add3A_574 = arith.addf %scan3A_234, %unpack3A_572 : vector<16xf32>
        %add3A_575 = arith.addf %scan3A_235, %unpack3A_573 : vector<16xf32>
        %mul3A_576 = arith.mulf %unpack3A_572, %unpack3A_572 : vector<16xf32>
        %add3A_577 = arith.addf %scan3A_238, %mul3A_576 : vector<16xf32>
        %mul3A_578 = arith.mulf %unpack3A_573, %unpack3A_573 : vector<16xf32>
        %add3A_579 = arith.addf %scan3A_239, %mul3A_578 : vector<16xf32>
        %add3A_580 = arith.constant 1 : i32
        %add3A_581 = arith.addi %mul3A_241, %add3A_580 : i32
        %get3A_582 = arith.index_cast %add3A_581 : i32 to index
        %get3A_583 = arith.constant 32 : index
        %get3A_584 = tpu.vector_load %arg13[%get3A_582, %get3A_583] {strides = array<i32>} : memref<128x64xbf16, #tpu.memory_space<vmem>>, vector<32xbf16>,
        %add3A_585 = arith.constant 1 : i32
        %add3A_586 = arith.addi %mul3A_241, %add3A_585 : i32
        %get3A_587 = arith.index_cast %add3A_586 : i32 to index
        %get3A_588 = arith.constant 32 : index
        %get3A_589 = tpu.vector_load %arg15[%get3A_587, %get3A_588] {strides = array<i32>} : memref<128x64xbf16, #tpu.memory_space<vmem>>, vector<32xbf16>,
        %add3A_590 = arith.addf %get3A_584, %get3A_589 : vector<32xbf16>
        %max3A_591 = arith.maximumf %add3A_571, %add3A_590 : vector<32xbf16>
        %unpack3A_592 = tpu.unpack_subelements %add3A_590, 0 {pack_format = #tpu.pack_format<interleaved>} : vector<32xbf16> -> vector<16xf32>
        %unpack3A_593 = tpu.unpack_subelements %add3A_590, 1 {pack_format = #tpu.pack_format<interleaved>} : vector<32xbf16> -> vector<16xf32>
        %add3A_594 = arith.addf %add3A_574, %unpack3A_592 : vector<16xf32>
        %add3A_595 = arith.addf %add3A_575, %unpack3A_593 : vector<16xf32>
        %mul3A_596 = arith.mulf %unpack3A_592, %unpack3A_592 : vector<16xf32>
        %add3A_597 = arith.addf %add3A_577, %mul3A_596 : vector<16xf32>
        %mul3A_598 = arith.mulf %unpack3A_593, %unpack3A_593 : vector<16xf32>
        %add3A_599 = arith.addf %add3A_579, %mul3A_598 : vector<16xf32>
        %add3A_600 = arith.constant 2 : i32
        %add3A_601 = arith.addi %mul3A_241, %add3A_600 : i32
        %get3A_602 = arith.index_cast %add3A_601 : i32 to index
        %get3A_603 = arith.constant 32 : index
        %get3A_604 = tpu.vector_load %arg13[%get3A_602, %get3A_603] {strides = array<i32>} : memref<128x64xbf16, #tpu.memory_space<vmem>>, vector<32xbf16>,
        %add3A_605 = arith.constant 2 : i32
        %add3A_606 = arith.addi %mul3A_241, %add3A_605 : i32
        %get3A_607 = arith.index_cast %add3A_606 : i32 to index
        %get3A_608 = arith.constant 32 : index
        %get3A_609 = tpu.vector_load %arg15[%get3A_607, %get3A_608] {strides = array<i32>} : memref<128x64xbf16, #tpu.memory_space<vmem>>, vector<32xbf16>,
        %add3A_610 = arith.addf %get3A_604, %get3A_609 : vector<32xbf16>
        %max3A_611 = arith.maximumf %max3A_591, %add3A_610 : vector<32xbf16>
        %unpack3A_612 = tpu.unpack_subelements %add3A_610, 0 {pack_format = #tpu.pack_format<interleaved>} : vector<32xbf16> -> vector<16xf32>
        %unpack3A_613 = tpu.unpack_subelements %add3A_610, 1 {pack_format = #tpu.pack_format<interleaved>} : vector<32xbf16> -> vector<16xf32>
        %add3A_614 = arith.addf %add3A_594, %unpack3A_612 : vector<16xf32>
        %add3A_615 = arith.addf %add3A_595, %unpack3A_613 : vector<16xf32>
        %mul3A_616 = arith.mulf %unpack3A_612, %unpack3A_612 : vector<16xf32>
        %add3A_617 = arith.addf %add3A_597, %mul3A_616 : vector<16xf32>
        %mul3A_618 = arith.mulf %unpack3A_613, %unpack3A_613 : vector<16xf32>
        %add3A_619 = arith.addf %add3A_599, %mul3A_618 : vector<16xf32>
        %add3A_620 = arith.constant 3 : i32
        %add3A_621 = arith.addi %mul3A_241, %add3A_620 : i32
        %get3A_622 = arith.index_cast %add3A_621 : i32 to index
        %get3A_623 = arith.constant 32 : index
        %get3A_624 = tpu.vector_load %arg13[%get3A_622, %get3A_623] {strides = array<i32>} : memref<128x64xbf16, #tpu.memory_space<vmem>>, vector<32xbf16>,
        %add3A_625 = arith.constant 3 : i32
        %add3A_626 = arith.addi %mul3A_241, %add3A_625 : i32
        %get3A_627 = arith.index_cast %add3A_626 : i32 to index
        %get3A_628 = arith.constant 32 : index
        %get3A_629 = tpu.vector_load %arg15[%get3A_627, %get3A_628] {strides = array<i32>} : memref<128x64xbf16, #tpu.memory_space<vmem>>, vector<32xbf16>,
        %add3A_630 = arith.addf %get3A_624, %get3A_629 : vector<32xbf16>
        %max3A_631 = arith.maximumf %max3A_611, %add3A_630 : vector<32xbf16>
        %unpack3A_632 = tpu.unpack_subelements %add3A_630, 0 {pack_format = #tpu.pack_format<interleaved>} : vector<32xbf16> -> vector<16xf32>
        %unpack3A_633 = tpu.unpack_subelements %add3A_630, 1 {pack_format = #tpu.pack_format<interleaved>} : vector<32xbf16> -> vector<16xf32>
        %add3A_634 = arith.addf %add3A_614, %unpack3A_632 : vector<16xf32>
        %add3A_635 = arith.addf %add3A_615, %unpack3A_633 : vector<16xf32>
        %mul3A_636 = arith.mulf %unpack3A_632, %unpack3A_632 : vector<16xf32>
        %add3A_637 = arith.addf %add3A_617, %mul3A_636 : vector<16xf32>
        %mul3A_638 = arith.mulf %unpack3A_633, %unpack3A_633 : vector<16xf32>
        %add3A_639 = arith.addf %add3A_619, %mul3A_638 : vector<16xf32>
        %add3A_640 = arith.constant 4 : i32
        %add3A_641 = arith.addi %mul3A_241, %add3A_640 : i32
        %get3A_642 = arith.index_cast %add3A_641 : i32 to index
        %get3A_643 = arith.constant 32 : index
        %get3A_644 = tpu.vector_load %arg13[%get3A_642, %get3A_643] {strides = array<i32>} : memref<128x64xbf16, #tpu.memory_space<vmem>>, vector<32xbf16>,
        %add3A_645 = arith.constant 4 : i32
        %add3A_646 = arith.addi %mul3A_241, %add3A_645 : i32
        %get3A_647 = arith.index_cast %add3A_646 : i32 to index
        %get3A_648 = arith.constant 32 : index
        %get3A_649 = tpu.vector_load %arg15[%get3A_647, %get3A_648] {strides = array<i32>} : memref<128x64xbf16, #tpu.memory_space<vmem>>, vector<32xbf16>,
        %add3A_650 = arith.addf %get3A_644, %get3A_649 : vector<32xbf16>
        %max3A_651 = arith.maximumf %max3A_631, %add3A_650 : vector<32xbf16>
        %unpack3A_652 = tpu.unpack_subelements %add3A_650, 0 {pack_format = #tpu.pack_format<interleaved>} : vector<32xbf16> -> vector<16xf32>
        %unpack3A_653 = tpu.unpack_subelements %add3A_650, 1 {pack_format = #tpu.pack_format<interleaved>} : vector<32xbf16> -> vector<16xf32>
        %add3A_654 = arith.addf %add3A_634, %unpack3A_652 : vector<16xf32>
        %add3A_655 = arith.addf %add3A_635, %unpack3A_653 : vector<16xf32>
        %mul3A_656 = arith.mulf %unpack3A_652, %unpack3A_652 : vector<16xf32>
        %add3A_657 = arith.addf %add3A_637, %mul3A_656 : vector<16xf32>
        %mul3A_658 = arith.mulf %unpack3A_653, %unpack3A_653 : vector<16xf32>
        %add3A_659 = arith.addf %add3A_639, %mul3A_658 : vector<16xf32>
        %add3A_660 = arith.constant 5 : i32
        %add3A_661 = arith.addi %mul3A_241, %add3A_660 : i32
        %get3A_662 = arith.index_cast %add3A_661 : i32 to index
        %get3A_663 = arith.constant 32 : index
        %get3A_664 = tpu.vector_load %arg13[%get3A_662, %get3A_663] {strides = array<i32>} : memref<128x64xbf16, #tpu.memory_space<vmem>>, vector<32xbf16>,
        %add3A_665 = arith.constant 5 : i32
        %add3A_666 = arith.addi %mul3A_241, %add3A_665 : i32
        %get3A_667 = arith.index_cast %add3A_666 : i32 to index
        %get3A_668 = arith.constant 32 : index
        %get3A_669 = tpu.vector_load %arg15[%get3A_667, %get3A_668] {strides = array<i32>} : memref<128x64xbf16, #tpu.memory_space<vmem>>, vector<32xbf16>,
        %add3A_670 = arith.addf %get3A_664, %get3A_669 : vector<32xbf16>
        %max3A_671 = arith.maximumf %max3A_651, %add3A_670 : vector<32xbf16>
        %unpack3A_672 = tpu.unpack_subelements %add3A_670, 0 {pack_format = #tpu.pack_format<interleaved>} : vector<32xbf16> -> vector<16xf32>
        %unpack3A_673 = tpu.unpack_subelements %add3A_670, 1 {pack_format = #tpu.pack_format<interleaved>} : vector<32xbf16> -> vector<16xf32>
        %add3A_674 = arith.addf %add3A_654, %unpack3A_672 : vector<16xf32>
        %add3A_675 = arith.addf %add3A_655, %unpack3A_673 : vector<16xf32>
        %mul3A_676 = arith.mulf %unpack3A_672, %unpack3A_672 : vector<16xf32>
        %add3A_677 = arith.addf %add3A_657, %mul3A_676 : vector<16xf32>
        %mul3A_678 = arith.mulf %unpack3A_673, %unpack3A_673 : vector<16xf32>
        %add3A_679 = arith.addf %add3A_659, %mul3A_678 : vector<16xf32>
        %add3A_680 = arith.constant 6 : i32
        %add3A_681 = arith.addi %mul3A_241, %add3A_680 : i32
        %get3A_682 = arith.index_cast %add3A_681 : i32 to index
        %get3A_683 = arith.constant 32 : index
        %get3A_684 = tpu.vector_load %arg13[%get3A_682, %get3A_683] {strides = array<i32>} : memref<128x64xbf16, #tpu.memory_space<vmem>>, vector<32xbf16>,
        %add3A_685 = arith.constant 6 : i32
        %add3A_686 = arith.addi %mul3A_241, %add3A_685 : i32
        %get3A_687 = arith.index_cast %add3A_686 : i32 to index
        %get3A_688 = arith.constant 32 : index
        %get3A_689 = tpu.vector_load %arg15[%get3A_687, %get3A_688] {strides = array<i32>} : memref<128x64xbf16, #tpu.memory_space<vmem>>, vector<32xbf16>,
        %add3A_690 = arith.addf %get3A_684, %get3A_689 : vector<32xbf16>
        %max3A_691 = arith.maximumf %max3A_671, %add3A_690 : vector<32xbf16>
        %unpack3A_692 = tpu.unpack_subelements %add3A_690, 0 {pack_format = #tpu.pack_format<interleaved>} : vector<32xbf16> -> vector<16xf32>
        %unpack3A_693 = tpu.unpack_subelements %add3A_690, 1 {pack_format = #tpu.pack_format<interleaved>} : vector<32xbf16> -> vector<16xf32>
        %add3A_694 = arith.addf %add3A_674, %unpack3A_692 : vector<16xf32>
        %add3A_695 = arith.addf %add3A_675, %unpack3A_693 : vector<16xf32>
        %mul3A_696 = arith.mulf %unpack3A_692, %unpack3A_692 : vector<16xf32>
        %add3A_697 = arith.addf %add3A_677, %mul3A_696 : vector<16xf32>
        %mul3A_698 = arith.mulf %unpack3A_693, %unpack3A_693 : vector<16xf32>
        %add3A_699 = arith.addf %add3A_679, %mul3A_698 : vector<16xf32>
        %add3A_700 = arith.constant 7 : i32
        %add3A_701 = arith.addi %mul3A_241, %add3A_700 : i32
        %get3A_702 = arith.index_cast %add3A_701 : i32 to index
        %get3A_703 = arith.constant 32 : index
        %get3A_704 = tpu.vector_load %arg13[%get3A_702, %get3A_703] {strides = array<i32>} : memref<128x64xbf16, #tpu.memory_space<vmem>>, vector<32xbf16>,
        %add3A_705 = arith.constant 7 : i32
        %add3A_706 = arith.addi %mul3A_241, %add3A_705 : i32
        %get3A_707 = arith.index_cast %add3A_706 : i32 to index
        %get3A_708 = arith.constant 32 : index
        %get3A_709 = tpu.vector_load %arg15[%get3A_707, %get3A_708] {strides = array<i32>} : memref<128x64xbf16, #tpu.memory_space<vmem>>, vector<32xbf16>,
        %add3A_710 = arith.addf %get3A_704, %get3A_709 : vector<32xbf16>
        %max3A_711 = arith.maximumf %max3A_691, %add3A_710 : vector<32xbf16>
        %unpack3A_712 = tpu.unpack_subelements %add3A_710, 0 {pack_format = #tpu.pack_format<interleaved>} : vector<32xbf16> -> vector<16xf32>
        %unpack3A_713 = tpu.unpack_subelements %add3A_710, 1 {pack_format = #tpu.pack_format<interleaved>} : vector<32xbf16> -> vector<16xf32>
        %add3A_714 = arith.addf %add3A_694, %unpack3A_712 : vector<16xf32>
        %add3A_715 = arith.addf %add3A_695, %unpack3A_713 : vector<16xf32>
        %mul3A_716 = arith.mulf %unpack3A_712, %unpack3A_712 : vector<16xf32>
        %add3A_717 = arith.addf %add3A_697, %mul3A_716 : vector<16xf32>
        %mul3A_718 = arith.mulf %unpack3A_713, %unpack3A_713 : vector<16xf32>
        %add3A_719 = arith.addf %add3A_699, %mul3A_718 : vector<16xf32>
        %add3A_720 = arith.constant 8 : i32
        %add3A_721 = arith.addi %mul3A_241, %add3A_720 : i32
        %get3A_722 = arith.index_cast %add3A_721 : i32 to index
        %get3A_723 = arith.constant 32 : index
        %get3A_724 = tpu.vector_load %arg13[%get3A_722, %get3A_723] {strides = array<i32>} : memref<128x64xbf16, #tpu.memory_space<vmem>>, vector<32xbf16>,
        %add3A_725 = arith.constant 8 : i32
        %add3A_726 = arith.addi %mul3A_241, %add3A_725 : i32
        %get3A_727 = arith.index_cast %add3A_726 : i32 to index
        %get3A_728 = arith.constant 32 : index
        %get3A_729 = tpu.vector_load %arg15[%get3A_727, %get3A_728] {strides = array<i32>} : memref<128x64xbf16, #tpu.memory_space<vmem>>, vector<32xbf16>,
        %add3A_730 = arith.addf %get3A_724, %get3A_729 : vector<32xbf16>
        %max3A_731 = arith.maximumf %max3A_711, %add3A_730 : vector<32xbf16>
        %unpack3A_732 = tpu.unpack_subelements %add3A_730, 0 {pack_format = #tpu.pack_format<interleaved>} : vector<32xbf16> -> vector<16xf32>
        %unpack3A_733 = tpu.unpack_subelements %add3A_730, 1 {pack_format = #tpu.pack_format<interleaved>} : vector<32xbf16> -> vector<16xf32>
        %add3A_734 = arith.addf %add3A_714, %unpack3A_732 : vector<16xf32>
        %add3A_735 = arith.addf %add3A_715, %unpack3A_733 : vector<16xf32>
        %mul3A_736 = arith.mulf %unpack3A_732, %unpack3A_732 : vector<16xf32>
        %add3A_737 = arith.addf %add3A_717, %mul3A_736 : vector<16xf32>
        %mul3A_738 = arith.mulf %unpack3A_733, %unpack3A_733 : vector<16xf32>
        %add3A_739 = arith.addf %add3A_719, %mul3A_738 : vector<16xf32>
        %add3A_740 = arith.constant 9 : i32
        %add3A_741 = arith.addi %mul3A_241, %add3A_740 : i32
        %get3A_742 = arith.index_cast %add3A_741 : i32 to index
        %get3A_743 = arith.constant 32 : index
        %get3A_744 = tpu.vector_load %arg13[%get3A_742, %get3A_743] {strides = array<i32>} : memref<128x64xbf16, #tpu.memory_space<vmem>>, vector<32xbf16>,
        %add3A_745 = arith.constant 9 : i32
        %add3A_746 = arith.addi %mul3A_241, %add3A_745 : i32
        %get3A_747 = arith.index_cast %add3A_746 : i32 to index
        %get3A_748 = arith.constant 32 : index
        %get3A_749 = tpu.vector_load %arg15[%get3A_747, %get3A_748] {strides = array<i32>} : memref<128x64xbf16, #tpu.memory_space<vmem>>, vector<32xbf16>,
        %add3A_750 = arith.addf %get3A_744, %get3A_749 : vector<32xbf16>
        %max3A_751 = arith.maximumf %max3A_731, %add3A_750 : vector<32xbf16>
        %unpack3A_752 = tpu.unpack_subelements %add3A_750, 0 {pack_format = #tpu.pack_format<interleaved>} : vector<32xbf16> -> vector<16xf32>
        %unpack3A_753 = tpu.unpack_subelements %add3A_750, 1 {pack_format = #tpu.pack_format<interleaved>} : vector<32xbf16> -> vector<16xf32>
        %add3A_754 = arith.addf %add3A_734, %unpack3A_752 : vector<16xf32>
        %add3A_755 = arith.addf %add3A_735, %unpack3A_753 : vector<16xf32>
        %mul3A_756 = arith.mulf %unpack3A_752, %unpack3A_752 : vector<16xf32>
        %add3A_757 = arith.addf %add3A_737, %mul3A_756 : vector<16xf32>
        %mul3A_758 = arith.mulf %unpack3A_753, %unpack3A_753 : vector<16xf32>
        %add3A_759 = arith.addf %add3A_739, %mul3A_758 : vector<16xf32>
        %add3A_760 = arith.constant 10 : i32
        %add3A_761 = arith.addi %mul3A_241, %add3A_760 : i32
        %get3A_762 = arith.index_cast %add3A_761 : i32 to index
        %get3A_763 = arith.constant 32 : index
        %get3A_764 = tpu.vector_load %arg13[%get3A_762, %get3A_763] {strides = array<i32>} : memref<128x64xbf16, #tpu.memory_space<vmem>>, vector<32xbf16>,
        %add3A_765 = arith.constant 10 : i32
        %add3A_766 = arith.addi %mul3A_241, %add3A_765 : i32
        %get3A_767 = arith.index_cast %add3A_766 : i32 to index
        %get3A_768 = arith.constant 32 : index
        %get3A_769 = tpu.vector_load %arg15[%get3A_767, %get3A_768] {strides = array<i32>} : memref<128x64xbf16, #tpu.memory_space<vmem>>, vector<32xbf16>,
        %add3A_770 = arith.addf %get3A_764, %get3A_769 : vector<32xbf16>
        %max3A_771 = arith.maximumf %max3A_751, %add3A_770 : vector<32xbf16>
        %unpack3A_772 = tpu.unpack_subelements %add3A_770, 0 {pack_format = #tpu.pack_format<interleaved>} : vector<32xbf16> -> vector<16xf32>
        %unpack3A_773 = tpu.unpack_subelements %add3A_770, 1 {pack_format = #tpu.pack_format<interleaved>} : vector<32xbf16> -> vector<16xf32>
        %add3A_774 = arith.addf %add3A_754, %unpack3A_772 : vector<16xf32>
        %add3A_775 = arith.addf %add3A_755, %unpack3A_773 : vector<16xf32>
        %mul3A_776 = arith.mulf %unpack3A_772, %unpack3A_772 : vector<16xf32>
        %add3A_777 = arith.addf %add3A_757, %mul3A_776 : vector<16xf32>
        %mul3A_778 = arith.mulf %unpack3A_773, %unpack3A_773 : vector<16xf32>
        %add3A_779 = arith.addf %add3A_759, %mul3A_778 : vector<16xf32>
        %add3A_780 = arith.constant 11 : i32
        %add3A_781 = arith.addi %mul3A_241, %add3A_780 : i32
        %get3A_782 = arith.index_cast %add3A_781 : i32 to index
        %get3A_783 = arith.constant 32 : index
        %get3A_784 = tpu.vector_load %arg13[%get3A_782, %get3A_783] {strides = array<i32>} : memref<128x64xbf16, #tpu.memory_space<vmem>>, vector<32xbf16>,
        %add3A_785 = arith.constant 11 : i32
        %add3A_786 = arith.addi %mul3A_241, %add3A_785 : i32
        %get3A_787 = arith.index_cast %add3A_786 : i32 to index
        %get3A_788 = arith.constant 32 : index
        %get3A_789 = tpu.vector_load %arg15[%get3A_787, %get3A_788] {strides = array<i32>} : memref<128x64xbf16, #tpu.memory_space<vmem>>, vector<32xbf16>,
        %add3A_790 = arith.addf %get3A_784, %get3A_789 : vector<32xbf16>
        %max3A_791 = arith.maximumf %max3A_771, %add3A_790 : vector<32xbf16>
        %unpack3A_792 = tpu.unpack_subelements %add3A_790, 0 {pack_format = #tpu.pack_format<interleaved>} : vector<32xbf16> -> vector<16xf32>
        %unpack3A_793 = tpu.unpack_subelements %add3A_790, 1 {pack_format = #tpu.pack_format<interleaved>} : vector<32xbf16> -> vector<16xf32>
        %add3A_794 = arith.addf %add3A_774, %unpack3A_792 : vector<16xf32>
        %add3A_795 = arith.addf %add3A_775, %unpack3A_793 : vector<16xf32>
        %mul3A_796 = arith.mulf %unpack3A_792, %unpack3A_792 : vector<16xf32>
        %add3A_797 = arith.addf %add3A_777, %mul3A_796 : vector<16xf32>
        %mul3A_798 = arith.mulf %unpack3A_793, %unpack3A_793 : vector<16xf32>
        %add3A_799 = arith.addf %add3A_779, %mul3A_798 : vector<16xf32>
        %add3A_800 = arith.constant 12 : i32
        %add3A_801 = arith.addi %mul3A_241, %add3A_800 : i32
        %get3A_802 = arith.index_cast %add3A_801 : i32 to index
        %get3A_803 = arith.constant 32 : index
        %get3A_804 = tpu.vector_load %arg13[%get3A_802, %get3A_803] {strides = array<i32>} : memref<128x64xbf16, #tpu.memory_space<vmem>>, vector<32xbf16>,
        %add3A_805 = arith.constant 12 : i32
        %add3A_806 = arith.addi %mul3A_241, %add3A_805 : i32
        %get3A_807 = arith.index_cast %add3A_806 : i32 to index
        %get3A_808 = arith.constant 32 : index
        %get3A_809 = tpu.vector_load %arg15[%get3A_807, %get3A_808] {strides = array<i32>} : memref<128x64xbf16, #tpu.memory_space<vmem>>, vector<32xbf16>,
        %add3A_810 = arith.addf %get3A_804, %get3A_809 : vector<32xbf16>
        %max3A_811 = arith.maximumf %max3A_791, %add3A_810 : vector<32xbf16>
        %unpack3A_812 = tpu.unpack_subelements %add3A_810, 0 {pack_format = #tpu.pack_format<interleaved>} : vector<32xbf16> -> vector<16xf32>
        %unpack3A_813 = tpu.unpack_subelements %add3A_810, 1 {pack_format = #tpu.pack_format<interleaved>} : vector<32xbf16> -> vector<16xf32>
        %add3A_814 = arith.addf %add3A_794, %unpack3A_812 : vector<16xf32>
        %add3A_815 = arith.addf %add3A_795, %unpack3A_813 : vector<16xf32>
        %mul3A_816 = arith.mulf %unpack3A_812, %unpack3A_812 : vector<16xf32>
        %add3A_817 = arith.addf %add3A_797, %mul3A_816 : vector<16xf32>
        %mul3A_818 = arith.mulf %unpack3A_813, %unpack3A_813 : vector<16xf32>
        %add3A_819 = arith.addf %add3A_799, %mul3A_818 : vector<16xf32>
        %add3A_820 = arith.constant 13 : i32
        %add3A_821 = arith.addi %mul3A_241, %add3A_820 : i32
        %get3A_822 = arith.index_cast %add3A_821 : i32 to index
        %get3A_823 = arith.constant 32 : index
        %get3A_824 = tpu.vector_load %arg13[%get3A_822, %get3A_823] {strides = array<i32>} : memref<128x64xbf16, #tpu.memory_space<vmem>>, vector<32xbf16>,
        %add3A_825 = arith.constant 13 : i32
        %add3A_826 = arith.addi %mul3A_241, %add3A_825 : i32
        %get3A_827 = arith.index_cast %add3A_826 : i32 to index
        %get3A_828 = arith.constant 32 : index
        %get3A_829 = tpu.vector_load %arg15[%get3A_827, %get3A_828] {strides = array<i32>} : memref<128x64xbf16, #tpu.memory_space<vmem>>, vector<32xbf16>,
        %add3A_830 = arith.addf %get3A_824, %get3A_829 : vector<32xbf16>
        %max3A_831 = arith.maximumf %max3A_811, %add3A_830 : vector<32xbf16>
        %unpack3A_832 = tpu.unpack_subelements %add3A_830, 0 {pack_format = #tpu.pack_format<interleaved>} : vector<32xbf16> -> vector<16xf32>
        %unpack3A_833 = tpu.unpack_subelements %add3A_830, 1 {pack_format = #tpu.pack_format<interleaved>} : vector<32xbf16> -> vector<16xf32>
        %add3A_834 = arith.addf %add3A_814, %unpack3A_832 : vector<16xf32>
        %add3A_835 = arith.addf %add3A_815, %unpack3A_833 : vector<16xf32>
        %mul3A_836 = arith.mulf %unpack3A_832, %unpack3A_832 : vector<16xf32>
        %add3A_837 = arith.addf %add3A_817, %mul3A_836 : vector<16xf32>
        %mul3A_838 = arith.mulf %unpack3A_833, %unpack3A_833 : vector<16xf32>
        %add3A_839 = arith.addf %add3A_819, %mul3A_838 : vector<16xf32>
        %add3A_840 = arith.constant 14 : i32
        %add3A_841 = arith.addi %mul3A_241, %add3A_840 : i32
        %get3A_842 = arith.index_cast %add3A_841 : i32 to index
        %get3A_843 = arith.constant 32 : index
        %get3A_844 = tpu.vector_load %arg13[%get3A_842, %get3A_843] {strides = array<i32>} : memref<128x64xbf16, #tpu.memory_space<vmem>>, vector<32xbf16>,
        %add3A_845 = arith.constant 14 : i32
        %add3A_846 = arith.addi %mul3A_241, %add3A_845 : i32
        %get3A_847 = arith.index_cast %add3A_846 : i32 to index
        %get3A_848 = arith.constant 32 : index
        %get3A_849 = tpu.vector_load %arg15[%get3A_847, %get3A_848] {strides = array<i32>} : memref<128x64xbf16, #tpu.memory_space<vmem>>, vector<32xbf16>,
        %add3A_850 = arith.addf %get3A_844, %get3A_849 : vector<32xbf16>
        %max3A_851 = arith.maximumf %max3A_831, %add3A_850 : vector<32xbf16>
        %unpack3A_852 = tpu.unpack_subelements %add3A_850, 0 {pack_format = #tpu.pack_format<interleaved>} : vector<32xbf16> -> vector<16xf32>
        %unpack3A_853 = tpu.unpack_subelements %add3A_850, 1 {pack_format = #tpu.pack_format<interleaved>} : vector<32xbf16> -> vector<16xf32>
        %add3A_854 = arith.addf %add3A_834, %unpack3A_852 : vector<16xf32>
        %add3A_855 = arith.addf %add3A_835, %unpack3A_853 : vector<16xf32>
        %mul3A_856 = arith.mulf %unpack3A_852, %unpack3A_852 : vector<16xf32>
        %add3A_857 = arith.addf %add3A_837, %mul3A_856 : vector<16xf32>
        %mul3A_858 = arith.mulf %unpack3A_853, %unpack3A_853 : vector<16xf32>
        %add3A_859 = arith.addf %add3A_839, %mul3A_858 : vector<16xf32>
        %add3A_860 = arith.constant 15 : i32
        %add3A_861 = arith.addi %mul3A_241, %add3A_860 : i32
        %get3A_862 = arith.index_cast %add3A_861 : i32 to index
        %get3A_863 = arith.constant 32 : index
        %get3A_864 = tpu.vector_load %arg13[%get3A_862, %get3A_863] {strides = array<i32>} : memref<128x64xbf16, #tpu.memory_space<vmem>>, vector<32xbf16>,
        %add3A_865 = arith.constant 15 : i32
        %add3A_866 = arith.addi %mul3A_241, %add3A_865 : i32
        %get3A_867 = arith.index_cast %add3A_866 : i32 to index
        %get3A_868 = arith.constant 32 : index
        %get3A_869 = tpu.vector_load %arg15[%get3A_867, %get3A_868] {strides = array<i32>} : memref<128x64xbf16, #tpu.memory_space<vmem>>, vector<32xbf16>,
        %add3A_870 = arith.addf %get3A_864, %get3A_869 : vector<32xbf16>
        %max3A_871 = arith.maximumf %max3A_851, %add3A_870 : vector<32xbf16>
        %unpack3A_872 = tpu.unpack_subelements %add3A_870, 0 {pack_format = #tpu.pack_format<interleaved>} : vector<32xbf16> -> vector<16xf32>
        %unpack3A_873 = tpu.unpack_subelements %add3A_870, 1 {pack_format = #tpu.pack_format<interleaved>} : vector<32xbf16> -> vector<16xf32>
        %add3A_874 = arith.addf %add3A_854, %unpack3A_872 : vector<16xf32>
        %add3A_875 = arith.addf %add3A_855, %unpack3A_873 : vector<16xf32>
        %mul3A_876 = arith.mulf %unpack3A_872, %unpack3A_872 : vector<16xf32>
        %add3A_877 = arith.addf %add3A_857, %mul3A_876 : vector<16xf32>
        %mul3A_878 = arith.mulf %unpack3A_873, %unpack3A_873 : vector<16xf32>
        %add3A_879 = arith.addf %add3A_859, %mul3A_878 : vector<16xf32>
        %swap3A_880 = arith.index_cast %scan3A_231 : i32 to index
        %swap3A_881 = arith.constant 32 : index
        %swap3A_882 = tpu.vector_load %arg17[%swap3A_880, %swap3A_881] {strides = array<i32>} : memref<8x64xbf16, #tpu.memory_space<vmem>>, vector<32xbf16>,
        tpu.vector_store %arg17[%swap3A_880, %swap3A_881], %max3A_871 {strides = array<i32>} : memref<8x64xbf16, #tpu.memory_space<vmem>>, vector<32xbf16>,
        scf.yield %add3A_552, %add3A_553, %add3A_874, %add3A_875, %add3A_555, %add3A_557, %add3A_877, %add3A_879 : vector<16xf32>, vector<16xf32>, vector<16xf32>, vector<16xf32>, vector<16xf32>, vector<16xf32>, vector<16xf32>, vector<16xf32>
      }
      %scan3A_175 = arith.constant 8 : i32
      %add3A_176 = arith.constant 8 : i32
      %add3A_177 = arith.addi %add3A_176, %mul3A_4 : i32
      %mul3A_178 = arith.constant 8 : i32
      %mul3A_179 = arith.muli %mul3A_138, %mul3A_178 : i32
      %add3A_180 = arith.addi %add3A_177, %mul3A_179 : i32
      %dma_start3A_181 = arith.constant 0 : i32
      %dma_start3A_182 = tpu.memref_slice %arg6[%add3A_180, %dma_start3A_181] : memref<51216x64xbf16, #tpu.memory_space<hbm>> -> memref<8x64xbf16, #tpu.memory_space<hbm>>
      %dma_start3A_183 = arith.constant 0 : i32
      %dma_start3A_184 = tpu.memref_slice %arg6[%add3A_180, %dma_start3A_183] : memref<51216x64xbf16, #tpu.memory_space<hbm>> -> memref<8x64xbf16, #tpu.memory_space<hbm>>
      tpu.enqueue_dma source(%arg17 : memref<8x64xbf16, #tpu.memory_space<vmem>>) target(%dma_start3A_184 : memref<8x64xbf16, #tpu.memory_space<hbm>>) target_semaphore(%arg29 : memref<!tpu.dma_semaphore, #tpu.memory_space<semaphore_mem>>)
      %add3A_185 = arith.constant 1 : i32
      %add3A_186 = arith.addi %mul3A_138, %add3A_185 : i32
      %dma_wait3A_187 = arith.constant 0 : i32
      %dma_wait3A_188 = arith.constant 0 : i32
      %dma_wait3A_189 = tpu.memref_slice %arg2[%dma_wait3A_187, %dma_wait3A_188] : memref<50176x64xbf16, #tpu.memory_space<hbm>> -> memref<50176x64xbf16, #tpu.memory_space<hbm>>
      tpu.wait_indirect_dma semaphore(%arg26 : memref<!tpu.dma_semaphore, #tpu.memory_space<semaphore_mem>>) src(%dma_wait3A_189 : memref<50176x64xbf16, #tpu.memory_space<hbm>>) dst(%arg14 : memref<128x64xbf16, #tpu.memory_space<vmem>>)
      %dma_wait3A_190 = arith.constant 0 : i32
      %dma_wait3A_191 = arith.constant 0 : i32
      %dma_wait3A_192 = tpu.memref_slice %arg3[%dma_wait3A_190, %dma_wait3A_191] : memref<50176x64xbf16, #tpu.memory_space<hbm>> -> memref<50176x64xbf16, #tpu.memory_space<hbm>>
      tpu.wait_indirect_dma semaphore(%arg28 : memref<!tpu.dma_semaphore, #tpu.memory_space<semaphore_mem>>) src(%dma_wait3A_192 : memref<50176x64xbf16, #tpu.memory_space<hbm>>) dst(%arg16 : memref<128x64xbf16, #tpu.memory_space<vmem>>)
      %add3A_193 = arith.constant 2 : i32
      %add3A_194 = arith.addi %add3A_186, %add3A_193 : i32
      %mul3A_195 = arith.constant 128 : i32
      %mul3A_196 = arith.muli %add3A_194, %mul3A_195 : i32
      %add3A_197 = arith.addi %mul3A_2, %mul3A_196 : i32
      %dma_start3A_198 = tpu.memref_slice %arg4[%add3A_197] : memref<802816xi32, #tpu.memory_space<hbm>> -> memref<128xi32, #tpu.memory_space<hbm>>
      %dma_start3A_199 = tpu.memref_slice %arg4[%add3A_197] : memref<802816xi32, #tpu.memory_space<hbm>> -> memref<128xi32, #tpu.memory_space<hbm>>
      tpu.enqueue_dma source(%dma_start3A_199 : memref<128xi32, #tpu.memory_space<hbm>>) target(%arg10 : memref<128xi32, #tpu.memory_space<vmem>>) target_semaphore(%arg22 : memref<!tpu.dma_semaphore, #tpu.memory_space<semaphore_mem>>)
      %dma_start3A_200 = tpu.memref_slice %arg5[%add3A_197] : memref<802816xi32, #tpu.memory_space<hbm>> -> memref<128xi32, #tpu.memory_space<hbm>>
      %dma_start3A_201 = tpu.memref_slice %arg5[%add3A_197] : memref<802816xi32, #tpu.memory_space<hbm>> -> memref<128xi32, #tpu.memory_space<hbm>>
      tpu.enqueue_dma source(%dma_start3A_201 : memref<128xi32, #tpu.memory_space<hbm>>) target(%arg12 : memref<128xi32, #tpu.memory_space<vmem>>) target_semaphore(%arg24 : memref<!tpu.dma_semaphore, #tpu.memory_space<semaphore_mem>>)
      %dma_wait3A_202 = arith.constant 0 : i32
      %dma_wait3A_203 = tpu.memref_slice %arg4[%dma_wait3A_202] : memref<802816xi32, #tpu.memory_space<hbm>> -> memref<128xi32, #tpu.memory_space<hbm>>
      %dma_wait3A_204 = arith.constant 0 : i32
      %dma_wait3A_205 = tpu.memref_slice %arg4[%dma_wait3A_204] : memref<802816xi32, #tpu.memory_space<hbm>> -> memref<128xi32, #tpu.memory_space<hbm>>
      tpu.wait_dma2 semaphore(%arg21 : memref<!tpu.dma_semaphore, #tpu.memory_space<semaphore_mem>>) src(%dma_wait3A_205 : memref<128xi32, #tpu.memory_space<hbm>>) dst(%arg9 : memref<128xi32, #tpu.memory_space<vmem>>)
      %dma_wait3A_206 = arith.constant 0 : i32
      %dma_wait3A_207 = tpu.memref_slice %arg5[%dma_wait3A_206] : memref<802816xi32, #tpu.memory_space<hbm>> -> memref<128xi32, #tpu.memory_space<hbm>>
      %dma_wait3A_208 = arith.constant 0 : i32
      %dma_wait3A_209 = tpu.memref_slice %arg5[%dma_wait3A_208] : memref<802816xi32, #tpu.memory_space<hbm>> -> memref<128xi32, #tpu.memory_space<hbm>>
      tpu.wait_dma2 semaphore(%arg23 : memref<!tpu.dma_semaphore, #tpu.memory_space<semaphore_mem>>) src(%dma_wait3A_209 : memref<128xi32, #tpu.memory_space<hbm>>) dst(%arg11 : memref<128xi32, #tpu.memory_space<vmem>>)
      %dma_start3A_210 = arith.constant 0 : i32
      %dma_start3A_211 = arith.constant 0 : i32
      %dma_start3A_212 = tpu.memref_slice %arg2[%dma_start3A_210, %dma_start3A_211] : memref<50176x64xbf16, #tpu.memory_space<hbm>> -> memref<50176x64xbf16, #tpu.memory_space<hbm>>
      tpu.enqueue_indirect_dma source(%dma_start3A_212 : memref<50176x64xbf16, #tpu.memory_space<hbm>>) target(%arg13 : memref<128x64xbf16, #tpu.memory_space<vmem>>) offsets(%arg11 : memref<128xi32, #tpu.memory_space<vmem>>) semaphore(%arg25 : memref<!tpu.dma_semaphore, #tpu.memory_space<semaphore_mem>>)
      %dma_start3A_213 = arith.constant 0 : i32
      %dma_start3A_214 = arith.constant 0 : i32
      %dma_start3A_215 = tpu.memref_slice %arg3[%dma_start3A_213, %dma_start3A_214] : memref<50176x64xbf16, #tpu.memory_space<hbm>> -> memref<50176x64xbf16, #tpu.memory_space<hbm>>
      tpu.enqueue_indirect_dma source(%dma_start3A_215 : memref<50176x64xbf16, #tpu.memory_space<hbm>>) target(%arg15 : memref<128x64xbf16, #tpu.memory_space<vmem>>) offsets(%arg9 : memref<128xi32, #tpu.memory_space<vmem>>) semaphore(%arg27 : memref<!tpu.dma_semaphore, #tpu.memory_space<semaphore_mem>>)
      %scan3A_216 = arith.constant 0 : i32
      %scan3A_217 = arith.constant 8 : i32
      %scan3A_218 = arith.addi %scan3A_216, %scan3A_217 : i32
      %scan3A_219 = arith.constant 1 : i32
      %scan3A_220:8 = scf.for %scan3A_231 = %scan3A_216 to %scan3A_218 step %scan3A_219 iter_args(%scan3A_232 = %scan3A_174#0, %scan3A_233 = %scan3A_174#1, %scan3A_234 = %scan3A_174#2, %scan3A_235 = %scan3A_174#3, %scan3A_236 = %scan3A_174#4, %scan3A_237 = %scan3A_174#5, %scan3A_238 = %scan3A_174#6, %scan3A_239 = %scan3A_174#7) -> (vector<16xf32>, vector<16xf32>, vector<16xf32>, vector<16xf32>, vector<16xf32>, vector<16xf32>, vector<16xf32>, vector<16xf32>)  : i32 {
        %mul3A_240 = arith.constant 16 : i32
        %mul3A_241 = arith.muli %scan3A_231, %mul3A_240 : i32
        %add3A_242 = arith.constant 0 : i32
        %add3A_243 = arith.addi %mul3A_241, %add3A_242 : i32
        %get3A = arith.index_cast %add3A_243 : i32 to index
        %get3A_244 = arith.constant 0 : index
        %get3A_245 = tpu.vector_load %arg14[%get3A, %get3A_244] {strides = array<i32>} : memref<128x64xbf16, #tpu.memory_space<vmem>>, vector<32xbf16>,
        %add3A_246 = arith.constant 0 : i32
        %add3A_247 = arith.addi %mul3A_241, %add3A_246 : i32
        %get3A_248 = arith.index_cast %add3A_247 : i32 to index
        %get3A_249 = arith.constant 0 : index
        %get3A_250 = tpu.vector_load %arg16[%get3A_248, %get3A_249] {strides = array<i32>} : memref<128x64xbf16, #tpu.memory_space<vmem>>, vector<32xbf16>,
        %add3A_251 = arith.addf %get3A_245, %get3A_250 : vector<32xbf16>
        %unpack3A = tpu.unpack_subelements %add3A_251, 0 {pack_format = #tpu.pack_format<interleaved>} : vector<32xbf16> -> vector<16xf32>
        %unpack3A_252 = tpu.unpack_subelements %add3A_251, 1 {pack_format = #tpu.pack_format<interleaved>} : vector<32xbf16> -> vector<16xf32>
        %add3A_253 = arith.addf %scan3A_232, %unpack3A : vector<16xf32>
        %add3A_254 = arith.addf %scan3A_233, %unpack3A_252 : vector<16xf32>
        %mul3A_255 = arith.mulf %unpack3A, %unpack3A : vector<16xf32>
        %add3A_256 = arith.addf %scan3A_236, %mul3A_255 : vector<16xf32>
        %mul3A_257 = arith.mulf %unpack3A_252, %unpack3A_252 : vector<16xf32>
        %add3A_258 = arith.addf %scan3A_237, %mul3A_257 : vector<16xf32>
        %add3A_259 = arith.constant 1 : i32
        %add3A_260 = arith.addi %mul3A_241, %add3A_259 : i32
        %get3A_261 = arith.index_cast %add3A_260 : i32 to index
        %get3A_262 = arith.constant 0 : index
        %get3A_263 = tpu.vector_load %arg14[%get3A_261, %get3A_262] {strides = array<i32>} : memref<128x64xbf16, #tpu.memory_space<vmem>>, vector<32xbf16>,
        %add3A_264 = arith.constant 1 : i32
        %add3A_265 = arith.addi %mul3A_241, %add3A_264 : i32
        %get3A_266 = arith.index_cast %add3A_265 : i32 to index
        %get3A_267 = arith.constant 0 : index
        %get3A_268 = tpu.vector_load %arg16[%get3A_266, %get3A_267] {strides = array<i32>} : memref<128x64xbf16, #tpu.memory_space<vmem>>, vector<32xbf16>,
        %add3A_269 = arith.addf %get3A_263, %get3A_268 : vector<32xbf16>
        %max3A = arith.maximumf %add3A_251, %add3A_269 : vector<32xbf16>
        %unpack3A_270 = tpu.unpack_subelements %add3A_269, 0 {pack_format = #tpu.pack_format<interleaved>} : vector<32xbf16> -> vector<16xf32>
        %unpack3A_271 = tpu.unpack_subelements %add3A_269, 1 {pack_format = #tpu.pack_format<interleaved>} : vector<32xbf16> -> vector<16xf32>
        %add3A_272 = arith.addf %add3A_253, %unpack3A_270 : vector<16xf32>
        %add3A_273 = arith.addf %add3A_254, %unpack3A_271 : vector<16xf32>
        %mul3A_274 = arith.mulf %unpack3A_270, %unpack3A_270 : vector<16xf32>
        %add3A_275 = arith.addf %add3A_256, %mul3A_274 : vector<16xf32>
        %mul3A_276 = arith.mulf %unpack3A_271, %unpack3A_271 : vector<16xf32>
        %add3A_277 = arith.addf %add3A_258, %mul3A_276 : vector<16xf32>
        %add3A_278 = arith.constant 2 : i32
        %add3A_279 = arith.addi %mul3A_241, %add3A_278 : i32
        %get3A_280 = arith.index_cast %add3A_279 : i32 to index
        %get3A_281 = arith.constant 0 : index
        %get3A_282 = tpu.vector_load %arg14[%get3A_280, %get3A_281] {strides = array<i32>} : memref<128x64xbf16, #tpu.memory_space<vmem>>, vector<32xbf16>,
        %add3A_283 = arith.constant 2 : i32
        %add3A_284 = arith.addi %mul3A_241, %add3A_283 : i32
        %get3A_285 = arith.index_cast %add3A_284 : i32 to index
        %get3A_286 = arith.constant 0 : index
        %get3A_287 = tpu.vector_load %arg16[%get3A_285, %get3A_286] {strides = array<i32>} : memref<128x64xbf16, #tpu.memory_space<vmem>>, vector<32xbf16>,
        %add3A_288 = arith.addf %get3A_282, %get3A_287 : vector<32xbf16>
        %max3A_289 = arith.maximumf %max3A, %add3A_288 : vector<32xbf16>
        %unpack3A_290 = tpu.unpack_subelements %add3A_288, 0 {pack_format = #tpu.pack_format<interleaved>} : vector<32xbf16> -> vector<16xf32>
        %unpack3A_291 = tpu.unpack_subelements %add3A_288, 1 {pack_format = #tpu.pack_format<interleaved>} : vector<32xbf16> -> vector<16xf32>
        %add3A_292 = arith.addf %add3A_272, %unpack3A_290 : vector<16xf32>
        %add3A_293 = arith.addf %add3A_273, %unpack3A_291 : vector<16xf32>
        %mul3A_294 = arith.mulf %unpack3A_290, %unpack3A_290 : vector<16xf32>
        %add3A_295 = arith.addf %add3A_275, %mul3A_294 : vector<16xf32>
        %mul3A_296 = arith.mulf %unpack3A_291, %unpack3A_291 : vector<16xf32>
        %add3A_297 = arith.addf %add3A_277, %mul3A_296 : vector<16xf32>
        %add3A_298 = arith.constant 3 : i32
        %add3A_299 = arith.addi %mul3A_241, %add3A_298 : i32
        %get3A_300 = arith.index_cast %add3A_299 : i32 to index
        %get3A_301 = arith.constant 0 : index
        %get3A_302 = tpu.vector_load %arg14[%get3A_300, %get3A_301] {strides = array<i32>} : memref<128x64xbf16, #tpu.memory_space<vmem>>, vector<32xbf16>,
        %add3A_303 = arith.constant 3 : i32
        %add3A_304 = arith.addi %mul3A_241, %add3A_303 : i32
        %get3A_305 = arith.index_cast %add3A_304 : i32 to index
        %get3A_306 = arith.constant 0 : index
        %get3A_307 = tpu.vector_load %arg16[%get3A_305, %get3A_306] {strides = array<i32>} : memref<128x64xbf16, #tpu.memory_space<vmem>>, vector<32xbf16>,
        %add3A_308 = arith.addf %get3A_302, %get3A_307 : vector<32xbf16>
        %max3A_309 = arith.maximumf %max3A_289, %add3A_308 : vector<32xbf16>
        %unpack3A_310 = tpu.unpack_subelements %add3A_308, 0 {pack_format = #tpu.pack_format<interleaved>} : vector<32xbf16> -> vector<16xf32>
        %unpack3A_311 = tpu.unpack_subelements %add3A_308, 1 {pack_format = #tpu.pack_format<interleaved>} : vector<32xbf16> -> vector<16xf32>
        %add3A_312 = arith.addf %add3A_292, %unpack3A_310 : vector<16xf32>
        %add3A_313 = arith.addf %add3A_293, %unpack3A_311 : vector<16xf32>
        %mul3A_314 = arith.mulf %unpack3A_310, %unpack3A_310 : vector<16xf32>
        %add3A_315 = arith.addf %add3A_295, %mul3A_314 : vector<16xf32>
        %mul3A_316 = arith.mulf %unpack3A_311, %unpack3A_311 : vector<16xf32>
        %add3A_317 = arith.addf %add3A_297, %mul3A_316 : vector<16xf32>
        %add3A_318 = arith.constant 4 : i32
        %add3A_319 = arith.addi %mul3A_241, %add3A_318 : i32
        %get3A_320 = arith.index_cast %add3A_319 : i32 to index
        %get3A_321 = arith.constant 0 : index
        %get3A_322 = tpu.vector_load %arg14[%get3A_320, %get3A_321] {strides = array<i32>} : memref<128x64xbf16, #tpu.memory_space<vmem>>, vector<32xbf16>,
        %add3A_323 = arith.constant 4 : i32
        %add3A_324 = arith.addi %mul3A_241, %add3A_323 : i32
        %get3A_325 = arith.index_cast %add3A_324 : i32 to index
        %get3A_326 = arith.constant 0 : index
        %get3A_327 = tpu.vector_load %arg16[%get3A_325, %get3A_326] {strides = array<i32>} : memref<128x64xbf16, #tpu.memory_space<vmem>>, vector<32xbf16>,
        %add3A_328 = arith.addf %get3A_322, %get3A_327 : vector<32xbf16>
        %max3A_329 = arith.maximumf %max3A_309, %add3A_328 : vector<32xbf16>
        %unpack3A_330 = tpu.unpack_subelements %add3A_328, 0 {pack_format = #tpu.pack_format<interleaved>} : vector<32xbf16> -> vector<16xf32>
        %unpack3A_331 = tpu.unpack_subelements %add3A_328, 1 {pack_format = #tpu.pack_format<interleaved>} : vector<32xbf16> -> vector<16xf32>
        %add3A_332 = arith.addf %add3A_312, %unpack3A_330 : vector<16xf32>
        %add3A_333 = arith.addf %add3A_313, %unpack3A_331 : vector<16xf32>
        %mul3A_334 = arith.mulf %unpack3A_330, %unpack3A_330 : vector<16xf32>
        %add3A_335 = arith.addf %add3A_315, %mul3A_334 : vector<16xf32>
        %mul3A_336 = arith.mulf %unpack3A_331, %unpack3A_331 : vector<16xf32>
        %add3A_337 = arith.addf %add3A_317, %mul3A_336 : vector<16xf32>
        %add3A_338 = arith.constant 5 : i32
        %add3A_339 = arith.addi %mul3A_241, %add3A_338 : i32
        %get3A_340 = arith.index_cast %add3A_339 : i32 to index
        %get3A_341 = arith.constant 0 : index
        %get3A_342 = tpu.vector_load %arg14[%get3A_340, %get3A_341] {strides = array<i32>} : memref<128x64xbf16, #tpu.memory_space<vmem>>, vector<32xbf16>,
        %add3A_343 = arith.constant 5 : i32
        %add3A_344 = arith.addi %mul3A_241, %add3A_343 : i32
        %get3A_345 = arith.index_cast %add3A_344 : i32 to index
        %get3A_346 = arith.constant 0 : index
        %get3A_347 = tpu.vector_load %arg16[%get3A_345, %get3A_346] {strides = array<i32>} : memref<128x64xbf16, #tpu.memory_space<vmem>>, vector<32xbf16>,
        %add3A_348 = arith.addf %get3A_342, %get3A_347 : vector<32xbf16>
        %max3A_349 = arith.maximumf %max3A_329, %add3A_348 : vector<32xbf16>
        %unpack3A_350 = tpu.unpack_subelements %add3A_348, 0 {pack_format = #tpu.pack_format<interleaved>} : vector<32xbf16> -> vector<16xf32>
        %unpack3A_351 = tpu.unpack_subelements %add3A_348, 1 {pack_format = #tpu.pack_format<interleaved>} : vector<32xbf16> -> vector<16xf32>
        %add3A_352 = arith.addf %add3A_332, %unpack3A_350 : vector<16xf32>
        %add3A_353 = arith.addf %add3A_333, %unpack3A_351 : vector<16xf32>
        %mul3A_354 = arith.mulf %unpack3A_350, %unpack3A_350 : vector<16xf32>
        %add3A_355 = arith.addf %add3A_335, %mul3A_354 : vector<16xf32>
        %mul3A_356 = arith.mulf %unpack3A_351, %unpack3A_351 : vector<16xf32>
        %add3A_357 = arith.addf %add3A_337, %mul3A_356 : vector<16xf32>
        %add3A_358 = arith.constant 6 : i32
        %add3A_359 = arith.addi %mul3A_241, %add3A_358 : i32
        %get3A_360 = arith.index_cast %add3A_359 : i32 to index
        %get3A_361 = arith.constant 0 : index
        %get3A_362 = tpu.vector_load %arg14[%get3A_360, %get3A_361] {strides = array<i32>} : memref<128x64xbf16, #tpu.memory_space<vmem>>, vector<32xbf16>,
        %add3A_363 = arith.constant 6 : i32
        %add3A_364 = arith.addi %mul3A_241, %add3A_363 : i32
        %get3A_365 = arith.index_cast %add3A_364 : i32 to index
        %get3A_366 = arith.constant 0 : index
        %get3A_367 = tpu.vector_load %arg16[%get3A_365, %get3A_366] {strides = array<i32>} : memref<128x64xbf16, #tpu.memory_space<vmem>>, vector<32xbf16>,
        %add3A_368 = arith.addf %get3A_362, %get3A_367 : vector<32xbf16>
        %max3A_369 = arith.maximumf %max3A_349, %add3A_368 : vector<32xbf16>
        %unpack3A_370 = tpu.unpack_subelements %add3A_368, 0 {pack_format = #tpu.pack_format<interleaved>} : vector<32xbf16> -> vector<16xf32>
        %unpack3A_371 = tpu.unpack_subelements %add3A_368, 1 {pack_format = #tpu.pack_format<interleaved>} : vector<32xbf16> -> vector<16xf32>
        %add3A_372 = arith.addf %add3A_352, %unpack3A_370 : vector<16xf32>
        %add3A_373 = arith.addf %add3A_353, %unpack3A_371 : vector<16xf32>
        %mul3A_374 = arith.mulf %unpack3A_370, %unpack3A_370 : vector<16xf32>
        %add3A_375 = arith.addf %add3A_355, %mul3A_374 : vector<16xf32>
        %mul3A_376 = arith.mulf %unpack3A_371, %unpack3A_371 : vector<16xf32>
        %add3A_377 = arith.addf %add3A_357, %mul3A_376 : vector<16xf32>
        %add3A_378 = arith.constant 7 : i32
        %add3A_379 = arith.addi %mul3A_241, %add3A_378 : i32
        %get3A_380 = arith.index_cast %add3A_379 : i32 to index
        %get3A_381 = arith.constant 0 : index
        %get3A_382 = tpu.vector_load %arg14[%get3A_380, %get3A_381] {strides = array<i32>} : memref<128x64xbf16, #tpu.memory_space<vmem>>, vector<32xbf16>,
        %add3A_383 = arith.constant 7 : i32
        %add3A_384 = arith.addi %mul3A_241, %add3A_383 : i32
        %get3A_385 = arith.index_cast %add3A_384 : i32 to index
        %get3A_386 = arith.constant 0 : index
        %get3A_387 = tpu.vector_load %arg16[%get3A_385, %get3A_386] {strides = array<i32>} : memref<128x64xbf16, #tpu.memory_space<vmem>>, vector<32xbf16>,
        %add3A_388 = arith.addf %get3A_382, %get3A_387 : vector<32xbf16>
        %max3A_389 = arith.maximumf %max3A_369, %add3A_388 : vector<32xbf16>
        %unpack3A_390 = tpu.unpack_subelements %add3A_388, 0 {pack_format = #tpu.pack_format<interleaved>} : vector<32xbf16> -> vector<16xf32>
        %unpack3A_391 = tpu.unpack_subelements %add3A_388, 1 {pack_format = #tpu.pack_format<interleaved>} : vector<32xbf16> -> vector<16xf32>
        %add3A_392 = arith.addf %add3A_372, %unpack3A_390 : vector<16xf32>
        %add3A_393 = arith.addf %add3A_373, %unpack3A_391 : vector<16xf32>
        %mul3A_394 = arith.mulf %unpack3A_390, %unpack3A_390 : vector<16xf32>
        %add3A_395 = arith.addf %add3A_375, %mul3A_394 : vector<16xf32>
        %mul3A_396 = arith.mulf %unpack3A_391, %unpack3A_391 : vector<16xf32>
        %add3A_397 = arith.addf %add3A_377, %mul3A_396 : vector<16xf32>
        %add3A_398 = arith.constant 8 : i32
        %add3A_399 = arith.addi %mul3A_241, %add3A_398 : i32
        %get3A_400 = arith.index_cast %add3A_399 : i32 to index
        %get3A_401 = arith.constant 0 : index
        %get3A_402 = tpu.vector_load %arg14[%get3A_400, %get3A_401] {strides = array<i32>} : memref<128x64xbf16, #tpu.memory_space<vmem>>, vector<32xbf16>,
        %add3A_403 = arith.constant 8 : i32
        %add3A_404 = arith.addi %mul3A_241, %add3A_403 : i32
        %get3A_405 = arith.index_cast %add3A_404 : i32 to index
        %get3A_406 = arith.constant 0 : index
        %get3A_407 = tpu.vector_load %arg16[%get3A_405, %get3A_406] {strides = array<i32>} : memref<128x64xbf16, #tpu.memory_space<vmem>>, vector<32xbf16>,
        %add3A_408 = arith.addf %get3A_402, %get3A_407 : vector<32xbf16>
        %max3A_409 = arith.maximumf %max3A_389, %add3A_408 : vector<32xbf16>
        %unpack3A_410 = tpu.unpack_subelements %add3A_408, 0 {pack_format = #tpu.pack_format<interleaved>} : vector<32xbf16> -> vector<16xf32>
        %unpack3A_411 = tpu.unpack_subelements %add3A_408, 1 {pack_format = #tpu.pack_format<interleaved>} : vector<32xbf16> -> vector<16xf32>
        %add3A_412 = arith.addf %add3A_392, %unpack3A_410 : vector<16xf32>
        %add3A_413 = arith.addf %add3A_393, %unpack3A_411 : vector<16xf32>
        %mul3A_414 = arith.mulf %unpack3A_410, %unpack3A_410 : vector<16xf32>
        %add3A_415 = arith.addf %add3A_395, %mul3A_414 : vector<16xf32>
        %mul3A_416 = arith.mulf %unpack3A_411, %unpack3A_411 : vector<16xf32>
        %add3A_417 = arith.addf %add3A_397, %mul3A_416 : vector<16xf32>
        %add3A_418 = arith.constant 9 : i32
        %add3A_419 = arith.addi %mul3A_241, %add3A_418 : i32
        %get3A_420 = arith.index_cast %add3A_419 : i32 to index
        %get3A_421 = arith.constant 0 : index
        %get3A_422 = tpu.vector_load %arg14[%get3A_420, %get3A_421] {strides = array<i32>} : memref<128x64xbf16, #tpu.memory_space<vmem>>, vector<32xbf16>,
        %add3A_423 = arith.constant 9 : i32
        %add3A_424 = arith.addi %mul3A_241, %add3A_423 : i32
        %get3A_425 = arith.index_cast %add3A_424 : i32 to index
        %get3A_426 = arith.constant 0 : index
        %get3A_427 = tpu.vector_load %arg16[%get3A_425, %get3A_426] {strides = array<i32>} : memref<128x64xbf16, #tpu.memory_space<vmem>>, vector<32xbf16>,
        %add3A_428 = arith.addf %get3A_422, %get3A_427 : vector<32xbf16>
        %max3A_429 = arith.maximumf %max3A_409, %add3A_428 : vector<32xbf16>
        %unpack3A_430 = tpu.unpack_subelements %add3A_428, 0 {pack_format = #tpu.pack_format<interleaved>} : vector<32xbf16> -> vector<16xf32>
        %unpack3A_431 = tpu.unpack_subelements %add3A_428, 1 {pack_format = #tpu.pack_format<interleaved>} : vector<32xbf16> -> vector<16xf32>
        %add3A_432 = arith.addf %add3A_412, %unpack3A_430 : vector<16xf32>
        %add3A_433 = arith.addf %add3A_413, %unpack3A_431 : vector<16xf32>
        %mul3A_434 = arith.mulf %unpack3A_430, %unpack3A_430 : vector<16xf32>
        %add3A_435 = arith.addf %add3A_415, %mul3A_434 : vector<16xf32>
        %mul3A_436 = arith.mulf %unpack3A_431, %unpack3A_431 : vector<16xf32>
        %add3A_437 = arith.addf %add3A_417, %mul3A_436 : vector<16xf32>
        %add3A_438 = arith.constant 10 : i32
        %add3A_439 = arith.addi %mul3A_241, %add3A_438 : i32
        %get3A_440 = arith.index_cast %add3A_439 : i32 to index
        %get3A_441 = arith.constant 0 : index
        %get3A_442 = tpu.vector_load %arg14[%get3A_440, %get3A_441] {strides = array<i32>} : memref<128x64xbf16, #tpu.memory_space<vmem>>, vector<32xbf16>,
        %add3A_443 = arith.constant 10 : i32
        %add3A_444 = arith.addi %mul3A_241, %add3A_443 : i32
        %get3A_445 = arith.index_cast %add3A_444 : i32 to index
        %get3A_446 = arith.constant 0 : index
        %get3A_447 = tpu.vector_load %arg16[%get3A_445, %get3A_446] {strides = array<i32>} : memref<128x64xbf16, #tpu.memory_space<vmem>>, vector<32xbf16>,
        %add3A_448 = arith.addf %get3A_442, %get3A_447 : vector<32xbf16>
        %max3A_449 = arith.maximumf %max3A_429, %add3A_448 : vector<32xbf16>
        %unpack3A_450 = tpu.unpack_subelements %add3A_448, 0 {pack_format = #tpu.pack_format<interleaved>} : vector<32xbf16> -> vector<16xf32>
        %unpack3A_451 = tpu.unpack_subelements %add3A_448, 1 {pack_format = #tpu.pack_format<interleaved>} : vector<32xbf16> -> vector<16xf32>
        %add3A_452 = arith.addf %add3A_432, %unpack3A_450 : vector<16xf32>
        %add3A_453 = arith.addf %add3A_433, %unpack3A_451 : vector<16xf32>
        %mul3A_454 = arith.mulf %unpack3A_450, %unpack3A_450 : vector<16xf32>
        %add3A_455 = arith.addf %add3A_435, %mul3A_454 : vector<16xf32>
        %mul3A_456 = arith.mulf %unpack3A_451, %unpack3A_451 : vector<16xf32>
        %add3A_457 = arith.addf %add3A_437, %mul3A_456 : vector<16xf32>
        %add3A_458 = arith.constant 11 : i32
        %add3A_459 = arith.addi %mul3A_241, %add3A_458 : i32
        %get3A_460 = arith.index_cast %add3A_459 : i32 to index
        %get3A_461 = arith.constant 0 : index
        %get3A_462 = tpu.vector_load %arg14[%get3A_460, %get3A_461] {strides = array<i32>} : memref<128x64xbf16, #tpu.memory_space<vmem>>, vector<32xbf16>,
        %add3A_463 = arith.constant 11 : i32
        %add3A_464 = arith.addi %mul3A_241, %add3A_463 : i32
        %get3A_465 = arith.index_cast %add3A_464 : i32 to index
        %get3A_466 = arith.constant 0 : index
        %get3A_467 = tpu.vector_load %arg16[%get3A_465, %get3A_466] {strides = array<i32>} : memref<128x64xbf16, #tpu.memory_space<vmem>>, vector<32xbf16>,
        %add3A_468 = arith.addf %get3A_462, %get3A_467 : vector<32xbf16>
        %max3A_469 = arith.maximumf %max3A_449, %add3A_468 : vector<32xbf16>
        %unpack3A_470 = tpu.unpack_subelements %add3A_468, 0 {pack_format = #tpu.pack_format<interleaved>} : vector<32xbf16> -> vector<16xf32>
        %unpack3A_471 = tpu.unpack_subelements %add3A_468, 1 {pack_format = #tpu.pack_format<interleaved>} : vector<32xbf16> -> vector<16xf32>
        %add3A_472 = arith.addf %add3A_452, %unpack3A_470 : vector<16xf32>
        %add3A_473 = arith.addf %add3A_453, %unpack3A_471 : vector<16xf32>
        %mul3A_474 = arith.mulf %unpack3A_470, %unpack3A_470 : vector<16xf32>
        %add3A_475 = arith.addf %add3A_455, %mul3A_474 : vector<16xf32>
        %mul3A_476 = arith.mulf %unpack3A_471, %unpack3A_471 : vector<16xf32>
        %add3A_477 = arith.addf %add3A_457, %mul3A_476 : vector<16xf32>
        %add3A_478 = arith.constant 12 : i32
        %add3A_479 = arith.addi %mul3A_241, %add3A_478 : i32
        %get3A_480 = arith.index_cast %add3A_479 : i32 to index
        %get3A_481 = arith.constant 0 : index
        %get3A_482 = tpu.vector_load %arg14[%get3A_480, %get3A_481] {strides = array<i32>} : memref<128x64xbf16, #tpu.memory_space<vmem>>, vector<32xbf16>,
        %add3A_483 = arith.constant 12 : i32
        %add3A_484 = arith.addi %mul3A_241, %add3A_483 : i32
        %get3A_485 = arith.index_cast %add3A_484 : i32 to index
        %get3A_486 = arith.constant 0 : index
        %get3A_487 = tpu.vector_load %arg16[%get3A_485, %get3A_486] {strides = array<i32>} : memref<128x64xbf16, #tpu.memory_space<vmem>>, vector<32xbf16>,
        %add3A_488 = arith.addf %get3A_482, %get3A_487 : vector<32xbf16>
        %max3A_489 = arith.maximumf %max3A_469, %add3A_488 : vector<32xbf16>
        %unpack3A_490 = tpu.unpack_subelements %add3A_488, 0 {pack_format = #tpu.pack_format<interleaved>} : vector<32xbf16> -> vector<16xf32>
        %unpack3A_491 = tpu.unpack_subelements %add3A_488, 1 {pack_format = #tpu.pack_format<interleaved>} : vector<32xbf16> -> vector<16xf32>
        %add3A_492 = arith.addf %add3A_472, %unpack3A_490 : vector<16xf32>
        %add3A_493 = arith.addf %add3A_473, %unpack3A_491 : vector<16xf32>
        %mul3A_494 = arith.mulf %unpack3A_490, %unpack3A_490 : vector<16xf32>
        %add3A_495 = arith.addf %add3A_475, %mul3A_494 : vector<16xf32>
        %mul3A_496 = arith.mulf %unpack3A_491, %unpack3A_491 : vector<16xf32>
        %add3A_497 = arith.addf %add3A_477, %mul3A_496 : vector<16xf32>
        %add3A_498 = arith.constant 13 : i32
        %add3A_499 = arith.addi %mul3A_241, %add3A_498 : i32
        %get3A_500 = arith.index_cast %add3A_499 : i32 to index
        %get3A_501 = arith.constant 0 : index
        %get3A_502 = tpu.vector_load %arg14[%get3A_500, %get3A_501] {strides = array<i32>} : memref<128x64xbf16, #tpu.memory_space<vmem>>, vector<32xbf16>,
        %add3A_503 = arith.constant 13 : i32
        %add3A_504 = arith.addi %mul3A_241, %add3A_503 : i32
        %get3A_505 = arith.index_cast %add3A_504 : i32 to index
        %get3A_506 = arith.constant 0 : index
        %get3A_507 = tpu.vector_load %arg16[%get3A_505, %get3A_506] {strides = array<i32>} : memref<128x64xbf16, #tpu.memory_space<vmem>>, vector<32xbf16>,
        %add3A_508 = arith.addf %get3A_502, %get3A_507 : vector<32xbf16>
        %max3A_509 = arith.maximumf %max3A_489, %add3A_508 : vector<32xbf16>
        %unpack3A_510 = tpu.unpack_subelements %add3A_508, 0 {pack_format = #tpu.pack_format<interleaved>} : vector<32xbf16> -> vector<16xf32>
        %unpack3A_511 = tpu.unpack_subelements %add3A_508, 1 {pack_format = #tpu.pack_format<interleaved>} : vector<32xbf16> -> vector<16xf32>
        %add3A_512 = arith.addf %add3A_492, %unpack3A_510 : vector<16xf32>
        %add3A_513 = arith.addf %add3A_493, %unpack3A_511 : vector<16xf32>
        %mul3A_514 = arith.mulf %unpack3A_510, %unpack3A_510 : vector<16xf32>
        %add3A_515 = arith.addf %add3A_495, %mul3A_514 : vector<16xf32>
        %mul3A_516 = arith.mulf %unpack3A_511, %unpack3A_511 : vector<16xf32>
        %add3A_517 = arith.addf %add3A_497, %mul3A_516 : vector<16xf32>
        %add3A_518 = arith.constant 14 : i32
        %add3A_519 = arith.addi %mul3A_241, %add3A_518 : i32
        %get3A_520 = arith.index_cast %add3A_519 : i32 to index
        %get3A_521 = arith.constant 0 : index
        %get3A_522 = tpu.vector_load %arg14[%get3A_520, %get3A_521] {strides = array<i32>} : memref<128x64xbf16, #tpu.memory_space<vmem>>, vector<32xbf16>,
        %add3A_523 = arith.constant 14 : i32
        %add3A_524 = arith.addi %mul3A_241, %add3A_523 : i32
        %get3A_525 = arith.index_cast %add3A_524 : i32 to index
        %get3A_526 = arith.constant 0 : index
        %get3A_527 = tpu.vector_load %arg16[%get3A_525, %get3A_526] {strides = array<i32>} : memref<128x64xbf16, #tpu.memory_space<vmem>>, vector<32xbf16>,
        %add3A_528 = arith.addf %get3A_522, %get3A_527 : vector<32xbf16>
        %max3A_529 = arith.maximumf %max3A_509, %add3A_528 : vector<32xbf16>
        %unpack3A_530 = tpu.unpack_subelements %add3A_528, 0 {pack_format = #tpu.pack_format<interleaved>} : vector<32xbf16> -> vector<16xf32>
        %unpack3A_531 = tpu.unpack_subelements %add3A_528, 1 {pack_format = #tpu.pack_format<interleaved>} : vector<32xbf16> -> vector<16xf32>
        %add3A_532 = arith.addf %add3A_512, %unpack3A_530 : vector<16xf32>
        %add3A_533 = arith.addf %add3A_513, %unpack3A_531 : vector<16xf32>
        %mul3A_534 = arith.mulf %unpack3A_530, %unpack3A_530 : vector<16xf32>
        %add3A_535 = arith.addf %add3A_515, %mul3A_534 : vector<16xf32>
        %mul3A_536 = arith.mulf %unpack3A_531, %unpack3A_531 : vector<16xf32>
        %add3A_537 = arith.addf %add3A_517, %mul3A_536 : vector<16xf32>
        %add3A_538 = arith.constant 15 : i32
        %add3A_539 = arith.addi %mul3A_241, %add3A_538 : i32
        %get3A_540 = arith.index_cast %add3A_539 : i32 to index
        %get3A_541 = arith.constant 0 : index
        %get3A_542 = tpu.vector_load %arg14[%get3A_540, %get3A_541] {strides = array<i32>} : memref<128x64xbf16, #tpu.memory_space<vmem>>, vector<32xbf16>,
        %add3A_543 = arith.constant 15 : i32
        %add3A_544 = arith.addi %mul3A_241, %add3A_543 : i32
        %get3A_545 = arith.index_cast %add3A_544 : i32 to index
        %get3A_546 = arith.constant 0 : index
        %get3A_547 = tpu.vector_load %arg16[%get3A_545, %get3A_546] {strides = array<i32>} : memref<128x64xbf16, #tpu.memory_space<vmem>>, vector<32xbf16>,
        %add3A_548 = arith.addf %get3A_542, %get3A_547 : vector<32xbf16>
        %max3A_549 = arith.maximumf %max3A_529, %add3A_548 : vector<32xbf16>
        %unpack3A_550 = tpu.unpack_subelements %add3A_548, 0 {pack_format = #tpu.pack_format<interleaved>} : vector<32xbf16> -> vector<16xf32>
        %unpack3A_551 = tpu.unpack_subelements %add3A_548, 1 {pack_format = #tpu.pack_format<interleaved>} : vector<32xbf16> -> vector<16xf32>
        %add3A_552 = arith.addf %add3A_532, %unpack3A_550 : vector<16xf32>
        %add3A_553 = arith.addf %add3A_533, %unpack3A_551 : vector<16xf32>
        %mul3A_554 = arith.mulf %unpack3A_550, %unpack3A_550 : vector<16xf32>
        %add3A_555 = arith.addf %add3A_535, %mul3A_554 : vector<16xf32>
        %mul3A_556 = arith.mulf %unpack3A_551, %unpack3A_551 : vector<16xf32>
        %add3A_557 = arith.addf %add3A_537, %mul3A_556 : vector<16xf32>
        %swap3A_558 = arith.index_cast %scan3A_231 : i32 to index
        %swap3A_559 = arith.constant 0 : index
        %swap3A_560 = tpu.vector_load %arg18[%swap3A_558, %swap3A_559] {strides = array<i32>} : memref<8x64xbf16, #tpu.memory_space<vmem>>, vector<32xbf16>,
        tpu.vector_store %arg18[%swap3A_558, %swap3A_559], %max3A_549 {strides = array<i32>} : memref<8x64xbf16, #tpu.memory_space<vmem>>, vector<32xbf16>,
        %add3A_561 = arith.constant 0 : i32
        %add3A_562 = arith.addi %mul3A_241, %add3A_561 : i32
        %get3A_563 = arith.index_cast %add3A_562 : i32 to index
        %get3A_564 = arith.constant 32 : index
        %get3A_565 = tpu.vector_load %arg14[%get3A_563, %get3A_564] {strides = array<i32>} : memref<128x64xbf16, #tpu.memory_space<vmem>>, vector<32xbf16>,
        %add3A_566 = arith.constant 0 : i32
        %add3A_567 = arith.addi %mul3A_241, %add3A_566 : i32
        %get3A_568 = arith.index_cast %add3A_567 : i32 to index
        %get3A_569 = arith.constant 32 : index
        %get3A_570 = tpu.vector_load %arg16[%get3A_568, %get3A_569] {strides = array<i32>} : memref<128x64xbf16, #tpu.memory_space<vmem>>, vector<32xbf16>,
        %add3A_571 = arith.addf %get3A_565, %get3A_570 : vector<32xbf16>
        %unpack3A_572 = tpu.unpack_subelements %add3A_571, 0 {pack_format = #tpu.pack_format<interleaved>} : vector<32xbf16> -> vector<16xf32>
        %unpack3A_573 = tpu.unpack_subelements %add3A_571, 1 {pack_format = #tpu.pack_format<interleaved>} : vector<32xbf16> -> vector<16xf32>
        %add3A_574 = arith.addf %scan3A_234, %unpack3A_572 : vector<16xf32>
        %add3A_575 = arith.addf %scan3A_235, %unpack3A_573 : vector<16xf32>
        %mul3A_576 = arith.mulf %unpack3A_572, %unpack3A_572 : vector<16xf32>
        %add3A_577 = arith.addf %scan3A_238, %mul3A_576 : vector<16xf32>
        %mul3A_578 = arith.mulf %unpack3A_573, %unpack3A_573 : vector<16xf32>
        %add3A_579 = arith.addf %scan3A_239, %mul3A_578 : vector<16xf32>
        %add3A_580 = arith.constant 1 : i32
        %add3A_581 = arith.addi %mul3A_241, %add3A_580 : i32
        %get3A_582 = arith.index_cast %add3A_581 : i32 to index
        %get3A_583 = arith.constant 32 : index
        %get3A_584 = tpu.vector_load %arg14[%get3A_582, %get3A_583] {strides = array<i32>} : memref<128x64xbf16, #tpu.memory_space<vmem>>, vector<32xbf16>,
        %add3A_585 = arith.constant 1 : i32
        %add3A_586 = arith.addi %mul3A_241, %add3A_585 : i32
        %get3A_587 = arith.index_cast %add3A_586 : i32 to index
        %get3A_588 = arith.constant 32 : index
        %get3A_589 = tpu.vector_load %arg16[%get3A_587, %get3A_588] {strides = array<i32>} : memref<128x64xbf16, #tpu.memory_space<vmem>>, vector<32xbf16>,
        %add3A_590 = arith.addf %get3A_584, %get3A_589 : vector<32xbf16>
        %max3A_591 = arith.maximumf %add3A_571, %add3A_590 : vector<32xbf16>
        %unpack3A_592 = tpu.unpack_subelements %add3A_590, 0 {pack_format = #tpu.pack_format<interleaved>} : vector<32xbf16> -> vector<16xf32>
        %unpack3A_593 = tpu.unpack_subelements %add3A_590, 1 {pack_format = #tpu.pack_format<interleaved>} : vector<32xbf16> -> vector<16xf32>
        %add3A_594 = arith.addf %add3A_574, %unpack3A_592 : vector<16xf32>
        %add3A_595 = arith.addf %add3A_575, %unpack3A_593 : vector<16xf32>
        %mul3A_596 = arith.mulf %unpack3A_592, %unpack3A_592 : vector<16xf32>
        %add3A_597 = arith.addf %add3A_577, %mul3A_596 : vector<16xf32>
        %mul3A_598 = arith.mulf %unpack3A_593, %unpack3A_593 : vector<16xf32>
        %add3A_599 = arith.addf %add3A_579, %mul3A_598 : vector<16xf32>
        %add3A_600 = arith.constant 2 : i32
        %add3A_601 = arith.addi %mul3A_241, %add3A_600 : i32
        %get3A_602 = arith.index_cast %add3A_601 : i32 to index
        %get3A_603 = arith.constant 32 : index
        %get3A_604 = tpu.vector_load %arg14[%get3A_602, %get3A_603] {strides = array<i32>} : memref<128x64xbf16, #tpu.memory_space<vmem>>, vector<32xbf16>,
        %add3A_605 = arith.constant 2 : i32
        %add3A_606 = arith.addi %mul3A_241, %add3A_605 : i32
        %get3A_607 = arith.index_cast %add3A_606 : i32 to index
        %get3A_608 = arith.constant 32 : index
        %get3A_609 = tpu.vector_load %arg16[%get3A_607, %get3A_608] {strides = array<i32>} : memref<128x64xbf16, #tpu.memory_space<vmem>>, vector<32xbf16>,
        %add3A_610 = arith.addf %get3A_604, %get3A_609 : vector<32xbf16>
        %max3A_611 = arith.maximumf %max3A_591, %add3A_610 : vector<32xbf16>
        %unpack3A_612 = tpu.unpack_subelements %add3A_610, 0 {pack_format = #tpu.pack_format<interleaved>} : vector<32xbf16> -> vector<16xf32>
        %unpack3A_613 = tpu.unpack_subelements %add3A_610, 1 {pack_format = #tpu.pack_format<interleaved>} : vector<32xbf16> -> vector<16xf32>
        %add3A_614 = arith.addf %add3A_594, %unpack3A_612 : vector<16xf32>
        %add3A_615 = arith.addf %add3A_595, %unpack3A_613 : vector<16xf32>
        %mul3A_616 = arith.mulf %unpack3A_612, %unpack3A_612 : vector<16xf32>
        %add3A_617 = arith.addf %add3A_597, %mul3A_616 : vector<16xf32>
        %mul3A_618 = arith.mulf %unpack3A_613, %unpack3A_613 : vector<16xf32>
        %add3A_619 = arith.addf %add3A_599, %mul3A_618 : vector<16xf32>
        %add3A_620 = arith.constant 3 : i32
        %add3A_621 = arith.addi %mul3A_241, %add3A_620 : i32
        %get3A_622 = arith.index_cast %add3A_621 : i32 to index
        %get3A_623 = arith.constant 32 : index
        %get3A_624 = tpu.vector_load %arg14[%get3A_622, %get3A_623] {strides = array<i32>} : memref<128x64xbf16, #tpu.memory_space<vmem>>, vector<32xbf16>,
        %add3A_625 = arith.constant 3 : i32
        %add3A_626 = arith.addi %mul3A_241, %add3A_625 : i32
        %get3A_627 = arith.index_cast %add3A_626 : i32 to index
        %get3A_628 = arith.constant 32 : index
        %get3A_629 = tpu.vector_load %arg16[%get3A_627, %get3A_628] {strides = array<i32>} : memref<128x64xbf16, #tpu.memory_space<vmem>>, vector<32xbf16>,
        %add3A_630 = arith.addf %get3A_624, %get3A_629 : vector<32xbf16>
        %max3A_631 = arith.maximumf %max3A_611, %add3A_630 : vector<32xbf16>
        %unpack3A_632 = tpu.unpack_subelements %add3A_630, 0 {pack_format = #tpu.pack_format<interleaved>} : vector<32xbf16> -> vector<16xf32>
        %unpack3A_633 = tpu.unpack_subelements %add3A_630, 1 {pack_format = #tpu.pack_format<interleaved>} : vector<32xbf16> -> vector<16xf32>
        %add3A_634 = arith.addf %add3A_614, %unpack3A_632 : vector<16xf32>
        %add3A_635 = arith.addf %add3A_615, %unpack3A_633 : vector<16xf32>
        %mul3A_636 = arith.mulf %unpack3A_632, %unpack3A_632 : vector<16xf32>
        %add3A_637 = arith.addf %add3A_617, %mul3A_636 : vector<16xf32>
        %mul3A_638 = arith.mulf %unpack3A_633, %unpack3A_633 : vector<16xf32>
        %add3A_639 = arith.addf %add3A_619, %mul3A_638 : vector<16xf32>
        %add3A_640 = arith.constant 4 : i32
        %add3A_641 = arith.addi %mul3A_241, %add3A_640 : i32
        %get3A_642 = arith.index_cast %add3A_641 : i32 to index
        %get3A_643 = arith.constant 32 : index
        %get3A_644 = tpu.vector_load %arg14[%get3A_642, %get3A_643] {strides = array<i32>} : memref<128x64xbf16, #tpu.memory_space<vmem>>, vector<32xbf16>,
        %add3A_645 = arith.constant 4 : i32
        %add3A_646 = arith.addi %mul3A_241, %add3A_645 : i32
        %get3A_647 = arith.index_cast %add3A_646 : i32 to index
        %get3A_648 = arith.constant 32 : index
        %get3A_649 = tpu.vector_load %arg16[%get3A_647, %get3A_648] {strides = array<i32>} : memref<128x64xbf16, #tpu.memory_space<vmem>>, vector<32xbf16>,
        %add3A_650 = arith.addf %get3A_644, %get3A_649 : vector<32xbf16>
        %max3A_651 = arith.maximumf %max3A_631, %add3A_650 : vector<32xbf16>
        %unpack3A_652 = tpu.unpack_subelements %add3A_650, 0 {pack_format = #tpu.pack_format<interleaved>} : vector<32xbf16> -> vector<16xf32>
        %unpack3A_653 = tpu.unpack_subelements %add3A_650, 1 {pack_format = #tpu.pack_format<interleaved>} : vector<32xbf16> -> vector<16xf32>
        %add3A_654 = arith.addf %add3A_634, %unpack3A_652 : vector<16xf32>
        %add3A_655 = arith.addf %add3A_635, %unpack3A_653 : vector<16xf32>
        %mul3A_656 = arith.mulf %unpack3A_652, %unpack3A_652 : vector<16xf32>
        %add3A_657 = arith.addf %add3A_637, %mul3A_656 : vector<16xf32>
        %mul3A_658 = arith.mulf %unpack3A_653, %unpack3A_653 : vector<16xf32>
        %add3A_659 = arith.addf %add3A_639, %mul3A_658 : vector<16xf32>
        %add3A_660 = arith.constant 5 : i32
        %add3A_661 = arith.addi %mul3A_241, %add3A_660 : i32
        %get3A_662 = arith.index_cast %add3A_661 : i32 to index
        %get3A_663 = arith.constant 32 : index
        %get3A_664 = tpu.vector_load %arg14[%get3A_662, %get3A_663] {strides = array<i32>} : memref<128x64xbf16, #tpu.memory_space<vmem>>, vector<32xbf16>,
        %add3A_665 = arith.constant 5 : i32
        %add3A_666 = arith.addi %mul3A_241, %add3A_665 : i32
        %get3A_667 = arith.index_cast %add3A_666 : i32 to index
        %get3A_668 = arith.constant 32 : index
        %get3A_669 = tpu.vector_load %arg16[%get3A_667, %get3A_668] {strides = array<i32>} : memref<128x64xbf16, #tpu.memory_space<vmem>>, vector<32xbf16>,
        %add3A_670 = arith.addf %get3A_664, %get3A_669 : vector<32xbf16>
        %max3A_671 = arith.maximumf %max3A_651, %add3A_670 : vector<32xbf16>
        %unpack3A_672 = tpu.unpack_subelements %add3A_670, 0 {pack_format = #tpu.pack_format<interleaved>} : vector<32xbf16> -> vector<16xf32>
        %unpack3A_673 = tpu.unpack_subelements %add3A_670, 1 {pack_format = #tpu.pack_format<interleaved>} : vector<32xbf16> -> vector<16xf32>
        %add3A_674 = arith.addf %add3A_654, %unpack3A_672 : vector<16xf32>
        %add3A_675 = arith.addf %add3A_655, %unpack3A_673 : vector<16xf32>
        %mul3A_676 = arith.mulf %unpack3A_672, %unpack3A_672 : vector<16xf32>
        %add3A_677 = arith.addf %add3A_657, %mul3A_676 : vector<16xf32>
        %mul3A_678 = arith.mulf %unpack3A_673, %unpack3A_673 : vector<16xf32>
        %add3A_679 = arith.addf %add3A_659, %mul3A_678 : vector<16xf32>
        %add3A_680 = arith.constant 6 : i32
        %add3A_681 = arith.addi %mul3A_241, %add3A_680 : i32
        %get3A_682 = arith.index_cast %add3A_681 : i32 to index
        %get3A_683 = arith.constant 32 : index
        %get3A_684 = tpu.vector_load %arg14[%get3A_682, %get3A_683] {strides = array<i32>} : memref<128x64xbf16, #tpu.memory_space<vmem>>, vector<32xbf16>,
        %add3A_685 = arith.constant 6 : i32
        %add3A_686 = arith.addi %mul3A_241, %add3A_685 : i32
        %get3A_687 = arith.index_cast %add3A_686 : i32 to index
        %get3A_688 = arith.constant 32 : index
        %get3A_689 = tpu.vector_load %arg16[%get3A_687, %get3A_688] {strides = array<i32>} : memref<128x64xbf16, #tpu.memory_space<vmem>>, vector<32xbf16>,
        %add3A_690 = arith.addf %get3A_684, %get3A_689 : vector<32xbf16>
        %max3A_691 = arith.maximumf %max3A_671, %add3A_690 : vector<32xbf16>
        %unpack3A_692 = tpu.unpack_subelements %add3A_690, 0 {pack_format = #tpu.pack_format<interleaved>} : vector<32xbf16> -> vector<16xf32>
        %unpack3A_693 = tpu.unpack_subelements %add3A_690, 1 {pack_format = #tpu.pack_format<interleaved>} : vector<32xbf16> -> vector<16xf32>
        %add3A_694 = arith.addf %add3A_674, %unpack3A_692 : vector<16xf32>
        %add3A_695 = arith.addf %add3A_675, %unpack3A_693 : vector<16xf32>
        %mul3A_696 = arith.mulf %unpack3A_692, %unpack3A_692 : vector<16xf32>
        %add3A_697 = arith.addf %add3A_677, %mul3A_696 : vector<16xf32>
        %mul3A_698 = arith.mulf %unpack3A_693, %unpack3A_693 : vector<16xf32>
        %add3A_699 = arith.addf %add3A_679, %mul3A_698 : vector<16xf32>
        %add3A_700 = arith.constant 7 : i32
        %add3A_701 = arith.addi %mul3A_241, %add3A_700 : i32
        %get3A_702 = arith.index_cast %add3A_701 : i32 to index
        %get3A_703 = arith.constant 32 : index
        %get3A_704 = tpu.vector_load %arg14[%get3A_702, %get3A_703] {strides = array<i32>} : memref<128x64xbf16, #tpu.memory_space<vmem>>, vector<32xbf16>,
        %add3A_705 = arith.constant 7 : i32
        %add3A_706 = arith.addi %mul3A_241, %add3A_705 : i32
        %get3A_707 = arith.index_cast %add3A_706 : i32 to index
        %get3A_708 = arith.constant 32 : index
        %get3A_709 = tpu.vector_load %arg16[%get3A_707, %get3A_708] {strides = array<i32>} : memref<128x64xbf16, #tpu.memory_space<vmem>>, vector<32xbf16>,
        %add3A_710 = arith.addf %get3A_704, %get3A_709 : vector<32xbf16>
        %max3A_711 = arith.maximumf %max3A_691, %add3A_710 : vector<32xbf16>
        %unpack3A_712 = tpu.unpack_subelements %add3A_710, 0 {pack_format = #tpu.pack_format<interleaved>} : vector<32xbf16> -> vector<16xf32>
        %unpack3A_713 = tpu.unpack_subelements %add3A_710, 1 {pack_format = #tpu.pack_format<interleaved>} : vector<32xbf16> -> vector<16xf32>
        %add3A_714 = arith.addf %add3A_694, %unpack3A_712 : vector<16xf32>
        %add3A_715 = arith.addf %add3A_695, %unpack3A_713 : vector<16xf32>
        %mul3A_716 = arith.mulf %unpack3A_712, %unpack3A_712 : vector<16xf32>
        %add3A_717 = arith.addf %add3A_697, %mul3A_716 : vector<16xf32>
        %mul3A_718 = arith.mulf %unpack3A_713, %unpack3A_713 : vector<16xf32>
        %add3A_719 = arith.addf %add3A_699, %mul3A_718 : vector<16xf32>
        %add3A_720 = arith.constant 8 : i32
        %add3A_721 = arith.addi %mul3A_241, %add3A_720 : i32
        %get3A_722 = arith.index_cast %add3A_721 : i32 to index
        %get3A_723 = arith.constant 32 : index
        %get3A_724 = tpu.vector_load %arg14[%get3A_722, %get3A_723] {strides = array<i32>} : memref<128x64xbf16, #tpu.memory_space<vmem>>, vector<32xbf16>,
        %add3A_725 = arith.constant 8 : i32
        %add3A_726 = arith.addi %mul3A_241, %add3A_725 : i32
        %get3A_727 = arith.index_cast %add3A_726 : i32 to index
        %get3A_728 = arith.constant 32 : index
        %get3A_729 = tpu.vector_load %arg16[%get3A_727, %get3A_728] {strides = array<i32>} : memref<128x64xbf16, #tpu.memory_space<vmem>>, vector<32xbf16>,
        %add3A_730 = arith.addf %get3A_724, %get3A_729 : vector<32xbf16>
        %max3A_731 = arith.maximumf %max3A_711, %add3A_730 : vector<32xbf16>
        %unpack3A_732 = tpu.unpack_subelements %add3A_730, 0 {pack_format = #tpu.pack_format<interleaved>} : vector<32xbf16> -> vector<16xf32>
        %unpack3A_733 = tpu.unpack_subelements %add3A_730, 1 {pack_format = #tpu.pack_format<interleaved>} : vector<32xbf16> -> vector<16xf32>
        %add3A_734 = arith.addf %add3A_714, %unpack3A_732 : vector<16xf32>
        %add3A_735 = arith.addf %add3A_715, %unpack3A_733 : vector<16xf32>
        %mul3A_736 = arith.mulf %unpack3A_732, %unpack3A_732 : vector<16xf32>
        %add3A_737 = arith.addf %add3A_717, %mul3A_736 : vector<16xf32>
        %mul3A_738 = arith.mulf %unpack3A_733, %unpack3A_733 : vector<16xf32>
        %add3A_739 = arith.addf %add3A_719, %mul3A_738 : vector<16xf32>
        %add3A_740 = arith.constant 9 : i32
        %add3A_741 = arith.addi %mul3A_241, %add3A_740 : i32
        %get3A_742 = arith.index_cast %add3A_741 : i32 to index
        %get3A_743 = arith.constant 32 : index
        %get3A_744 = tpu.vector_load %arg14[%get3A_742, %get3A_743] {strides = array<i32>} : memref<128x64xbf16, #tpu.memory_space<vmem>>, vector<32xbf16>,
        %add3A_745 = arith.constant 9 : i32
        %add3A_746 = arith.addi %mul3A_241, %add3A_745 : i32
        %get3A_747 = arith.index_cast %add3A_746 : i32 to index
        %get3A_748 = arith.constant 32 : index
        %get3A_749 = tpu.vector_load %arg16[%get3A_747, %get3A_748] {strides = array<i32>} : memref<128x64xbf16, #tpu.memory_space<vmem>>, vector<32xbf16>,
        %add3A_750 = arith.addf %get3A_744, %get3A_749 : vector<32xbf16>
        %max3A_751 = arith.maximumf %max3A_731, %add3A_750 : vector<32xbf16>
        %unpack3A_752 = tpu.unpack_subelements %add3A_750, 0 {pack_format = #tpu.pack_format<interleaved>} : vector<32xbf16> -> vector<16xf32>
        %unpack3A_753 = tpu.unpack_subelements %add3A_750, 1 {pack_format = #tpu.pack_format<interleaved>} : vector<32xbf16> -> vector<16xf32>
        %add3A_754 = arith.addf %add3A_734, %unpack3A_752 : vector<16xf32>
        %add3A_755 = arith.addf %add3A_735, %unpack3A_753 : vector<16xf32>
        %mul3A_756 = arith.mulf %unpack3A_752, %unpack3A_752 : vector<16xf32>
        %add3A_757 = arith.addf %add3A_737, %mul3A_756 : vector<16xf32>
        %mul3A_758 = arith.mulf %unpack3A_753, %unpack3A_753 : vector<16xf32>
        %add3A_759 = arith.addf %add3A_739, %mul3A_758 : vector<16xf32>
        %add3A_760 = arith.constant 10 : i32
        %add3A_761 = arith.addi %mul3A_241, %add3A_760 : i32
        %get3A_762 = arith.index_cast %add3A_761 : i32 to index
        %get3A_763 = arith.constant 32 : index
        %get3A_764 = tpu.vector_load %arg14[%get3A_762, %get3A_763] {strides = array<i32>} : memref<128x64xbf16, #tpu.memory_space<vmem>>, vector<32xbf16>,
        %add3A_765 = arith.constant 10 : i32
        %add3A_766 = arith.addi %mul3A_241, %add3A_765 : i32
        %get3A_767 = arith.index_cast %add3A_766 : i32 to index
        %get3A_768 = arith.constant 32 : index
        %get3A_769 = tpu.vector_load %arg16[%get3A_767, %get3A_768] {strides = array<i32>} : memref<128x64xbf16, #tpu.memory_space<vmem>>, vector<32xbf16>,
        %add3A_770 = arith.addf %get3A_764, %get3A_769 : vector<32xbf16>
        %max3A_771 = arith.maximumf %max3A_751, %add3A_770 : vector<32xbf16>
        %unpack3A_772 = tpu.unpack_subelements %add3A_770, 0 {pack_format = #tpu.pack_format<interleaved>} : vector<32xbf16> -> vector<16xf32>
        %unpack3A_773 = tpu.unpack_subelements %add3A_770, 1 {pack_format = #tpu.pack_format<interleaved>} : vector<32xbf16> -> vector<16xf32>
        %add3A_774 = arith.addf %add3A_754, %unpack3A_772 : vector<16xf32>
        %add3A_775 = arith.addf %add3A_755, %unpack3A_773 : vector<16xf32>
        %mul3A_776 = arith.mulf %unpack3A_772, %unpack3A_772 : vector<16xf32>
        %add3A_777 = arith.addf %add3A_757, %mul3A_776 : vector<16xf32>
        %mul3A_778 = arith.mulf %unpack3A_773, %unpack3A_773 : vector<16xf32>
        %add3A_779 = arith.addf %add3A_759, %mul3A_778 : vector<16xf32>
        %add3A_780 = arith.constant 11 : i32
        %add3A_781 = arith.addi %mul3A_241, %add3A_780 : i32
        %get3A_782 = arith.index_cast %add3A_781 : i32 to index
        %get3A_783 = arith.constant 32 : index
        %get3A_784 = tpu.vector_load %arg14[%get3A_782, %get3A_783] {strides = array<i32>} : memref<128x64xbf16, #tpu.memory_space<vmem>>, vector<32xbf16>,
        %add3A_785 = arith.constant 11 : i32
        %add3A_786 = arith.addi %mul3A_241, %add3A_785 : i32
        %get3A_787 = arith.index_cast %add3A_786 : i32 to index
        %get3A_788 = arith.constant 32 : index
        %get3A_789 = tpu.vector_load %arg16[%get3A_787, %get3A_788] {strides = array<i32>} : memref<128x64xbf16, #tpu.memory_space<vmem>>, vector<32xbf16>,
        %add3A_790 = arith.addf %get3A_784, %get3A_789 : vector<32xbf16>
        %max3A_791 = arith.maximumf %max3A_771, %add3A_790 : vector<32xbf16>
        %unpack3A_792 = tpu.unpack_subelements %add3A_790, 0 {pack_format = #tpu.pack_format<interleaved>} : vector<32xbf16> -> vector<16xf32>
        %unpack3A_793 = tpu.unpack_subelements %add3A_790, 1 {pack_format = #tpu.pack_format<interleaved>} : vector<32xbf16> -> vector<16xf32>
        %add3A_794 = arith.addf %add3A_774, %unpack3A_792 : vector<16xf32>
        %add3A_795 = arith.addf %add3A_775, %unpack3A_793 : vector<16xf32>
        %mul3A_796 = arith.mulf %unpack3A_792, %unpack3A_792 : vector<16xf32>
        %add3A_797 = arith.addf %add3A_777, %mul3A_796 : vector<16xf32>
        %mul3A_798 = arith.mulf %unpack3A_793, %unpack3A_793 : vector<16xf32>
        %add3A_799 = arith.addf %add3A_779, %mul3A_798 : vector<16xf32>
        %add3A_800 = arith.constant 12 : i32
        %add3A_801 = arith.addi %mul3A_241, %add3A_800 : i32
        %get3A_802 = arith.index_cast %add3A_801 : i32 to index
        %get3A_803 = arith.constant 32 : index
        %get3A_804 = tpu.vector_load %arg14[%get3A_802, %get3A_803] {strides = array<i32>} : memref<128x64xbf16, #tpu.memory_space<vmem>>, vector<32xbf16>,
        %add3A_805 = arith.constant 12 : i32
        %add3A_806 = arith.addi %mul3A_241, %add3A_805 : i32
        %get3A_807 = arith.index_cast %add3A_806 : i32 to index
        %get3A_808 = arith.constant 32 : index
        %get3A_809 = tpu.vector_load %arg16[%get3A_807, %get3A_808] {strides = array<i32>} : memref<128x64xbf16, #tpu.memory_space<vmem>>, vector<32xbf16>,
        %add3A_810 = arith.addf %get3A_804, %get3A_809 : vector<32xbf16>
        %max3A_811 = arith.maximumf %max3A_791, %add3A_810 : vector<32xbf16>
        %unpack3A_812 = tpu.unpack_subelements %add3A_810, 0 {pack_format = #tpu.pack_format<interleaved>} : vector<32xbf16> -> vector<16xf32>
        %unpack3A_813 = tpu.unpack_subelements %add3A_810, 1 {pack_format = #tpu.pack_format<interleaved>} : vector<32xbf16> -> vector<16xf32>
        %add3A_814 = arith.addf %add3A_794, %unpack3A_812 : vector<16xf32>
        %add3A_815 = arith.addf %add3A_795, %unpack3A_813 : vector<16xf32>
        %mul3A_816 = arith.mulf %unpack3A_812, %unpack3A_812 : vector<16xf32>
        %add3A_817 = arith.addf %add3A_797, %mul3A_816 : vector<16xf32>
        %mul3A_818 = arith.mulf %unpack3A_813, %unpack3A_813 : vector<16xf32>
        %add3A_819 = arith.addf %add3A_799, %mul3A_818 : vector<16xf32>
        %add3A_820 = arith.constant 13 : i32
        %add3A_821 = arith.addi %mul3A_241, %add3A_820 : i32
        %get3A_822 = arith.index_cast %add3A_821 : i32 to index
        %get3A_823 = arith.constant 32 : index
        %get3A_824 = tpu.vector_load %arg14[%get3A_822, %get3A_823] {strides = array<i32>} : memref<128x64xbf16, #tpu.memory_space<vmem>>, vector<32xbf16>,
        %add3A_825 = arith.constant 13 : i32
        %add3A_826 = arith.addi %mul3A_241, %add3A_825 : i32
        %get3A_827 = arith.index_cast %add3A_826 : i32 to index
        %get3A_828 = arith.constant 32 : index
        %get3A_829 = tpu.vector_load %arg16[%get3A_827, %get3A_828] {strides = array<i32>} : memref<128x64xbf16, #tpu.memory_space<vmem>>, vector<32xbf16>,
        %add3A_830 = arith.addf %get3A_824, %get3A_829 : vector<32xbf16>
        %max3A_831 = arith.maximumf %max3A_811, %add3A_830 : vector<32xbf16>
        %unpack3A_832 = tpu.unpack_subelements %add3A_830, 0 {pack_format = #tpu.pack_format<interleaved>} : vector<32xbf16> -> vector<16xf32>
        %unpack3A_833 = tpu.unpack_subelements %add3A_830, 1 {pack_format = #tpu.pack_format<interleaved>} : vector<32xbf16> -> vector<16xf32>
        %add3A_834 = arith.addf %add3A_814, %unpack3A_832 : vector<16xf32>
        %add3A_835 = arith.addf %add3A_815, %unpack3A_833 : vector<16xf32>
        %mul3A_836 = arith.mulf %unpack3A_832, %unpack3A_832 : vector<16xf32>
        %add3A_837 = arith.addf %add3A_817, %mul3A_836 : vector<16xf32>
        %mul3A_838 = arith.mulf %unpack3A_833, %unpack3A_833 : vector<16xf32>
        %add3A_839 = arith.addf %add3A_819, %mul3A_838 : vector<16xf32>
        %add3A_840 = arith.constant 14 : i32
        %add3A_841 = arith.addi %mul3A_241, %add3A_840 : i32
        %get3A_842 = arith.index_cast %add3A_841 : i32 to index
        %get3A_843 = arith.constant 32 : index
        %get3A_844 = tpu.vector_load %arg14[%get3A_842, %get3A_843] {strides = array<i32>} : memref<128x64xbf16, #tpu.memory_space<vmem>>, vector<32xbf16>,
        %add3A_845 = arith.constant 14 : i32
        %add3A_846 = arith.addi %mul3A_241, %add3A_845 : i32
        %get3A_847 = arith.index_cast %add3A_846 : i32 to index
        %get3A_848 = arith.constant 32 : index
        %get3A_849 = tpu.vector_load %arg16[%get3A_847, %get3A_848] {strides = array<i32>} : memref<128x64xbf16, #tpu.memory_space<vmem>>, vector<32xbf16>,
        %add3A_850 = arith.addf %get3A_844, %get3A_849 : vector<32xbf16>
        %max3A_851 = arith.maximumf %max3A_831, %add3A_850 : vector<32xbf16>
        %unpack3A_852 = tpu.unpack_subelements %add3A_850, 0 {pack_format = #tpu.pack_format<interleaved>} : vector<32xbf16> -> vector<16xf32>
        %unpack3A_853 = tpu.unpack_subelements %add3A_850, 1 {pack_format = #tpu.pack_format<interleaved>} : vector<32xbf16> -> vector<16xf32>
        %add3A_854 = arith.addf %add3A_834, %unpack3A_852 : vector<16xf32>
        %add3A_855 = arith.addf %add3A_835, %unpack3A_853 : vector<16xf32>
        %mul3A_856 = arith.mulf %unpack3A_852, %unpack3A_852 : vector<16xf32>
        %add3A_857 = arith.addf %add3A_837, %mul3A_856 : vector<16xf32>
        %mul3A_858 = arith.mulf %unpack3A_853, %unpack3A_853 : vector<16xf32>
        %add3A_859 = arith.addf %add3A_839, %mul3A_858 : vector<16xf32>
        %add3A_860 = arith.constant 15 : i32
        %add3A_861 = arith.addi %mul3A_241, %add3A_860 : i32
        %get3A_862 = arith.index_cast %add3A_861 : i32 to index
        %get3A_863 = arith.constant 32 : index
        %get3A_864 = tpu.vector_load %arg14[%get3A_862, %get3A_863] {strides = array<i32>} : memref<128x64xbf16, #tpu.memory_space<vmem>>, vector<32xbf16>,
        %add3A_865 = arith.constant 15 : i32
        %add3A_866 = arith.addi %mul3A_241, %add3A_865 : i32
        %get3A_867 = arith.index_cast %add3A_866 : i32 to index
        %get3A_868 = arith.constant 32 : index
        %get3A_869 = tpu.vector_load %arg16[%get3A_867, %get3A_868] {strides = array<i32>} : memref<128x64xbf16, #tpu.memory_space<vmem>>, vector<32xbf16>,
        %add3A_870 = arith.addf %get3A_864, %get3A_869 : vector<32xbf16>
        %max3A_871 = arith.maximumf %max3A_851, %add3A_870 : vector<32xbf16>
        %unpack3A_872 = tpu.unpack_subelements %add3A_870, 0 {pack_format = #tpu.pack_format<interleaved>} : vector<32xbf16> -> vector<16xf32>
        %unpack3A_873 = tpu.unpack_subelements %add3A_870, 1 {pack_format = #tpu.pack_format<interleaved>} : vector<32xbf16> -> vector<16xf32>
        %add3A_874 = arith.addf %add3A_854, %unpack3A_872 : vector<16xf32>
        %add3A_875 = arith.addf %add3A_855, %unpack3A_873 : vector<16xf32>
        %mul3A_876 = arith.mulf %unpack3A_872, %unpack3A_872 : vector<16xf32>
        %add3A_877 = arith.addf %add3A_857, %mul3A_876 : vector<16xf32>
        %mul3A_878 = arith.mulf %unpack3A_873, %unpack3A_873 : vector<16xf32>
        %add3A_879 = arith.addf %add3A_859, %mul3A_878 : vector<16xf32>
        %swap3A_880 = arith.index_cast %scan3A_231 : i32 to index
        %swap3A_881 = arith.constant 32 : index
        %swap3A_882 = tpu.vector_load %arg18[%swap3A_880, %swap3A_881] {strides = array<i32>} : memref<8x64xbf16, #tpu.memory_space<vmem>>, vector<32xbf16>,
        tpu.vector_store %arg18[%swap3A_880, %swap3A_881], %max3A_871 {strides = array<i32>} : memref<8x64xbf16, #tpu.memory_space<vmem>>, vector<32xbf16>,
        scf.yield %add3A_552, %add3A_553, %add3A_874, %add3A_875, %add3A_555, %add3A_557, %add3A_877, %add3A_879 : vector<16xf32>, vector<16xf32>, vector<16xf32>, vector<16xf32>, vector<16xf32>, vector<16xf32>, vector<16xf32>, vector<16xf32>
      }
      %scan3A_221 = arith.constant 8 : i32
      %add3A_222 = arith.constant 8 : i32
      %add3A_223 = arith.addi %add3A_222, %mul3A_4 : i32
      %mul3A_224 = arith.constant 8 : i32
      %mul3A_225 = arith.muli %add3A_186, %mul3A_224 : i32
      %add3A_226 = arith.addi %add3A_223, %mul3A_225 : i32
      %dma_start3A_227 = arith.constant 0 : i32
      %dma_start3A_228 = tpu.memref_slice %arg6[%add3A_226, %dma_start3A_227] : memref<51216x64xbf16, #tpu.memory_space<hbm>> -> memref<8x64xbf16, #tpu.memory_space<hbm>>
      %dma_start3A_229 = arith.constant 0 : i32
      %dma_start3A_230 = tpu.memref_slice %arg6[%add3A_226, %dma_start3A_229] : memref<51216x64xbf16, #tpu.memory_space<hbm>> -> memref<8x64xbf16, #tpu.memory_space<hbm>>
      tpu.enqueue_dma source(%arg18 : memref<8x64xbf16, #tpu.memory_space<vmem>>) target(%dma_start3A_230 : memref<8x64xbf16, #tpu.memory_space<hbm>>) target_semaphore(%arg30 : memref<!tpu.dma_semaphore, #tpu.memory_space<semaphore_mem>>)
      scf.yield %scan3A_220#0, %scan3A_220#1, %scan3A_220#2, %scan3A_220#3, %scan3A_220#4, %scan3A_220#5, %scan3A_220#6, %scan3A_220#7 : vector<16xf32>, vector<16xf32>, vector<16xf32>, vector<16xf32>, vector<16xf32>, vector<16xf32>, vector<16xf32>, vector<16xf32>
    }
    %scan3A_34 = arith.constant 97 : i32
    %dma_wait3A_35 = arith.constant 8 : i32
    %dma_wait3A_36 = arith.constant 0 : i32
    %dma_wait3A_37 = tpu.memref_slice %arg6[%dma_wait3A_35, %dma_wait3A_36] : memref<51216x64xbf16, #tpu.memory_space<hbm>> -> memref<8x64xbf16, #tpu.memory_space<hbm>>
    %dma_wait3A_38 = arith.constant 8 : i32
    %dma_wait3A_39 = arith.constant 0 : i32
    %dma_wait3A_40 = tpu.memref_slice %arg6[%dma_wait3A_38, %dma_wait3A_39] : memref<51216x64xbf16, #tpu.memory_space<hbm>> -> memref<8x64xbf16, #tpu.memory_space<hbm>>
    tpu.wait_dma2 semaphore(%arg29 : memref<!tpu.dma_semaphore, #tpu.memory_space<semaphore_mem>>) src(%arg17 : memref<8x64xbf16, #tpu.memory_space<vmem>>) dst(%dma_wait3A_40 : memref<8x64xbf16, #tpu.memory_space<hbm>>)
    %dma_wait3A_41 = arith.constant 8 : i32
    %dma_wait3A_42 = arith.constant 0 : i32
    %dma_wait3A_43 = tpu.memref_slice %arg6[%dma_wait3A_41, %dma_wait3A_42] : memref<51216x64xbf16, #tpu.memory_space<hbm>> -> memref<8x64xbf16, #tpu.memory_space<hbm>>
    %dma_wait3A_44 = arith.constant 8 : i32
    %dma_wait3A_45 = arith.constant 0 : i32
    %dma_wait3A_46 = tpu.memref_slice %arg6[%dma_wait3A_44, %dma_wait3A_45] : memref<51216x64xbf16, #tpu.memory_space<hbm>> -> memref<8x64xbf16, #tpu.memory_space<hbm>>
    tpu.wait_dma2 semaphore(%arg30 : memref<!tpu.dma_semaphore, #tpu.memory_space<semaphore_mem>>) src(%arg18 : memref<8x64xbf16, #tpu.memory_space<vmem>>) dst(%dma_wait3A_46 : memref<8x64xbf16, #tpu.memory_space<hbm>>)
    %dma_wait3A_47 = arith.constant 0 : i32
    %dma_wait3A_48 = arith.constant 0 : i32
    %dma_wait3A_49 = tpu.memref_slice %arg2[%dma_wait3A_47, %dma_wait3A_48] : memref<50176x64xbf16, #tpu.memory_space<hbm>> -> memref<50176x64xbf16, #tpu.memory_space<hbm>>
    tpu.wait_indirect_dma semaphore(%arg25 : memref<!tpu.dma_semaphore, #tpu.memory_space<semaphore_mem>>) src(%dma_wait3A_49 : memref<50176x64xbf16, #tpu.memory_space<hbm>>) dst(%arg13 : memref<128x64xbf16, #tpu.memory_space<vmem>>)
    %dma_wait3A_50 = arith.constant 0 : i32
    %dma_wait3A_51 = arith.constant 0 : i32
    %dma_wait3A_52 = tpu.memref_slice %arg3[%dma_wait3A_50, %dma_wait3A_51] : memref<50176x64xbf16, #tpu.memory_space<hbm>> -> memref<50176x64xbf16, #tpu.memory_space<hbm>>
    tpu.wait_indirect_dma semaphore(%arg27 : memref<!tpu.dma_semaphore, #tpu.memory_space<semaphore_mem>>) src(%dma_wait3A_52 : memref<50176x64xbf16, #tpu.memory_space<hbm>>) dst(%arg15 : memref<128x64xbf16, #tpu.memory_space<vmem>>)
    %dma_wait3A_53 = arith.constant 0 : i32
    %dma_wait3A_54 = tpu.memref_slice %arg4[%dma_wait3A_53] : memref<802816xi32, #tpu.memory_space<hbm>> -> memref<128xi32, #tpu.memory_space<hbm>>
    %dma_wait3A_55 = arith.constant 0 : i32
    %dma_wait3A_56 = tpu.memref_slice %arg4[%dma_wait3A_55] : memref<802816xi32, #tpu.memory_space<hbm>> -> memref<128xi32, #tpu.memory_space<hbm>>
    tpu.wait_dma2 semaphore(%arg22 : memref<!tpu.dma_semaphore, #tpu.memory_space<semaphore_mem>>) src(%dma_wait3A_56 : memref<128xi32, #tpu.memory_space<hbm>>) dst(%arg10 : memref<128xi32, #tpu.memory_space<vmem>>)
    %dma_wait3A_57 = arith.constant 0 : i32
    %dma_wait3A_58 = tpu.memref_slice %arg5[%dma_wait3A_57] : memref<802816xi32, #tpu.memory_space<hbm>> -> memref<128xi32, #tpu.memory_space<hbm>>
    %dma_wait3A_59 = arith.constant 0 : i32
    %dma_wait3A_60 = tpu.memref_slice %arg5[%dma_wait3A_59] : memref<802816xi32, #tpu.memory_space<hbm>> -> memref<128xi32, #tpu.memory_space<hbm>>
    tpu.wait_dma2 semaphore(%arg24 : memref<!tpu.dma_semaphore, #tpu.memory_space<semaphore_mem>>) src(%dma_wait3A_60 : memref<128xi32, #tpu.memory_space<hbm>>) dst(%arg12 : memref<128xi32, #tpu.memory_space<vmem>>)
    %dma_start3A_61 = arith.constant 0 : i32
    %dma_start3A_62 = arith.constant 0 : i32
    %dma_start3A_63 = tpu.memref_slice %arg2[%dma_start3A_61, %dma_start3A_62] : memref<50176x64xbf16, #tpu.memory_space<hbm>> -> memref<50176x64xbf16, #tpu.memory_space<hbm>>
    tpu.enqueue_indirect_dma source(%dma_start3A_63 : memref<50176x64xbf16, #tpu.memory_space<hbm>>) target(%arg14 : memref<128x64xbf16, #tpu.memory_space<vmem>>) offsets(%arg12 : memref<128xi32, #tpu.memory_space<vmem>>) semaphore(%arg26 : memref<!tpu.dma_semaphore, #tpu.memory_space<semaphore_mem>>)
    %dma_start3A_64 = arith.constant 0 : i32
    %dma_start3A_65 = arith.constant 0 : i32
    %dma_start3A_66 = tpu.memref_slice %arg3[%dma_start3A_64, %dma_start3A_65] : memref<50176x64xbf16, #tpu.memory_space<hbm>> -> memref<50176x64xbf16, #tpu.memory_space<hbm>>
    tpu.enqueue_indirect_dma source(%dma_start3A_66 : memref<50176x64xbf16, #tpu.memory_space<hbm>>) target(%arg16 : memref<128x64xbf16, #tpu.memory_space<vmem>>) offsets(%arg10 : memref<128xi32, #tpu.memory_space<vmem>>) semaphore(%arg28 : memref<!tpu.dma_semaphore, #tpu.memory_space<semaphore_mem>>)
    %scan3A_67 = arith.constant 0 : i32
    %scan3A_68 = arith.constant 8 : i32
    %scan3A_69 = arith.addi %scan3A_67, %scan3A_68 : i32
    %scan3A_70 = arith.constant 1 : i32
    %scan3A_71:8 = scf.for %scan3A_128 = %scan3A_67 to %scan3A_69 step %scan3A_70 iter_args(%scan3A_129 = %scan3A_33#0, %scan3A_130 = %scan3A_33#1, %scan3A_131 = %scan3A_33#2, %scan3A_132 = %scan3A_33#3, %scan3A_133 = %scan3A_33#4, %scan3A_134 = %scan3A_33#5, %scan3A_135 = %scan3A_33#6, %scan3A_136 = %scan3A_33#7) -> (vector<16xf32>, vector<16xf32>, vector<16xf32>, vector<16xf32>, vector<16xf32>, vector<16xf32>, vector<16xf32>, vector<16xf32>)  : i32 {
      %mul3A_137 = arith.constant 16 : i32
      %mul3A_138 = arith.muli %scan3A_128, %mul3A_137 : i32
      %add3A_139 = arith.constant 0 : i32
      %add3A_140 = arith.addi %mul3A_138, %add3A_139 : i32
      %get3A = arith.index_cast %add3A_140 : i32 to index
      %get3A_141 = arith.constant 0 : index
      %get3A_142 = tpu.vector_load %arg13[%get3A, %get3A_141] {strides = array<i32>} : memref<128x64xbf16, #tpu.memory_space<vmem>>, vector<32xbf16>,
      %add3A_143 = arith.constant 0 : i32
      %add3A_144 = arith.addi %mul3A_138, %add3A_143 : i32
      %get3A_145 = arith.index_cast %add3A_144 : i32 to index
      %get3A_146 = arith.constant 0 : index
      %get3A_147 = tpu.vector_load %arg15[%get3A_145, %get3A_146] {strides = array<i32>} : memref<128x64xbf16, #tpu.memory_space<vmem>>, vector<32xbf16>,
      %add3A_148 = arith.addf %get3A_142, %get3A_147 : vector<32xbf16>
      %unpack3A = tpu.unpack_subelements %add3A_148, 0 {pack_format = #tpu.pack_format<interleaved>} : vector<32xbf16> -> vector<16xf32>
      %unpack3A_149 = tpu.unpack_subelements %add3A_148, 1 {pack_format = #tpu.pack_format<interleaved>} : vector<32xbf16> -> vector<16xf32>
      %add3A_150 = arith.addf %scan3A_129, %unpack3A : vector<16xf32>
      %add3A_151 = arith.addf %scan3A_130, %unpack3A_149 : vector<16xf32>
      %mul3A_152 = arith.mulf %unpack3A, %unpack3A : vector<16xf32>
      %add3A_153 = arith.addf %scan3A_133, %mul3A_152 : vector<16xf32>
      %mul3A_154 = arith.mulf %unpack3A_149, %unpack3A_149 : vector<16xf32>
      %add3A_155 = arith.addf %scan3A_134, %mul3A_154 : vector<16xf32>
      %add3A_156 = arith.constant 1 : i32
      %add3A_157 = arith.addi %mul3A_138, %add3A_156 : i32
      %get3A_158 = arith.index_cast %add3A_157 : i32 to index
      %get3A_159 = arith.constant 0 : index
      %get3A_160 = tpu.vector_load %arg13[%get3A_158, %get3A_159] {strides = array<i32>} : memref<128x64xbf16, #tpu.memory_space<vmem>>, vector<32xbf16>,
      %add3A_161 = arith.constant 1 : i32
      %add3A_162 = arith.addi %mul3A_138, %add3A_161 : i32
      %get3A_163 = arith.index_cast %add3A_162 : i32 to index
      %get3A_164 = arith.constant 0 : index
      %get3A_165 = tpu.vector_load %arg15[%get3A_163, %get3A_164] {strides = array<i32>} : memref<128x64xbf16, #tpu.memory_space<vmem>>, vector<32xbf16>,
      %add3A_166 = arith.addf %get3A_160, %get3A_165 : vector<32xbf16>
      %max3A = arith.maximumf %add3A_148, %add3A_166 : vector<32xbf16>
      %unpack3A_167 = tpu.unpack_subelements %add3A_166, 0 {pack_format = #tpu.pack_format<interleaved>} : vector<32xbf16> -> vector<16xf32>
      %unpack3A_168 = tpu.unpack_subelements %add3A_166, 1 {pack_format = #tpu.pack_format<interleaved>} : vector<32xbf16> -> vector<16xf32>
      %add3A_169 = arith.addf %add3A_150, %unpack3A_167 : vector<16xf32>
      %add3A_170 = arith.addf %add3A_151, %unpack3A_168 : vector<16xf32>
      %mul3A_171 = arith.mulf %unpack3A_167, %unpack3A_167 : vector<16xf32>
      %add3A_172 = arith.addf %add3A_153, %mul3A_171 : vector<16xf32>
      %mul3A_173 = arith.mulf %unpack3A_168, %unpack3A_168 : vector<16xf32>
      %add3A_174 = arith.addf %add3A_155, %mul3A_173 : vector<16xf32>
      %add3A_175 = arith.constant 2 : i32
      %add3A_176 = arith.addi %mul3A_138, %add3A_175 : i32
      %get3A_177 = arith.index_cast %add3A_176 : i32 to index
      %get3A_178 = arith.constant 0 : index
      %get3A_179 = tpu.vector_load %arg13[%get3A_177, %get3A_178] {strides = array<i32>} : memref<128x64xbf16, #tpu.memory_space<vmem>>, vector<32xbf16>,
      %add3A_180 = arith.constant 2 : i32
      %add3A_181 = arith.addi %mul3A_138, %add3A_180 : i32
      %get3A_182 = arith.index_cast %add3A_181 : i32 to index
      %get3A_183 = arith.constant 0 : index
      %get3A_184 = tpu.vector_load %arg15[%get3A_182, %get3A_183] {strides = array<i32>} : memref<128x64xbf16, #tpu.memory_space<vmem>>, vector<32xbf16>,
      %add3A_185 = arith.addf %get3A_179, %get3A_184 : vector<32xbf16>
      %max3A_186 = arith.maximumf %max3A, %add3A_185 : vector<32xbf16>
      %unpack3A_187 = tpu.unpack_subelements %add3A_185, 0 {pack_format = #tpu.pack_format<interleaved>} : vector<32xbf16> -> vector<16xf32>
      %unpack3A_188 = tpu.unpack_subelements %add3A_185, 1 {pack_format = #tpu.pack_format<interleaved>} : vector<32xbf16> -> vector<16xf32>
      %add3A_189 = arith.addf %add3A_169, %unpack3A_187 : vector<16xf32>
      %add3A_190 = arith.addf %add3A_170, %unpack3A_188 : vector<16xf32>
      %mul3A_191 = arith.mulf %unpack3A_187, %unpack3A_187 : vector<16xf32>
      %add3A_192 = arith.addf %add3A_172, %mul3A_191 : vector<16xf32>
      %mul3A_193 = arith.mulf %unpack3A_188, %unpack3A_188 : vector<16xf32>
      %add3A_194 = arith.addf %add3A_174, %mul3A_193 : vector<16xf32>
      %add3A_195 = arith.constant 3 : i32
      %add3A_196 = arith.addi %mul3A_138, %add3A_195 : i32
      %get3A_197 = arith.index_cast %add3A_196 : i32 to index
      %get3A_198 = arith.constant 0 : index
      %get3A_199 = tpu.vector_load %arg13[%get3A_197, %get3A_198] {strides = array<i32>} : memref<128x64xbf16, #tpu.memory_space<vmem>>, vector<32xbf16>,
      %add3A_200 = arith.constant 3 : i32
      %add3A_201 = arith.addi %mul3A_138, %add3A_200 : i32
      %get3A_202 = arith.index_cast %add3A_201 : i32 to index
      %get3A_203 = arith.constant 0 : index
      %get3A_204 = tpu.vector_load %arg15[%get3A_202, %get3A_203] {strides = array<i32>} : memref<128x64xbf16, #tpu.memory_space<vmem>>, vector<32xbf16>,
      %add3A_205 = arith.addf %get3A_199, %get3A_204 : vector<32xbf16>
      %max3A_206 = arith.maximumf %max3A_186, %add3A_205 : vector<32xbf16>
      %unpack3A_207 = tpu.unpack_subelements %add3A_205, 0 {pack_format = #tpu.pack_format<interleaved>} : vector<32xbf16> -> vector<16xf32>
      %unpack3A_208 = tpu.unpack_subelements %add3A_205, 1 {pack_format = #tpu.pack_format<interleaved>} : vector<32xbf16> -> vector<16xf32>
      %add3A_209 = arith.addf %add3A_189, %unpack3A_207 : vector<16xf32>
      %add3A_210 = arith.addf %add3A_190, %unpack3A_208 : vector<16xf32>
      %mul3A_211 = arith.mulf %unpack3A_207, %unpack3A_207 : vector<16xf32>
      %add3A_212 = arith.addf %add3A_192, %mul3A_211 : vector<16xf32>
      %mul3A_213 = arith.mulf %unpack3A_208, %unpack3A_208 : vector<16xf32>
      %add3A_214 = arith.addf %add3A_194, %mul3A_213 : vector<16xf32>
      %add3A_215 = arith.constant 4 : i32
      %add3A_216 = arith.addi %mul3A_138, %add3A_215 : i32
      %get3A_217 = arith.index_cast %add3A_216 : i32 to index
      %get3A_218 = arith.constant 0 : index
      %get3A_219 = tpu.vector_load %arg13[%get3A_217, %get3A_218] {strides = array<i32>} : memref<128x64xbf16, #tpu.memory_space<vmem>>, vector<32xbf16>,
      %add3A_220 = arith.constant 4 : i32
      %add3A_221 = arith.addi %mul3A_138, %add3A_220 : i32
      %get3A_222 = arith.index_cast %add3A_221 : i32 to index
      %get3A_223 = arith.constant 0 : index
      %get3A_224 = tpu.vector_load %arg15[%get3A_222, %get3A_223] {strides = array<i32>} : memref<128x64xbf16, #tpu.memory_space<vmem>>, vector<32xbf16>,
      %add3A_225 = arith.addf %get3A_219, %get3A_224 : vector<32xbf16>
      %max3A_226 = arith.maximumf %max3A_206, %add3A_225 : vector<32xbf16>
      %unpack3A_227 = tpu.unpack_subelements %add3A_225, 0 {pack_format = #tpu.pack_format<interleaved>} : vector<32xbf16> -> vector<16xf32>
      %unpack3A_228 = tpu.unpack_subelements %add3A_225, 1 {pack_format = #tpu.pack_format<interleaved>} : vector<32xbf16> -> vector<16xf32>
      %add3A_229 = arith.addf %add3A_209, %unpack3A_227 : vector<16xf32>
      %add3A_230 = arith.addf %add3A_210, %unpack3A_228 : vector<16xf32>
      %mul3A_231 = arith.mulf %unpack3A_227, %unpack3A_227 : vector<16xf32>
      %add3A_232 = arith.addf %add3A_212, %mul3A_231 : vector<16xf32>
      %mul3A_233 = arith.mulf %unpack3A_228, %unpack3A_228 : vector<16xf32>
      %add3A_234 = arith.addf %add3A_214, %mul3A_233 : vector<16xf32>
      %add3A_235 = arith.constant 5 : i32
      %add3A_236 = arith.addi %mul3A_138, %add3A_235 : i32
      %get3A_237 = arith.index_cast %add3A_236 : i32 to index
      %get3A_238 = arith.constant 0 : index
      %get3A_239 = tpu.vector_load %arg13[%get3A_237, %get3A_238] {strides = array<i32>} : memref<128x64xbf16, #tpu.memory_space<vmem>>, vector<32xbf16>,
      %add3A_240 = arith.constant 5 : i32
      %add3A_241 = arith.addi %mul3A_138, %add3A_240 : i32
      %get3A_242 = arith.index_cast %add3A_241 : i32 to index
      %get3A_243 = arith.constant 0 : index
      %get3A_244 = tpu.vector_load %arg15[%get3A_242, %get3A_243] {strides = array<i32>} : memref<128x64xbf16, #tpu.memory_space<vmem>>, vector<32xbf16>,
      %add3A_245 = arith.addf %get3A_239, %get3A_244 : vector<32xbf16>
      %max3A_246 = arith.maximumf %max3A_226, %add3A_245 : vector<32xbf16>
      %unpack3A_247 = tpu.unpack_subelements %add3A_245, 0 {pack_format = #tpu.pack_format<interleaved>} : vector<32xbf16> -> vector<16xf32>
      %unpack3A_248 = tpu.unpack_subelements %add3A_245, 1 {pack_format = #tpu.pack_format<interleaved>} : vector<32xbf16> -> vector<16xf32>
      %add3A_249 = arith.addf %add3A_229, %unpack3A_247 : vector<16xf32>
      %add3A_250 = arith.addf %add3A_230, %unpack3A_248 : vector<16xf32>
      %mul3A_251 = arith.mulf %unpack3A_247, %unpack3A_247 : vector<16xf32>
      %add3A_252 = arith.addf %add3A_232, %mul3A_251 : vector<16xf32>
      %mul3A_253 = arith.mulf %unpack3A_248, %unpack3A_248 : vector<16xf32>
      %add3A_254 = arith.addf %add3A_234, %mul3A_253 : vector<16xf32>
      %add3A_255 = arith.constant 6 : i32
      %add3A_256 = arith.addi %mul3A_138, %add3A_255 : i32
      %get3A_257 = arith.index_cast %add3A_256 : i32 to index
      %get3A_258 = arith.constant 0 : index
      %get3A_259 = tpu.vector_load %arg13[%get3A_257, %get3A_258] {strides = array<i32>} : memref<128x64xbf16, #tpu.memory_space<vmem>>, vector<32xbf16>,
      %add3A_260 = arith.constant 6 : i32
      %add3A_261 = arith.addi %mul3A_138, %add3A_260 : i32
      %get3A_262 = arith.index_cast %add3A_261 : i32 to index
      %get3A_263 = arith.constant 0 : index
      %get3A_264 = tpu.vector_load %arg15[%get3A_262, %get3A_263] {strides = array<i32>} : memref<128x64xbf16, #tpu.memory_space<vmem>>, vector<32xbf16>,
      %add3A_265 = arith.addf %get3A_259, %get3A_264 : vector<32xbf16>
      %max3A_266 = arith.maximumf %max3A_246, %add3A_265 : vector<32xbf16>
      %unpack3A_267 = tpu.unpack_subelements %add3A_265, 0 {pack_format = #tpu.pack_format<interleaved>} : vector<32xbf16> -> vector<16xf32>
      %unpack3A_268 = tpu.unpack_subelements %add3A_265, 1 {pack_format = #tpu.pack_format<interleaved>} : vector<32xbf16> -> vector<16xf32>
      %add3A_269 = arith.addf %add3A_249, %unpack3A_267 : vector<16xf32>
      %add3A_270 = arith.addf %add3A_250, %unpack3A_268 : vector<16xf32>
      %mul3A_271 = arith.mulf %unpack3A_267, %unpack3A_267 : vector<16xf32>
      %add3A_272 = arith.addf %add3A_252, %mul3A_271 : vector<16xf32>
      %mul3A_273 = arith.mulf %unpack3A_268, %unpack3A_268 : vector<16xf32>
      %add3A_274 = arith.addf %add3A_254, %mul3A_273 : vector<16xf32>
      %add3A_275 = arith.constant 7 : i32
      %add3A_276 = arith.addi %mul3A_138, %add3A_275 : i32
      %get3A_277 = arith.index_cast %add3A_276 : i32 to index
      %get3A_278 = arith.constant 0 : index
      %get3A_279 = tpu.vector_load %arg13[%get3A_277, %get3A_278] {strides = array<i32>} : memref<128x64xbf16, #tpu.memory_space<vmem>>, vector<32xbf16>,
      %add3A_280 = arith.constant 7 : i32
      %add3A_281 = arith.addi %mul3A_138, %add3A_280 : i32
      %get3A_282 = arith.index_cast %add3A_281 : i32 to index
      %get3A_283 = arith.constant 0 : index
      %get3A_284 = tpu.vector_load %arg15[%get3A_282, %get3A_283] {strides = array<i32>} : memref<128x64xbf16, #tpu.memory_space<vmem>>, vector<32xbf16>,
      %add3A_285 = arith.addf %get3A_279, %get3A_284 : vector<32xbf16>
      %max3A_286 = arith.maximumf %max3A_266, %add3A_285 : vector<32xbf16>
      %unpack3A_287 = tpu.unpack_subelements %add3A_285, 0 {pack_format = #tpu.pack_format<interleaved>} : vector<32xbf16> -> vector<16xf32>
      %unpack3A_288 = tpu.unpack_subelements %add3A_285, 1 {pack_format = #tpu.pack_format<interleaved>} : vector<32xbf16> -> vector<16xf32>
      %add3A_289 = arith.addf %add3A_269, %unpack3A_287 : vector<16xf32>
      %add3A_290 = arith.addf %add3A_270, %unpack3A_288 : vector<16xf32>
      %mul3A_291 = arith.mulf %unpack3A_287, %unpack3A_287 : vector<16xf32>
      %add3A_292 = arith.addf %add3A_272, %mul3A_291 : vector<16xf32>
      %mul3A_293 = arith.mulf %unpack3A_288, %unpack3A_288 : vector<16xf32>
      %add3A_294 = arith.addf %add3A_274, %mul3A_293 : vector<16xf32>
      %add3A_295 = arith.constant 8 : i32
      %add3A_296 = arith.addi %mul3A_138, %add3A_295 : i32
      %get3A_297 = arith.index_cast %add3A_296 : i32 to index
      %get3A_298 = arith.constant 0 : index
      %get3A_299 = tpu.vector_load %arg13[%get3A_297, %get3A_298] {strides = array<i32>} : memref<128x64xbf16, #tpu.memory_space<vmem>>, vector<32xbf16>,
      %add3A_300 = arith.constant 8 : i32
      %add3A_301 = arith.addi %mul3A_138, %add3A_300 : i32
      %get3A_302 = arith.index_cast %add3A_301 : i32 to index
      %get3A_303 = arith.constant 0 : index
      %get3A_304 = tpu.vector_load %arg15[%get3A_302, %get3A_303] {strides = array<i32>} : memref<128x64xbf16, #tpu.memory_space<vmem>>, vector<32xbf16>,
      %add3A_305 = arith.addf %get3A_299, %get3A_304 : vector<32xbf16>
      %max3A_306 = arith.maximumf %max3A_286, %add3A_305 : vector<32xbf16>
      %unpack3A_307 = tpu.unpack_subelements %add3A_305, 0 {pack_format = #tpu.pack_format<interleaved>} : vector<32xbf16> -> vector<16xf32>
      %unpack3A_308 = tpu.unpack_subelements %add3A_305, 1 {pack_format = #tpu.pack_format<interleaved>} : vector<32xbf16> -> vector<16xf32>
      %add3A_309 = arith.addf %add3A_289, %unpack3A_307 : vector<16xf32>
      %add3A_310 = arith.addf %add3A_290, %unpack3A_308 : vector<16xf32>
      %mul3A_311 = arith.mulf %unpack3A_307, %unpack3A_307 : vector<16xf32>
      %add3A_312 = arith.addf %add3A_292, %mul3A_311 : vector<16xf32>
      %mul3A_313 = arith.mulf %unpack3A_308, %unpack3A_308 : vector<16xf32>
      %add3A_314 = arith.addf %add3A_294, %mul3A_313 : vector<16xf32>
      %add3A_315 = arith.constant 9 : i32
      %add3A_316 = arith.addi %mul3A_138, %add3A_315 : i32
      %get3A_317 = arith.index_cast %add3A_316 : i32 to index
      %get3A_318 = arith.constant 0 : index
      %get3A_319 = tpu.vector_load %arg13[%get3A_317, %get3A_318] {strides = array<i32>} : memref<128x64xbf16, #tpu.memory_space<vmem>>, vector<32xbf16>,
      %add3A_320 = arith.constant 9 : i32
      %add3A_321 = arith.addi %mul3A_138, %add3A_320 : i32
      %get3A_322 = arith.index_cast %add3A_321 : i32 to index
      %get3A_323 = arith.constant 0 : index
      %get3A_324 = tpu.vector_load %arg15[%get3A_322, %get3A_323] {strides = array<i32>} : memref<128x64xbf16, #tpu.memory_space<vmem>>, vector<32xbf16>,
      %add3A_325 = arith.addf %get3A_319, %get3A_324 : vector<32xbf16>
      %max3A_326 = arith.maximumf %max3A_306, %add3A_325 : vector<32xbf16>
      %unpack3A_327 = tpu.unpack_subelements %add3A_325, 0 {pack_format = #tpu.pack_format<interleaved>} : vector<32xbf16> -> vector<16xf32>
      %unpack3A_328 = tpu.unpack_subelements %add3A_325, 1 {pack_format = #tpu.pack_format<interleaved>} : vector<32xbf16> -> vector<16xf32>
      %add3A_329 = arith.addf %add3A_309, %unpack3A_327 : vector<16xf32>
      %add3A_330 = arith.addf %add3A_310, %unpack3A_328 : vector<16xf32>
      %mul3A_331 = arith.mulf %unpack3A_327, %unpack3A_327 : vector<16xf32>
      %add3A_332 = arith.addf %add3A_312, %mul3A_331 : vector<16xf32>
      %mul3A_333 = arith.mulf %unpack3A_328, %unpack3A_328 : vector<16xf32>
      %add3A_334 = arith.addf %add3A_314, %mul3A_333 : vector<16xf32>
      %add3A_335 = arith.constant 10 : i32
      %add3A_336 = arith.addi %mul3A_138, %add3A_335 : i32
      %get3A_337 = arith.index_cast %add3A_336 : i32 to index
      %get3A_338 = arith.constant 0 : index
      %get3A_339 = tpu.vector_load %arg13[%get3A_337, %get3A_338] {strides = array<i32>} : memref<128x64xbf16, #tpu.memory_space<vmem>>, vector<32xbf16>,
      %add3A_340 = arith.constant 10 : i32
      %add3A_341 = arith.addi %mul3A_138, %add3A_340 : i32
      %get3A_342 = arith.index_cast %add3A_341 : i32 to index
      %get3A_343 = arith.constant 0 : index
      %get3A_344 = tpu.vector_load %arg15[%get3A_342, %get3A_343] {strides = array<i32>} : memref<128x64xbf16, #tpu.memory_space<vmem>>, vector<32xbf16>,
      %add3A_345 = arith.addf %get3A_339, %get3A_344 : vector<32xbf16>
      %max3A_346 = arith.maximumf %max3A_326, %add3A_345 : vector<32xbf16>
      %unpack3A_347 = tpu.unpack_subelements %add3A_345, 0 {pack_format = #tpu.pack_format<interleaved>} : vector<32xbf16> -> vector<16xf32>
      %unpack3A_348 = tpu.unpack_subelements %add3A_345, 1 {pack_format = #tpu.pack_format<interleaved>} : vector<32xbf16> -> vector<16xf32>
      %add3A_349 = arith.addf %add3A_329, %unpack3A_347 : vector<16xf32>
      %add3A_350 = arith.addf %add3A_330, %unpack3A_348 : vector<16xf32>
      %mul3A_351 = arith.mulf %unpack3A_347, %unpack3A_347 : vector<16xf32>
      %add3A_352 = arith.addf %add3A_332, %mul3A_351 : vector<16xf32>
      %mul3A_353 = arith.mulf %unpack3A_348, %unpack3A_348 : vector<16xf32>
      %add3A_354 = arith.addf %add3A_334, %mul3A_353 : vector<16xf32>
      %add3A_355 = arith.constant 11 : i32
      %add3A_356 = arith.addi %mul3A_138, %add3A_355 : i32
      %get3A_357 = arith.index_cast %add3A_356 : i32 to index
      %get3A_358 = arith.constant 0 : index
      %get3A_359 = tpu.vector_load %arg13[%get3A_357, %get3A_358] {strides = array<i32>} : memref<128x64xbf16, #tpu.memory_space<vmem>>, vector<32xbf16>,
      %add3A_360 = arith.constant 11 : i32
      %add3A_361 = arith.addi %mul3A_138, %add3A_360 : i32
      %get3A_362 = arith.index_cast %add3A_361 : i32 to index
      %get3A_363 = arith.constant 0 : index
      %get3A_364 = tpu.vector_load %arg15[%get3A_362, %get3A_363] {strides = array<i32>} : memref<128x64xbf16, #tpu.memory_space<vmem>>, vector<32xbf16>,
      %add3A_365 = arith.addf %get3A_359, %get3A_364 : vector<32xbf16>
      %max3A_366 = arith.maximumf %max3A_346, %add3A_365 : vector<32xbf16>
      %unpack3A_367 = tpu.unpack_subelements %add3A_365, 0 {pack_format = #tpu.pack_format<interleaved>} : vector<32xbf16> -> vector<16xf32>
      %unpack3A_368 = tpu.unpack_subelements %add3A_365, 1 {pack_format = #tpu.pack_format<interleaved>} : vector<32xbf16> -> vector<16xf32>
      %add3A_369 = arith.addf %add3A_349, %unpack3A_367 : vector<16xf32>
      %add3A_370 = arith.addf %add3A_350, %unpack3A_368 : vector<16xf32>
      %mul3A_371 = arith.mulf %unpack3A_367, %unpack3A_367 : vector<16xf32>
      %add3A_372 = arith.addf %add3A_352, %mul3A_371 : vector<16xf32>
      %mul3A_373 = arith.mulf %unpack3A_368, %unpack3A_368 : vector<16xf32>
      %add3A_374 = arith.addf %add3A_354, %mul3A_373 : vector<16xf32>
      %add3A_375 = arith.constant 12 : i32
      %add3A_376 = arith.addi %mul3A_138, %add3A_375 : i32
      %get3A_377 = arith.index_cast %add3A_376 : i32 to index
      %get3A_378 = arith.constant 0 : index
      %get3A_379 = tpu.vector_load %arg13[%get3A_377, %get3A_378] {strides = array<i32>} : memref<128x64xbf16, #tpu.memory_space<vmem>>, vector<32xbf16>,
      %add3A_380 = arith.constant 12 : i32
      %add3A_381 = arith.addi %mul3A_138, %add3A_380 : i32
      %get3A_382 = arith.index_cast %add3A_381 : i32 to index
      %get3A_383 = arith.constant 0 : index
      %get3A_384 = tpu.vector_load %arg15[%get3A_382, %get3A_383] {strides = array<i32>} : memref<128x64xbf16, #tpu.memory_space<vmem>>, vector<32xbf16>,
      %add3A_385 = arith.addf %get3A_379, %get3A_384 : vector<32xbf16>
      %max3A_386 = arith.maximumf %max3A_366, %add3A_385 : vector<32xbf16>
      %unpack3A_387 = tpu.unpack_subelements %add3A_385, 0 {pack_format = #tpu.pack_format<interleaved>} : vector<32xbf16> -> vector<16xf32>
      %unpack3A_388 = tpu.unpack_subelements %add3A_385, 1 {pack_format = #tpu.pack_format<interleaved>} : vector<32xbf16> -> vector<16xf32>
      %add3A_389 = arith.addf %add3A_369, %unpack3A_387 : vector<16xf32>
      %add3A_390 = arith.addf %add3A_370, %unpack3A_388 : vector<16xf32>
      %mul3A_391 = arith.mulf %unpack3A_387, %unpack3A_387 : vector<16xf32>
      %add3A_392 = arith.addf %add3A_372, %mul3A_391 : vector<16xf32>
      %mul3A_393 = arith.mulf %unpack3A_388, %unpack3A_388 : vector<16xf32>
      %add3A_394 = arith.addf %add3A_374, %mul3A_393 : vector<16xf32>
      %add3A_395 = arith.constant 13 : i32
      %add3A_396 = arith.addi %mul3A_138, %add3A_395 : i32
      %get3A_397 = arith.index_cast %add3A_396 : i32 to index
      %get3A_398 = arith.constant 0 : index
      %get3A_399 = tpu.vector_load %arg13[%get3A_397, %get3A_398] {strides = array<i32>} : memref<128x64xbf16, #tpu.memory_space<vmem>>, vector<32xbf16>,
      %add3A_400 = arith.constant 13 : i32
      %add3A_401 = arith.addi %mul3A_138, %add3A_400 : i32
      %get3A_402 = arith.index_cast %add3A_401 : i32 to index
      %get3A_403 = arith.constant 0 : index
      %get3A_404 = tpu.vector_load %arg15[%get3A_402, %get3A_403] {strides = array<i32>} : memref<128x64xbf16, #tpu.memory_space<vmem>>, vector<32xbf16>,
      %add3A_405 = arith.addf %get3A_399, %get3A_404 : vector<32xbf16>
      %max3A_406 = arith.maximumf %max3A_386, %add3A_405 : vector<32xbf16>
      %unpack3A_407 = tpu.unpack_subelements %add3A_405, 0 {pack_format = #tpu.pack_format<interleaved>} : vector<32xbf16> -> vector<16xf32>
      %unpack3A_408 = tpu.unpack_subelements %add3A_405, 1 {pack_format = #tpu.pack_format<interleaved>} : vector<32xbf16> -> vector<16xf32>
      %add3A_409 = arith.addf %add3A_389, %unpack3A_407 : vector<16xf32>
      %add3A_410 = arith.addf %add3A_390, %unpack3A_408 : vector<16xf32>
      %mul3A_411 = arith.mulf %unpack3A_407, %unpack3A_407 : vector<16xf32>
      %add3A_412 = arith.addf %add3A_392, %mul3A_411 : vector<16xf32>
      %mul3A_413 = arith.mulf %unpack3A_408, %unpack3A_408 : vector<16xf32>
      %add3A_414 = arith.addf %add3A_394, %mul3A_413 : vector<16xf32>
      %add3A_415 = arith.constant 14 : i32
      %add3A_416 = arith.addi %mul3A_138, %add3A_415 : i32
      %get3A_417 = arith.index_cast %add3A_416 : i32 to index
      %get3A_418 = arith.constant 0 : index
      %get3A_419 = tpu.vector_load %arg13[%get3A_417, %get3A_418] {strides = array<i32>} : memref<128x64xbf16, #tpu.memory_space<vmem>>, vector<32xbf16>,
      %add3A_420 = arith.constant 14 : i32
      %add3A_421 = arith.addi %mul3A_138, %add3A_420 : i32
      %get3A_422 = arith.index_cast %add3A_421 : i32 to index
      %get3A_423 = arith.constant 0 : index
      %get3A_424 = tpu.vector_load %arg15[%get3A_422, %get3A_423] {strides = array<i32>} : memref<128x64xbf16, #tpu.memory_space<vmem>>, vector<32xbf16>,
      %add3A_425 = arith.addf %get3A_419, %get3A_424 : vector<32xbf16>
      %max3A_426 = arith.maximumf %max3A_406, %add3A_425 : vector<32xbf16>
      %unpack3A_427 = tpu.unpack_subelements %add3A_425, 0 {pack_format = #tpu.pack_format<interleaved>} : vector<32xbf16> -> vector<16xf32>
      %unpack3A_428 = tpu.unpack_subelements %add3A_425, 1 {pack_format = #tpu.pack_format<interleaved>} : vector<32xbf16> -> vector<16xf32>
      %add3A_429 = arith.addf %add3A_409, %unpack3A_427 : vector<16xf32>
      %add3A_430 = arith.addf %add3A_410, %unpack3A_428 : vector<16xf32>
      %mul3A_431 = arith.mulf %unpack3A_427, %unpack3A_427 : vector<16xf32>
      %add3A_432 = arith.addf %add3A_412, %mul3A_431 : vector<16xf32>
      %mul3A_433 = arith.mulf %unpack3A_428, %unpack3A_428 : vector<16xf32>
      %add3A_434 = arith.addf %add3A_414, %mul3A_433 : vector<16xf32>
      %add3A_435 = arith.constant 15 : i32
      %add3A_436 = arith.addi %mul3A_138, %add3A_435 : i32
      %get3A_437 = arith.index_cast %add3A_436 : i32 to index
      %get3A_438 = arith.constant 0 : index
      %get3A_439 = tpu.vector_load %arg13[%get3A_437, %get3A_438] {strides = array<i32>} : memref<128x64xbf16, #tpu.memory_space<vmem>>, vector<32xbf16>,
      %add3A_440 = arith.constant 15 : i32
      %add3A_441 = arith.addi %mul3A_138, %add3A_440 : i32
      %get3A_442 = arith.index_cast %add3A_441 : i32 to index
      %get3A_443 = arith.constant 0 : index
      %get3A_444 = tpu.vector_load %arg15[%get3A_442, %get3A_443] {strides = array<i32>} : memref<128x64xbf16, #tpu.memory_space<vmem>>, vector<32xbf16>,
      %add3A_445 = arith.addf %get3A_439, %get3A_444 : vector<32xbf16>
      %max3A_446 = arith.maximumf %max3A_426, %add3A_445 : vector<32xbf16>
      %unpack3A_447 = tpu.unpack_subelements %add3A_445, 0 {pack_format = #tpu.pack_format<interleaved>} : vector<32xbf16> -> vector<16xf32>
      %unpack3A_448 = tpu.unpack_subelements %add3A_445, 1 {pack_format = #tpu.pack_format<interleaved>} : vector<32xbf16> -> vector<16xf32>
      %add3A_449 = arith.addf %add3A_429, %unpack3A_447 : vector<16xf32>
      %add3A_450 = arith.addf %add3A_430, %unpack3A_448 : vector<16xf32>
      %mul3A_451 = arith.mulf %unpack3A_447, %unpack3A_447 : vector<16xf32>
      %add3A_452 = arith.addf %add3A_432, %mul3A_451 : vector<16xf32>
      %mul3A_453 = arith.mulf %unpack3A_448, %unpack3A_448 : vector<16xf32>
      %add3A_454 = arith.addf %add3A_434, %mul3A_453 : vector<16xf32>
      %swap3A_455 = arith.index_cast %scan3A_128 : i32 to index
      %swap3A_456 = arith.constant 0 : index
      %swap3A_457 = tpu.vector_load %arg17[%swap3A_455, %swap3A_456] {strides = array<i32>} : memref<8x64xbf16, #tpu.memory_space<vmem>>, vector<32xbf16>,
      tpu.vector_store %arg17[%swap3A_455, %swap3A_456], %max3A_446 {strides = array<i32>} : memref<8x64xbf16, #tpu.memory_space<vmem>>, vector<32xbf16>,
      %add3A_458 = arith.constant 0 : i32
      %add3A_459 = arith.addi %mul3A_138, %add3A_458 : i32
      %get3A_460 = arith.index_cast %add3A_459 : i32 to index
      %get3A_461 = arith.constant 32 : index
      %get3A_462 = tpu.vector_load %arg13[%get3A_460, %get3A_461] {strides = array<i32>} : memref<128x64xbf16, #tpu.memory_space<vmem>>, vector<32xbf16>,
      %add3A_463 = arith.constant 0 : i32
      %add3A_464 = arith.addi %mul3A_138, %add3A_463 : i32
      %get3A_465 = arith.index_cast %add3A_464 : i32 to index
      %get3A_466 = arith.constant 32 : index
      %get3A_467 = tpu.vector_load %arg15[%get3A_465, %get3A_466] {strides = array<i32>} : memref<128x64xbf16, #tpu.memory_space<vmem>>, vector<32xbf16>,
      %add3A_468 = arith.addf %get3A_462, %get3A_467 : vector<32xbf16>
      %unpack3A_469 = tpu.unpack_subelements %add3A_468, 0 {pack_format = #tpu.pack_format<interleaved>} : vector<32xbf16> -> vector<16xf32>
      %unpack3A_470 = tpu.unpack_subelements %add3A_468, 1 {pack_format = #tpu.pack_format<interleaved>} : vector<32xbf16> -> vector<16xf32>
      %add3A_471 = arith.addf %scan3A_131, %unpack3A_469 : vector<16xf32>
      %add3A_472 = arith.addf %scan3A_132, %unpack3A_470 : vector<16xf32>
      %mul3A_473 = arith.mulf %unpack3A_469, %unpack3A_469 : vector<16xf32>
      %add3A_474 = arith.addf %scan3A_135, %mul3A_473 : vector<16xf32>
      %mul3A_475 = arith.mulf %unpack3A_470, %unpack3A_470 : vector<16xf32>
      %add3A_476 = arith.addf %scan3A_136, %mul3A_475 : vector<16xf32>
      %add3A_477 = arith.constant 1 : i32
      %add3A_478 = arith.addi %mul3A_138, %add3A_477 : i32
      %get3A_479 = arith.index_cast %add3A_478 : i32 to index
      %get3A_480 = arith.constant 32 : index
      %get3A_481 = tpu.vector_load %arg13[%get3A_479, %get3A_480] {strides = array<i32>} : memref<128x64xbf16, #tpu.memory_space<vmem>>, vector<32xbf16>,
      %add3A_482 = arith.constant 1 : i32
      %add3A_483 = arith.addi %mul3A_138, %add3A_482 : i32
      %get3A_484 = arith.index_cast %add3A_483 : i32 to index
      %get3A_485 = arith.constant 32 : index
      %get3A_486 = tpu.vector_load %arg15[%get3A_484, %get3A_485] {strides = array<i32>} : memref<128x64xbf16, #tpu.memory_space<vmem>>, vector<32xbf16>,
      %add3A_487 = arith.addf %get3A_481, %get3A_486 : vector<32xbf16>
      %max3A_488 = arith.maximumf %add3A_468, %add3A_487 : vector<32xbf16>
      %unpack3A_489 = tpu.unpack_subelements %add3A_487, 0 {pack_format = #tpu.pack_format<interleaved>} : vector<32xbf16> -> vector<16xf32>
      %unpack3A_490 = tpu.unpack_subelements %add3A_487, 1 {pack_format = #tpu.pack_format<interleaved>} : vector<32xbf16> -> vector<16xf32>
      %add3A_491 = arith.addf %add3A_471, %unpack3A_489 : vector<16xf32>
      %add3A_492 = arith.addf %add3A_472, %unpack3A_490 : vector<16xf32>
      %mul3A_493 = arith.mulf %unpack3A_489, %unpack3A_489 : vector<16xf32>
      %add3A_494 = arith.addf %add3A_474, %mul3A_493 : vector<16xf32>
      %mul3A_495 = arith.mulf %unpack3A_490, %unpack3A_490 : vector<16xf32>
      %add3A_496 = arith.addf %add3A_476, %mul3A_495 : vector<16xf32>
      %add3A_497 = arith.constant 2 : i32
      %add3A_498 = arith.addi %mul3A_138, %add3A_497 : i32
      %get3A_499 = arith.index_cast %add3A_498 : i32 to index
      %get3A_500 = arith.constant 32 : index
      %get3A_501 = tpu.vector_load %arg13[%get3A_499, %get3A_500] {strides = array<i32>} : memref<128x64xbf16, #tpu.memory_space<vmem>>, vector<32xbf16>,
      %add3A_502 = arith.constant 2 : i32
      %add3A_503 = arith.addi %mul3A_138, %add3A_502 : i32
      %get3A_504 = arith.index_cast %add3A_503 : i32 to index
      %get3A_505 = arith.constant 32 : index
      %get3A_506 = tpu.vector_load %arg15[%get3A_504, %get3A_505] {strides = array<i32>} : memref<128x64xbf16, #tpu.memory_space<vmem>>, vector<32xbf16>,
      %add3A_507 = arith.addf %get3A_501, %get3A_506 : vector<32xbf16>
      %max3A_508 = arith.maximumf %max3A_488, %add3A_507 : vector<32xbf16>
      %unpack3A_509 = tpu.unpack_subelements %add3A_507, 0 {pack_format = #tpu.pack_format<interleaved>} : vector<32xbf16> -> vector<16xf32>
      %unpack3A_510 = tpu.unpack_subelements %add3A_507, 1 {pack_format = #tpu.pack_format<interleaved>} : vector<32xbf16> -> vector<16xf32>
      %add3A_511 = arith.addf %add3A_491, %unpack3A_509 : vector<16xf32>
      %add3A_512 = arith.addf %add3A_492, %unpack3A_510 : vector<16xf32>
      %mul3A_513 = arith.mulf %unpack3A_509, %unpack3A_509 : vector<16xf32>
      %add3A_514 = arith.addf %add3A_494, %mul3A_513 : vector<16xf32>
      %mul3A_515 = arith.mulf %unpack3A_510, %unpack3A_510 : vector<16xf32>
      %add3A_516 = arith.addf %add3A_496, %mul3A_515 : vector<16xf32>
      %add3A_517 = arith.constant 3 : i32
      %add3A_518 = arith.addi %mul3A_138, %add3A_517 : i32
      %get3A_519 = arith.index_cast %add3A_518 : i32 to index
      %get3A_520 = arith.constant 32 : index
      %get3A_521 = tpu.vector_load %arg13[%get3A_519, %get3A_520] {strides = array<i32>} : memref<128x64xbf16, #tpu.memory_space<vmem>>, vector<32xbf16>,
      %add3A_522 = arith.constant 3 : i32
      %add3A_523 = arith.addi %mul3A_138, %add3A_522 : i32
      %get3A_524 = arith.index_cast %add3A_523 : i32 to index
      %get3A_525 = arith.constant 32 : index
      %get3A_526 = tpu.vector_load %arg15[%get3A_524, %get3A_525] {strides = array<i32>} : memref<128x64xbf16, #tpu.memory_space<vmem>>, vector<32xbf16>,
      %add3A_527 = arith.addf %get3A_521, %get3A_526 : vector<32xbf16>
      %max3A_528 = arith.maximumf %max3A_508, %add3A_527 : vector<32xbf16>
      %unpack3A_529 = tpu.unpack_subelements %add3A_527, 0 {pack_format = #tpu.pack_format<interleaved>} : vector<32xbf16> -> vector<16xf32>
      %unpack3A_530 = tpu.unpack_subelements %add3A_527, 1 {pack_format = #tpu.pack_format<interleaved>} : vector<32xbf16> -> vector<16xf32>
      %add3A_531 = arith.addf %add3A_511, %unpack3A_529 : vector<16xf32>
      %add3A_532 = arith.addf %add3A_512, %unpack3A_530 : vector<16xf32>
      %mul3A_533 = arith.mulf %unpack3A_529, %unpack3A_529 : vector<16xf32>
      %add3A_534 = arith.addf %add3A_514, %mul3A_533 : vector<16xf32>
      %mul3A_535 = arith.mulf %unpack3A_530, %unpack3A_530 : vector<16xf32>
      %add3A_536 = arith.addf %add3A_516, %mul3A_535 : vector<16xf32>
      %add3A_537 = arith.constant 4 : i32
      %add3A_538 = arith.addi %mul3A_138, %add3A_537 : i32
      %get3A_539 = arith.index_cast %add3A_538 : i32 to index
      %get3A_540 = arith.constant 32 : index
      %get3A_541 = tpu.vector_load %arg13[%get3A_539, %get3A_540] {strides = array<i32>} : memref<128x64xbf16, #tpu.memory_space<vmem>>, vector<32xbf16>,
      %add3A_542 = arith.constant 4 : i32
      %add3A_543 = arith.addi %mul3A_138, %add3A_542 : i32
      %get3A_544 = arith.index_cast %add3A_543 : i32 to index
      %get3A_545 = arith.constant 32 : index
      %get3A_546 = tpu.vector_load %arg15[%get3A_544, %get3A_545] {strides = array<i32>} : memref<128x64xbf16, #tpu.memory_space<vmem>>, vector<32xbf16>,
      %add3A_547 = arith.addf %get3A_541, %get3A_546 : vector<32xbf16>
      %max3A_548 = arith.maximumf %max3A_528, %add3A_547 : vector<32xbf16>
      %unpack3A_549 = tpu.unpack_subelements %add3A_547, 0 {pack_format = #tpu.pack_format<interleaved>} : vector<32xbf16> -> vector<16xf32>
      %unpack3A_550 = tpu.unpack_subelements %add3A_547, 1 {pack_format = #tpu.pack_format<interleaved>} : vector<32xbf16> -> vector<16xf32>
      %add3A_551 = arith.addf %add3A_531, %unpack3A_549 : vector<16xf32>
      %add3A_552 = arith.addf %add3A_532, %unpack3A_550 : vector<16xf32>
      %mul3A_553 = arith.mulf %unpack3A_549, %unpack3A_549 : vector<16xf32>
      %add3A_554 = arith.addf %add3A_534, %mul3A_553 : vector<16xf32>
      %mul3A_555 = arith.mulf %unpack3A_550, %unpack3A_550 : vector<16xf32>
      %add3A_556 = arith.addf %add3A_536, %mul3A_555 : vector<16xf32>
      %add3A_557 = arith.constant 5 : i32
      %add3A_558 = arith.addi %mul3A_138, %add3A_557 : i32
      %get3A_559 = arith.index_cast %add3A_558 : i32 to index
      %get3A_560 = arith.constant 32 : index
      %get3A_561 = tpu.vector_load %arg13[%get3A_559, %get3A_560] {strides = array<i32>} : memref<128x64xbf16, #tpu.memory_space<vmem>>, vector<32xbf16>,
      %add3A_562 = arith.constant 5 : i32
      %add3A_563 = arith.addi %mul3A_138, %add3A_562 : i32
      %get3A_564 = arith.index_cast %add3A_563 : i32 to index
      %get3A_565 = arith.constant 32 : index
      %get3A_566 = tpu.vector_load %arg15[%get3A_564, %get3A_565] {strides = array<i32>} : memref<128x64xbf16, #tpu.memory_space<vmem>>, vector<32xbf16>,
      %add3A_567 = arith.addf %get3A_561, %get3A_566 : vector<32xbf16>
      %max3A_568 = arith.maximumf %max3A_548, %add3A_567 : vector<32xbf16>
      %unpack3A_569 = tpu.unpack_subelements %add3A_567, 0 {pack_format = #tpu.pack_format<interleaved>} : vector<32xbf16> -> vector<16xf32>
      %unpack3A_570 = tpu.unpack_subelements %add3A_567, 1 {pack_format = #tpu.pack_format<interleaved>} : vector<32xbf16> -> vector<16xf32>
      %add3A_571 = arith.addf %add3A_551, %unpack3A_569 : vector<16xf32>
      %add3A_572 = arith.addf %add3A_552, %unpack3A_570 : vector<16xf32>
      %mul3A_573 = arith.mulf %unpack3A_569, %unpack3A_569 : vector<16xf32>
      %add3A_574 = arith.addf %add3A_554, %mul3A_573 : vector<16xf32>
      %mul3A_575 = arith.mulf %unpack3A_570, %unpack3A_570 : vector<16xf32>
      %add3A_576 = arith.addf %add3A_556, %mul3A_575 : vector<16xf32>
      %add3A_577 = arith.constant 6 : i32
      %add3A_578 = arith.addi %mul3A_138, %add3A_577 : i32
      %get3A_579 = arith.index_cast %add3A_578 : i32 to index
      %get3A_580 = arith.constant 32 : index
      %get3A_581 = tpu.vector_load %arg13[%get3A_579, %get3A_580] {strides = array<i32>} : memref<128x64xbf16, #tpu.memory_space<vmem>>, vector<32xbf16>,
      %add3A_582 = arith.constant 6 : i32
      %add3A_583 = arith.addi %mul3A_138, %add3A_582 : i32
      %get3A_584 = arith.index_cast %add3A_583 : i32 to index
      %get3A_585 = arith.constant 32 : index
      %get3A_586 = tpu.vector_load %arg15[%get3A_584, %get3A_585] {strides = array<i32>} : memref<128x64xbf16, #tpu.memory_space<vmem>>, vector<32xbf16>,
      %add3A_587 = arith.addf %get3A_581, %get3A_586 : vector<32xbf16>
      %max3A_588 = arith.maximumf %max3A_568, %add3A_587 : vector<32xbf16>
      %unpack3A_589 = tpu.unpack_subelements %add3A_587, 0 {pack_format = #tpu.pack_format<interleaved>} : vector<32xbf16> -> vector<16xf32>
      %unpack3A_590 = tpu.unpack_subelements %add3A_587, 1 {pack_format = #tpu.pack_format<interleaved>} : vector<32xbf16> -> vector<16xf32>
      %add3A_591 = arith.addf %add3A_571, %unpack3A_589 : vector<16xf32>
      %add3A_592 = arith.addf %add3A_572, %unpack3A_590 : vector<16xf32>
      %mul3A_593 = arith.mulf %unpack3A_589, %unpack3A_589 : vector<16xf32>
      %add3A_594 = arith.addf %add3A_574, %mul3A_593 : vector<16xf32>
      %mul3A_595 = arith.mulf %unpack3A_590, %unpack3A_590 : vector<16xf32>
      %add3A_596 = arith.addf %add3A_576, %mul3A_595 : vector<16xf32>
      %add3A_597 = arith.constant 7 : i32
      %add3A_598 = arith.addi %mul3A_138, %add3A_597 : i32
      %get3A_599 = arith.index_cast %add3A_598 : i32 to index
      %get3A_600 = arith.constant 32 : index
      %get3A_601 = tpu.vector_load %arg13[%get3A_599, %get3A_600] {strides = array<i32>} : memref<128x64xbf16, #tpu.memory_space<vmem>>, vector<32xbf16>,
      %add3A_602 = arith.constant 7 : i32
      %add3A_603 = arith.addi %mul3A_138, %add3A_602 : i32
      %get3A_604 = arith.index_cast %add3A_603 : i32 to index
      %get3A_605 = arith.constant 32 : index
      %get3A_606 = tpu.vector_load %arg15[%get3A_604, %get3A_605] {strides = array<i32>} : memref<128x64xbf16, #tpu.memory_space<vmem>>, vector<32xbf16>,
      %add3A_607 = arith.addf %get3A_601, %get3A_606 : vector<32xbf16>
      %max3A_608 = arith.maximumf %max3A_588, %add3A_607 : vector<32xbf16>
      %unpack3A_609 = tpu.unpack_subelements %add3A_607, 0 {pack_format = #tpu.pack_format<interleaved>} : vector<32xbf16> -> vector<16xf32>
      %unpack3A_610 = tpu.unpack_subelements %add3A_607, 1 {pack_format = #tpu.pack_format<interleaved>} : vector<32xbf16> -> vector<16xf32>
      %add3A_611 = arith.addf %add3A_591, %unpack3A_609 : vector<16xf32>
      %add3A_612 = arith.addf %add3A_592, %unpack3A_610 : vector<16xf32>
      %mul3A_613 = arith.mulf %unpack3A_609, %unpack3A_609 : vector<16xf32>
      %add3A_614 = arith.addf %add3A_594, %mul3A_613 : vector<16xf32>
      %mul3A_615 = arith.mulf %unpack3A_610, %unpack3A_610 : vector<16xf32>
      %add3A_616 = arith.addf %add3A_596, %mul3A_615 : vector<16xf32>
      %add3A_617 = arith.constant 8 : i32
      %add3A_618 = arith.addi %mul3A_138, %add3A_617 : i32
      %get3A_619 = arith.index_cast %add3A_618 : i32 to index
      %get3A_620 = arith.constant 32 : index
      %get3A_621 = tpu.vector_load %arg13[%get3A_619, %get3A_620] {strides = array<i32>} : memref<128x64xbf16, #tpu.memory_space<vmem>>, vector<32xbf16>,
      %add3A_622 = arith.constant 8 : i32
      %add3A_623 = arith.addi %mul3A_138, %add3A_622 : i32
      %get3A_624 = arith.index_cast %add3A_623 : i32 to index
      %get3A_625 = arith.constant 32 : index
      %get3A_626 = tpu.vector_load %arg15[%get3A_624, %get3A_625] {strides = array<i32>} : memref<128x64xbf16, #tpu.memory_space<vmem>>, vector<32xbf16>,
      %add3A_627 = arith.addf %get3A_621, %get3A_626 : vector<32xbf16>
      %max3A_628 = arith.maximumf %max3A_608, %add3A_627 : vector<32xbf16>
      %unpack3A_629 = tpu.unpack_subelements %add3A_627, 0 {pack_format = #tpu.pack_format<interleaved>} : vector<32xbf16> -> vector<16xf32>
      %unpack3A_630 = tpu.unpack_subelements %add3A_627, 1 {pack_format = #tpu.pack_format<interleaved>} : vector<32xbf16> -> vector<16xf32>
      %add3A_631 = arith.addf %add3A_611, %unpack3A_629 : vector<16xf32>
      %add3A_632 = arith.addf %add3A_612, %unpack3A_630 : vector<16xf32>
      %mul3A_633 = arith.mulf %unpack3A_629, %unpack3A_629 : vector<16xf32>
      %add3A_634 = arith.addf %add3A_614, %mul3A_633 : vector<16xf32>
      %mul3A_635 = arith.mulf %unpack3A_630, %unpack3A_630 : vector<16xf32>
      %add3A_636 = arith.addf %add3A_616, %mul3A_635 : vector<16xf32>
      %add3A_637 = arith.constant 9 : i32
      %add3A_638 = arith.addi %mul3A_138, %add3A_637 : i32
      %get3A_639 = arith.index_cast %add3A_638 : i32 to index
      %get3A_640 = arith.constant 32 : index
      %get3A_641 = tpu.vector_load %arg13[%get3A_639, %get3A_640] {strides = array<i32>} : memref<128x64xbf16, #tpu.memory_space<vmem>>, vector<32xbf16>,
      %add3A_642 = arith.constant 9 : i32
      %add3A_643 = arith.addi %mul3A_138, %add3A_642 : i32
      %get3A_644 = arith.index_cast %add3A_643 : i32 to index
      %get3A_645 = arith.constant 32 : index
      %get3A_646 = tpu.vector_load %arg15[%get3A_644, %get3A_645] {strides = array<i32>} : memref<128x64xbf16, #tpu.memory_space<vmem>>, vector<32xbf16>,
      %add3A_647 = arith.addf %get3A_641, %get3A_646 : vector<32xbf16>
      %max3A_648 = arith.maximumf %max3A_628, %add3A_647 : vector<32xbf16>
      %unpack3A_649 = tpu.unpack_subelements %add3A_647, 0 {pack_format = #tpu.pack_format<interleaved>} : vector<32xbf16> -> vector<16xf32>
      %unpack3A_650 = tpu.unpack_subelements %add3A_647, 1 {pack_format = #tpu.pack_format<interleaved>} : vector<32xbf16> -> vector<16xf32>
      %add3A_651 = arith.addf %add3A_631, %unpack3A_649 : vector<16xf32>
      %add3A_652 = arith.addf %add3A_632, %unpack3A_650 : vector<16xf32>
      %mul3A_653 = arith.mulf %unpack3A_649, %unpack3A_649 : vector<16xf32>
      %add3A_654 = arith.addf %add3A_634, %mul3A_653 : vector<16xf32>
      %mul3A_655 = arith.mulf %unpack3A_650, %unpack3A_650 : vector<16xf32>
      %add3A_656 = arith.addf %add3A_636, %mul3A_655 : vector<16xf32>
      %add3A_657 = arith.constant 10 : i32
      %add3A_658 = arith.addi %mul3A_138, %add3A_657 : i32
      %get3A_659 = arith.index_cast %add3A_658 : i32 to index
      %get3A_660 = arith.constant 32 : index
      %get3A_661 = tpu.vector_load %arg13[%get3A_659, %get3A_660] {strides = array<i32>} : memref<128x64xbf16, #tpu.memory_space<vmem>>, vector<32xbf16>,
      %add3A_662 = arith.constant 10 : i32
      %add3A_663 = arith.addi %mul3A_138, %add3A_662 : i32
      %get3A_664 = arith.index_cast %add3A_663 : i32 to index
      %get3A_665 = arith.constant 32 : index
      %get3A_666 = tpu.vector_load %arg15[%get3A_664, %get3A_665] {strides = array<i32>} : memref<128x64xbf16, #tpu.memory_space<vmem>>, vector<32xbf16>,
      %add3A_667 = arith.addf %get3A_661, %get3A_666 : vector<32xbf16>
      %max3A_668 = arith.maximumf %max3A_648, %add3A_667 : vector<32xbf16>
      %unpack3A_669 = tpu.unpack_subelements %add3A_667, 0 {pack_format = #tpu.pack_format<interleaved>} : vector<32xbf16> -> vector<16xf32>
      %unpack3A_670 = tpu.unpack_subelements %add3A_667, 1 {pack_format = #tpu.pack_format<interleaved>} : vector<32xbf16> -> vector<16xf32>
      %add3A_671 = arith.addf %add3A_651, %unpack3A_669 : vector<16xf32>
      %add3A_672 = arith.addf %add3A_652, %unpack3A_670 : vector<16xf32>
      %mul3A_673 = arith.mulf %unpack3A_669, %unpack3A_669 : vector<16xf32>
      %add3A_674 = arith.addf %add3A_654, %mul3A_673 : vector<16xf32>
      %mul3A_675 = arith.mulf %unpack3A_670, %unpack3A_670 : vector<16xf32>
      %add3A_676 = arith.addf %add3A_656, %mul3A_675 : vector<16xf32>
      %add3A_677 = arith.constant 11 : i32
      %add3A_678 = arith.addi %mul3A_138, %add3A_677 : i32
      %get3A_679 = arith.index_cast %add3A_678 : i32 to index
      %get3A_680 = arith.constant 32 : index
      %get3A_681 = tpu.vector_load %arg13[%get3A_679, %get3A_680] {strides = array<i32>} : memref<128x64xbf16, #tpu.memory_space<vmem>>, vector<32xbf16>,
      %add3A_682 = arith.constant 11 : i32
      %add3A_683 = arith.addi %mul3A_138, %add3A_682 : i32
      %get3A_684 = arith.index_cast %add3A_683 : i32 to index
      %get3A_685 = arith.constant 32 : index
      %get3A_686 = tpu.vector_load %arg15[%get3A_684, %get3A_685] {strides = array<i32>} : memref<128x64xbf16, #tpu.memory_space<vmem>>, vector<32xbf16>,
      %add3A_687 = arith.addf %get3A_681, %get3A_686 : vector<32xbf16>
      %max3A_688 = arith.maximumf %max3A_668, %add3A_687 : vector<32xbf16>
      %unpack3A_689 = tpu.unpack_subelements %add3A_687, 0 {pack_format = #tpu.pack_format<interleaved>} : vector<32xbf16> -> vector<16xf32>
      %unpack3A_690 = tpu.unpack_subelements %add3A_687, 1 {pack_format = #tpu.pack_format<interleaved>} : vector<32xbf16> -> vector<16xf32>
      %add3A_691 = arith.addf %add3A_671, %unpack3A_689 : vector<16xf32>
      %add3A_692 = arith.addf %add3A_672, %unpack3A_690 : vector<16xf32>
      %mul3A_693 = arith.mulf %unpack3A_689, %unpack3A_689 : vector<16xf32>
      %add3A_694 = arith.addf %add3A_674, %mul3A_693 : vector<16xf32>
      %mul3A_695 = arith.mulf %unpack3A_690, %unpack3A_690 : vector<16xf32>
      %add3A_696 = arith.addf %add3A_676, %mul3A_695 : vector<16xf32>
      %add3A_697 = arith.constant 12 : i32
      %add3A_698 = arith.addi %mul3A_138, %add3A_697 : i32
      %get3A_699 = arith.index_cast %add3A_698 : i32 to index
      %get3A_700 = arith.constant 32 : index
      %get3A_701 = tpu.vector_load %arg13[%get3A_699, %get3A_700] {strides = array<i32>} : memref<128x64xbf16, #tpu.memory_space<vmem>>, vector<32xbf16>,
      %add3A_702 = arith.constant 12 : i32
      %add3A_703 = arith.addi %mul3A_138, %add3A_702 : i32
      %get3A_704 = arith.index_cast %add3A_703 : i32 to index
      %get3A_705 = arith.constant 32 : index
      %get3A_706 = tpu.vector_load %arg15[%get3A_704, %get3A_705] {strides = array<i32>} : memref<128x64xbf16, #tpu.memory_space<vmem>>, vector<32xbf16>,
      %add3A_707 = arith.addf %get3A_701, %get3A_706 : vector<32xbf16>
      %max3A_708 = arith.maximumf %max3A_688, %add3A_707 : vector<32xbf16>
      %unpack3A_709 = tpu.unpack_subelements %add3A_707, 0 {pack_format = #tpu.pack_format<interleaved>} : vector<32xbf16> -> vector<16xf32>
      %unpack3A_710 = tpu.unpack_subelements %add3A_707, 1 {pack_format = #tpu.pack_format<interleaved>} : vector<32xbf16> -> vector<16xf32>
      %add3A_711 = arith.addf %add3A_691, %unpack3A_709 : vector<16xf32>
      %add3A_712 = arith.addf %add3A_692, %unpack3A_710 : vector<16xf32>
      %mul3A_713 = arith.mulf %unpack3A_709, %unpack3A_709 : vector<16xf32>
      %add3A_714 = arith.addf %add3A_694, %mul3A_713 : vector<16xf32>
      %mul3A_715 = arith.mulf %unpack3A_710, %unpack3A_710 : vector<16xf32>
      %add3A_716 = arith.addf %add3A_696, %mul3A_715 : vector<16xf32>
      %add3A_717 = arith.constant 13 : i32
      %add3A_718 = arith.addi %mul3A_138, %add3A_717 : i32
      %get3A_719 = arith.index_cast %add3A_718 : i32 to index
      %get3A_720 = arith.constant 32 : index
      %get3A_721 = tpu.vector_load %arg13[%get3A_719, %get3A_720] {strides = array<i32>} : memref<128x64xbf16, #tpu.memory_space<vmem>>, vector<32xbf16>,
      %add3A_722 = arith.constant 13 : i32
      %add3A_723 = arith.addi %mul3A_138, %add3A_722 : i32
      %get3A_724 = arith.index_cast %add3A_723 : i32 to index
      %get3A_725 = arith.constant 32 : index
      %get3A_726 = tpu.vector_load %arg15[%get3A_724, %get3A_725] {strides = array<i32>} : memref<128x64xbf16, #tpu.memory_space<vmem>>, vector<32xbf16>,
      %add3A_727 = arith.addf %get3A_721, %get3A_726 : vector<32xbf16>
      %max3A_728 = arith.maximumf %max3A_708, %add3A_727 : vector<32xbf16>
      %unpack3A_729 = tpu.unpack_subelements %add3A_727, 0 {pack_format = #tpu.pack_format<interleaved>} : vector<32xbf16> -> vector<16xf32>
      %unpack3A_730 = tpu.unpack_subelements %add3A_727, 1 {pack_format = #tpu.pack_format<interleaved>} : vector<32xbf16> -> vector<16xf32>
      %add3A_731 = arith.addf %add3A_711, %unpack3A_729 : vector<16xf32>
      %add3A_732 = arith.addf %add3A_712, %unpack3A_730 : vector<16xf32>
      %mul3A_733 = arith.mulf %unpack3A_729, %unpack3A_729 : vector<16xf32>
      %add3A_734 = arith.addf %add3A_714, %mul3A_733 : vector<16xf32>
      %mul3A_735 = arith.mulf %unpack3A_730, %unpack3A_730 : vector<16xf32>
      %add3A_736 = arith.addf %add3A_716, %mul3A_735 : vector<16xf32>
      %add3A_737 = arith.constant 14 : i32
      %add3A_738 = arith.addi %mul3A_138, %add3A_737 : i32
      %get3A_739 = arith.index_cast %add3A_738 : i32 to index
      %get3A_740 = arith.constant 32 : index
      %get3A_741 = tpu.vector_load %arg13[%get3A_739, %get3A_740] {strides = array<i32>} : memref<128x64xbf16, #tpu.memory_space<vmem>>, vector<32xbf16>,
      %add3A_742 = arith.constant 14 : i32
      %add3A_743 = arith.addi %mul3A_138, %add3A_742 : i32
      %get3A_744 = arith.index_cast %add3A_743 : i32 to index
      %get3A_745 = arith.constant 32 : index
      %get3A_746 = tpu.vector_load %arg15[%get3A_744, %get3A_745] {strides = array<i32>} : memref<128x64xbf16, #tpu.memory_space<vmem>>, vector<32xbf16>,
      %add3A_747 = arith.addf %get3A_741, %get3A_746 : vector<32xbf16>
      %max3A_748 = arith.maximumf %max3A_728, %add3A_747 : vector<32xbf16>
      %unpack3A_749 = tpu.unpack_subelements %add3A_747, 0 {pack_format = #tpu.pack_format<interleaved>} : vector<32xbf16> -> vector<16xf32>
      %unpack3A_750 = tpu.unpack_subelements %add3A_747, 1 {pack_format = #tpu.pack_format<interleaved>} : vector<32xbf16> -> vector<16xf32>
      %add3A_751 = arith.addf %add3A_731, %unpack3A_749 : vector<16xf32>
      %add3A_752 = arith.addf %add3A_732, %unpack3A_750 : vector<16xf32>
      %mul3A_753 = arith.mulf %unpack3A_749, %unpack3A_749 : vector<16xf32>
      %add3A_754 = arith.addf %add3A_734, %mul3A_753 : vector<16xf32>
      %mul3A_755 = arith.mulf %unpack3A_750, %unpack3A_750 : vector<16xf32>
      %add3A_756 = arith.addf %add3A_736, %mul3A_755 : vector<16xf32>
      %add3A_757 = arith.constant 15 : i32
      %add3A_758 = arith.addi %mul3A_138, %add3A_757 : i32
      %get3A_759 = arith.index_cast %add3A_758 : i32 to index
      %get3A_760 = arith.constant 32 : index
      %get3A_761 = tpu.vector_load %arg13[%get3A_759, %get3A_760] {strides = array<i32>} : memref<128x64xbf16, #tpu.memory_space<vmem>>, vector<32xbf16>,
      %add3A_762 = arith.constant 15 : i32
      %add3A_763 = arith.addi %mul3A_138, %add3A_762 : i32
      %get3A_764 = arith.index_cast %add3A_763 : i32 to index
      %get3A_765 = arith.constant 32 : index
      %get3A_766 = tpu.vector_load %arg15[%get3A_764, %get3A_765] {strides = array<i32>} : memref<128x64xbf16, #tpu.memory_space<vmem>>, vector<32xbf16>,
      %add3A_767 = arith.addf %get3A_761, %get3A_766 : vector<32xbf16>
      %max3A_768 = arith.maximumf %max3A_748, %add3A_767 : vector<32xbf16>
      %unpack3A_769 = tpu.unpack_subelements %add3A_767, 0 {pack_format = #tpu.pack_format<interleaved>} : vector<32xbf16> -> vector<16xf32>
      %unpack3A_770 = tpu.unpack_subelements %add3A_767, 1 {pack_format = #tpu.pack_format<interleaved>} : vector<32xbf16> -> vector<16xf32>
      %add3A_771 = arith.addf %add3A_751, %unpack3A_769 : vector<16xf32>
      %add3A_772 = arith.addf %add3A_752, %unpack3A_770 : vector<16xf32>
      %mul3A_773 = arith.mulf %unpack3A_769, %unpack3A_769 : vector<16xf32>
      %add3A_774 = arith.addf %add3A_754, %mul3A_773 : vector<16xf32>
      %mul3A_775 = arith.mulf %unpack3A_770, %unpack3A_770 : vector<16xf32>
      %add3A_776 = arith.addf %add3A_756, %mul3A_775 : vector<16xf32>
      %swap3A_777 = arith.index_cast %scan3A_128 : i32 to index
      %swap3A_778 = arith.constant 32 : index
      %swap3A_779 = tpu.vector_load %arg17[%swap3A_777, %swap3A_778] {strides = array<i32>} : memref<8x64xbf16, #tpu.memory_space<vmem>>, vector<32xbf16>,
      tpu.vector_store %arg17[%swap3A_777, %swap3A_778], %max3A_768 {strides = array<i32>} : memref<8x64xbf16, #tpu.memory_space<vmem>>, vector<32xbf16>,
      scf.yield %add3A_449, %add3A_450, %add3A_771, %add3A_772, %add3A_452, %add3A_454, %add3A_774, %add3A_776 : vector<16xf32>, vector<16xf32>, vector<16xf32>, vector<16xf32>, vector<16xf32>, vector<16xf32>, vector<16xf32>, vector<16xf32>
    }
    %scan3A_72 = arith.constant 8 : i32
    %add3A_73 = arith.constant 8 : i32
    %add3A_74 = arith.addi %add3A_73, %mul3A_4 : i32
    %add3A_75 = arith.constant 1552 : i32
    %add3A_76 = arith.addi %add3A_74, %add3A_75 : i32
    %dma_start3A_77 = arith.constant 0 : i32
    %dma_start3A_78 = tpu.memref_slice %arg6[%add3A_76, %dma_start3A_77] : memref<51216x64xbf16, #tpu.memory_space<hbm>> -> memref<8x64xbf16, #tpu.memory_space<hbm>>
    %dma_start3A_79 = arith.constant 0 : i32
    %dma_start3A_80 = tpu.memref_slice %arg6[%add3A_76, %dma_start3A_79] : memref<51216x64xbf16, #tpu.memory_space<hbm>> -> memref<8x64xbf16, #tpu.memory_space<hbm>>
    tpu.enqueue_dma source(%arg17 : memref<8x64xbf16, #tpu.memory_space<vmem>>) target(%dma_start3A_80 : memref<8x64xbf16, #tpu.memory_space<hbm>>) target_semaphore(%arg29 : memref<!tpu.dma_semaphore, #tpu.memory_space<semaphore_mem>>)
    %dma_wait3A_81 = arith.constant 0 : i32
    %dma_wait3A_82 = arith.constant 0 : i32
    %dma_wait3A_83 = tpu.memref_slice %arg2[%dma_wait3A_81, %dma_wait3A_82] : memref<50176x64xbf16, #tpu.memory_space<hbm>> -> memref<50176x64xbf16, #tpu.memory_space<hbm>>
    tpu.wait_indirect_dma semaphore(%arg26 : memref<!tpu.dma_semaphore, #tpu.memory_space<semaphore_mem>>) src(%dma_wait3A_83 : memref<50176x64xbf16, #tpu.memory_space<hbm>>) dst(%arg14 : memref<128x64xbf16, #tpu.memory_space<vmem>>)
    %dma_wait3A_84 = arith.constant 0 : i32
    %dma_wait3A_85 = arith.constant 0 : i32
    %dma_wait3A_86 = tpu.memref_slice %arg3[%dma_wait3A_84, %dma_wait3A_85] : memref<50176x64xbf16, #tpu.memory_space<hbm>> -> memref<50176x64xbf16, #tpu.memory_space<hbm>>
    tpu.wait_indirect_dma semaphore(%arg28 : memref<!tpu.dma_semaphore, #tpu.memory_space<semaphore_mem>>) src(%dma_wait3A_86 : memref<50176x64xbf16, #tpu.memory_space<hbm>>) dst(%arg16 : memref<128x64xbf16, #tpu.memory_space<vmem>>)
    %scan3A_87 = arith.constant 0 : i32
    %scan3A_88 = arith.constant 8 : i32
    %scan3A_89 = arith.addi %scan3A_87, %scan3A_88 : i32
    %scan3A_90 = arith.constant 1 : i32
    %scan3A_91:8 = scf.for %scan3A_128 = %scan3A_87 to %scan3A_89 step %scan3A_90 iter_args(%scan3A_129 = %scan3A_71#0, %scan3A_130 = %scan3A_71#1, %scan3A_131 = %scan3A_71#2, %scan3A_132 = %scan3A_71#3, %scan3A_133 = %scan3A_71#4, %scan3A_134 = %scan3A_71#5, %scan3A_135 = %scan3A_71#6, %scan3A_136 = %scan3A_71#7) -> (vector<16xf32>, vector<16xf32>, vector<16xf32>, vector<16xf32>, vector<16xf32>, vector<16xf32>, vector<16xf32>, vector<16xf32>)  : i32 {
      %mul3A_137 = arith.constant 16 : i32
      %mul3A_138 = arith.muli %scan3A_128, %mul3A_137 : i32
      %add3A_139 = arith.constant 0 : i32
      %add3A_140 = arith.addi %mul3A_138, %add3A_139 : i32
      %get3A = arith.index_cast %add3A_140 : i32 to index
      %get3A_141 = arith.constant 0 : index
      %get3A_142 = tpu.vector_load %arg14[%get3A, %get3A_141] {strides = array<i32>} : memref<128x64xbf16, #tpu.memory_space<vmem>>, vector<32xbf16>,
      %add3A_143 = arith.constant 0 : i32
      %add3A_144 = arith.addi %mul3A_138, %add3A_143 : i32
      %get3A_145 = arith.index_cast %add3A_144 : i32 to index
      %get3A_146 = arith.constant 0 : index
      %get3A_147 = tpu.vector_load %arg16[%get3A_145, %get3A_146] {strides = array<i32>} : memref<128x64xbf16, #tpu.memory_space<vmem>>, vector<32xbf16>,
      %add3A_148 = arith.addf %get3A_142, %get3A_147 : vector<32xbf16>
      %unpack3A = tpu.unpack_subelements %add3A_148, 0 {pack_format = #tpu.pack_format<interleaved>} : vector<32xbf16> -> vector<16xf32>
      %unpack3A_149 = tpu.unpack_subelements %add3A_148, 1 {pack_format = #tpu.pack_format<interleaved>} : vector<32xbf16> -> vector<16xf32>
      %add3A_150 = arith.addf %scan3A_129, %unpack3A : vector<16xf32>
      %add3A_151 = arith.addf %scan3A_130, %unpack3A_149 : vector<16xf32>
      %mul3A_152 = arith.mulf %unpack3A, %unpack3A : vector<16xf32>
      %add3A_153 = arith.addf %scan3A_133, %mul3A_152 : vector<16xf32>
      %mul3A_154 = arith.mulf %unpack3A_149, %unpack3A_149 : vector<16xf32>
      %add3A_155 = arith.addf %scan3A_134, %mul3A_154 : vector<16xf32>
      %add3A_156 = arith.constant 1 : i32
      %add3A_157 = arith.addi %mul3A_138, %add3A_156 : i32
      %get3A_158 = arith.index_cast %add3A_157 : i32 to index
      %get3A_159 = arith.constant 0 : index
      %get3A_160 = tpu.vector_load %arg14[%get3A_158, %get3A_159] {strides = array<i32>} : memref<128x64xbf16, #tpu.memory_space<vmem>>, vector<32xbf16>,
      %add3A_161 = arith.constant 1 : i32
      %add3A_162 = arith.addi %mul3A_138, %add3A_161 : i32
      %get3A_163 = arith.index_cast %add3A_162 : i32 to index
      %get3A_164 = arith.constant 0 : index
      %get3A_165 = tpu.vector_load %arg16[%get3A_163, %get3A_164] {strides = array<i32>} : memref<128x64xbf16, #tpu.memory_space<vmem>>, vector<32xbf16>,
      %add3A_166 = arith.addf %get3A_160, %get3A_165 : vector<32xbf16>
      %max3A = arith.maximumf %add3A_148, %add3A_166 : vector<32xbf16>
      %unpack3A_167 = tpu.unpack_subelements %add3A_166, 0 {pack_format = #tpu.pack_format<interleaved>} : vector<32xbf16> -> vector<16xf32>
      %unpack3A_168 = tpu.unpack_subelements %add3A_166, 1 {pack_format = #tpu.pack_format<interleaved>} : vector<32xbf16> -> vector<16xf32>
      %add3A_169 = arith.addf %add3A_150, %unpack3A_167 : vector<16xf32>
      %add3A_170 = arith.addf %add3A_151, %unpack3A_168 : vector<16xf32>
      %mul3A_171 = arith.mulf %unpack3A_167, %unpack3A_167 : vector<16xf32>
      %add3A_172 = arith.addf %add3A_153, %mul3A_171 : vector<16xf32>
      %mul3A_173 = arith.mulf %unpack3A_168, %unpack3A_168 : vector<16xf32>
      %add3A_174 = arith.addf %add3A_155, %mul3A_173 : vector<16xf32>
      %add3A_175 = arith.constant 2 : i32
      %add3A_176 = arith.addi %mul3A_138, %add3A_175 : i32
      %get3A_177 = arith.index_cast %add3A_176 : i32 to index
      %get3A_178 = arith.constant 0 : index
      %get3A_179 = tpu.vector_load %arg14[%get3A_177, %get3A_178] {strides = array<i32>} : memref<128x64xbf16, #tpu.memory_space<vmem>>, vector<32xbf16>,
      %add3A_180 = arith.constant 2 : i32
      %add3A_181 = arith.addi %mul3A_138, %add3A_180 : i32
      %get3A_182 = arith.index_cast %add3A_181 : i32 to index
      %get3A_183 = arith.constant 0 : index
      %get3A_184 = tpu.vector_load %arg16[%get3A_182, %get3A_183] {strides = array<i32>} : memref<128x64xbf16, #tpu.memory_space<vmem>>, vector<32xbf16>,
      %add3A_185 = arith.addf %get3A_179, %get3A_184 : vector<32xbf16>
      %max3A_186 = arith.maximumf %max3A, %add3A_185 : vector<32xbf16>
      %unpack3A_187 = tpu.unpack_subelements %add3A_185, 0 {pack_format = #tpu.pack_format<interleaved>} : vector<32xbf16> -> vector<16xf32>
      %unpack3A_188 = tpu.unpack_subelements %add3A_185, 1 {pack_format = #tpu.pack_format<interleaved>} : vector<32xbf16> -> vector<16xf32>
      %add3A_189 = arith.addf %add3A_169, %unpack3A_187 : vector<16xf32>
      %add3A_190 = arith.addf %add3A_170, %unpack3A_188 : vector<16xf32>
      %mul3A_191 = arith.mulf %unpack3A_187, %unpack3A_187 : vector<16xf32>
      %add3A_192 = arith.addf %add3A_172, %mul3A_191 : vector<16xf32>
      %mul3A_193 = arith.mulf %unpack3A_188, %unpack3A_188 : vector<16xf32>
      %add3A_194 = arith.addf %add3A_174, %mul3A_193 : vector<16xf32>
      %add3A_195 = arith.constant 3 : i32
      %add3A_196 = arith.addi %mul3A_138, %add3A_195 : i32
      %get3A_197 = arith.index_cast %add3A_196 : i32 to index
      %get3A_198 = arith.constant 0 : index
      %get3A_199 = tpu.vector_load %arg14[%get3A_197, %get3A_198] {strides = array<i32>} : memref<128x64xbf16, #tpu.memory_space<vmem>>, vector<32xbf16>,
      %add3A_200 = arith.constant 3 : i32
      %add3A_201 = arith.addi %mul3A_138, %add3A_200 : i32
      %get3A_202 = arith.index_cast %add3A_201 : i32 to index
      %get3A_203 = arith.constant 0 : index
      %get3A_204 = tpu.vector_load %arg16[%get3A_202, %get3A_203] {strides = array<i32>} : memref<128x64xbf16, #tpu.memory_space<vmem>>, vector<32xbf16>,
      %add3A_205 = arith.addf %get3A_199, %get3A_204 : vector<32xbf16>
      %max3A_206 = arith.maximumf %max3A_186, %add3A_205 : vector<32xbf16>
      %unpack3A_207 = tpu.unpack_subelements %add3A_205, 0 {pack_format = #tpu.pack_format<interleaved>} : vector<32xbf16> -> vector<16xf32>
      %unpack3A_208 = tpu.unpack_subelements %add3A_205, 1 {pack_format = #tpu.pack_format<interleaved>} : vector<32xbf16> -> vector<16xf32>
      %add3A_209 = arith.addf %add3A_189, %unpack3A_207 : vector<16xf32>
      %add3A_210 = arith.addf %add3A_190, %unpack3A_208 : vector<16xf32>
      %mul3A_211 = arith.mulf %unpack3A_207, %unpack3A_207 : vector<16xf32>
      %add3A_212 = arith.addf %add3A_192, %mul3A_211 : vector<16xf32>
      %mul3A_213 = arith.mulf %unpack3A_208, %unpack3A_208 : vector<16xf32>
      %add3A_214 = arith.addf %add3A_194, %mul3A_213 : vector<16xf32>
      %add3A_215 = arith.constant 4 : i32
      %add3A_216 = arith.addi %mul3A_138, %add3A_215 : i32
      %get3A_217 = arith.index_cast %add3A_216 : i32 to index
      %get3A_218 = arith.constant 0 : index
      %get3A_219 = tpu.vector_load %arg14[%get3A_217, %get3A_218] {strides = array<i32>} : memref<128x64xbf16, #tpu.memory_space<vmem>>, vector<32xbf16>,
      %add3A_220 = arith.constant 4 : i32
      %add3A_221 = arith.addi %mul3A_138, %add3A_220 : i32
      %get3A_222 = arith.index_cast %add3A_221 : i32 to index
      %get3A_223 = arith.constant 0 : index
      %get3A_224 = tpu.vector_load %arg16[%get3A_222, %get3A_223] {strides = array<i32>} : memref<128x64xbf16, #tpu.memory_space<vmem>>, vector<32xbf16>,
      %add3A_225 = arith.addf %get3A_219, %get3A_224 : vector<32xbf16>
      %max3A_226 = arith.maximumf %max3A_206, %add3A_225 : vector<32xbf16>
      %unpack3A_227 = tpu.unpack_subelements %add3A_225, 0 {pack_format = #tpu.pack_format<interleaved>} : vector<32xbf16> -> vector<16xf32>
      %unpack3A_228 = tpu.unpack_subelements %add3A_225, 1 {pack_format = #tpu.pack_format<interleaved>} : vector<32xbf16> -> vector<16xf32>
      %add3A_229 = arith.addf %add3A_209, %unpack3A_227 : vector<16xf32>
      %add3A_230 = arith.addf %add3A_210, %unpack3A_228 : vector<16xf32>
      %mul3A_231 = arith.mulf %unpack3A_227, %unpack3A_227 : vector<16xf32>
      %add3A_232 = arith.addf %add3A_212, %mul3A_231 : vector<16xf32>
      %mul3A_233 = arith.mulf %unpack3A_228, %unpack3A_228 : vector<16xf32>
      %add3A_234 = arith.addf %add3A_214, %mul3A_233 : vector<16xf32>
      %add3A_235 = arith.constant 5 : i32
      %add3A_236 = arith.addi %mul3A_138, %add3A_235 : i32
      %get3A_237 = arith.index_cast %add3A_236 : i32 to index
      %get3A_238 = arith.constant 0 : index
      %get3A_239 = tpu.vector_load %arg14[%get3A_237, %get3A_238] {strides = array<i32>} : memref<128x64xbf16, #tpu.memory_space<vmem>>, vector<32xbf16>,
      %add3A_240 = arith.constant 5 : i32
      %add3A_241 = arith.addi %mul3A_138, %add3A_240 : i32
      %get3A_242 = arith.index_cast %add3A_241 : i32 to index
      %get3A_243 = arith.constant 0 : index
      %get3A_244 = tpu.vector_load %arg16[%get3A_242, %get3A_243] {strides = array<i32>} : memref<128x64xbf16, #tpu.memory_space<vmem>>, vector<32xbf16>,
      %add3A_245 = arith.addf %get3A_239, %get3A_244 : vector<32xbf16>
      %max3A_246 = arith.maximumf %max3A_226, %add3A_245 : vector<32xbf16>
      %unpack3A_247 = tpu.unpack_subelements %add3A_245, 0 {pack_format = #tpu.pack_format<interleaved>} : vector<32xbf16> -> vector<16xf32>
      %unpack3A_248 = tpu.unpack_subelements %add3A_245, 1 {pack_format = #tpu.pack_format<interleaved>} : vector<32xbf16> -> vector<16xf32>
      %add3A_249 = arith.addf %add3A_229, %unpack3A_247 : vector<16xf32>
      %add3A_250 = arith.addf %add3A_230, %unpack3A_248 : vector<16xf32>
      %mul3A_251 = arith.mulf %unpack3A_247, %unpack3A_247 : vector<16xf32>
      %add3A_252 = arith.addf %add3A_232, %mul3A_251 : vector<16xf32>
      %mul3A_253 = arith.mulf %unpack3A_248, %unpack3A_248 : vector<16xf32>
      %add3A_254 = arith.addf %add3A_234, %mul3A_253 : vector<16xf32>
      %add3A_255 = arith.constant 6 : i32
      %add3A_256 = arith.addi %mul3A_138, %add3A_255 : i32
      %get3A_257 = arith.index_cast %add3A_256 : i32 to index
      %get3A_258 = arith.constant 0 : index
      %get3A_259 = tpu.vector_load %arg14[%get3A_257, %get3A_258] {strides = array<i32>} : memref<128x64xbf16, #tpu.memory_space<vmem>>, vector<32xbf16>,
      %add3A_260 = arith.constant 6 : i32
      %add3A_261 = arith.addi %mul3A_138, %add3A_260 : i32
      %get3A_262 = arith.index_cast %add3A_261 : i32 to index
      %get3A_263 = arith.constant 0 : index
      %get3A_264 = tpu.vector_load %arg16[%get3A_262, %get3A_263] {strides = array<i32>} : memref<128x64xbf16, #tpu.memory_space<vmem>>, vector<32xbf16>,
      %add3A_265 = arith.addf %get3A_259, %get3A_264 : vector<32xbf16>
      %max3A_266 = arith.maximumf %max3A_246, %add3A_265 : vector<32xbf16>
      %unpack3A_267 = tpu.unpack_subelements %add3A_265, 0 {pack_format = #tpu.pack_format<interleaved>} : vector<32xbf16> -> vector<16xf32>
      %unpack3A_268 = tpu.unpack_subelements %add3A_265, 1 {pack_format = #tpu.pack_format<interleaved>} : vector<32xbf16> -> vector<16xf32>
      %add3A_269 = arith.addf %add3A_249, %unpack3A_267 : vector<16xf32>
      %add3A_270 = arith.addf %add3A_250, %unpack3A_268 : vector<16xf32>
      %mul3A_271 = arith.mulf %unpack3A_267, %unpack3A_267 : vector<16xf32>
      %add3A_272 = arith.addf %add3A_252, %mul3A_271 : vector<16xf32>
      %mul3A_273 = arith.mulf %unpack3A_268, %unpack3A_268 : vector<16xf32>
      %add3A_274 = arith.addf %add3A_254, %mul3A_273 : vector<16xf32>
      %add3A_275 = arith.constant 7 : i32
      %add3A_276 = arith.addi %mul3A_138, %add3A_275 : i32
      %get3A_277 = arith.index_cast %add3A_276 : i32 to index
      %get3A_278 = arith.constant 0 : index
      %get3A_279 = tpu.vector_load %arg14[%get3A_277, %get3A_278] {strides = array<i32>} : memref<128x64xbf16, #tpu.memory_space<vmem>>, vector<32xbf16>,
      %add3A_280 = arith.constant 7 : i32
      %add3A_281 = arith.addi %mul3A_138, %add3A_280 : i32
      %get3A_282 = arith.index_cast %add3A_281 : i32 to index
      %get3A_283 = arith.constant 0 : index
      %get3A_284 = tpu.vector_load %arg16[%get3A_282, %get3A_283] {strides = array<i32>} : memref<128x64xbf16, #tpu.memory_space<vmem>>, vector<32xbf16>,
      %add3A_285 = arith.addf %get3A_279, %get3A_284 : vector<32xbf16>
      %max3A_286 = arith.maximumf %max3A_266, %add3A_285 : vector<32xbf16>
      %unpack3A_287 = tpu.unpack_subelements %add3A_285, 0 {pack_format = #tpu.pack_format<interleaved>} : vector<32xbf16> -> vector<16xf32>
      %unpack3A_288 = tpu.unpack_subelements %add3A_285, 1 {pack_format = #tpu.pack_format<interleaved>} : vector<32xbf16> -> vector<16xf32>
      %add3A_289 = arith.addf %add3A_269, %unpack3A_287 : vector<16xf32>
      %add3A_290 = arith.addf %add3A_270, %unpack3A_288 : vector<16xf32>
      %mul3A_291 = arith.mulf %unpack3A_287, %unpack3A_287 : vector<16xf32>
      %add3A_292 = arith.addf %add3A_272, %mul3A_291 : vector<16xf32>
      %mul3A_293 = arith.mulf %unpack3A_288, %unpack3A_288 : vector<16xf32>
      %add3A_294 = arith.addf %add3A_274, %mul3A_293 : vector<16xf32>
      %add3A_295 = arith.constant 8 : i32
      %add3A_296 = arith.addi %mul3A_138, %add3A_295 : i32
      %get3A_297 = arith.index_cast %add3A_296 : i32 to index
      %get3A_298 = arith.constant 0 : index
      %get3A_299 = tpu.vector_load %arg14[%get3A_297, %get3A_298] {strides = array<i32>} : memref<128x64xbf16, #tpu.memory_space<vmem>>, vector<32xbf16>,
      %add3A_300 = arith.constant 8 : i32
      %add3A_301 = arith.addi %mul3A_138, %add3A_300 : i32
      %get3A_302 = arith.index_cast %add3A_301 : i32 to index
      %get3A_303 = arith.constant 0 : index
      %get3A_304 = tpu.vector_load %arg16[%get3A_302, %get3A_303] {strides = array<i32>} : memref<128x64xbf16, #tpu.memory_space<vmem>>, vector<32xbf16>,
      %add3A_305 = arith.addf %get3A_299, %get3A_304 : vector<32xbf16>
      %max3A_306 = arith.maximumf %max3A_286, %add3A_305 : vector<32xbf16>
      %unpack3A_307 = tpu.unpack_subelements %add3A_305, 0 {pack_format = #tpu.pack_format<interleaved>} : vector<32xbf16> -> vector<16xf32>
      %unpack3A_308 = tpu.unpack_subelements %add3A_305, 1 {pack_format = #tpu.pack_format<interleaved>} : vector<32xbf16> -> vector<16xf32>
      %add3A_309 = arith.addf %add3A_289, %unpack3A_307 : vector<16xf32>
      %add3A_310 = arith.addf %add3A_290, %unpack3A_308 : vector<16xf32>
      %mul3A_311 = arith.mulf %unpack3A_307, %unpack3A_307 : vector<16xf32>
      %add3A_312 = arith.addf %add3A_292, %mul3A_311 : vector<16xf32>
      %mul3A_313 = arith.mulf %unpack3A_308, %unpack3A_308 : vector<16xf32>
      %add3A_314 = arith.addf %add3A_294, %mul3A_313 : vector<16xf32>
      %add3A_315 = arith.constant 9 : i32
      %add3A_316 = arith.addi %mul3A_138, %add3A_315 : i32
      %get3A_317 = arith.index_cast %add3A_316 : i32 to index
      %get3A_318 = arith.constant 0 : index
      %get3A_319 = tpu.vector_load %arg14[%get3A_317, %get3A_318] {strides = array<i32>} : memref<128x64xbf16, #tpu.memory_space<vmem>>, vector<32xbf16>,
      %add3A_320 = arith.constant 9 : i32
      %add3A_321 = arith.addi %mul3A_138, %add3A_320 : i32
      %get3A_322 = arith.index_cast %add3A_321 : i32 to index
      %get3A_323 = arith.constant 0 : index
      %get3A_324 = tpu.vector_load %arg16[%get3A_322, %get3A_323] {strides = array<i32>} : memref<128x64xbf16, #tpu.memory_space<vmem>>, vector<32xbf16>,
      %add3A_325 = arith.addf %get3A_319, %get3A_324 : vector<32xbf16>
      %max3A_326 = arith.maximumf %max3A_306, %add3A_325 : vector<32xbf16>
      %unpack3A_327 = tpu.unpack_subelements %add3A_325, 0 {pack_format = #tpu.pack_format<interleaved>} : vector<32xbf16> -> vector<16xf32>
      %unpack3A_328 = tpu.unpack_subelements %add3A_325, 1 {pack_format = #tpu.pack_format<interleaved>} : vector<32xbf16> -> vector<16xf32>
      %add3A_329 = arith.addf %add3A_309, %unpack3A_327 : vector<16xf32>
      %add3A_330 = arith.addf %add3A_310, %unpack3A_328 : vector<16xf32>
      %mul3A_331 = arith.mulf %unpack3A_327, %unpack3A_327 : vector<16xf32>
      %add3A_332 = arith.addf %add3A_312, %mul3A_331 : vector<16xf32>
      %mul3A_333 = arith.mulf %unpack3A_328, %unpack3A_328 : vector<16xf32>
      %add3A_334 = arith.addf %add3A_314, %mul3A_333 : vector<16xf32>
      %add3A_335 = arith.constant 10 : i32
      %add3A_336 = arith.addi %mul3A_138, %add3A_335 : i32
      %get3A_337 = arith.index_cast %add3A_336 : i32 to index
      %get3A_338 = arith.constant 0 : index
      %get3A_339 = tpu.vector_load %arg14[%get3A_337, %get3A_338] {strides = array<i32>} : memref<128x64xbf16, #tpu.memory_space<vmem>>, vector<32xbf16>,
      %add3A_340 = arith.constant 10 : i32
      %add3A_341 = arith.addi %mul3A_138, %add3A_340 : i32
      %get3A_342 = arith.index_cast %add3A_341 : i32 to index
      %get3A_343 = arith.constant 0 : index
      %get3A_344 = tpu.vector_load %arg16[%get3A_342, %get3A_343] {strides = array<i32>} : memref<128x64xbf16, #tpu.memory_space<vmem>>, vector<32xbf16>,
      %add3A_345 = arith.addf %get3A_339, %get3A_344 : vector<32xbf16>
      %max3A_346 = arith.maximumf %max3A_326, %add3A_345 : vector<32xbf16>
      %unpack3A_347 = tpu.unpack_subelements %add3A_345, 0 {pack_format = #tpu.pack_format<interleaved>} : vector<32xbf16> -> vector<16xf32>
      %unpack3A_348 = tpu.unpack_subelements %add3A_345, 1 {pack_format = #tpu.pack_format<interleaved>} : vector<32xbf16> -> vector<16xf32>
      %add3A_349 = arith.addf %add3A_329, %unpack3A_347 : vector<16xf32>
      %add3A_350 = arith.addf %add3A_330, %unpack3A_348 : vector<16xf32>
      %mul3A_351 = arith.mulf %unpack3A_347, %unpack3A_347 : vector<16xf32>
      %add3A_352 = arith.addf %add3A_332, %mul3A_351 : vector<16xf32>
      %mul3A_353 = arith.mulf %unpack3A_348, %unpack3A_348 : vector<16xf32>
      %add3A_354 = arith.addf %add3A_334, %mul3A_353 : vector<16xf32>
      %add3A_355 = arith.constant 11 : i32
      %add3A_356 = arith.addi %mul3A_138, %add3A_355 : i32
      %get3A_357 = arith.index_cast %add3A_356 : i32 to index
      %get3A_358 = arith.constant 0 : index
      %get3A_359 = tpu.vector_load %arg14[%get3A_357, %get3A_358] {strides = array<i32>} : memref<128x64xbf16, #tpu.memory_space<vmem>>, vector<32xbf16>,
      %add3A_360 = arith.constant 11 : i32
      %add3A_361 = arith.addi %mul3A_138, %add3A_360 : i32
      %get3A_362 = arith.index_cast %add3A_361 : i32 to index
      %get3A_363 = arith.constant 0 : index
      %get3A_364 = tpu.vector_load %arg16[%get3A_362, %get3A_363] {strides = array<i32>} : memref<128x64xbf16, #tpu.memory_space<vmem>>, vector<32xbf16>,
      %add3A_365 = arith.addf %get3A_359, %get3A_364 : vector<32xbf16>
      %max3A_366 = arith.maximumf %max3A_346, %add3A_365 : vector<32xbf16>
      %unpack3A_367 = tpu.unpack_subelements %add3A_365, 0 {pack_format = #tpu.pack_format<interleaved>} : vector<32xbf16> -> vector<16xf32>
      %unpack3A_368 = tpu.unpack_subelements %add3A_365, 1 {pack_format = #tpu.pack_format<interleaved>} : vector<32xbf16> -> vector<16xf32>
      %add3A_369 = arith.addf %add3A_349, %unpack3A_367 : vector<16xf32>
      %add3A_370 = arith.addf %add3A_350, %unpack3A_368 : vector<16xf32>
      %mul3A_371 = arith.mulf %unpack3A_367, %unpack3A_367 : vector<16xf32>
      %add3A_372 = arith.addf %add3A_352, %mul3A_371 : vector<16xf32>
      %mul3A_373 = arith.mulf %unpack3A_368, %unpack3A_368 : vector<16xf32>
      %add3A_374 = arith.addf %add3A_354, %mul3A_373 : vector<16xf32>
      %add3A_375 = arith.constant 12 : i32
      %add3A_376 = arith.addi %mul3A_138, %add3A_375 : i32
      %get3A_377 = arith.index_cast %add3A_376 : i32 to index
      %get3A_378 = arith.constant 0 : index
      %get3A_379 = tpu.vector_load %arg14[%get3A_377, %get3A_378] {strides = array<i32>} : memref<128x64xbf16, #tpu.memory_space<vmem>>, vector<32xbf16>,
      %add3A_380 = arith.constant 12 : i32
      %add3A_381 = arith.addi %mul3A_138, %add3A_380 : i32
      %get3A_382 = arith.index_cast %add3A_381 : i32 to index
      %get3A_383 = arith.constant 0 : index
      %get3A_384 = tpu.vector_load %arg16[%get3A_382, %get3A_383] {strides = array<i32>} : memref<128x64xbf16, #tpu.memory_space<vmem>>, vector<32xbf16>,
      %add3A_385 = arith.addf %get3A_379, %get3A_384 : vector<32xbf16>
      %max3A_386 = arith.maximumf %max3A_366, %add3A_385 : vector<32xbf16>
      %unpack3A_387 = tpu.unpack_subelements %add3A_385, 0 {pack_format = #tpu.pack_format<interleaved>} : vector<32xbf16> -> vector<16xf32>
      %unpack3A_388 = tpu.unpack_subelements %add3A_385, 1 {pack_format = #tpu.pack_format<interleaved>} : vector<32xbf16> -> vector<16xf32>
      %add3A_389 = arith.addf %add3A_369, %unpack3A_387 : vector<16xf32>
      %add3A_390 = arith.addf %add3A_370, %unpack3A_388 : vector<16xf32>
      %mul3A_391 = arith.mulf %unpack3A_387, %unpack3A_387 : vector<16xf32>
      %add3A_392 = arith.addf %add3A_372, %mul3A_391 : vector<16xf32>
      %mul3A_393 = arith.mulf %unpack3A_388, %unpack3A_388 : vector<16xf32>
      %add3A_394 = arith.addf %add3A_374, %mul3A_393 : vector<16xf32>
      %add3A_395 = arith.constant 13 : i32
      %add3A_396 = arith.addi %mul3A_138, %add3A_395 : i32
      %get3A_397 = arith.index_cast %add3A_396 : i32 to index
      %get3A_398 = arith.constant 0 : index
      %get3A_399 = tpu.vector_load %arg14[%get3A_397, %get3A_398] {strides = array<i32>} : memref<128x64xbf16, #tpu.memory_space<vmem>>, vector<32xbf16>,
      %add3A_400 = arith.constant 13 : i32
      %add3A_401 = arith.addi %mul3A_138, %add3A_400 : i32
      %get3A_402 = arith.index_cast %add3A_401 : i32 to index
      %get3A_403 = arith.constant 0 : index
      %get3A_404 = tpu.vector_load %arg16[%get3A_402, %get3A_403] {strides = array<i32>} : memref<128x64xbf16, #tpu.memory_space<vmem>>, vector<32xbf16>,
      %add3A_405 = arith.addf %get3A_399, %get3A_404 : vector<32xbf16>
      %max3A_406 = arith.maximumf %max3A_386, %add3A_405 : vector<32xbf16>
      %unpack3A_407 = tpu.unpack_subelements %add3A_405, 0 {pack_format = #tpu.pack_format<interleaved>} : vector<32xbf16> -> vector<16xf32>
      %unpack3A_408 = tpu.unpack_subelements %add3A_405, 1 {pack_format = #tpu.pack_format<interleaved>} : vector<32xbf16> -> vector<16xf32>
      %add3A_409 = arith.addf %add3A_389, %unpack3A_407 : vector<16xf32>
      %add3A_410 = arith.addf %add3A_390, %unpack3A_408 : vector<16xf32>
      %mul3A_411 = arith.mulf %unpack3A_407, %unpack3A_407 : vector<16xf32>
      %add3A_412 = arith.addf %add3A_392, %mul3A_411 : vector<16xf32>
      %mul3A_413 = arith.mulf %unpack3A_408, %unpack3A_408 : vector<16xf32>
      %add3A_414 = arith.addf %add3A_394, %mul3A_413 : vector<16xf32>
      %add3A_415 = arith.constant 14 : i32
      %add3A_416 = arith.addi %mul3A_138, %add3A_415 : i32
      %get3A_417 = arith.index_cast %add3A_416 : i32 to index
      %get3A_418 = arith.constant 0 : index
      %get3A_419 = tpu.vector_load %arg14[%get3A_417, %get3A_418] {strides = array<i32>} : memref<128x64xbf16, #tpu.memory_space<vmem>>, vector<32xbf16>,
      %add3A_420 = arith.constant 14 : i32
      %add3A_421 = arith.addi %mul3A_138, %add3A_420 : i32
      %get3A_422 = arith.index_cast %add3A_421 : i32 to index
      %get3A_423 = arith.constant 0 : index
      %get3A_424 = tpu.vector_load %arg16[%get3A_422, %get3A_423] {strides = array<i32>} : memref<128x64xbf16, #tpu.memory_space<vmem>>, vector<32xbf16>,
      %add3A_425 = arith.addf %get3A_419, %get3A_424 : vector<32xbf16>
      %max3A_426 = arith.maximumf %max3A_406, %add3A_425 : vector<32xbf16>
      %unpack3A_427 = tpu.unpack_subelements %add3A_425, 0 {pack_format = #tpu.pack_format<interleaved>} : vector<32xbf16> -> vector<16xf32>
      %unpack3A_428 = tpu.unpack_subelements %add3A_425, 1 {pack_format = #tpu.pack_format<interleaved>} : vector<32xbf16> -> vector<16xf32>
      %add3A_429 = arith.addf %add3A_409, %unpack3A_427 : vector<16xf32>
      %add3A_430 = arith.addf %add3A_410, %unpack3A_428 : vector<16xf32>
      %mul3A_431 = arith.mulf %unpack3A_427, %unpack3A_427 : vector<16xf32>
      %add3A_432 = arith.addf %add3A_412, %mul3A_431 : vector<16xf32>
      %mul3A_433 = arith.mulf %unpack3A_428, %unpack3A_428 : vector<16xf32>
      %add3A_434 = arith.addf %add3A_414, %mul3A_433 : vector<16xf32>
      %add3A_435 = arith.constant 15 : i32
      %add3A_436 = arith.addi %mul3A_138, %add3A_435 : i32
      %get3A_437 = arith.index_cast %add3A_436 : i32 to index
      %get3A_438 = arith.constant 0 : index
      %get3A_439 = tpu.vector_load %arg14[%get3A_437, %get3A_438] {strides = array<i32>} : memref<128x64xbf16, #tpu.memory_space<vmem>>, vector<32xbf16>,
      %add3A_440 = arith.constant 15 : i32
      %add3A_441 = arith.addi %mul3A_138, %add3A_440 : i32
      %get3A_442 = arith.index_cast %add3A_441 : i32 to index
      %get3A_443 = arith.constant 0 : index
      %get3A_444 = tpu.vector_load %arg16[%get3A_442, %get3A_443] {strides = array<i32>} : memref<128x64xbf16, #tpu.memory_space<vmem>>, vector<32xbf16>,
      %add3A_445 = arith.addf %get3A_439, %get3A_444 : vector<32xbf16>
      %max3A_446 = arith.maximumf %max3A_426, %add3A_445 : vector<32xbf16>
      %unpack3A_447 = tpu.unpack_subelements %add3A_445, 0 {pack_format = #tpu.pack_format<interleaved>} : vector<32xbf16> -> vector<16xf32>
      %unpack3A_448 = tpu.unpack_subelements %add3A_445, 1 {pack_format = #tpu.pack_format<interleaved>} : vector<32xbf16> -> vector<16xf32>
      %add3A_449 = arith.addf %add3A_429, %unpack3A_447 : vector<16xf32>
      %add3A_450 = arith.addf %add3A_430, %unpack3A_448 : vector<16xf32>
      %mul3A_451 = arith.mulf %unpack3A_447, %unpack3A_447 : vector<16xf32>
      %add3A_452 = arith.addf %add3A_432, %mul3A_451 : vector<16xf32>
      %mul3A_453 = arith.mulf %unpack3A_448, %unpack3A_448 : vector<16xf32>
      %add3A_454 = arith.addf %add3A_434, %mul3A_453 : vector<16xf32>
      %swap3A_455 = arith.index_cast %scan3A_128 : i32 to index
      %swap3A_456 = arith.constant 0 : index
      %swap3A_457 = tpu.vector_load %arg18[%swap3A_455, %swap3A_456] {strides = array<i32>} : memref<8x64xbf16, #tpu.memory_space<vmem>>, vector<32xbf16>,
      tpu.vector_store %arg18[%swap3A_455, %swap3A_456], %max3A_446 {strides = array<i32>} : memref<8x64xbf16, #tpu.memory_space<vmem>>, vector<32xbf16>,
      %add3A_458 = arith.constant 0 : i32
      %add3A_459 = arith.addi %mul3A_138, %add3A_458 : i32
      %get3A_460 = arith.index_cast %add3A_459 : i32 to index
      %get3A_461 = arith.constant 32 : index
      %get3A_462 = tpu.vector_load %arg14[%get3A_460, %get3A_461] {strides = array<i32>} : memref<128x64xbf16, #tpu.memory_space<vmem>>, vector<32xbf16>,
      %add3A_463 = arith.constant 0 : i32
      %add3A_464 = arith.addi %mul3A_138, %add3A_463 : i32
      %get3A_465 = arith.index_cast %add3A_464 : i32 to index
      %get3A_466 = arith.constant 32 : index
      %get3A_467 = tpu.vector_load %arg16[%get3A_465, %get3A_466] {strides = array<i32>} : memref<128x64xbf16, #tpu.memory_space<vmem>>, vector<32xbf16>,
      %add3A_468 = arith.addf %get3A_462, %get3A_467 : vector<32xbf16>
      %unpack3A_469 = tpu.unpack_subelements %add3A_468, 0 {pack_format = #tpu.pack_format<interleaved>} : vector<32xbf16> -> vector<16xf32>
      %unpack3A_470 = tpu.unpack_subelements %add3A_468, 1 {pack_format = #tpu.pack_format<interleaved>} : vector<32xbf16> -> vector<16xf32>
      %add3A_471 = arith.addf %scan3A_131, %unpack3A_469 : vector<16xf32>
      %add3A_472 = arith.addf %scan3A_132, %unpack3A_470 : vector<16xf32>
      %mul3A_473 = arith.mulf %unpack3A_469, %unpack3A_469 : vector<16xf32>
      %add3A_474 = arith.addf %scan3A_135, %mul3A_473 : vector<16xf32>
      %mul3A_475 = arith.mulf %unpack3A_470, %unpack3A_470 : vector<16xf32>
      %add3A_476 = arith.addf %scan3A_136, %mul3A_475 : vector<16xf32>
      %add3A_477 = arith.constant 1 : i32
      %add3A_478 = arith.addi %mul3A_138, %add3A_477 : i32
      %get3A_479 = arith.index_cast %add3A_478 : i32 to index
      %get3A_480 = arith.constant 32 : index
      %get3A_481 = tpu.vector_load %arg14[%get3A_479, %get3A_480] {strides = array<i32>} : memref<128x64xbf16, #tpu.memory_space<vmem>>, vector<32xbf16>,
      %add3A_482 = arith.constant 1 : i32
      %add3A_483 = arith.addi %mul3A_138, %add3A_482 : i32
      %get3A_484 = arith.index_cast %add3A_483 : i32 to index
      %get3A_485 = arith.constant 32 : index
      %get3A_486 = tpu.vector_load %arg16[%get3A_484, %get3A_485] {strides = array<i32>} : memref<128x64xbf16, #tpu.memory_space<vmem>>, vector<32xbf16>,
      %add3A_487 = arith.addf %get3A_481, %get3A_486 : vector<32xbf16>
      %max3A_488 = arith.maximumf %add3A_468, %add3A_487 : vector<32xbf16>
      %unpack3A_489 = tpu.unpack_subelements %add3A_487, 0 {pack_format = #tpu.pack_format<interleaved>} : vector<32xbf16> -> vector<16xf32>
      %unpack3A_490 = tpu.unpack_subelements %add3A_487, 1 {pack_format = #tpu.pack_format<interleaved>} : vector<32xbf16> -> vector<16xf32>
      %add3A_491 = arith.addf %add3A_471, %unpack3A_489 : vector<16xf32>
      %add3A_492 = arith.addf %add3A_472, %unpack3A_490 : vector<16xf32>
      %mul3A_493 = arith.mulf %unpack3A_489, %unpack3A_489 : vector<16xf32>
      %add3A_494 = arith.addf %add3A_474, %mul3A_493 : vector<16xf32>
      %mul3A_495 = arith.mulf %unpack3A_490, %unpack3A_490 : vector<16xf32>
      %add3A_496 = arith.addf %add3A_476, %mul3A_495 : vector<16xf32>
      %add3A_497 = arith.constant 2 : i32
      %add3A_498 = arith.addi %mul3A_138, %add3A_497 : i32
      %get3A_499 = arith.index_cast %add3A_498 : i32 to index
      %get3A_500 = arith.constant 32 : index
      %get3A_501 = tpu.vector_load %arg14[%get3A_499, %get3A_500] {strides = array<i32>} : memref<128x64xbf16, #tpu.memory_space<vmem>>, vector<32xbf16>,
      %add3A_502 = arith.constant 2 : i32
      %add3A_503 = arith.addi %mul3A_138, %add3A_502 : i32
      %get3A_504 = arith.index_cast %add3A_503 : i32 to index
      %get3A_505 = arith.constant 32 : index
      %get3A_506 = tpu.vector_load %arg16[%get3A_504, %get3A_505] {strides = array<i32>} : memref<128x64xbf16, #tpu.memory_space<vmem>>, vector<32xbf16>,
      %add3A_507 = arith.addf %get3A_501, %get3A_506 : vector<32xbf16>
      %max3A_508 = arith.maximumf %max3A_488, %add3A_507 : vector<32xbf16>
      %unpack3A_509 = tpu.unpack_subelements %add3A_507, 0 {pack_format = #tpu.pack_format<interleaved>} : vector<32xbf16> -> vector<16xf32>
      %unpack3A_510 = tpu.unpack_subelements %add3A_507, 1 {pack_format = #tpu.pack_format<interleaved>} : vector<32xbf16> -> vector<16xf32>
      %add3A_511 = arith.addf %add3A_491, %unpack3A_509 : vector<16xf32>
      %add3A_512 = arith.addf %add3A_492, %unpack3A_510 : vector<16xf32>
      %mul3A_513 = arith.mulf %unpack3A_509, %unpack3A_509 : vector<16xf32>
      %add3A_514 = arith.addf %add3A_494, %mul3A_513 : vector<16xf32>
      %mul3A_515 = arith.mulf %unpack3A_510, %unpack3A_510 : vector<16xf32>
      %add3A_516 = arith.addf %add3A_496, %mul3A_515 : vector<16xf32>
      %add3A_517 = arith.constant 3 : i32
      %add3A_518 = arith.addi %mul3A_138, %add3A_517 : i32
      %get3A_519 = arith.index_cast %add3A_518 : i32 to index
      %get3A_520 = arith.constant 32 : index
      %get3A_521 = tpu.vector_load %arg14[%get3A_519, %get3A_520] {strides = array<i32>} : memref<128x64xbf16, #tpu.memory_space<vmem>>, vector<32xbf16>,
      %add3A_522 = arith.constant 3 : i32
      %add3A_523 = arith.addi %mul3A_138, %add3A_522 : i32
      %get3A_524 = arith.index_cast %add3A_523 : i32 to index
      %get3A_525 = arith.constant 32 : index
      %get3A_526 = tpu.vector_load %arg16[%get3A_524, %get3A_525] {strides = array<i32>} : memref<128x64xbf16, #tpu.memory_space<vmem>>, vector<32xbf16>,
      %add3A_527 = arith.addf %get3A_521, %get3A_526 : vector<32xbf16>
      %max3A_528 = arith.maximumf %max3A_508, %add3A_527 : vector<32xbf16>
      %unpack3A_529 = tpu.unpack_subelements %add3A_527, 0 {pack_format = #tpu.pack_format<interleaved>} : vector<32xbf16> -> vector<16xf32>
      %unpack3A_530 = tpu.unpack_subelements %add3A_527, 1 {pack_format = #tpu.pack_format<interleaved>} : vector<32xbf16> -> vector<16xf32>
      %add3A_531 = arith.addf %add3A_511, %unpack3A_529 : vector<16xf32>
      %add3A_532 = arith.addf %add3A_512, %unpack3A_530 : vector<16xf32>
      %mul3A_533 = arith.mulf %unpack3A_529, %unpack3A_529 : vector<16xf32>
      %add3A_534 = arith.addf %add3A_514, %mul3A_533 : vector<16xf32>
      %mul3A_535 = arith.mulf %unpack3A_530, %unpack3A_530 : vector<16xf32>
      %add3A_536 = arith.addf %add3A_516, %mul3A_535 : vector<16xf32>
      %add3A_537 = arith.constant 4 : i32
      %add3A_538 = arith.addi %mul3A_138, %add3A_537 : i32
      %get3A_539 = arith.index_cast %add3A_538 : i32 to index
      %get3A_540 = arith.constant 32 : index
      %get3A_541 = tpu.vector_load %arg14[%get3A_539, %get3A_540] {strides = array<i32>} : memref<128x64xbf16, #tpu.memory_space<vmem>>, vector<32xbf16>,
      %add3A_542 = arith.constant 4 : i32
      %add3A_543 = arith.addi %mul3A_138, %add3A_542 : i32
      %get3A_544 = arith.index_cast %add3A_543 : i32 to index
      %get3A_545 = arith.constant 32 : index
      %get3A_546 = tpu.vector_load %arg16[%get3A_544, %get3A_545] {strides = array<i32>} : memref<128x64xbf16, #tpu.memory_space<vmem>>, vector<32xbf16>,
      %add3A_547 = arith.addf %get3A_541, %get3A_546 : vector<32xbf16>
      %max3A_548 = arith.maximumf %max3A_528, %add3A_547 : vector<32xbf16>
      %unpack3A_549 = tpu.unpack_subelements %add3A_547, 0 {pack_format = #tpu.pack_format<interleaved>} : vector<32xbf16> -> vector<16xf32>
      %unpack3A_550 = tpu.unpack_subelements %add3A_547, 1 {pack_format = #tpu.pack_format<interleaved>} : vector<32xbf16> -> vector<16xf32>
      %add3A_551 = arith.addf %add3A_531, %unpack3A_549 : vector<16xf32>
      %add3A_552 = arith.addf %add3A_532, %unpack3A_550 : vector<16xf32>
      %mul3A_553 = arith.mulf %unpack3A_549, %unpack3A_549 : vector<16xf32>
      %add3A_554 = arith.addf %add3A_534, %mul3A_553 : vector<16xf32>
      %mul3A_555 = arith.mulf %unpack3A_550, %unpack3A_550 : vector<16xf32>
      %add3A_556 = arith.addf %add3A_536, %mul3A_555 : vector<16xf32>
      %add3A_557 = arith.constant 5 : i32
      %add3A_558 = arith.addi %mul3A_138, %add3A_557 : i32
      %get3A_559 = arith.index_cast %add3A_558 : i32 to index
      %get3A_560 = arith.constant 32 : index
      %get3A_561 = tpu.vector_load %arg14[%get3A_559, %get3A_560] {strides = array<i32>} : memref<128x64xbf16, #tpu.memory_space<vmem>>, vector<32xbf16>,
      %add3A_562 = arith.constant 5 : i32
      %add3A_563 = arith.addi %mul3A_138, %add3A_562 : i32
      %get3A_564 = arith.index_cast %add3A_563 : i32 to index
      %get3A_565 = arith.constant 32 : index
      %get3A_566 = tpu.vector_load %arg16[%get3A_564, %get3A_565] {strides = array<i32>} : memref<128x64xbf16, #tpu.memory_space<vmem>>, vector<32xbf16>,
      %add3A_567 = arith.addf %get3A_561, %get3A_566 : vector<32xbf16>
      %max3A_568 = arith.maximumf %max3A_548, %add3A_567 : vector<32xbf16>
      %unpack3A_569 = tpu.unpack_subelements %add3A_567, 0 {pack_format = #tpu.pack_format<interleaved>} : vector<32xbf16> -> vector<16xf32>
      %unpack3A_570 = tpu.unpack_subelements %add3A_567, 1 {pack_format = #tpu.pack_format<interleaved>} : vector<32xbf16> -> vector<16xf32>
      %add3A_571 = arith.addf %add3A_551, %unpack3A_569 : vector<16xf32>
      %add3A_572 = arith.addf %add3A_552, %unpack3A_570 : vector<16xf32>
      %mul3A_573 = arith.mulf %unpack3A_569, %unpack3A_569 : vector<16xf32>
      %add3A_574 = arith.addf %add3A_554, %mul3A_573 : vector<16xf32>
      %mul3A_575 = arith.mulf %unpack3A_570, %unpack3A_570 : vector<16xf32>
      %add3A_576 = arith.addf %add3A_556, %mul3A_575 : vector<16xf32>
      %add3A_577 = arith.constant 6 : i32
      %add3A_578 = arith.addi %mul3A_138, %add3A_577 : i32
      %get3A_579 = arith.index_cast %add3A_578 : i32 to index
      %get3A_580 = arith.constant 32 : index
      %get3A_581 = tpu.vector_load %arg14[%get3A_579, %get3A_580] {strides = array<i32>} : memref<128x64xbf16, #tpu.memory_space<vmem>>, vector<32xbf16>,
      %add3A_582 = arith.constant 6 : i32
      %add3A_583 = arith.addi %mul3A_138, %add3A_582 : i32
      %get3A_584 = arith.index_cast %add3A_583 : i32 to index
      %get3A_585 = arith.constant 32 : index
      %get3A_586 = tpu.vector_load %arg16[%get3A_584, %get3A_585] {strides = array<i32>} : memref<128x64xbf16, #tpu.memory_space<vmem>>, vector<32xbf16>,
      %add3A_587 = arith.addf %get3A_581, %get3A_586 : vector<32xbf16>
      %max3A_588 = arith.maximumf %max3A_568, %add3A_587 : vector<32xbf16>
      %unpack3A_589 = tpu.unpack_subelements %add3A_587, 0 {pack_format = #tpu.pack_format<interleaved>} : vector<32xbf16> -> vector<16xf32>
      %unpack3A_590 = tpu.unpack_subelements %add3A_587, 1 {pack_format = #tpu.pack_format<interleaved>} : vector<32xbf16> -> vector<16xf32>
      %add3A_591 = arith.addf %add3A_571, %unpack3A_589 : vector<16xf32>
      %add3A_592 = arith.addf %add3A_572, %unpack3A_590 : vector<16xf32>
      %mul3A_593 = arith.mulf %unpack3A_589, %unpack3A_589 : vector<16xf32>
      %add3A_594 = arith.addf %add3A_574, %mul3A_593 : vector<16xf32>
      %mul3A_595 = arith.mulf %unpack3A_590, %unpack3A_590 : vector<16xf32>
      %add3A_596 = arith.addf %add3A_576, %mul3A_595 : vector<16xf32>
      %add3A_597 = arith.constant 7 : i32
      %add3A_598 = arith.addi %mul3A_138, %add3A_597 : i32
      %get3A_599 = arith.index_cast %add3A_598 : i32 to index
      %get3A_600 = arith.constant 32 : index
      %get3A_601 = tpu.vector_load %arg14[%get3A_599, %get3A_600] {strides = array<i32>} : memref<128x64xbf16, #tpu.memory_space<vmem>>, vector<32xbf16>,
      %add3A_602 = arith.constant 7 : i32
      %add3A_603 = arith.addi %mul3A_138, %add3A_602 : i32
      %get3A_604 = arith.index_cast %add3A_603 : i32 to index
      %get3A_605 = arith.constant 32 : index
      %get3A_606 = tpu.vector_load %arg16[%get3A_604, %get3A_605] {strides = array<i32>} : memref<128x64xbf16, #tpu.memory_space<vmem>>, vector<32xbf16>,
      %add3A_607 = arith.addf %get3A_601, %get3A_606 : vector<32xbf16>
      %max3A_608 = arith.maximumf %max3A_588, %add3A_607 : vector<32xbf16>
      %unpack3A_609 = tpu.unpack_subelements %add3A_607, 0 {pack_format = #tpu.pack_format<interleaved>} : vector<32xbf16> -> vector<16xf32>
      %unpack3A_610 = tpu.unpack_subelements %add3A_607, 1 {pack_format = #tpu.pack_format<interleaved>} : vector<32xbf16> -> vector<16xf32>
      %add3A_611 = arith.addf %add3A_591, %unpack3A_609 : vector<16xf32>
      %add3A_612 = arith.addf %add3A_592, %unpack3A_610 : vector<16xf32>
      %mul3A_613 = arith.mulf %unpack3A_609, %unpack3A_609 : vector<16xf32>
      %add3A_614 = arith.addf %add3A_594, %mul3A_613 : vector<16xf32>
      %mul3A_615 = arith.mulf %unpack3A_610, %unpack3A_610 : vector<16xf32>
      %add3A_616 = arith.addf %add3A_596, %mul3A_615 : vector<16xf32>
      %add3A_617 = arith.constant 8 : i32
      %add3A_618 = arith.addi %mul3A_138, %add3A_617 : i32
      %get3A_619 = arith.index_cast %add3A_618 : i32 to index
      %get3A_620 = arith.constant 32 : index
      %get3A_621 = tpu.vector_load %arg14[%get3A_619, %get3A_620] {strides = array<i32>} : memref<128x64xbf16, #tpu.memory_space<vmem>>, vector<32xbf16>,
      %add3A_622 = arith.constant 8 : i32
      %add3A_623 = arith.addi %mul3A_138, %add3A_622 : i32
      %get3A_624 = arith.index_cast %add3A_623 : i32 to index
      %get3A_625 = arith.constant 32 : index
      %get3A_626 = tpu.vector_load %arg16[%get3A_624, %get3A_625] {strides = array<i32>} : memref<128x64xbf16, #tpu.memory_space<vmem>>, vector<32xbf16>,
      %add3A_627 = arith.addf %get3A_621, %get3A_626 : vector<32xbf16>
      %max3A_628 = arith.maximumf %max3A_608, %add3A_627 : vector<32xbf16>
      %unpack3A_629 = tpu.unpack_subelements %add3A_627, 0 {pack_format = #tpu.pack_format<interleaved>} : vector<32xbf16> -> vector<16xf32>
      %unpack3A_630 = tpu.unpack_subelements %add3A_627, 1 {pack_format = #tpu.pack_format<interleaved>} : vector<32xbf16> -> vector<16xf32>
      %add3A_631 = arith.addf %add3A_611, %unpack3A_629 : vector<16xf32>
      %add3A_632 = arith.addf %add3A_612, %unpack3A_630 : vector<16xf32>
      %mul3A_633 = arith.mulf %unpack3A_629, %unpack3A_629 : vector<16xf32>
      %add3A_634 = arith.addf %add3A_614, %mul3A_633 : vector<16xf32>
      %mul3A_635 = arith.mulf %unpack3A_630, %unpack3A_630 : vector<16xf32>
      %add3A_636 = arith.addf %add3A_616, %mul3A_635 : vector<16xf32>
      %add3A_637 = arith.constant 9 : i32
      %add3A_638 = arith.addi %mul3A_138, %add3A_637 : i32
      %get3A_639 = arith.index_cast %add3A_638 : i32 to index
      %get3A_640 = arith.constant 32 : index
      %get3A_641 = tpu.vector_load %arg14[%get3A_639, %get3A_640] {strides = array<i32>} : memref<128x64xbf16, #tpu.memory_space<vmem>>, vector<32xbf16>,
      %add3A_642 = arith.constant 9 : i32
      %add3A_643 = arith.addi %mul3A_138, %add3A_642 : i32
      %get3A_644 = arith.index_cast %add3A_643 : i32 to index
      %get3A_645 = arith.constant 32 : index
      %get3A_646 = tpu.vector_load %arg16[%get3A_644, %get3A_645] {strides = array<i32>} : memref<128x64xbf16, #tpu.memory_space<vmem>>, vector<32xbf16>,
      %add3A_647 = arith.addf %get3A_641, %get3A_646 : vector<32xbf16>
      %max3A_648 = arith.maximumf %max3A_628, %add3A_647 : vector<32xbf16>
      %unpack3A_649 = tpu.unpack_subelements %add3A_647, 0 {pack_format = #tpu.pack_format<interleaved>} : vector<32xbf16> -> vector<16xf32>
      %unpack3A_650 = tpu.unpack_subelements %add3A_647, 1 {pack_format = #tpu.pack_format<interleaved>} : vector<32xbf16> -> vector<16xf32>
      %add3A_651 = arith.addf %add3A_631, %unpack3A_649 : vector<16xf32>
      %add3A_652 = arith.addf %add3A_632, %unpack3A_650 : vector<16xf32>
      %mul3A_653 = arith.mulf %unpack3A_649, %unpack3A_649 : vector<16xf32>
      %add3A_654 = arith.addf %add3A_634, %mul3A_653 : vector<16xf32>
      %mul3A_655 = arith.mulf %unpack3A_650, %unpack3A_650 : vector<16xf32>
      %add3A_656 = arith.addf %add3A_636, %mul3A_655 : vector<16xf32>
      %add3A_657 = arith.constant 10 : i32
      %add3A_658 = arith.addi %mul3A_138, %add3A_657 : i32
      %get3A_659 = arith.index_cast %add3A_658 : i32 to index
      %get3A_660 = arith.constant 32 : index
      %get3A_661 = tpu.vector_load %arg14[%get3A_659, %get3A_660] {strides = array<i32>} : memref<128x64xbf16, #tpu.memory_space<vmem>>, vector<32xbf16>,
      %add3A_662 = arith.constant 10 : i32
      %add3A_663 = arith.addi %mul3A_138, %add3A_662 : i32
      %get3A_664 = arith.index_cast %add3A_663 : i32 to index
      %get3A_665 = arith.constant 32 : index
      %get3A_666 = tpu.vector_load %arg16[%get3A_664, %get3A_665] {strides = array<i32>} : memref<128x64xbf16, #tpu.memory_space<vmem>>, vector<32xbf16>,
      %add3A_667 = arith.addf %get3A_661, %get3A_666 : vector<32xbf16>
      %max3A_668 = arith.maximumf %max3A_648, %add3A_667 : vector<32xbf16>
      %unpack3A_669 = tpu.unpack_subelements %add3A_667, 0 {pack_format = #tpu.pack_format<interleaved>} : vector<32xbf16> -> vector<16xf32>
      %unpack3A_670 = tpu.unpack_subelements %add3A_667, 1 {pack_format = #tpu.pack_format<interleaved>} : vector<32xbf16> -> vector<16xf32>
      %add3A_671 = arith.addf %add3A_651, %unpack3A_669 : vector<16xf32>
      %add3A_672 = arith.addf %add3A_652, %unpack3A_670 : vector<16xf32>
      %mul3A_673 = arith.mulf %unpack3A_669, %unpack3A_669 : vector<16xf32>
      %add3A_674 = arith.addf %add3A_654, %mul3A_673 : vector<16xf32>
      %mul3A_675 = arith.mulf %unpack3A_670, %unpack3A_670 : vector<16xf32>
      %add3A_676 = arith.addf %add3A_656, %mul3A_675 : vector<16xf32>
      %add3A_677 = arith.constant 11 : i32
      %add3A_678 = arith.addi %mul3A_138, %add3A_677 : i32
      %get3A_679 = arith.index_cast %add3A_678 : i32 to index
      %get3A_680 = arith.constant 32 : index
      %get3A_681 = tpu.vector_load %arg14[%get3A_679, %get3A_680] {strides = array<i32>} : memref<128x64xbf16, #tpu.memory_space<vmem>>, vector<32xbf16>,
      %add3A_682 = arith.constant 11 : i32
      %add3A_683 = arith.addi %mul3A_138, %add3A_682 : i32
      %get3A_684 = arith.index_cast %add3A_683 : i32 to index
      %get3A_685 = arith.constant 32 : index
      %get3A_686 = tpu.vector_load %arg16[%get3A_684, %get3A_685] {strides = array<i32>} : memref<128x64xbf16, #tpu.memory_space<vmem>>, vector<32xbf16>,
      %add3A_687 = arith.addf %get3A_681, %get3A_686 : vector<32xbf16>
      %max3A_688 = arith.maximumf %max3A_668, %add3A_687 : vector<32xbf16>
      %unpack3A_689 = tpu.unpack_subelements %add3A_687, 0 {pack_format = #tpu.pack_format<interleaved>} : vector<32xbf16> -> vector<16xf32>
      %unpack3A_690 = tpu.unpack_subelements %add3A_687, 1 {pack_format = #tpu.pack_format<interleaved>} : vector<32xbf16> -> vector<16xf32>
      %add3A_691 = arith.addf %add3A_671, %unpack3A_689 : vector<16xf32>
      %add3A_692 = arith.addf %add3A_672, %unpack3A_690 : vector<16xf32>
      %mul3A_693 = arith.mulf %unpack3A_689, %unpack3A_689 : vector<16xf32>
      %add3A_694 = arith.addf %add3A_674, %mul3A_693 : vector<16xf32>
      %mul3A_695 = arith.mulf %unpack3A_690, %unpack3A_690 : vector<16xf32>
      %add3A_696 = arith.addf %add3A_676, %mul3A_695 : vector<16xf32>
      %add3A_697 = arith.constant 12 : i32
      %add3A_698 = arith.addi %mul3A_138, %add3A_697 : i32
      %get3A_699 = arith.index_cast %add3A_698 : i32 to index
      %get3A_700 = arith.constant 32 : index
      %get3A_701 = tpu.vector_load %arg14[%get3A_699, %get3A_700] {strides = array<i32>} : memref<128x64xbf16, #tpu.memory_space<vmem>>, vector<32xbf16>,
      %add3A_702 = arith.constant 12 : i32
      %add3A_703 = arith.addi %mul3A_138, %add3A_702 : i32
      %get3A_704 = arith.index_cast %add3A_703 : i32 to index
      %get3A_705 = arith.constant 32 : index
      %get3A_706 = tpu.vector_load %arg16[%get3A_704, %get3A_705] {strides = array<i32>} : memref<128x64xbf16, #tpu.memory_space<vmem>>, vector<32xbf16>,
      %add3A_707 = arith.addf %get3A_701, %get3A_706 : vector<32xbf16>
      %max3A_708 = arith.maximumf %max3A_688, %add3A_707 : vector<32xbf16>
      %unpack3A_709 = tpu.unpack_subelements %add3A_707, 0 {pack_format = #tpu.pack_format<interleaved>} : vector<32xbf16> -> vector<16xf32>
      %unpack3A_710 = tpu.unpack_subelements %add3A_707, 1 {pack_format = #tpu.pack_format<interleaved>} : vector<32xbf16> -> vector<16xf32>
      %add3A_711 = arith.addf %add3A_691, %unpack3A_709 : vector<16xf32>
      %add3A_712 = arith.addf %add3A_692, %unpack3A_710 : vector<16xf32>
      %mul3A_713 = arith.mulf %unpack3A_709, %unpack3A_709 : vector<16xf32>
      %add3A_714 = arith.addf %add3A_694, %mul3A_713 : vector<16xf32>
      %mul3A_715 = arith.mulf %unpack3A_710, %unpack3A_710 : vector<16xf32>
      %add3A_716 = arith.addf %add3A_696, %mul3A_715 : vector<16xf32>
      %add3A_717 = arith.constant 13 : i32
      %add3A_718 = arith.addi %mul3A_138, %add3A_717 : i32
      %get3A_719 = arith.index_cast %add3A_718 : i32 to index
      %get3A_720 = arith.constant 32 : index
      %get3A_721 = tpu.vector_load %arg14[%get3A_719, %get3A_720] {strides = array<i32>} : memref<128x64xbf16, #tpu.memory_space<vmem>>, vector<32xbf16>,
      %add3A_722 = arith.constant 13 : i32
      %add3A_723 = arith.addi %mul3A_138, %add3A_722 : i32
      %get3A_724 = arith.index_cast %add3A_723 : i32 to index
      %get3A_725 = arith.constant 32 : index
      %get3A_726 = tpu.vector_load %arg16[%get3A_724, %get3A_725] {strides = array<i32>} : memref<128x64xbf16, #tpu.memory_space<vmem>>, vector<32xbf16>,
      %add3A_727 = arith.addf %get3A_721, %get3A_726 : vector<32xbf16>
      %max3A_728 = arith.maximumf %max3A_708, %add3A_727 : vector<32xbf16>
      %unpack3A_729 = tpu.unpack_subelements %add3A_727, 0 {pack_format = #tpu.pack_format<interleaved>} : vector<32xbf16> -> vector<16xf32>
      %unpack3A_730 = tpu.unpack_subelements %add3A_727, 1 {pack_format = #tpu.pack_format<interleaved>} : vector<32xbf16> -> vector<16xf32>
      %add3A_731 = arith.addf %add3A_711, %unpack3A_729 : vector<16xf32>
      %add3A_732 = arith.addf %add3A_712, %unpack3A_730 : vector<16xf32>
      %mul3A_733 = arith.mulf %unpack3A_729, %unpack3A_729 : vector<16xf32>
      %add3A_734 = arith.addf %add3A_714, %mul3A_733 : vector<16xf32>
      %mul3A_735 = arith.mulf %unpack3A_730, %unpack3A_730 : vector<16xf32>
      %add3A_736 = arith.addf %add3A_716, %mul3A_735 : vector<16xf32>
      %add3A_737 = arith.constant 14 : i32
      %add3A_738 = arith.addi %mul3A_138, %add3A_737 : i32
      %get3A_739 = arith.index_cast %add3A_738 : i32 to index
      %get3A_740 = arith.constant 32 : index
      %get3A_741 = tpu.vector_load %arg14[%get3A_739, %get3A_740] {strides = array<i32>} : memref<128x64xbf16, #tpu.memory_space<vmem>>, vector<32xbf16>,
      %add3A_742 = arith.constant 14 : i32
      %add3A_743 = arith.addi %mul3A_138, %add3A_742 : i32
      %get3A_744 = arith.index_cast %add3A_743 : i32 to index
      %get3A_745 = arith.constant 32 : index
      %get3A_746 = tpu.vector_load %arg16[%get3A_744, %get3A_745] {strides = array<i32>} : memref<128x64xbf16, #tpu.memory_space<vmem>>, vector<32xbf16>,
      %add3A_747 = arith.addf %get3A_741, %get3A_746 : vector<32xbf16>
      %max3A_748 = arith.maximumf %max3A_728, %add3A_747 : vector<32xbf16>
      %unpack3A_749 = tpu.unpack_subelements %add3A_747, 0 {pack_format = #tpu.pack_format<interleaved>} : vector<32xbf16> -> vector<16xf32>
      %unpack3A_750 = tpu.unpack_subelements %add3A_747, 1 {pack_format = #tpu.pack_format<interleaved>} : vector<32xbf16> -> vector<16xf32>
      %add3A_751 = arith.addf %add3A_731, %unpack3A_749 : vector<16xf32>
      %add3A_752 = arith.addf %add3A_732, %unpack3A_750 : vector<16xf32>
      %mul3A_753 = arith.mulf %unpack3A_749, %unpack3A_749 : vector<16xf32>
      %add3A_754 = arith.addf %add3A_734, %mul3A_753 : vector<16xf32>
      %mul3A_755 = arith.mulf %unpack3A_750, %unpack3A_750 : vector<16xf32>
      %add3A_756 = arith.addf %add3A_736, %mul3A_755 : vector<16xf32>
      %add3A_757 = arith.constant 15 : i32
      %add3A_758 = arith.addi %mul3A_138, %add3A_757 : i32
      %get3A_759 = arith.index_cast %add3A_758 : i32 to index
      %get3A_760 = arith.constant 32 : index
      %get3A_761 = tpu.vector_load %arg14[%get3A_759, %get3A_760] {strides = array<i32>} : memref<128x64xbf16, #tpu.memory_space<vmem>>, vector<32xbf16>,
      %add3A_762 = arith.constant 15 : i32
      %add3A_763 = arith.addi %mul3A_138, %add3A_762 : i32
      %get3A_764 = arith.index_cast %add3A_763 : i32 to index
      %get3A_765 = arith.constant 32 : index
      %get3A_766 = tpu.vector_load %arg16[%get3A_764, %get3A_765] {strides = array<i32>} : memref<128x64xbf16, #tpu.memory_space<vmem>>, vector<32xbf16>,
      %add3A_767 = arith.addf %get3A_761, %get3A_766 : vector<32xbf16>
      %max3A_768 = arith.maximumf %max3A_748, %add3A_767 : vector<32xbf16>
      %unpack3A_769 = tpu.unpack_subelements %add3A_767, 0 {pack_format = #tpu.pack_format<interleaved>} : vector<32xbf16> -> vector<16xf32>
      %unpack3A_770 = tpu.unpack_subelements %add3A_767, 1 {pack_format = #tpu.pack_format<interleaved>} : vector<32xbf16> -> vector<16xf32>
      %add3A_771 = arith.addf %add3A_751, %unpack3A_769 : vector<16xf32>
      %add3A_772 = arith.addf %add3A_752, %unpack3A_770 : vector<16xf32>
      %mul3A_773 = arith.mulf %unpack3A_769, %unpack3A_769 : vector<16xf32>
      %add3A_774 = arith.addf %add3A_754, %mul3A_773 : vector<16xf32>
      %mul3A_775 = arith.mulf %unpack3A_770, %unpack3A_770 : vector<16xf32>
      %add3A_776 = arith.addf %add3A_756, %mul3A_775 : vector<16xf32>
      %swap3A_777 = arith.index_cast %scan3A_128 : i32 to index
      %swap3A_778 = arith.constant 32 : index
      %swap3A_779 = tpu.vector_load %arg18[%swap3A_777, %swap3A_778] {strides = array<i32>} : memref<8x64xbf16, #tpu.memory_space<vmem>>, vector<32xbf16>,
      tpu.vector_store %arg18[%swap3A_777, %swap3A_778], %max3A_768 {strides = array<i32>} : memref<8x64xbf16, #tpu.memory_space<vmem>>, vector<32xbf16>,
      scf.yield %add3A_449, %add3A_450, %add3A_771, %add3A_772, %add3A_452, %add3A_454, %add3A_774, %add3A_776 : vector<16xf32>, vector<16xf32>, vector<16xf32>, vector<16xf32>, vector<16xf32>, vector<16xf32>, vector<16xf32>, vector<16xf32>
    }
    %scan3A_92 = arith.constant 8 : i32
    %add3A_93 = arith.constant 8 : i32
    %add3A_94 = arith.addi %add3A_93, %mul3A_4 : i32
    %add3A_95 = arith.constant 1560 : i32
    %add3A_96 = arith.addi %add3A_94, %add3A_95 : i32
    %dma_start3A_97 = arith.constant 0 : i32
    %dma_start3A_98 = tpu.memref_slice %arg6[%add3A_96, %dma_start3A_97] : memref<51216x64xbf16, #tpu.memory_space<hbm>> -> memref<8x64xbf16, #tpu.memory_space<hbm>>
    %dma_start3A_99 = arith.constant 0 : i32
    %dma_start3A_100 = tpu.memref_slice %arg6[%add3A_96, %dma_start3A_99] : memref<51216x64xbf16, #tpu.memory_space<hbm>> -> memref<8x64xbf16, #tpu.memory_space<hbm>>
    tpu.enqueue_dma source(%arg18 : memref<8x64xbf16, #tpu.memory_space<vmem>>) target(%dma_start3A_100 : memref<8x64xbf16, #tpu.memory_space<hbm>>) target_semaphore(%arg30 : memref<!tpu.dma_semaphore, #tpu.memory_space<semaphore_mem>>)
    %dma_wait3A_101 = arith.constant 8 : i32
    %dma_wait3A_102 = arith.constant 0 : i32
    %dma_wait3A_103 = tpu.memref_slice %arg6[%dma_wait3A_101, %dma_wait3A_102] : memref<51216x64xbf16, #tpu.memory_space<hbm>> -> memref<8x64xbf16, #tpu.memory_space<hbm>>
    %dma_wait3A_104 = arith.constant 8 : i32
    %dma_wait3A_105 = arith.constant 0 : i32
    %dma_wait3A_106 = tpu.memref_slice %arg6[%dma_wait3A_104, %dma_wait3A_105] : memref<51216x64xbf16, #tpu.memory_space<hbm>> -> memref<8x64xbf16, #tpu.memory_space<hbm>>
    tpu.wait_dma2 semaphore(%arg29 : memref<!tpu.dma_semaphore, #tpu.memory_space<semaphore_mem>>) src(%arg17 : memref<8x64xbf16, #tpu.memory_space<vmem>>) dst(%dma_wait3A_106 : memref<8x64xbf16, #tpu.memory_space<hbm>>)
    %dma_wait3A_107 = arith.constant 8 : i32
    %dma_wait3A_108 = arith.constant 0 : i32
    %dma_wait3A_109 = tpu.memref_slice %arg6[%dma_wait3A_107, %dma_wait3A_108] : memref<51216x64xbf16, #tpu.memory_space<hbm>> -> memref<8x64xbf16, #tpu.memory_space<hbm>>
    %dma_wait3A_110 = arith.constant 8 : i32
    %dma_wait3A_111 = arith.constant 0 : i32
    %dma_wait3A_112 = tpu.memref_slice %arg6[%dma_wait3A_110, %dma_wait3A_111] : memref<51216x64xbf16, #tpu.memory_space<hbm>> -> memref<8x64xbf16, #tpu.memory_space<hbm>>
    tpu.wait_dma2 semaphore(%arg30 : memref<!tpu.dma_semaphore, #tpu.memory_space<semaphore_mem>>) src(%arg18 : memref<8x64xbf16, #tpu.memory_space<vmem>>) dst(%dma_wait3A_112 : memref<8x64xbf16, #tpu.memory_space<hbm>>)
    %swap3A = arith.constant 0 : index
    %swap3A_113 = tpu.vector_load %arg19[%swap3A] {strides = array<i32>} : memref<64xf32, #tpu.memory_space<vmem>>, vector<16xf32>,
    tpu.vector_store %arg19[%swap3A], %scan3A_91#0 {strides = array<i32>} : memref<64xf32, #tpu.memory_space<vmem>>, vector<16xf32>,
    %swap3A_114 = arith.constant 0 : index
    %swap3A_115 = tpu.vector_load %arg20[%swap3A_114] {strides = array<i32>} : memref<64xf32, #tpu.memory_space<vmem>>, vector<16xf32>,
    tpu.vector_store %arg20[%swap3A_114], %scan3A_91#4 {strides = array<i32>} : memref<64xf32, #tpu.memory_space<vmem>>, vector<16xf32>,
    %swap3A_116 = arith.constant 16 : index
    %swap3A_117 = tpu.vector_load %arg19[%swap3A_116] {strides = array<i32>} : memref<64xf32, #tpu.memory_space<vmem>>, vector<16xf32>,
    tpu.vector_store %arg19[%swap3A_116], %scan3A_91#1 {strides = array<i32>} : memref<64xf32, #tpu.memory_space<vmem>>, vector<16xf32>,
    %swap3A_118 = arith.constant 16 : index
    %swap3A_119 = tpu.vector_load %arg20[%swap3A_118] {strides = array<i32>} : memref<64xf32, #tpu.memory_space<vmem>>, vector<16xf32>,
    tpu.vector_store %arg20[%swap3A_118], %scan3A_91#5 {strides = array<i32>} : memref<64xf32, #tpu.memory_space<vmem>>, vector<16xf32>,
    %swap3A_120 = arith.constant 32 : index
    %swap3A_121 = tpu.vector_load %arg19[%swap3A_120] {strides = array<i32>} : memref<64xf32, #tpu.memory_space<vmem>>, vector<16xf32>,
    tpu.vector_store %arg19[%swap3A_120], %scan3A_91#2 {strides = array<i32>} : memref<64xf32, #tpu.memory_space<vmem>>, vector<16xf32>,
    %swap3A_122 = arith.constant 32 : index
    %swap3A_123 = tpu.vector_load %arg20[%swap3A_122] {strides = array<i32>} : memref<64xf32, #tpu.memory_space<vmem>>, vector<16xf32>,
    tpu.vector_store %arg20[%swap3A_122], %scan3A_91#6 {strides = array<i32>} : memref<64xf32, #tpu.memory_space<vmem>>, vector<16xf32>,
    %swap3A_124 = arith.constant 48 : index
    %swap3A_125 = tpu.vector_load %arg19[%swap3A_124] {strides = array<i32>} : memref<64xf32, #tpu.memory_space<vmem>>, vector<16xf32>,
    tpu.vector_store %arg19[%swap3A_124], %scan3A_91#3 {strides = array<i32>} : memref<64xf32, #tpu.memory_space<vmem>>, vector<16xf32>,
    %swap3A_126 = arith.constant 48 : index
    %swap3A_127 = tpu.vector_load %arg20[%swap3A_126] {strides = array<i32>} : memref<64xf32, #tpu.memory_space<vmem>>, vector<16xf32>,
    tpu.vector_store %arg20[%swap3A_126], %scan3A_91#7 {strides = array<i32>} : memref<64xf32, #tpu.memory_space<vmem>>, vector<16xf32>,
    "tpu.region"() ({
      %run_scoped3A = tpu.sem_alloc : memref<!tpu.dma_semaphore, #tpu.memory_space<semaphore_mem>>
      %dma_start3A_128 = arith.constant 0 : i32
      %dma_start3A_129 = tpu.memref_slice %arg7[%add3A, %dma_start3A_128] : memref<32x64xf32, #tpu.memory_space<hbm>> -> memref<1x64xf32, #tpu.memory_space<hbm>>
      %dma_start3A_130 = tpu.memref_squeeze %dma_start3A_129 : memref<1x64xf32, #tpu.memory_space<hbm>> -> memref<64xf32, #tpu.memory_space<hbm>>
      %dma_start3A_131 = arith.constant 0 : i32
      %dma_start3A_132 = tpu.memref_slice %arg7[%add3A, %dma_start3A_131] : memref<32x64xf32, #tpu.memory_space<hbm>> -> memref<1x64xf32, #tpu.memory_space<hbm>>
      %dma_start3A_133 = tpu.memref_squeeze %dma_start3A_132 : memref<1x64xf32, #tpu.memory_space<hbm>> -> memref<64xf32, #tpu.memory_space<hbm>>
      tpu.enqueue_dma source(%arg19 : memref<64xf32, #tpu.memory_space<vmem>>) target(%dma_start3A_133 : memref<64xf32, #tpu.memory_space<hbm>>) target_semaphore(%run_scoped3A : memref<!tpu.dma_semaphore, #tpu.memory_space<semaphore_mem>>)
      %dma_wait3A_134 = arith.constant 0 : i32
      %dma_wait3A_135 = tpu.memref_slice %arg7[%add3A, %dma_wait3A_134] : memref<32x64xf32, #tpu.memory_space<hbm>> -> memref<1x64xf32, #tpu.memory_space<hbm>>
      %dma_wait3A_136 = tpu.memref_squeeze %dma_wait3A_135 : memref<1x64xf32, #tpu.memory_space<hbm>> -> memref<64xf32, #tpu.memory_space<hbm>>
      %dma_wait3A_137 = arith.constant 0 : i32
      %dma_wait3A_138 = tpu.memref_slice %arg7[%add3A, %dma_wait3A_137] : memref<32x64xf32, #tpu.memory_space<hbm>> -> memref<1x64xf32, #tpu.memory_space<hbm>>
      %dma_wait3A_139 = tpu.memref_squeeze %dma_wait3A_138 : memref<1x64xf32, #tpu.memory_space<hbm>> -> memref<64xf32, #tpu.memory_space<hbm>>
      tpu.wait_dma2 semaphore(%run_scoped3A : memref<!tpu.dma_semaphore, #tpu.memory_space<semaphore_mem>>) src(%arg19 : memref<64xf32, #tpu.memory_space<vmem>>) dst(%dma_wait3A_139 : memref<64xf32, #tpu.memory_space<hbm>>)
      tpu.yield
    }) : () -> ()
    "tpu.region"() ({
      %run_scoped3A = tpu.sem_alloc : memref<!tpu.dma_semaphore, #tpu.memory_space<semaphore_mem>>
      %dma_start3A_128 = arith.constant 0 : i32
      %dma_start3A_129 = tpu.memref_slice %arg8[%add3A, %dma_start3A_128] : memref<32x64xf32, #tpu.memory_space<hbm>> -> memref<1x64xf32, #tpu.memory_space<hbm>>
      %dma_start3A_130 = tpu.memref_squeeze %dma_start3A_129 : memref<1x64xf32, #tpu.memory_space<hbm>> -> memref<64xf32, #tpu.memory_space<hbm>>
      %dma_start3A_131 = arith.constant 0 : i32
      %dma_start3A_132 = tpu.memref_slice %arg8[%add3A, %dma_start3A_131] : memref<32x64xf32, #tpu.memory_space<hbm>> -> memref<1x64xf32, #tpu.memory_space<hbm>>
      %dma_start3A_133 = tpu.memref_squeeze %dma_start3A_132 : memref<1x64xf32, #tpu.memory_space<hbm>> -> memref<64xf32, #tpu.memory_space<hbm>>
      tpu.enqueue_dma source(%arg20 : memref<64xf32, #tpu.memory_space<vmem>>) target(%dma_start3A_133 : memref<64xf32, #tpu.memory_space<hbm>>) target_semaphore(%run_scoped3A : memref<!tpu.dma_semaphore, #tpu.memory_space<semaphore_mem>>)
      %dma_wait3A_134 = arith.constant 0 : i32
      %dma_wait3A_135 = tpu.memref_slice %arg8[%add3A, %dma_wait3A_134] : memref<32x64xf32, #tpu.memory_space<hbm>> -> memref<1x64xf32, #tpu.memory_space<hbm>>
      %dma_wait3A_136 = tpu.memref_squeeze %dma_wait3A_135 : memref<1x64xf32, #tpu.memory_space<hbm>> -> memref<64xf32, #tpu.memory_space<hbm>>
      %dma_wait3A_137 = arith.constant 0 : i32
      %dma_wait3A_138 = tpu.memref_slice %arg8[%add3A, %dma_wait3A_137] : memref<32x64xf32, #tpu.memory_space<hbm>> -> memref<1x64xf32, #tpu.memory_space<hbm>>
      %dma_wait3A_139 = tpu.memref_squeeze %dma_wait3A_138 : memref<1x64xf32, #tpu.memory_space<hbm>> -> memref<64xf32, #tpu.memory_space<hbm>>
      tpu.wait_dma2 semaphore(%run_scoped3A : memref<!tpu.dma_semaphore, #tpu.memory_space<semaphore_mem>>) src(%arg20 : memref<64xf32, #tpu.memory_space<vmem>>) dst(%dma_wait3A_139 : memref<64xf32, #tpu.memory_space<hbm>>)
      tpu.yield
    }) : () -> ()
    return
  }
}

module attributes {stable_mosaic.version = 14 : i64} {
  func.func @body(%arg0: i32, %arg1: memref<64x3584xf32, #tpu.memory_space<vmem>>, %arg2: memref<64x64xf32, #tpu.memory_space<vmem>>, %arg3: memref<64x64xf32, #tpu.memory_space<vmem>>, %arg4: memref<3584x64xbf16, #tpu.memory_space<vmem>>, %arg5: memref<3584x64xbf16, #tpu.memory_space<vmem>>) attributes {dimension_semantics = [#tpu.dimension_semantics<arbitrary>], iteration_bounds = array<i64: 14>, scalar_prefetch = 0 : i64, scratch_operands = 0 : i64, tpu.core_type = #tpu.core_type<tc>, window_params = [{transform_indices = @transform_0, window_bounds = array<i64: 64, 3584>}, {pipeline_mode = #tpu.pipeline_mode<synchronous>, transform_indices = @transform_1, window_bounds = array<i64: 64, 64>}, {pipeline_mode = #tpu.pipeline_mode<synchronous>, transform_indices = @transform_2, window_bounds = array<i64: 64, 64>}, {transform_indices = @transform_3, window_bounds = array<i64: 3584, 64>}, {transform_indices = @transform_4, window_bounds = array<i64: 3584, 64>}]} {
    %get3A = arith.constant 0 : index
    %get3A_0 = arith.constant 0 : index
    %get3A_1 = vector.load %arg1[%get3A, %get3A_0] : memref<64x3584xf32, #tpu.memory_space<vmem>>, vector<64x3584xf32>
    %get3A_2 = arith.constant 0 : index
    %get3A_3 = arith.constant 0 : index
    %get3A_4 = vector.load %arg2[%get3A_2, %get3A_3] : memref<64x64xf32, #tpu.memory_space<vmem>>, vector<64x64xf32>
    %dot_general3A = arith.constant dense<0.000000e+00> : vector<3584x64xf32>
    %dot_general3A_5 = tpu.matmul %get3A_1, %get3A_4, %dot_general3A {dimension_numbers = #tpu.dot_dimension_numbers<[0], [0], [1], [1], [0, 1, 1, 1], [], []>, transpose_lhs_hint = false} : vector<64x3584xf32>, vector<64x64xf32>, vector<3584x64xf32> -> vector<3584x64xf32>
    %get3A_6 = arith.constant 0 : index
    %get3A_7 = arith.constant 0 : index
    %get3A_8 = vector.load %arg3[%get3A_6, %get3A_7] : memref<64x64xf32, #tpu.memory_space<vmem>>, vector<64x64xf32>
    %dot_general3A_9 = arith.constant dense<0.000000e+00> : vector<3584x64xf32>
    %dot_general3A_10 = tpu.matmul %get3A_1, %get3A_8, %dot_general3A_9 {dimension_numbers = #tpu.dot_dimension_numbers<[0], [0], [1], [1], [0, 1, 1, 1], [], []>, transpose_lhs_hint = false} : vector<64x3584xf32>, vector<64x64xf32>, vector<3584x64xf32> -> vector<3584x64xf32>
    %iota3A = tpu.iota {dimensions = array<i32: 0>} : vector<3584x1xi32>
    %mul3A = arith.constant 3584 : i32
    %mul3A_11 = arith.muli %arg0, %mul3A : i32
    %add3A = vector.broadcast %mul3A_11 : i32 to vector<3584x1xi32>
    %add3A_12 = arith.addi %iota3A, %add3A : vector<3584x1xi32>
    %lt3A = arith.constant 50000 : i32
    %lt3A_13 = vector.broadcast %lt3A : i32 to vector<3584x1xi32>
    %lt3A_14 = arith.cmpi slt, %add3A_12, %lt3A_13 : vector<3584x1xi32>
    %jit3A = arith.constant 0.000000e+00 : f32
    %broadcast_in_dim3A = vector.shape_cast %lt3A_14 : vector<3584x1xi1> to vector<3584x1xi1>
    %broadcast_in_dim3A_15 = vector.broadcast %broadcast_in_dim3A : vector<3584x1xi1> to vector<3584x64xi1>
    %broadcast_in_dim3A_16 = vector.broadcast %jit3A : f32 to vector<3584x64xf32>
    %select_n3A = arith.select %broadcast_in_dim3A_15, %dot_general3A_5, %broadcast_in_dim3A_16 : vector<3584x64xi1>, vector<3584x64xf32>
    %convert_element_type3A = arith.truncf %select_n3A : vector<3584x64xf32> to vector<3584x64xbf16>
    %swap3A = arith.constant 0 : index
    %swap3A_17 = arith.constant 0 : index
    %swap3A_18 = vector.load %arg4[%swap3A, %swap3A_17] : memref<3584x64xbf16, #tpu.memory_space<vmem>>, vector<3584x64xbf16>
    tpu.vector_store %arg4[%swap3A, %swap3A_17], %convert_element_type3A {strides = array<i32>} : memref<3584x64xbf16, #tpu.memory_space<vmem>>, vector<3584x64xbf16>,
    %jit3A_19 = arith.constant 0.000000e+00 : f32
    %broadcast_in_dim3A_20 = vector.shape_cast %lt3A_14 : vector<3584x1xi1> to vector<3584x1xi1>
    %broadcast_in_dim3A_21 = vector.broadcast %broadcast_in_dim3A_20 : vector<3584x1xi1> to vector<3584x64xi1>
    %broadcast_in_dim3A_22 = vector.broadcast %jit3A_19 : f32 to vector<3584x64xf32>
    %select_n3A_23 = arith.select %broadcast_in_dim3A_21, %dot_general3A_10, %broadcast_in_dim3A_22 : vector<3584x64xi1>, vector<3584x64xf32>
    %convert_element_type3A_24 = arith.truncf %select_n3A_23 : vector<3584x64xf32> to vector<3584x64xbf16>
    %swap3A_25 = arith.constant 0 : index
    %swap3A_26 = arith.constant 0 : index
    %swap3A_27 = vector.load %arg5[%swap3A_25, %swap3A_26] : memref<3584x64xbf16, #tpu.memory_space<vmem>>, vector<3584x64xbf16>
    tpu.vector_store %arg5[%swap3A_25, %swap3A_26], %convert_element_type3A_24 {strides = array<i32>} : memref<3584x64xbf16, #tpu.memory_space<vmem>>, vector<3584x64xbf16>,
    return
  }
  func.func @transform_0(%arg0: i32) -> (i32, i32) {
    %c0_i32 = arith.constant 0 : i32
    %c0_i32_0 = arith.constant 0 : i32
    return %c0_i32, %arg0 : i32, i32
  }
  func.func @transform_1(%arg0: i32) -> (i32, i32) {
    %c0_i32 = arith.constant 0 : i32
    %c0_i32_0 = arith.constant 0 : i32
    %c0_i32_1 = arith.constant 0 : i32
    return %c0_i32, %c0_i32_0 : i32, i32
  }
  func.func @transform_2(%arg0: i32) -> (i32, i32) {
    %c0_i32 = arith.constant 0 : i32
    %c0_i32_0 = arith.constant 0 : i32
    %c0_i32_1 = arith.constant 0 : i32
    return %c0_i32, %c0_i32_0 : i32, i32
  }
  func.func @transform_3(%arg0: i32) -> (i32, i32) {
    %c0_i32 = arith.constant 0 : i32
    %c0_i32_0 = arith.constant 0 : i32
    return %arg0, %c0_i32 : i32, i32
  }
  func.func @transform_4(%arg0: i32) -> (i32, i32) {
    %c0_i32 = arith.constant 0 : i32
    %c0_i32_0 = arith.constant 0 : i32
    return %arg0, %c0_i32 : i32, i32
  }
}

module attributes {stable_mosaic.version = 14 : i64} {
  func.func @body(%arg0: i32, %arg1: memref<51216x64xbf16, #tpu.memory_space<vmem>>, %arg2: memref<3x51216xf32, #tpu.memory_space<vmem>>, %arg3: memref<64x32xf32, #tpu.memory_space<vmem>>, %arg4: memref<64x32xf32, #tpu.memory_space<vmem>>, %arg5: memref<64x1xf32, #tpu.memory_space<vmem>>, %arg6: memref<64x1xf32, #tpu.memory_space<vmem>>, %arg7: memref<9x64x64xf32, #tpu.memory_space<vmem>>, %arg8: memref<64x2048xf32, #tpu.memory_space<vmem>>) attributes {dimension_semantics = [#tpu.dimension_semantics<arbitrary>], iteration_bounds = array<i64: 25>, scalar_prefetch = 0 : i64, scratch_operands = 0 : i64, tpu.core_type = #tpu.core_type<tc>, window_params = [{pipeline_mode = #tpu.pipeline_mode<synchronous>, transform_indices = @transform_0, window_bounds = array<i64: 51216, 64>}, {pipeline_mode = #tpu.pipeline_mode<synchronous>, transform_indices = @transform_1, window_bounds = array<i64: 3, 51216>}, {pipeline_mode = #tpu.pipeline_mode<synchronous>, transform_indices = @transform_2, window_bounds = array<i64: 64, 32>}, {pipeline_mode = #tpu.pipeline_mode<synchronous>, transform_indices = @transform_3, window_bounds = array<i64: 64, 32>}, {pipeline_mode = #tpu.pipeline_mode<synchronous>, transform_indices = @transform_4, window_bounds = array<i64: 64, 1>}, {pipeline_mode = #tpu.pipeline_mode<synchronous>, transform_indices = @transform_5, window_bounds = array<i64: 64, 1>}, {pipeline_mode = #tpu.pipeline_mode<synchronous>, transform_indices = @transform_6, window_bounds = array<i64: 9, 64, 64>}, {transform_indices = @transform_7, window_bounds = array<i64: 64, 2048>}]} {
    %mul3A = arith.constant 2048 : i32
    %mul3A_0 = arith.muli %arg0, %mul3A : i32
    %get3A = arith.constant 0 : index
    %get3A_1 = arith.constant 0 : index
    %get3A_2 = vector.load %arg3[%get3A, %get3A_1] : memref<64x32xf32, #tpu.memory_space<vmem>>, vector<64x32xf32>
    %reduce_sum3A = arith.constant dense<0.000000e+00> : vector<64xf32>
    %reduce_sum3A_3 = vector.multi_reduction <add>, %get3A_2, %reduce_sum3A [1] : vector<64x32xf32> to vector<64xf32>
    %broadcast_in_dim3A = vector.shape_cast %reduce_sum3A_3 : vector<64xf32> to vector<64x1xf32>
    %mul3A_4 = arith.constant 1.250000e-06 : f32
    %mul3A_5 = vector.broadcast %mul3A_4 : f32 to vector<64x1xf32>
    %mul3A_6 = arith.mulf %broadcast_in_dim3A, %mul3A_5 : vector<64x1xf32>
    %get3A_7 = arith.constant 0 : index
    %get3A_8 = arith.constant 0 : index
    %get3A_9 = vector.load %arg4[%get3A_7, %get3A_8] : memref<64x32xf32, #tpu.memory_space<vmem>>, vector<64x32xf32>
    %reduce_sum3A_10 = arith.constant dense<0.000000e+00> : vector<64xf32>
    %reduce_sum3A_11 = vector.multi_reduction <add>, %get3A_9, %reduce_sum3A_10 [1] : vector<64x32xf32> to vector<64xf32>
    %broadcast_in_dim3A_12 = vector.shape_cast %reduce_sum3A_11 : vector<64xf32> to vector<64x1xf32>
    %mul3A_13 = arith.constant 1.250000e-06 : f32
    %mul3A_14 = vector.broadcast %mul3A_13 : f32 to vector<64x1xf32>
    %mul3A_15 = arith.mulf %broadcast_in_dim3A_12, %mul3A_14 : vector<64x1xf32>
    %mul3A_16 = arith.mulf %mul3A_6, %mul3A_6 : vector<64x1xf32>
    %sub3A = arith.subf %mul3A_15, %mul3A_16 : vector<64x1xf32>
    %add3A = arith.constant 9.99999974E-6 : f32
    %add3A_17 = vector.broadcast %add3A : f32 to vector<64x1xf32>
    %add3A_18 = arith.addf %sub3A, %add3A_17 : vector<64x1xf32>
    %rsqrt3A = math.rsqrt %add3A_18 : vector<64x1xf32>
    %get3A_19 = arith.constant 0 : index
    %get3A_20 = arith.constant 0 : index
    %get3A_21 = vector.load %arg5[%get3A_19, %get3A_20] : memref<64x1xf32, #tpu.memory_space<vmem>>, vector<64x1xf32>
    %mul3A_22 = arith.mulf %rsqrt3A, %get3A_21 : vector<64x1xf32>
    %get3A_23 = arith.constant 0 : index
    %get3A_24 = arith.constant 0 : index
    %get3A_25 = vector.load %arg6[%get3A_23, %get3A_24] : memref<64x1xf32, #tpu.memory_space<vmem>>, vector<64x1xf32>
    %mul3A_26 = arith.mulf %mul3A_6, %mul3A_22 : vector<64x1xf32>
    %sub3A_27 = arith.subf %get3A_25, %mul3A_26 : vector<64x1xf32>
    %get3A_28 = arith.index_cast %mul3A_0 : i32 to index
    %get3A_29 = arith.constant 0 : index
    %get3A_30 = vector.load %arg1[%get3A_28, %get3A_29] : memref<51216x64xbf16, #tpu.memory_space<vmem>>, vector<2064x64xbf16>
    %convert_element_type3A = arith.extf %get3A_30 : vector<2064x64xbf16> to vector<2064x64xf32>
    %transpose3A = tpu.transpose %convert_element_type3A, [1, 0] : vector<2064x64xf32> -> vector<64x2064xf32>
    %iota3A = tpu.iota {dimensions = array<i32: 1>} : vector<1x2064xi32>
    %add3A_31 = vector.broadcast %mul3A_0 : i32 to vector<1x2064xi32>
    %add3A_32 = arith.addi %iota3A, %add3A_31 : vector<1x2064xi32>
    %ge3A = arith.constant 8 : i32
    %ge3A_33 = vector.broadcast %ge3A : i32 to vector<1x2064xi32>
    %ge3A_34 = arith.cmpi sge, %add3A_32, %ge3A_33 : vector<1x2064xi32>
    %lt3A = arith.constant 50008 : i32
    %lt3A_35 = vector.broadcast %lt3A : i32 to vector<1x2064xi32>
    %lt3A_36 = arith.cmpi slt, %add3A_32, %lt3A_35 : vector<1x2064xi32>
    %and3A = arith.andi %ge3A_34, %lt3A_36 : vector<1x2064xi1>
    %mul3A_37 = vector.broadcast %mul3A_22 : vector<64x1xf32> to vector<64x2064xf32>
    %mul3A_38 = arith.mulf %transpose3A, %mul3A_37 : vector<64x2064xf32>
    %add3A_39 = vector.broadcast %sub3A_27 : vector<64x1xf32> to vector<64x2064xf32>
    %add3A_40 = arith.addf %mul3A_38, %add3A_39 : vector<64x2064xf32>
    %max3A = arith.constant 0.000000e+00 : f32
    %max3A_41 = vector.broadcast %max3A : f32 to vector<64x2064xf32>
    %max3A_42 = arith.maximumf %add3A_40, %max3A_41 : vector<64x2064xf32>
    %jit3A = arith.constant 0.000000e+00 : f32
    %broadcast_in_dim3A_43 = vector.shape_cast %and3A : vector<1x2064xi1> to vector<1x2064xi1>
    %broadcast_in_dim3A_44 = vector.broadcast %broadcast_in_dim3A_43 : vector<1x2064xi1> to vector<64x2064xi1>
    %broadcast_in_dim3A_45 = vector.broadcast %jit3A : f32 to vector<64x2064xf32>
    %select_n3A = arith.select %broadcast_in_dim3A_44, %max3A_42, %broadcast_in_dim3A_45 : vector<64x2064xi1>, vector<64x2064xf32>
    %get3A_46 = arith.constant 0 : index
    %get3A_47 = arith.index_cast %mul3A_0 : i32 to index
    %get3A_48 = vector.load %arg2[%get3A_46, %get3A_47] : memref<3x51216xf32, #tpu.memory_space<vmem>>, vector<3x2064xf32>
    %slice3A = vector.extract_strided_slice %get3A_48 {offsets = [0, 8], sizes = [3, 2048], strides = [1, 1]} : vector<3x2064xf32> to vector<3x2048xf32>
    %slice3A_49 = vector.extract_strided_slice %get3A_48 {offsets = [0, 4], sizes = [3, 2048], strides = [1, 1]} : vector<3x2064xf32> to vector<3x2048xf32>
    %sub3A_50 = arith.subf %slice3A_49, %slice3A : vector<3x2048xf32>
    %mul3A_51 = arith.mulf %sub3A_50, %sub3A_50 : vector<3x2048xf32>
    %reduce_sum3A_52 = arith.constant dense<0.000000e+00> : vector<2048xf32>
    %reduce_sum3A_53 = vector.multi_reduction <add>, %mul3A_51, %reduce_sum3A_52 [0] : vector<3x2048xf32> to vector<2048xf32>
    %broadcast_in_dim3A_54 = vector.shape_cast %reduce_sum3A_53 : vector<2048xf32> to vector<1x2048xf32>
    %mul3A_55 = arith.constant -1.250000e+03 : f32
    %mul3A_56 = vector.broadcast %mul3A_55 : f32 to vector<1x2048xf32>
    %mul3A_57 = arith.mulf %broadcast_in_dim3A_54, %mul3A_56 : vector<1x2048xf32>
    %exp3A = math.exp %mul3A_57 : vector<1x2048xf32>
    %slice3A_58 = vector.extract_strided_slice %get3A_48 {offsets = [0, 5], sizes = [3, 2048], strides = [1, 1]} : vector<3x2064xf32> to vector<3x2048xf32>
    %sub3A_59 = arith.subf %slice3A_58, %slice3A : vector<3x2048xf32>
    %mul3A_60 = arith.mulf %sub3A_59, %sub3A_59 : vector<3x2048xf32>
    %reduce_sum3A_61 = arith.constant dense<0.000000e+00> : vector<2048xf32>
    %reduce_sum3A_62 = vector.multi_reduction <add>, %mul3A_60, %reduce_sum3A_61 [0] : vector<3x2048xf32> to vector<2048xf32>
    %broadcast_in_dim3A_63 = vector.shape_cast %reduce_sum3A_62 : vector<2048xf32> to vector<1x2048xf32>
    %mul3A_64 = arith.constant -1.250000e+03 : f32
    %mul3A_65 = vector.broadcast %mul3A_64 : f32 to vector<1x2048xf32>
    %mul3A_66 = arith.mulf %broadcast_in_dim3A_63, %mul3A_65 : vector<1x2048xf32>
    %exp3A_67 = math.exp %mul3A_66 : vector<1x2048xf32>
    %add3A_68 = arith.addf %exp3A, %exp3A_67 : vector<1x2048xf32>
    %slice3A_69 = vector.extract_strided_slice %get3A_48 {offsets = [0, 6], sizes = [3, 2048], strides = [1, 1]} : vector<3x2064xf32> to vector<3x2048xf32>
    %sub3A_70 = arith.subf %slice3A_69, %slice3A : vector<3x2048xf32>
    %mul3A_71 = arith.mulf %sub3A_70, %sub3A_70 : vector<3x2048xf32>
    %reduce_sum3A_72 = arith.constant dense<0.000000e+00> : vector<2048xf32>
    %reduce_sum3A_73 = vector.multi_reduction <add>, %mul3A_71, %reduce_sum3A_72 [0] : vector<3x2048xf32> to vector<2048xf32>
    %broadcast_in_dim3A_74 = vector.shape_cast %reduce_sum3A_73 : vector<2048xf32> to vector<1x2048xf32>
    %mul3A_75 = arith.constant -1.250000e+03 : f32
    %mul3A_76 = vector.broadcast %mul3A_75 : f32 to vector<1x2048xf32>
    %mul3A_77 = arith.mulf %broadcast_in_dim3A_74, %mul3A_76 : vector<1x2048xf32>
    %exp3A_78 = math.exp %mul3A_77 : vector<1x2048xf32>
    %add3A_79 = arith.addf %add3A_68, %exp3A_78 : vector<1x2048xf32>
    %slice3A_80 = vector.extract_strided_slice %get3A_48 {offsets = [0, 7], sizes = [3, 2048], strides = [1, 1]} : vector<3x2064xf32> to vector<3x2048xf32>
    %sub3A_81 = arith.subf %slice3A_80, %slice3A : vector<3x2048xf32>
    %mul3A_82 = arith.mulf %sub3A_81, %sub3A_81 : vector<3x2048xf32>
    %reduce_sum3A_83 = arith.constant dense<0.000000e+00> : vector<2048xf32>
    %reduce_sum3A_84 = vector.multi_reduction <add>, %mul3A_82, %reduce_sum3A_83 [0] : vector<3x2048xf32> to vector<2048xf32>
    %broadcast_in_dim3A_85 = vector.shape_cast %reduce_sum3A_84 : vector<2048xf32> to vector<1x2048xf32>
    %mul3A_86 = arith.constant -1.250000e+03 : f32
    %mul3A_87 = vector.broadcast %mul3A_86 : f32 to vector<1x2048xf32>
    %mul3A_88 = arith.mulf %broadcast_in_dim3A_85, %mul3A_87 : vector<1x2048xf32>
    %exp3A_89 = math.exp %mul3A_88 : vector<1x2048xf32>
    %add3A_90 = arith.addf %add3A_79, %exp3A_89 : vector<1x2048xf32>
    %slice3A_91 = vector.extract_strided_slice %get3A_48 {offsets = [0, 8], sizes = [3, 2048], strides = [1, 1]} : vector<3x2064xf32> to vector<3x2048xf32>
    %sub3A_92 = arith.subf %slice3A_91, %slice3A : vector<3x2048xf32>
    %mul3A_93 = arith.mulf %sub3A_92, %sub3A_92 : vector<3x2048xf32>
    %reduce_sum3A_94 = arith.constant dense<0.000000e+00> : vector<2048xf32>
    %reduce_sum3A_95 = vector.multi_reduction <add>, %mul3A_93, %reduce_sum3A_94 [0] : vector<3x2048xf32> to vector<2048xf32>
    %broadcast_in_dim3A_96 = vector.shape_cast %reduce_sum3A_95 : vector<2048xf32> to vector<1x2048xf32>
    %mul3A_97 = arith.constant -1.250000e+03 : f32
    %mul3A_98 = vector.broadcast %mul3A_97 : f32 to vector<1x2048xf32>
    %mul3A_99 = arith.mulf %broadcast_in_dim3A_96, %mul3A_98 : vector<1x2048xf32>
    %exp3A_100 = math.exp %mul3A_99 : vector<1x2048xf32>
    %add3A_101 = arith.addf %add3A_90, %exp3A_100 : vector<1x2048xf32>
    %slice3A_102 = vector.extract_strided_slice %get3A_48 {offsets = [0, 9], sizes = [3, 2048], strides = [1, 1]} : vector<3x2064xf32> to vector<3x2048xf32>
    %sub3A_103 = arith.subf %slice3A_102, %slice3A : vector<3x2048xf32>
    %mul3A_104 = arith.mulf %sub3A_103, %sub3A_103 : vector<3x2048xf32>
    %reduce_sum3A_105 = arith.constant dense<0.000000e+00> : vector<2048xf32>
    %reduce_sum3A_106 = vector.multi_reduction <add>, %mul3A_104, %reduce_sum3A_105 [0] : vector<3x2048xf32> to vector<2048xf32>
    %broadcast_in_dim3A_107 = vector.shape_cast %reduce_sum3A_106 : vector<2048xf32> to vector<1x2048xf32>
    %mul3A_108 = arith.constant -1.250000e+03 : f32
    %mul3A_109 = vector.broadcast %mul3A_108 : f32 to vector<1x2048xf32>
    %mul3A_110 = arith.mulf %broadcast_in_dim3A_107, %mul3A_109 : vector<1x2048xf32>
    %exp3A_111 = math.exp %mul3A_110 : vector<1x2048xf32>
    %add3A_112 = arith.addf %add3A_101, %exp3A_111 : vector<1x2048xf32>
    %slice3A_113 = vector.extract_strided_slice %get3A_48 {offsets = [0, 10], sizes = [3, 2048], strides = [1, 1]} : vector<3x2064xf32> to vector<3x2048xf32>
    %sub3A_114 = arith.subf %slice3A_113, %slice3A : vector<3x2048xf32>
    %mul3A_115 = arith.mulf %sub3A_114, %sub3A_114 : vector<3x2048xf32>
    %reduce_sum3A_116 = arith.constant dense<0.000000e+00> : vector<2048xf32>
    %reduce_sum3A_117 = vector.multi_reduction <add>, %mul3A_115, %reduce_sum3A_116 [0] : vector<3x2048xf32> to vector<2048xf32>
    %broadcast_in_dim3A_118 = vector.shape_cast %reduce_sum3A_117 : vector<2048xf32> to vector<1x2048xf32>
    %mul3A_119 = arith.constant -1.250000e+03 : f32
    %mul3A_120 = vector.broadcast %mul3A_119 : f32 to vector<1x2048xf32>
    %mul3A_121 = arith.mulf %broadcast_in_dim3A_118, %mul3A_120 : vector<1x2048xf32>
    %exp3A_122 = math.exp %mul3A_121 : vector<1x2048xf32>
    %add3A_123 = arith.addf %add3A_112, %exp3A_122 : vector<1x2048xf32>
    %slice3A_124 = vector.extract_strided_slice %get3A_48 {offsets = [0, 11], sizes = [3, 2048], strides = [1, 1]} : vector<3x2064xf32> to vector<3x2048xf32>
    %sub3A_125 = arith.subf %slice3A_124, %slice3A : vector<3x2048xf32>
    %mul3A_126 = arith.mulf %sub3A_125, %sub3A_125 : vector<3x2048xf32>
    %reduce_sum3A_127 = arith.constant dense<0.000000e+00> : vector<2048xf32>
    %reduce_sum3A_128 = vector.multi_reduction <add>, %mul3A_126, %reduce_sum3A_127 [0] : vector<3x2048xf32> to vector<2048xf32>
    %broadcast_in_dim3A_129 = vector.shape_cast %reduce_sum3A_128 : vector<2048xf32> to vector<1x2048xf32>
    %mul3A_130 = arith.constant -1.250000e+03 : f32
    %mul3A_131 = vector.broadcast %mul3A_130 : f32 to vector<1x2048xf32>
    %mul3A_132 = arith.mulf %broadcast_in_dim3A_129, %mul3A_131 : vector<1x2048xf32>
    %exp3A_133 = math.exp %mul3A_132 : vector<1x2048xf32>
    %add3A_134 = arith.addf %add3A_123, %exp3A_133 : vector<1x2048xf32>
    %slice3A_135 = vector.extract_strided_slice %get3A_48 {offsets = [0, 12], sizes = [3, 2048], strides = [1, 1]} : vector<3x2064xf32> to vector<3x2048xf32>
    %sub3A_136 = arith.subf %slice3A_135, %slice3A : vector<3x2048xf32>
    %mul3A_137 = arith.mulf %sub3A_136, %sub3A_136 : vector<3x2048xf32>
    %reduce_sum3A_138 = arith.constant dense<0.000000e+00> : vector<2048xf32>
    %reduce_sum3A_139 = vector.multi_reduction <add>, %mul3A_137, %reduce_sum3A_138 [0] : vector<3x2048xf32> to vector<2048xf32>
    %broadcast_in_dim3A_140 = vector.shape_cast %reduce_sum3A_139 : vector<2048xf32> to vector<1x2048xf32>
    %mul3A_141 = arith.constant -1.250000e+03 : f32
    %mul3A_142 = vector.broadcast %mul3A_141 : f32 to vector<1x2048xf32>
    %mul3A_143 = arith.mulf %broadcast_in_dim3A_140, %mul3A_142 : vector<1x2048xf32>
    %exp3A_144 = math.exp %mul3A_143 : vector<1x2048xf32>
    %add3A_145 = arith.addf %add3A_134, %exp3A_144 : vector<1x2048xf32>
    %add3A_146 = arith.constant 9.99999996E-13 : f32
    %add3A_147 = vector.broadcast %add3A_146 : f32 to vector<1x2048xf32>
    %add3A_148 = arith.addf %add3A_145, %add3A_147 : vector<1x2048xf32>
    %div3A = arith.constant 1.000000e+00 : f32
    %div3A_149 = vector.broadcast %div3A : f32 to vector<1x2048xf32>
    %div3A_150 = arith.divf %div3A_149, %add3A_148 : vector<1x2048xf32>
    %slice3A_151 = vector.extract_strided_slice %select_n3A {offsets = [0, 4], sizes = [64, 2048], strides = [1, 1]} : vector<64x2064xf32> to vector<64x2048xf32>
    %get3A_152 = arith.constant 0 : index
    %get3A_153 = arith.constant 0 : index
    %get3A_154 = arith.constant 0 : index
    %get3A_155 = vector.load %arg7[%get3A_152, %get3A_153, %get3A_154] : memref<9x64x64xf32, #tpu.memory_space<vmem>>, vector<1x64x64xf32>
    %get3A_156 = vector.shape_cast %get3A_155 : vector<1x64x64xf32> to vector<64x64xf32>
    %dot_general3A = arith.constant dense<0.000000e+00> : vector<64x2048xf32>
    %dot_general3A_157 = tpu.matmul %get3A_156, %slice3A_151, %dot_general3A {dimension_numbers = #tpu.dot_dimension_numbers<[1], [0], [0], [1], [0, 0, 1, 1], [], []>, transpose_lhs_hint = false} : vector<64x64xf32>, vector<64x2048xf32>, vector<64x2048xf32> -> vector<64x2048xf32>
    %mul3A_158 = arith.mulf %exp3A, %div3A_150 : vector<1x2048xf32>
    %mul3A_159 = vector.broadcast %mul3A_158 : vector<1x2048xf32> to vector<64x2048xf32>
    %mul3A_160 = arith.mulf %dot_general3A_157, %mul3A_159 : vector<64x2048xf32>
    %slice3A_161 = vector.extract_strided_slice %select_n3A {offsets = [0, 5], sizes = [64, 2048], strides = [1, 1]} : vector<64x2064xf32> to vector<64x2048xf32>
    %get3A_162 = arith.constant 1 : index
    %get3A_163 = arith.constant 0 : index
    %get3A_164 = arith.constant 0 : index
    %get3A_165 = vector.load %arg7[%get3A_162, %get3A_163, %get3A_164] : memref<9x64x64xf32, #tpu.memory_space<vmem>>, vector<1x64x64xf32>
    %get3A_166 = vector.shape_cast %get3A_165 : vector<1x64x64xf32> to vector<64x64xf32>
    %dot_general3A_167 = arith.constant dense<0.000000e+00> : vector<64x2048xf32>
    %dot_general3A_168 = tpu.matmul %get3A_166, %slice3A_161, %dot_general3A_167 {dimension_numbers = #tpu.dot_dimension_numbers<[1], [0], [0], [1], [0, 0, 1, 1], [], []>, transpose_lhs_hint = false} : vector<64x64xf32>, vector<64x2048xf32>, vector<64x2048xf32> -> vector<64x2048xf32>
    %mul3A_169 = arith.mulf %exp3A_67, %div3A_150 : vector<1x2048xf32>
    %mul3A_170 = vector.broadcast %mul3A_169 : vector<1x2048xf32> to vector<64x2048xf32>
    %mul3A_171 = arith.mulf %dot_general3A_168, %mul3A_170 : vector<64x2048xf32>
    %add3A_172 = arith.addf %mul3A_160, %mul3A_171 : vector<64x2048xf32>
    %slice3A_173 = vector.extract_strided_slice %select_n3A {offsets = [0, 6], sizes = [64, 2048], strides = [1, 1]} : vector<64x2064xf32> to vector<64x2048xf32>
    %get3A_174 = arith.constant 2 : index
    %get3A_175 = arith.constant 0 : index
    %get3A_176 = arith.constant 0 : index
    %get3A_177 = vector.load %arg7[%get3A_174, %get3A_175, %get3A_176] : memref<9x64x64xf32, #tpu.memory_space<vmem>>, vector<1x64x64xf32>
    %get3A_178 = vector.shape_cast %get3A_177 : vector<1x64x64xf32> to vector<64x64xf32>
    %dot_general3A_179 = arith.constant dense<0.000000e+00> : vector<64x2048xf32>
    %dot_general3A_180 = tpu.matmul %get3A_178, %slice3A_173, %dot_general3A_179 {dimension_numbers = #tpu.dot_dimension_numbers<[1], [0], [0], [1], [0, 0, 1, 1], [], []>, transpose_lhs_hint = false} : vector<64x64xf32>, vector<64x2048xf32>, vector<64x2048xf32> -> vector<64x2048xf32>
    %mul3A_181 = arith.mulf %exp3A_78, %div3A_150 : vector<1x2048xf32>
    %mul3A_182 = vector.broadcast %mul3A_181 : vector<1x2048xf32> to vector<64x2048xf32>
    %mul3A_183 = arith.mulf %dot_general3A_180, %mul3A_182 : vector<64x2048xf32>
    %add3A_184 = arith.addf %add3A_172, %mul3A_183 : vector<64x2048xf32>
    %slice3A_185 = vector.extract_strided_slice %select_n3A {offsets = [0, 7], sizes = [64, 2048], strides = [1, 1]} : vector<64x2064xf32> to vector<64x2048xf32>
    %get3A_186 = arith.constant 3 : index
    %get3A_187 = arith.constant 0 : index
    %get3A_188 = arith.constant 0 : index
    %get3A_189 = vector.load %arg7[%get3A_186, %get3A_187, %get3A_188] : memref<9x64x64xf32, #tpu.memory_space<vmem>>, vector<1x64x64xf32>
    %get3A_190 = vector.shape_cast %get3A_189 : vector<1x64x64xf32> to vector<64x64xf32>
    %dot_general3A_191 = arith.constant dense<0.000000e+00> : vector<64x2048xf32>
    %dot_general3A_192 = tpu.matmul %get3A_190, %slice3A_185, %dot_general3A_191 {dimension_numbers = #tpu.dot_dimension_numbers<[1], [0], [0], [1], [0, 0, 1, 1], [], []>, transpose_lhs_hint = false} : vector<64x64xf32>, vector<64x2048xf32>, vector<64x2048xf32> -> vector<64x2048xf32>
    %mul3A_193 = arith.mulf %exp3A_89, %div3A_150 : vector<1x2048xf32>
    %mul3A_194 = vector.broadcast %mul3A_193 : vector<1x2048xf32> to vector<64x2048xf32>
    %mul3A_195 = arith.mulf %dot_general3A_192, %mul3A_194 : vector<64x2048xf32>
    %add3A_196 = arith.addf %add3A_184, %mul3A_195 : vector<64x2048xf32>
    %slice3A_197 = vector.extract_strided_slice %select_n3A {offsets = [0, 8], sizes = [64, 2048], strides = [1, 1]} : vector<64x2064xf32> to vector<64x2048xf32>
    %get3A_198 = arith.constant 4 : index
    %get3A_199 = arith.constant 0 : index
    %get3A_200 = arith.constant 0 : index
    %get3A_201 = vector.load %arg7[%get3A_198, %get3A_199, %get3A_200] : memref<9x64x64xf32, #tpu.memory_space<vmem>>, vector<1x64x64xf32>
    %get3A_202 = vector.shape_cast %get3A_201 : vector<1x64x64xf32> to vector<64x64xf32>
    %dot_general3A_203 = arith.constant dense<0.000000e+00> : vector<64x2048xf32>
    %dot_general3A_204 = tpu.matmul %get3A_202, %slice3A_197, %dot_general3A_203 {dimension_numbers = #tpu.dot_dimension_numbers<[1], [0], [0], [1], [0, 0, 1, 1], [], []>, transpose_lhs_hint = false} : vector<64x64xf32>, vector<64x2048xf32>, vector<64x2048xf32> -> vector<64x2048xf32>
    %mul3A_205 = arith.mulf %exp3A_100, %div3A_150 : vector<1x2048xf32>
    %mul3A_206 = vector.broadcast %mul3A_205 : vector<1x2048xf32> to vector<64x2048xf32>
    %mul3A_207 = arith.mulf %dot_general3A_204, %mul3A_206 : vector<64x2048xf32>
    %add3A_208 = arith.addf %add3A_196, %mul3A_207 : vector<64x2048xf32>
    %slice3A_209 = vector.extract_strided_slice %select_n3A {offsets = [0, 9], sizes = [64, 2048], strides = [1, 1]} : vector<64x2064xf32> to vector<64x2048xf32>
    %get3A_210 = arith.constant 5 : index
    %get3A_211 = arith.constant 0 : index
    %get3A_212 = arith.constant 0 : index
    %get3A_213 = vector.load %arg7[%get3A_210, %get3A_211, %get3A_212] : memref<9x64x64xf32, #tpu.memory_space<vmem>>, vector<1x64x64xf32>
    %get3A_214 = vector.shape_cast %get3A_213 : vector<1x64x64xf32> to vector<64x64xf32>
    %dot_general3A_215 = arith.constant dense<0.000000e+00> : vector<64x2048xf32>
    %dot_general3A_216 = tpu.matmul %get3A_214, %slice3A_209, %dot_general3A_215 {dimension_numbers = #tpu.dot_dimension_numbers<[1], [0], [0], [1], [0, 0, 1, 1], [], []>, transpose_lhs_hint = false} : vector<64x64xf32>, vector<64x2048xf32>, vector<64x2048xf32> -> vector<64x2048xf32>
    %mul3A_217 = arith.mulf %exp3A_111, %div3A_150 : vector<1x2048xf32>
    %mul3A_218 = vector.broadcast %mul3A_217 : vector<1x2048xf32> to vector<64x2048xf32>
    %mul3A_219 = arith.mulf %dot_general3A_216, %mul3A_218 : vector<64x2048xf32>
    %add3A_220 = arith.addf %add3A_208, %mul3A_219 : vector<64x2048xf32>
    %slice3A_221 = vector.extract_strided_slice %select_n3A {offsets = [0, 10], sizes = [64, 2048], strides = [1, 1]} : vector<64x2064xf32> to vector<64x2048xf32>
    %get3A_222 = arith.constant 6 : index
    %get3A_223 = arith.constant 0 : index
    %get3A_224 = arith.constant 0 : index
    %get3A_225 = vector.load %arg7[%get3A_222, %get3A_223, %get3A_224] : memref<9x64x64xf32, #tpu.memory_space<vmem>>, vector<1x64x64xf32>
    %get3A_226 = vector.shape_cast %get3A_225 : vector<1x64x64xf32> to vector<64x64xf32>
    %dot_general3A_227 = arith.constant dense<0.000000e+00> : vector<64x2048xf32>
    %dot_general3A_228 = tpu.matmul %get3A_226, %slice3A_221, %dot_general3A_227 {dimension_numbers = #tpu.dot_dimension_numbers<[1], [0], [0], [1], [0, 0, 1, 1], [], []>, transpose_lhs_hint = false} : vector<64x64xf32>, vector<64x2048xf32>, vector<64x2048xf32> -> vector<64x2048xf32>
    %mul3A_229 = arith.mulf %exp3A_122, %div3A_150 : vector<1x2048xf32>
    %mul3A_230 = vector.broadcast %mul3A_229 : vector<1x2048xf32> to vector<64x2048xf32>
    %mul3A_231 = arith.mulf %dot_general3A_228, %mul3A_230 : vector<64x2048xf32>
    %add3A_232 = arith.addf %add3A_220, %mul3A_231 : vector<64x2048xf32>
    %slice3A_233 = vector.extract_strided_slice %select_n3A {offsets = [0, 11], sizes = [64, 2048], strides = [1, 1]} : vector<64x2064xf32> to vector<64x2048xf32>
    %get3A_234 = arith.constant 7 : index
    %get3A_235 = arith.constant 0 : index
    %get3A_236 = arith.constant 0 : index
    %get3A_237 = vector.load %arg7[%get3A_234, %get3A_235, %get3A_236] : memref<9x64x64xf32, #tpu.memory_space<vmem>>, vector<1x64x64xf32>
    %get3A_238 = vector.shape_cast %get3A_237 : vector<1x64x64xf32> to vector<64x64xf32>
    %dot_general3A_239 = arith.constant dense<0.000000e+00> : vector<64x2048xf32>
    %dot_general3A_240 = tpu.matmul %get3A_238, %slice3A_233, %dot_general3A_239 {dimension_numbers = #tpu.dot_dimension_numbers<[1], [0], [0], [1], [0, 0, 1, 1], [], []>, transpose_lhs_hint = false} : vector<64x64xf32>, vector<64x2048xf32>, vector<64x2048xf32> -> vector<64x2048xf32>
    %mul3A_241 = arith.mulf %exp3A_133, %div3A_150 : vector<1x2048xf32>
    %mul3A_242 = vector.broadcast %mul3A_241 : vector<1x2048xf32> to vector<64x2048xf32>
    %mul3A_243 = arith.mulf %dot_general3A_240, %mul3A_242 : vector<64x2048xf32>
    %add3A_244 = arith.addf %add3A_232, %mul3A_243 : vector<64x2048xf32>
    %slice3A_245 = vector.extract_strided_slice %select_n3A {offsets = [0, 12], sizes = [64, 2048], strides = [1, 1]} : vector<64x2064xf32> to vector<64x2048xf32>
    %get3A_246 = arith.constant 8 : index
    %get3A_247 = arith.constant 0 : index
    %get3A_248 = arith.constant 0 : index
    %get3A_249 = vector.load %arg7[%get3A_246, %get3A_247, %get3A_248] : memref<9x64x64xf32, #tpu.memory_space<vmem>>, vector<1x64x64xf32>
    %get3A_250 = vector.shape_cast %get3A_249 : vector<1x64x64xf32> to vector<64x64xf32>
    %dot_general3A_251 = arith.constant dense<0.000000e+00> : vector<64x2048xf32>
    %dot_general3A_252 = tpu.matmul %get3A_250, %slice3A_245, %dot_general3A_251 {dimension_numbers = #tpu.dot_dimension_numbers<[1], [0], [0], [1], [0, 0, 1, 1], [], []>, transpose_lhs_hint = false} : vector<64x64xf32>, vector<64x2048xf32>, vector<64x2048xf32> -> vector<64x2048xf32>
    %mul3A_253 = arith.mulf %exp3A_144, %div3A_150 : vector<1x2048xf32>
    %mul3A_254 = vector.broadcast %mul3A_253 : vector<1x2048xf32> to vector<64x2048xf32>
    %mul3A_255 = arith.mulf %dot_general3A_252, %mul3A_254 : vector<64x2048xf32>
    %add3A_256 = arith.addf %add3A_244, %mul3A_255 : vector<64x2048xf32>
    %swap3A = arith.constant 0 : index
    %swap3A_257 = arith.constant 0 : index
    %swap3A_258 = vector.load %arg8[%swap3A, %swap3A_257] : memref<64x2048xf32, #tpu.memory_space<vmem>>, vector<64x2048xf32>
    tpu.vector_store %arg8[%swap3A, %swap3A_257], %add3A_256 {strides = array<i32>} : memref<64x2048xf32, #tpu.memory_space<vmem>>, vector<64x2048xf32>,
    return
  }
  func.func @transform_0(%arg0: i32) -> (i32, i32) {
    %c0_i32 = arith.constant 0 : i32
    %c0_i32_0 = arith.constant 0 : i32
    %c0_i32_1 = arith.constant 0 : i32
    return %c0_i32, %c0_i32_0 : i32, i32
  }
  func.func @transform_1(%arg0: i32) -> (i32, i32) {
    %c0_i32 = arith.constant 0 : i32
    %c0_i32_0 = arith.constant 0 : i32
    %c0_i32_1 = arith.constant 0 : i32
    return %c0_i32, %c0_i32_0 : i32, i32
  }
  func.func @transform_2(%arg0: i32) -> (i32, i32) {
    %c0_i32 = arith.constant 0 : i32
    %c0_i32_0 = arith.constant 0 : i32
    %c0_i32_1 = arith.constant 0 : i32
    return %c0_i32, %c0_i32_0 : i32, i32
  }
  func.func @transform_3(%arg0: i32) -> (i32, i32) {
    %c0_i32 = arith.constant 0 : i32
    %c0_i32_0 = arith.constant 0 : i32
    %c0_i32_1 = arith.constant 0 : i32
    return %c0_i32, %c0_i32_0 : i32, i32
  }
  func.func @transform_4(%arg0: i32) -> (i32, i32) {
    %c0_i32 = arith.constant 0 : i32
    %c0_i32_0 = arith.constant 0 : i32
    %c0_i32_1 = arith.constant 0 : i32
    return %c0_i32, %c0_i32_0 : i32, i32
  }
  func.func @transform_5(%arg0: i32) -> (i32, i32) {
    %c0_i32 = arith.constant 0 : i32
    %c0_i32_0 = arith.constant 0 : i32
    %c0_i32_1 = arith.constant 0 : i32
    return %c0_i32, %c0_i32_0 : i32, i32
  }
  func.func @transform_6(%arg0: i32) -> (i32, i32, i32) {
    %c0_i32 = arith.constant 0 : i32
    %c0_i32_0 = arith.constant 0 : i32
    %c0_i32_1 = arith.constant 0 : i32
    %c0_i32_2 = arith.constant 0 : i32
    return %c0_i32, %c0_i32_0, %c0_i32_1 : i32, i32, i32
  }
  func.func @transform_7(%arg0: i32) -> (i32, i32) {
    %c0_i32 = arith.constant 0 : i32
    %c0_i32_0 = arith.constant 0 : i32
    return %c0_i32, %arg0 : i32, i32
  }
}

</mosaic_0001>

<sc_bundles>
// kernel: kernel.5.cloned.1.call-start
scs
__scs_entry_jumppad:
0x0: {  	(pc) =	sbr.rel $0x88, $3  }
0x1: {  	(tag) =	ssettag $0x0;
	lr =	simm.s32 $0x1  }
0x2: {  	[smem:$0x3F9A] =	sst lr;
	_ =	strace $0xD0000000  }
0x3: {  	_ = 	snop  }
0x4: {  	_ = 	snop  }
0x5: {  	_ = 	snop  }
0x6: {  	_ = 	snop  }
0x7: {  	_ = 	snop  }
__scs_overlays_trampoline_lowered:
0x8: {  	[smem:$0x3FA9] =	sst s0  }
0x9: {  	[smem:$0x3FAA] =	sst s1  }
0xa: {  	[smem:$0x3FAB] =	sst s2  }
0xb: {  	[smem:$0x3FAC] =	sst s3  }
0xc: {  	[smem:$0x3FAD] =	sst s4  }
0xd: {  	[smem:$0x3FAE] =	sst s5  }
0xe: {  	[smem:$0x3FAF] =	sst s6  }
0xf: {  	[smem:$0x3FB0] =	sst s7  }
0x10: {  	[smem:$0x3FB1] =	sst s8  }
0x11: {  	[smem:$0x3FB2] =	sst s9;
	s0 =	simm.s32 @!p0 $0x0  }
0x12: {  	s1 =	sld [smem:$0x3F98];
	s0 =	simm.s32 @p0 $0x1  }
0x13: {  	[smem:$0x3FB3] =	sst s0;
	s0 =	simm.s32 @!p1 $0x0  }
0x14: {  	s2 =	sld [smem:$0x3F97];
	s0 =	simm.s32 @p1 $0x1  }
0x15: {  	[smem:$0x3FB4] =	sst s0;
	s0 =	simm.s32 @!p2 $0x0  }
0x16: {  	s3 =	sld [smem:$0x3FDB];
	s0 =	simm.s32 @p2 $0x1  }
0x17: {  	s4 =	simm.s32 $0x1BF5;
	[smem:$0x3FB6] =	sst s0  }
0x18: {  	s0 =	sld [smem:$0x3F99];
	_ =	swait.ge [sflag:s4], $0x0  }
0x19: {  	s7 =	sld [smem:$0x3F9A]  }
0x1a: {  	s8 =	sadd.s32 $0xFFFFE003, lr  }
0x1b: {  	s9 =	sadd.s32 $0xFFFFFEF7, lr;
	s5 =	simm.s32 $0xFFFFFFFF;
	p2 =	slt.u32 s8, $0xFFFFF086  }
0x1c: {  	p1 =	slt.u32 s9, $0xF7A;
	s5 =	simm.s32 @!p2 $0x0  }
0x1d: {  	s5 =	simm.s32 @p1 $0x1;
	p0 =	seq.s32 s7, s2  }
0x1e: {  	s7 =	smul.u32 @!p0 $0xF7A, s2;
	p2 =	seq.s32 @!p0 s5, $0x0  }
0x1f: {  	s9 =	smul.u32 $0xF7A, s1;
	s8 =	simm.s32 @!p0 $0x1BF5;
	p2 =	por !p2, p0  }
0x20: {  	[sflag:s8] =	ssyncset.s32 @!p0 $0xFFFFF086;
	s6 =	sadd.s32 @!p0 s3, s7;
	s7 =	simm.s32 @!p0 $0x108  }
0x21: {  	s3 =	sadd.s32 s3, s9;
	s6 =	sadd.s32 @!p0 $0x88, s6;
	s7 =	simm.s32 @p2 $0x1082  }
0x22: {  	[simem:s7], [sflag:s8] =	dma.local @!p0 [hbm:s6], $0xF7A  }
0x23: {  	s9 =	sor.u32 $0xD0000000, s2;
	s6 =	simm.s32 $0x108;
	_ =	swait.ge @!p0 [sflag:s8], $0x0  }
0x24: {  	s3 =	sadd.s32 $0x88, s3;
	s6 =	simm.s32 @!p1 $0x1082;
	[sflag:s4] =	ssyncset.s32 $0xFFFFF086  }
0x25: {  	[simem:s6], [sflag:s4] =	dma.local [hbm:s3], $0xF7A  }
0x26: {  	[smem:$0x3F9A] =	sst s1;
	(tag) =	ssettag s2;
	_ =	strace s9  }
0x27: {  	s1 =	sld [smem:$0x3FAA]  }
0x28: {  	s2 =	sld [smem:$0x3FAB]  }
0x29: {  	s4 =	sld [smem:$0x3FAD]  }
0x2a: {  	p0 =	seq.s32 s5, $0x0;
	s5 =	sld [smem:$0x3FAE]  }
0x2b: {  	s6 =	sld [smem:$0x3FAF]  }
0x2c: {  	s7 =	sld [smem:$0x3FB0]  }
0x2d: {  	s3 =	simm.s32 $0x108;
	s8 =	sld [smem:$0x3FB1]  }
0x2e: {  	s3 =	simm.s32 @!p0 $0x1082;
	s9 =	sld [smem:$0x3FB2]  }
0x2f: {  	lr =	sadd.s32 s0, s3;
	s0 =	sld [smem:$0x3FA9]  }
0x30: {  	s3 =	sld [smem:$0x3FAC]  }
0x31: {  	[smem:$0x3FB5] =	sst s10  }
0x32: {  	s10 =	sld [smem:$0x3FB3];
	_ =	sdelay $0x3  }
0x33: {  	p0 =	seq.s32 s10, $0x1;
	s10 =	sld [smem:$0x3FB5];
	_ =	sdelay $0x3  }
0x34: {  	[smem:$0x3FB5] =	sst s10  }
0x35: {  	s10 =	sld [smem:$0x3FB4];
	_ =	sdelay $0x3  }
0x36: {  	p1 =	seq.s32 s10, $0x1;
	s10 =	sld [smem:$0x3FB5];
	_ =	sdelay $0x3  }
0x37: {  	[smem:$0x3FB5] =	sst s10  }
0x38: {  	s10 =	sld [smem:$0x3FB6]  }
0x39: {  	_ = 	snop;
	(pc) =	sbr.ind lr, $3  }
0x3a: {  	_ = 	snop  }
0x3b: {  	_ = 	snop  }
0x3c: {  	p2 =	seq.s32 s10, $0x1;
	s10 =	sld [smem:$0x3FB5]  }
0x3d: {  	_ =	shalt  }
0x3e: {  	_ =	shalt  }
0x3f: {  	_ =	shalt  }
0x40: {  	_ =	shalt  }
0x41: {  	_ =	shalt  }
0x42: {  	_ =	shalt  }
0x43: {  	_ =	shalt  }
0x44: {  	_ =	shalt  }
0x45: {  	_ =	shalt  }
0x46: {  	_ =	shalt  }
0x47: {  	_ =	shalt  }
0x48: {  	_ =	shalt  }
0x49: {  	_ =	shalt  }
0x4a: {  	_ =	shalt  }
0x4b: {  	_ =	shalt  }
0x4c: {  	_ =	shalt  }
0x4d: {  	_ =	shalt  }
0x4e: {  	_ =	shalt  }
0x4f: {  	_ =	shalt  }
0x50: {  	_ =	shalt  }
0x51: {  	_ =	shalt  }
0x52: {  	_ =	shalt  }
0x53: {  	_ =	shalt  }
0x54: {  	_ =	shalt  }
0x55: {  	_ =	shalt  }
0x56: {  	_ =	shalt  }
0x57: {  	_ =	shalt  }
0x58: {  	_ =	shalt  }
0x59: {  	_ =	shalt  }
0x5a: {  	_ =	shalt  }
0x5b: {  	_ =	shalt  }
0x5c: {  	_ =	shalt  }
0x5d: {  	_ =	shalt  }
0x5e: {  	_ =	shalt  }
0x5f: {  	_ =	shalt  }
0x60: {  	_ =	shalt  }
0x61: {  	_ =	shalt  }
0x62: {  	_ =	shalt  }
0x63: {  	_ =	shalt  }
0x64: {  	_ =	shalt  }
0x65: {  	_ =	shalt  }
0x66: {  	_ =	shalt  }
0x67: {  	_ =	shalt  }
0x68: {  	_ =	shalt  }
0x69: {  	_ =	shalt  }
0x6a: {  	_ =	shalt  }
0x6b: {  	_ =	shalt  }
0x6c: {  	_ =	shalt  }
0x6d: {  	_ =	shalt  }
0x6e: {  	_ =	shalt  }
0x6f: {  	_ =	shalt  }
0x70: {  	_ =	shalt  }
0x71: {  	_ =	shalt  }
0x72: {  	_ =	shalt  }
0x73: {  	_ =	shalt  }
0x74: {  	_ =	shalt  }
0x75: {  	_ =	shalt  }
0x76: {  	_ =	shalt  }
0x77: {  	_ =	shalt  }
0x78: {  	_ =	shalt  }
0x79: {  	_ =	shalt  }
0x7a: {  	_ =	shalt  }
0x7b: {  	_ =	shalt  }
0x7c: {  	_ =	shalt  }
0x7d: {  	_ =	shalt  }
0x7e: {  	_ =	shalt  }
0x7f: {  	_ =	shalt  }
0x80: {  	_ =	shalt  }
0x81: {  	_ =	shalt  }
0x82: {  	_ =	shalt  }
0x83: {  	_ =	shalt  }
0x84: {  	_ =	shalt  }
0x85: {  	_ =	shalt  }
0x86: {  	_ =	shalt  }
0x87: {  	_ =	shalt  }
.Lfunc_end0:
.L_simem_size_0:
called_computation_lowered:
.L_overlay_start_0:
0x88: {  	s2 =	sld [smem:$0x3FD9]  }
0x89: {  	s3 =	sld [smem:$0x3FFE];
	_ =	sdelay $0x1  }
0x8a: {  	s1 =	srdreg.scid  }
0x8b: {  	s0 =	sand.u32 $0x1, s1  }
0x8c: {  	s17 =	sshll.u32 s0, $0xA;
	s2 =	sadd.s32 s3, s2  }
0x8d: {  	s2 =	sadd.s32 s2, s17  }
0x8e: {  	[smem:$0x3FC1] =	sst s2  }
0x8f: {  	_ = 	snop  }
0x90: {  	s2 =	sld [smem:$0x3FD0];
	(tm) =	ssettm $0x1  }
0x91: {  	s18 =	sld [smem:$0x3FFB];
	_ =	sdelay $0x3  }
0x92: {  	_ =	strace s18  }
0x93: {  	s3 =	sld [smem:$0x3FFC];
	_ =	sdelay $0x3  }
0x94: {  	_ =	strace s3  }
0x95: {  	s3 =	sld [smem:$0x3FFD];
	_ =	sdelay $0x3  }
0x96: {  	_ =	strace s3  }
0x97: {  	_ =	strace $0x8FFFFFFF  }
0x98: {  	s19 =	sld [smem:$0x3FDB];
	_ =	sdelay $0x1  }
0x99: {  	s4 =	simm.s32 $_scs_section_size  }
0x9a: {  	s5 =	simm.s32 $_size__tile_overlayer_lowered;
	s6 =	simm.s32 $_tile_overlayer_lowered  }
0x9b: {  	s22 =	simm.s32 $0x1BFF;
	s21 =	sshll.u32 s6, $0x1;
	s3 =	sadd.s32 s4, s19  }
0x9c: {  	s7 =	simm.s32 $0x0;
	s20 =	sshll.u32 s5, $0x1;
	s5 =	sadd.s32 s21, s3  }
0x9d: {  	[timem:s7], [sflag:s22] =	dma.local [hbm:s5], s20  }
0x9e: {  	_ =	swait.ge [sflag:s22], s20  }
0x9f: {  	s4 =	ssub.s32 $0x0, s20;
	[sflag:s22] =	ssyncset.done $0x0  }
0xa0: {  	[sflag:s22] =	ssyncadd.s32 s4;
	_ =	sdelay $0x1  }
0xa1: {  	s23 =	simm.s32 $0x1B8B  }
0xa2: {  	_ =	swait.ge [sflag:s23], $0x1  }
0xa3: {  	[sflag:s23] =	ssyncset.done $0x0  }
0xa4: {  	s25 =	simm.s32 $0x1B8E;
	s24 =	sld [smem:$0x3FFE];
	[sflag:s23] =	ssyncadd.s32 $0xFFFFFFFF  }
0xa5: {  	s26 =	simm.s32 $execute0_lowered;
	[smem:$0x3FD2] =	sst s25  }
0xa6: {  	s5 =	sshll.u32 s26, $0x1;
	_ =	strace $0x80000046;
	[dreg:$0x1] =	wrdreg $0xFFFFFFFF  }
0xa7: {  	s28 =	simm.s32 $_size_execute0_lowered;
	s3 =	sadd.s32 s3, s5;
	[dreg:$0x0] =	wrdreg $0x0  }
0xa8: {  	s5 =	sshll.u32 s28, $0x1;
	[dreg:$0x2] =	wrdreg s3  }
0xa9: {  	[dreg:$0x3] =	wrdreg s5  }
0xaa: {  	[dreg:$0x4] =	wrdreg $0xC0  }
0xab: {  	_ =	task [dreg:s7], $0x5FFFF  }
0xac: {  	[dreg:$0x1] =	wrdreg $0xFFFFFFFF  }
0xad: {  	[dreg:$0x0] =	wrdreg $0x60  }
0xae: {  	[dreg:$0x2] =	wrdreg s24  }
0xaf: {  	[dreg:$0x3] =	wrdreg s2  }
0xb0: {  	[dreg:$0x4] =	wrdreg $0x9  }
0xb1: {  	_ =	task.clear_ibuf [dreg:s7], $0x5FFFF;
	_ =	strace $0x90000046  }
0xb2: {  	s29 =	simm.s32 $0x9;
	_ =	strace $0x80000048  }
0xb3: {  	_ =	swait.ge [sflag:s29], $0x1  }
0xb4: {  	[sflag:s29] =	ssyncadd.s32 $0xFFFFFFFF  }
0xb5: {  	_ =	strace $0x90000048  }
0xb6: {  	_ =	sfence  }
0xb7: {  	s30 =	sld [smem:$0x0];
	_ =	sdelay $0x2  }
0xb8: {  	s31 =	sshll.u32 s1, $0xD;
	s1 =	sshrl.u32 s1, $0x2  }
0xb9: {  	s3 =	sand.u32 $0x4000, s31;
	s1 =	sadd.s32 s1, s30  }
0xba: {  	s0 =	sor.u32 s3, s0;
	s1 =	sshll.u32 s1, $0x11  }
0xbb: {  	s0 =	sor.u32 s1, s0  }
0xbc: {  	s0 =	sadd.s32 $0x8F2B, s0  }
0xbd: {  	[sflag:s0] =	ssyncadd.remote.s32 $0x1  }
0xbe: {  	_ =	sfence.sel $0xFFFF  }
0xbf: {  	[dreg:$0x0] =	wrdreg $0xFFFFFFFF;
	(pc) =	sbr.abs _section_cstart, $3  }
0xc0: {  	[dreg:$0x1] =	wrdreg $0xFFFFFFFF  }
0xc1: {  	_ =	task.clear_ibuf [dreg:s7], $0x2FFFF;
	_ =	strace $0x9FFFFFFF  }
0xc2: {  	(tm) =	ssettm $0x7FFFFFFF  }
0xc3: {  	_ =	shalt  }
tec
execute0_lowered:
.L_overlay_start_1:
0x0: {  	(tag) =	ssettag $0x1  }
0x1: {  	s0 =	rddreg [dreg:$0x0]  }
0x2: {  	s1 =	rddreg [dreg:$0x1];
	s2 =	simm.s32 $0x0;
	s3 =	srdreg.scid  }
0x3: {  	s4 =	stileid.u32;
	s20 =	simm.s32 $0x100;
	s28 =	simm.s32 $0x5  }
0x4: {  	s29 =	simm.s32 $0x7;
	s30 =	simm.s32 $0x2;
	s31 =	simm.s32 $0x4  }
0x5: {  	s16 =	simm.s32 $0x0;
	[smem:$0x7FF] =	sst s2;
	s7 =	sand.u32 $0x1, s3  }
0x6: {  	s5 =	sshll.u32 s4, $0x1;
	s3 =	sadd.s32 $0x34A00, s0;
	s4 =	sadd.s32 $0x65A00, s0  }
0x7: {  	s6 =	sadd.s32 $0x3A00, s0;
	_ =	strace $0x80000047;
	s8 =	sor.u32 s7, s5  }
0x8: {  	s5 =	sadd.s32 $0x1C200, s0;
	s7 =	ssub.s32 $0x2, s7;
	s10 =	smul.u32 $0x6200, s8  }
0x9: {  	s9 =	sshll.u32 s8, $0x3;
	s21 =	sshrl.u32 s7, $0x1;
	s12 =	smul.u32 $0x1880, s8  }
0xa: {  	s8 =	smul.u32 $0x18800, s8;
	s0 =	sadd.s32 s9, s0;
	s7 =	ssub.s32 s7, s21  }
0xb: {  	s21 =	simm.s32 $0x80;
	s11 =	sshrl.u32 s10, $0x3;
	s24 =	sadd.s32 s12, s1  }
0xc: {  	s8 =	sshrl.u32 s8, $0x4;
	s25 =	sadd.s32 $0x96A00, s0;
	s0 =	sadd.s32 $0x96C00, s0  }
0xd: {  	s26 =	smax.u32 s7, $0x1;
	s7 =	simm.s32 $0x4200;
	s22 =	sor.u32 $0x10, s11  }
0xe: {  	s13 =	sadd.s32 s5, s11;
	s11 =	sadd.s32 s6, s11;
	[dreg:$0x9] =	wrdreg s25  }
0xf: {  	s12 =	sadd.s32 $0x20, s24;
	s1 =	sadd.s32 s1, s8;
	[dreg:$0xa] =	wrdreg s0  }
0x10: {  	[dreg:$0xb] =	wrdreg s26;
	s19 =	sadd.s32 $0x40, s24;
	s24 =	simm.s32 $0x3  }
0x11: {  	s25 =	simm.s32 $0x200;
	s26 =	simm.s32 $0x2200;
	[dreg:$0x3] =	wrdreg s13  }
0x12: {  	s0 =	simm.s32 $0x1200;
	[dreg:$0x4] =	wrdreg s11;
	s23 =	sadd.s32 s5, s22  }
0x13: {  	s9 =	sadd.s32 s6, s22;
	s11 =	sor.u32 $0x100, s10;
	[dreg:$0x5] =	wrdreg s23  }
0x14: {  	s13 =	sor.u32 $0x180, s10;
	s8 =	sadd.s32 $0x1860, s1;
	[dreg:$0x6] =	wrdreg s9  }
0x15: {  	s1 =	sadd.s32 $0x1880, s1;
	s22 =	simm.s32 $0x180;
	[dreg:$0x7] =	wrdreg s8  }
0x16: {  	s10 =	simm.s32 $0x4300;
	[dreg:$0x8] =	wrdreg s1;
	s23 =	simm.s32 $0x1  }
0x17: {  	s1 =	simm.s32 $0x3200;
	s8 =	simm.s32 $0x6;
	s9 =	simm.s32 $0x8  }
.LBB2_1:
0x18: {  	[dreg:$0xc] =	wrdreg s16  }
0x19: {  	s14 =	rddreg [dreg:$0x3]  }
0x1a: {  	[tilespmem:s2], [sflag:$0x1] =	stream.linear.gather [hbm4b:s14+s2], $0x80, $0x38;
	[tilespmem:$0x4480] =	vst v63  }
0x1b: {  	s16 =	rddreg [dreg:$0x4]  }
0x1c: {  	[tilespmem:s20], [sflag:$0x3] =	stream.linear.gather [hbm4b:s16+s2], $0x80, $0x38;
	[tilespmem:$0x4480] =	vst v63  }
0x1d: {  	s17 =	rddreg [dreg:$0x5]  }
0x1e: {  	[tilespmem:s21], [sflag:$0x2] =	stream.linear.gather [hbm4b:s17+s2], $0x80, $0x38;
	[tilespmem:$0x4480] =	vst v63  }
0x1f: {  	s18 =	rddreg [dreg:$0x6]  }
0x20: {  	[tilespmem:s22], [sflag:$0x4] =	stream.linear.gather [hbm4b:s18+s2], $0x80, $0x38;
	[tilespmem:$0x4480] =	vst v63  }
0x21: {  	_ =	swait.ge [sflag:s23], $0x80  }
0x22: {  	[sflag:s23] =	ssyncset.done $0x0  }
0x23: {  	[sflag:s23] =	ssyncadd.s32 $0xFFFFFF80  }
0x24: {  	_ =	swait.ge [sflag:s24], $0x80  }
0x25: {  	[sflag:s24] =	ssyncset.done $0x0  }
0x26: {  	[sflag:s24] =	ssyncadd.s32 $0xFFFFFF80  }
0x27: {  	v0 =	vimm.f32 $0.0e+00;
	v2 =	vimm.f32 $0.0e+00;
	[tilespmem:s25], [sflag:$0x5] =	stream.indirect.gather [hbm4b:s3+s21], $0x20, s20, s21, $0xb8;
	[tilespmem:$0x4480] =	vst v63  }
0x28: {  	v4 =	vimm.f32 $0.0e+00;
	v5 =	vimm.f32 $0.0e+00;
	v1 =	vimm.f32 $0.0e+00;
	s18 =	simm.s32 $0x0  }
0x29: {  	v3 =	vimm.f32 $0.0e+00;
	v7 =	vimm.f32 $0.0e+00;
	v6 =	vimm.f32 $0.0e+00;
	[tilespmem:s26], [sflag:$0x7] =	stream.indirect.gather [hbm4b:s4+s21], $0x20, s2, s21, $0xb8;
	[tilespmem:$0x4480] =	vst v63  }
.LBB2_2:
0x2a: {  	p0 =	seq.s32 s18, $0x0  }
0x2b: {  	s14 =	simm.s32 @!p0 $0x9  }
0x2c: {  	_ =	swait.ge @!p0 [sflag:s14], $0x100  }
0x2d: {  	[sflag:s14] =	ssyncset.done @!p0 $0x0  }
0x2e: {  	[sflag:s14] =	ssyncadd.s32 @!p0 $0xFFFFFF00;
	s14 =	simm.s32 @!p0 $0xA  }
0x2f: {  	_ =	swait.ge @!p0 [sflag:s14], $0x100  }
0x30: {  	[sflag:s14] =	ssyncset.done @!p0 $0x0  }
0x31: {  	[sflag:s14] =	ssyncadd.s32 @!p0 $0xFFFFFF00  }
0x32: {  	_ =	swait.ge [sflag:s28], $0x1000  }
0x33: {  	[sflag:s28] =	ssyncset.done $0x0  }
0x34: {  	s14 =	sshll.u32 s18, $0x8;
	[sflag:s28] =	ssyncadd.s32 $0xFFFFF000  }
0x35: {  	s15 =	sadd.s32 s14, s11;
	_ =	swait.ge [sflag:s29], $0x1000  }
0x36: {  	s16 =	sshrl.u32 s15, $0x3;
	[sflag:s29] =	ssyncset.done $0x0  }
0x37: {  	s15 =	simm.s32 $0x0;
	s17 =	sadd.s32 s5, s16;
	[sflag:s29] =	ssyncadd.s32 $0xFFFFF000  }
0x38: {  	[tilespmem:s15], [sflag:$0x1] =	stream.linear.gather [hbm4b:s17+s15], $0x80, $0x38;
	[tilespmem:$0x4480] =	vst v63  }
0x39: {  	s16 =	sadd.s32 s6, s16  }
0x3a: {  	[tilespmem:s20], [sflag:$0x3] =	stream.linear.gather [hbm4b:s16+s15], $0x80, $0x38;
	[tilespmem:$0x4480] =	vst v63  }
0x3b: {  	_ =	swait.ge [sflag:s30], $0x80  }
0x3c: {  	[sflag:s30] =	ssyncset.done $0x0  }
0x3d: {  	[sflag:s30] =	ssyncadd.s32 $0xFFFFFF80  }
0x3e: {  	_ =	swait.ge [sflag:s31], $0x80  }
0x3f: {  	[sflag:s31] =	ssyncset.done $0x0  }
0x40: {  	[sflag:s31] =	ssyncadd.s32 $0xFFFFFF80  }
0x41: {  	[tilespmem:s0], [sflag:$0x6] =	stream.indirect.gather [hbm4b:s3+s21], $0x20, s22, s21, $0xb8;
	[tilespmem:$0x4480] =	vst v63  }
0x42: {  	s16 =	simm.s32 $0x4210  }
0x43: {  	[tilespmem:s1], [sflag:$0x8] =	stream.indirect.gather [hbm4b:s4+s21], $0x20, s21, s21, $0xb8;
	[tilespmem:$0x4480] =	vst v63  }
.LBB2_3:
0x44: {  	s17 =	sshra.s32 s15, $0x2  }
0x45: {  	v8 =	vld [tilespmem:s17+$0x200]  }
0x46: {  	v9 =	vld [tilespmem:s17+$0x2200]  }
0x47: {  	v10 =	vld [tilespmem:s17+$0x220]  }
0x48: {  	v11 =	vld [tilespmem:s17+$0x2220]  }
0x49: {  	v30 =	vld [tilespmem:s17+$0x240]  }
0x4a: {  	v13 =	vld [tilespmem:s17+$0x2240]  }
0x4b: {  	v32 =	vld [tilespmem:s17+$0x260]  }
0x4c: {  	v37 =	vld [tilespmem:s17+$0x280]  }
0x4d: {  	v38 =	vld [tilespmem:s17+$0x2280];
	v8 =	vadd.bf16 v9, v8  }
0x4e: {  	v34 =	vld [tilespmem:s17+$0x2260];
	v10 =	vadd.bf16 v11, v10  }
0x4f: {  	v42 =	vld [tilespmem:s17+$0x2A0];
	v9 =	vadd.bf16 v13, v30;
	v12 =	vunpack.i.l.bf16.f32 v8  }
0x50: {  	v44 =	vld [tilespmem:s17+$0x22A0];
	v14 =	vunpack.i.u.bf16.f32 v8;
	v33 =	vunpack.i.l.bf16.f32 v10;
	v35 =	vunpack.i.u.bf16.f32 v10  }
0x51: {  	v8 =	vmax.bf16 v8, v10;
	v39 =	vunpack.i.u.bf16.f32 v9;
	v40 =	vunpack.i.l.bf16.f32 v9  }
0x52: {  	v10 =	vadd.bf16 v38, v37;
	v15 =	vmul.f32 v12, v12;
	v31 =	vmul.f32 v14, v14  }
0x53: {  	v47 =	vld [tilespmem:s17+$0x2C0];
	v6 =	vadd.f32 v12, v6;
	v16 =	vmul.f32 v33, v33;
	v36 =	vmul.f32 v35, v35  }
0x54: {  	v48 =	vld [tilespmem:s17+$0x22C0];
	v7 =	vadd.f32 v14, v7;
	v41 =	vmul.f32 v40, v40;
	v17 =	vmul.f32 v39, v39  }
0x55: {  	v52 =	vld [tilespmem:s17+$0x2E0];
	v12 =	vadd.bf16 v34, v32;
	v8 =	vmax.bf16 v8, v9;
	v9 =	vadd.bf16 v44, v42  }
0x56: {  	v53 =	vld [tilespmem:s17+$0x22E0];
	v13 =	vunpack.i.l.bf16.f32 v10;
	v5 =	vadd.f32 v15, v5;
	v4 =	vadd.f32 v31, v4  }
0x57: {  	v49 =	vunpack.i.u.bf16.f32 v10;
	v6 =	vadd.f32 v33, v6;
	v7 =	vadd.f32 v35, v7  }
0x58: {  	v58 =	vld [tilespmem:s17+$0x300];
	v43 =	vunpack.i.l.bf16.f32 v12;
	v15 =	vunpack.i.u.bf16.f32 v12;
	v8 =	vmax.bf16 v8, v12  }
0x59: {  	v60 =	vld [tilespmem:s17+$0x2300];
	v50 =	vmul.f32 v13, v13;
	v51 =	vmul.f32 v49, v49;
	v54 =	vunpack.i.u.bf16.f32 v9  }
0x5a: {  	v55 =	vunpack.i.l.bf16.f32 v9;
	v12 =	vadd.bf16 v48, v47;
	v45 =	vmul.f32 v43, v43  }
0x5b: {  	v63 =	vld [tilespmem:s17+$0x320];
	v46 =	vmul.f32 v15, v15;
	v8 =	vmax.bf16 v8, v10;
	v10 =	vadd.bf16 v53, v52  }
0x5c: {  	v20 =	vld [tilespmem:s17+$0x2320];
	v56 =	vmul.f32 v55, v55;
	v5 =	vadd.f32 v16, v5;
	v4 =	vadd.f32 v36, v4  }
0x5d: {  	v24 =	vld [tilespmem:s17+$0x340];
	v57 =	vmul.f32 v54, v54;
	v6 =	vadd.f32 v40, v6;
	v7 =	vadd.f32 v39, v7  }
0x5e: {  	v25 =	vld [tilespmem:s17+$0x2340];
	v8 =	vmax.bf16 v8, v9;
	v59 =	vunpack.i.l.bf16.f32 v12;
	v9 =	vadd.bf16 v60, v58  }
0x5f: {  	v30 =	vld [tilespmem:s17+$0x360];
	v61 =	vmul.f32 v59, v59;
	v8 =	vmax.bf16 v8, v12;
	v14 =	vunpack.i.l.bf16.f32 v10  }
0x60: {  	v31 =	vld [tilespmem:s17+$0x2360];
	v21 =	vunpack.i.u.bf16.f32 v10;
	v5 =	vadd.f32 v41, v5;
	v4 =	vadd.f32 v17, v4  }
0x61: {  	v6 =	vadd.f32 v43, v6;
	v7 =	vadd.f32 v15, v7;
	v15 =	vunpack.i.u.bf16.f32 v12  }
0x62: {  	v37 =	vld [tilespmem:s17+$0x3A0];
	v22 =	vmul.f32 v14, v14;
	v23 =	vmul.f32 v21, v21;
	v8 =	vmax.bf16 v8, v10  }
0x63: {  	v33 =	vld [tilespmem:s17+$0x380];
	v26 =	vunpack.i.u.bf16.f32 v9;
	v27 =	vunpack.i.l.bf16.f32 v9;
	v12 =	vadd.bf16 v20, v63  }
0x64: {  	v36 =	vld [tilespmem:s17+$0x2380];
	v10 =	vadd.bf16 v25, v24;
	v62 =	vmul.f32 v15, v15;
	v28 =	vmul.f32 v27, v27  }
0x65: {  	v40 =	vld [tilespmem:s17+$0x23A0];
	v8 =	vmax.bf16 v8, v9;
	v9 =	vadd.bf16 v31, v30;
	v5 =	vadd.f32 v45, v5  }
0x66: {  	v29 =	vmul.f32 v26, v26;
	v4 =	vadd.f32 v46, v4;
	v6 =	vadd.f32 v13, v6  }
0x67: {  	v7 =	vadd.f32 v49, v7;
	v32 =	vunpack.i.l.bf16.f32 v12;
	v34 =	vunpack.i.u.bf16.f32 v12  }
0x68: {  	v8 =	vmax.bf16 v8, v12;
	v39 =	vunpack.i.l.bf16.f32 v10;
	v18 =	vunpack.i.u.bf16.f32 v10  }
0x69: {  	v35 =	vmul.f32 v32, v32;
	v38 =	vmul.f32 v34, v34;
	v47 =	vadd.bf16 v36, v33  }
0x6a: {  	v19 =	vmul.f32 v39, v39;
	v48 =	vadd.bf16 v40, v37;
	v7 =	vadd.f32 v54, v7  }
0x6b: {  	v41 =	vld [tilespmem:s17+$0x3C0];
	v42 =	vmul.f32 v18, v18;
	v5 =	vadd.f32 v50, v5;
	v4 =	vadd.f32 v51, v4  }
0x6c: {  	v43 =	vld [tilespmem:s17+$0x23C0];
	v44 =	vunpack.i.l.bf16.f32 v9;
	v6 =	vadd.f32 v55, v6;
	v7 =	vadd.f32 v15, v7  }
0x6d: {  	v45 =	vld [tilespmem:s17+$0x3E0];
	v46 =	vunpack.i.u.bf16.f32 v9;
	v5 =	vadd.f32 v56, v5;
	v4 =	vadd.f32 v57, v4  }
0x6e: {  	v8 =	vmax.bf16 v8, v10;
	v6 =	vadd.f32 v59, v6;
	v7 =	vadd.f32 v21, v7;
	v21 =	vld [tilespmem:s17+$0x23E0]  }
0x6f: {  	v20 =	vmul.f32 v44, v44;
	v12 =	vmul.f32 v46, v46;
	v5 =	vadd.f32 v61, v5  }
0x70: {  	v8 =	vmax.bf16 v8, v9;
	v4 =	vadd.f32 v62, v4;
	v6 =	vadd.f32 v14, v6  }
0x71: {  	v8 =	vmax.bf16 v8, v47;
	v50 =	vadd.bf16 v43, v41;
	v5 =	vadd.f32 v22, v5  }
0x72: {  	v49 =	vunpack.i.u.bf16.f32 v47;
	v4 =	vadd.f32 v23, v4;
	v6 =	vadd.f32 v27, v6  }
0x73: {  	v8 =	vmax.bf16 v8, v48;
	v7 =	vadd.f32 v26, v7;
	v51 =	vadd.bf16 v21, v45  }
0x74: {  	v8 =	vmax.bf16 v8, v50;
	v5 =	vadd.f32 v28, v5;
	v4 =	vadd.f32 v29, v4  }
0x75: {  	v6 =	vadd.f32 v32, v6;
	v7 =	vadd.f32 v34, v7;
	v8 =	vmax.bf16 v8, v51  }
0x76: {  	v10 =	vunpack.i.l.bf16.f32 v47;
	v5 =	vadd.f32 v35, v5;
	v4 =	vadd.f32 v38, v4;
	[tilespmem:s16+$0xFFFFFFF0] =	vst v8  }
0x77: {  	v54 =	vunpack.i.l.bf16.f32 v48;
	v6 =	vadd.f32 v39, v6;
	v7 =	vadd.f32 v18, v7;
	v56 =	vld [tilespmem:s17+$0x210]  }
0x78: {  	v52 =	vmul.f32 v10, v10;
	v5 =	vadd.f32 v19, v5;
	v4 =	vadd.f32 v42, v4;
	v58 =	vld [tilespmem:s17+$0x2210]  }
0x79: {  	v53 =	vmul.f32 v49, v49;
	v6 =	vadd.f32 v44, v6;
	v7 =	vadd.f32 v46, v7;
	v61 =	vld [tilespmem:s17+$0x230]  }
0x7a: {  	v55 =	vmul.f32 v54, v54;
	v63 =	vld [tilespmem:s17+$0x2230];
	v5 =	vadd.f32 v20, v5;
	v4 =	vadd.f32 v12, v4  }
0x7b: {  	v57 =	vunpack.i.l.bf16.f32 v50;
	v27 =	vld [tilespmem:s17+$0x270];
	v6 =	vadd.f32 v10, v6;
	v7 =	vadd.f32 v49, v7  }
0x7c: {  	v8 =	vunpack.i.u.bf16.f32 v48;
	v28 =	vld [tilespmem:s17+$0x2270];
	v5 =	vadd.f32 v52, v5;
	v4 =	vadd.f32 v53, v4  }
0x7d: {  	v6 =	vadd.f32 v54, v6;
	v7 =	vadd.f32 v8, v7;
	v8 =	vmul.f32 v8, v8  }
0x7e: {  	v59 =	vunpack.i.u.bf16.f32 v50;
	v60 =	vmul.f32 v57, v57;
	v5 =	vadd.f32 v55, v5  }
0x7f: {  	v62 =	vunpack.i.l.bf16.f32 v51;
	v4 =	vadd.f32 v8, v4;
	v6 =	vadd.f32 v57, v6  }
0x80: {  	v8 =	vmul.f32 v59, v59;
	v7 =	vadd.f32 v59, v7;
	v10 =	vadd.bf16 v58, v56  }
0x81: {  	v20 =	vmul.f32 v62, v62;
	v11 =	vadd.bf16 v63, v61;
	v9 =	vadd.bf16 v28, v27  }
0x82: {  	v5 =	vadd.f32 v60, v5;
	v4 =	vadd.f32 v8, v4;
	v8 =	vunpack.i.u.bf16.f32 v51  }
0x83: {  	v22 =	vld [tilespmem:s17+$0x250];
	v6 =	vadd.f32 v62, v6;
	v23 =	vunpack.i.u.bf16.f32 v10;
	v24 =	vunpack.i.l.bf16.f32 v10  }
0x84: {  	v32 =	vld [tilespmem:s17+$0x290];
	v12 =	vunpack.i.l.bf16.f32 v11;
	v29 =	vunpack.i.u.bf16.f32 v11;
	v10 =	vmax.bf16 v10, v11  }
0x85: {  	v33 =	vld [tilespmem:s17+$0x2290];
	v39 =	vunpack.i.u.bf16.f32 v9;
	v40 =	vunpack.i.l.bf16.f32 v9;
	v21 =	vmul.f32 v8, v8  }
0x86: {  	v7 =	vadd.f32 v8, v7;
	v8 =	vld [tilespmem:s17+$0x2250];
	v25 =	vmul.f32 v24, v24;
	v3 =	vadd.f32 v24, v3  }
0x87: {  	v37 =	vld [tilespmem:s17+$0x2B0];
	v26 =	vmul.f32 v23, v23;
	v1 =	vadd.f32 v23, v1;
	v5 =	vadd.f32 v20, v5  }
0x88: {  	v38 =	vld [tilespmem:s17+$0x22B0];
	v30 =	vmul.f32 v12, v12;
	v4 =	vadd.f32 v21, v4;
	v2 =	vadd.f32 v25, v2  }
0x89: {  	v43 =	vld [tilespmem:s17+$0x2D0];
	v31 =	vmul.f32 v29, v29;
	v0 =	vadd.f32 v26, v0;
	v3 =	vadd.f32 v12, v3  }
0x8a: {  	v45 =	vld [tilespmem:s17+$0x22D0];
	v41 =	vmul.f32 v40, v40;
	v1 =	vadd.f32 v29, v1;
	v12 =	vadd.bf16 v33, v32  }
0x8b: {  	v50 =	vld [tilespmem:s17+$0x22F0];
	v42 =	vmul.f32 v39, v39;
	v2 =	vadd.f32 v30, v2;
	v8 =	vadd.bf16 v8, v22  }
0x8c: {  	v49 =	vld [tilespmem:s17+$0x2F0];
	v0 =	vadd.f32 v31, v0;
	v44 =	vunpack.i.l.bf16.f32 v12;
	v46 =	vunpack.i.u.bf16.f32 v12  }
0x8d: {  	v47 =	vmul.f32 v44, v44;
	v48 =	vmul.f32 v46, v46;
	v14 =	vunpack.i.l.bf16.f32 v8  }
0x8e: {  	v54 =	vld [tilespmem:s17+$0x310];
	v34 =	vunpack.i.u.bf16.f32 v8;
	v8 =	vmax.bf16 v10, v8;
	v10 =	vadd.bf16 v38, v37  }
0x8f: {  	v55 =	vld [tilespmem:s17+$0x2310];
	v35 =	vmul.f32 v14, v14;
	v3 =	vadd.f32 v14, v3;
	v36 =	vmul.f32 v34, v34  }
0x90: {  	v60 =	vld [tilespmem:s17+$0x330];
	v1 =	vadd.f32 v34, v1;
	v8 =	vmax.bf16 v8, v9;
	v9 =	vadd.bf16 v45, v43  }
0x91: {  	v62 =	vld [tilespmem:s17+$0x2330];
	v8 =	vmax.bf16 v8, v12;
	v13 =	vunpack.i.l.bf16.f32 v10;
	v12 =	vadd.bf16 v50, v49  }
0x92: {  	v51 =	vunpack.i.u.bf16.f32 v10;
	v2 =	vadd.f32 v35, v2;
	v0 =	vadd.f32 v36, v0  }
0x93: {  	v3 =	vadd.f32 v40, v3;
	v1 =	vadd.f32 v39, v1;
	v52 =	vmul.f32 v13, v13  }
0x94: {  	v23 =	vld [tilespmem:s17+$0x2350];
	v53 =	vmul.f32 v51, v51;
	v8 =	vmax.bf16 v8, v10;
	v57 =	vunpack.i.l.bf16.f32 v9  }
0x95: {  	v22 =	vld [tilespmem:s17+$0x350];
	v56 =	vunpack.i.u.bf16.f32 v9;
	v10 =	vadd.bf16 v55, v54;
	v58 =	vmul.f32 v57, v57  }
0x96: {  	v27 =	vld [tilespmem:s17+$0x370];
	v59 =	vmul.f32 v56, v56;
	v8 =	vmax.bf16 v8, v9;
	v9 =	vadd.bf16 v62, v60  }
0x97: {  	v28 =	vld [tilespmem:s17+$0x2370];
	v61 =	vunpack.i.l.bf16.f32 v12;
	v2 =	vadd.f32 v41, v2;
	v0 =	vadd.f32 v42, v0  }
0x98: {  	v63 =	vunpack.i.u.bf16.f32 v12;
	v3 =	vadd.f32 v44, v3;
	v1 =	vadd.f32 v46, v1  }
0x99: {  	v33 =	vld [tilespmem:s17+$0x390];
	v20 =	vmul.f32 v61, v61;
	v8 =	vmax.bf16 v8, v12;
	v21 =	vmul.f32 v63, v63  }
0x9a: {  	v35 =	vld [tilespmem:s17+$0x2390];
	v14 =	vunpack.i.l.bf16.f32 v10;
	v24 =	vunpack.i.u.bf16.f32 v10;
	v12 =	vadd.bf16 v23, v22  }
0x9b: {  	v39 =	vld [tilespmem:s17+$0x3B0];
	v25 =	vmul.f32 v14, v14;
	v26 =	vmul.f32 v24, v24;
	v8 =	vmax.bf16 v8, v10  }
0x9c: {  	v40 =	vld [tilespmem:s17+$0x23B0];
	v29 =	vunpack.i.u.bf16.f32 v9;
	v10 =	vadd.bf16 v28, v27;
	v2 =	vadd.f32 v47, v2  }
0x9d: {  	v30 =	vunpack.i.l.bf16.f32 v9;
	v0 =	vadd.f32 v48, v0;
	v3 =	vadd.f32 v13, v3  }
0x9e: {  	v1 =	vadd.f32 v51, v1;
	v31 =	vmul.f32 v30, v30;
	v32 =	vmul.f32 v29, v29  }
0x9f: {  	v45 =	vld [tilespmem:s17+$0x23D0];
	v8 =	vmax.bf16 v8, v9;
	v34 =	vunpack.i.l.bf16.f32 v12;
	v36 =	vunpack.i.u.bf16.f32 v12  }
0xa0: {  	v44 =	vld [tilespmem:s17+$0x3D0];
	v37 =	vmul.f32 v34, v34;
	v8 =	vmax.bf16 v8, v12;
	v38 =	vmul.f32 v36, v36  }
0xa1: {  	v13 =	vunpack.i.l.bf16.f32 v10;
	v9 =	vadd.bf16 v35, v33;
	v12 =	vadd.bf16 v40, v39  }
0xa2: {  	v41 =	vunpack.i.u.bf16.f32 v10;
	v2 =	vadd.f32 v52, v2;
	v0 =	vadd.f32 v53, v0  }
0xa3: {  	v50 =	vld [tilespmem:s17+$0x3F0];
	v3 =	vadd.f32 v57, v3;
	v1 =	vadd.f32 v56, v1;
	v42 =	vmul.f32 v13, v13  }
0xa4: {  	v43 =	vmul.f32 v41, v41;
	v8 =	vmax.bf16 v8, v10;
	v52 =	vld [tilespmem:s17+$0x23F0];
	v46 =	vunpack.i.u.bf16.f32 v9  }
0xa5: {  	v47 =	vunpack.i.l.bf16.f32 v9;
	v10 =	vadd.bf16 v45, v44;
	v2 =	vadd.f32 v58, v2  }
0xa6: {  	v8 =	vmax.bf16 v8, v9;
	v0 =	vadd.f32 v59, v0;
	v3 =	vadd.f32 v61, v3  }
0xa7: {  	v51 =	vunpack.i.l.bf16.f32 v12;
	v1 =	vadd.f32 v63, v1;
	v2 =	vadd.f32 v20, v2  }
0xa8: {  	v53 =	vunpack.i.u.bf16.f32 v12;
	v0 =	vadd.f32 v21, v0;
	v3 =	vadd.f32 v14, v3  }
0xa9: {  	v48 =	vmul.f32 v47, v47;
	v1 =	vadd.f32 v24, v1;
	v9 =	vadd.bf16 v52, v50  }
0xaa: {  	v49 =	vmul.f32 v46, v46;
	v2 =	vadd.f32 v25, v2;
	v0 =	vadd.f32 v26, v0  }
0xab: {  	v54 =	vmul.f32 v51, v51;
	v3 =	vadd.f32 v30, v3;
	v1 =	vadd.f32 v29, v1  }
0xac: {  	v8 =	vmax.bf16 v8, v12;
	v2 =	vadd.f32 v31, v2;
	v0 =	vadd.f32 v32, v0  }
0xad: {  	v55 =	vmul.f32 v53, v53;
	v3 =	vadd.f32 v34, v3;
	v1 =	vadd.f32 v36, v1  }
0xae: {  	v56 =	vunpack.i.l.bf16.f32 v10;
	v2 =	vadd.f32 v37, v2;
	v0 =	vadd.f32 v38, v0  }
0xaf: {  	v57 =	vunpack.i.u.bf16.f32 v10;
	v3 =	vadd.f32 v13, v3;
	v1 =	vadd.f32 v41, v1  }
0xb0: {  	v8 =	vmax.bf16 v8, v10;
	v2 =	vadd.f32 v42, v2;
	v0 =	vadd.f32 v43, v0  }
0xb1: {  	v58 =	vmul.f32 v56, v56;
	v3 =	vadd.f32 v47, v3;
	v1 =	vadd.f32 v46, v1  }
0xb2: {  	v59 =	vmul.f32 v57, v57;
	v2 =	vadd.f32 v48, v2;
	v0 =	vadd.f32 v49, v0  }
0xb3: {  	p0 =	sne.s32 s15, $0x3800;
	v60 =	vunpack.i.u.bf16.f32 v9;
	v3 =	vadd.f32 v51, v3;
	v1 =	vadd.f32 v53, v1  }
.Ltmp0:
0xb4: {  	v61 =	vunpack.i.l.bf16.f32 v9;
	v2 =	vadd.f32 v54, v2;
	v0 =	vadd.f32 v55, v0;
	(pc) =	sbr.rel @p0 .LBB2_3-.Ltmp0, $4  }
0xb5: {  	v62 =	vmul.f32 v61, v61;
	v3 =	vadd.f32 v56, v3;
	v1 =	vadd.f32 v57, v1  }
0xb6: {  	v63 =	vmul.f32 v60, v60;
	v2 =	vadd.f32 v58, v2;
	v0 =	vadd.f32 v59, v0  }
0xb7: {  	v8 =	vmax.bf16 v8, v9;
	v3 =	vadd.f32 v61, v3;
	v1 =	vadd.f32 v60, v1  }
0xb8: {  	s15 =	sadd.s32 $0x800, s15;
	[tilespmem:s16+$0x0] =	vst v8;
	s16 =	sadd.s32 $0x20, s16;
	v2 =	vadd.f32 v62, v2;
	v0 =	vadd.f32 v63, v0  }
0xb9: {  	s15 =	sshll.u32 s18, $0x6  }
0xba: {  	s16 =	simm.s32 $0x0;
	s17 =	sadd.s32 s15, s12  }
0xbb: {  	[hbm4b:s17+s16] =	stream.linear.scatter [tilespmem:s7], [sflag:$0x9], $0x100, $0x38;
	[tilespmem:$0x4480] =	vst v63  }
0xbc: {  	_ =	swait.ge [sflag:s8], $0x1000  }
0xbd: {  	[sflag:s8] =	ssyncset.done $0x0  }
0xbe: {  	[sflag:s8] =	ssyncadd.s32 $0xFFFFF000  }
0xbf: {  	s14 =	sadd.s32 s14, s13;
	_ =	swait.ge [sflag:s9], $0x1000  }
0xc0: {  	s14 =	sshrl.u32 s14, $0x3;
	[sflag:s9] =	ssyncset.done $0x0  }
0xc1: {  	s17 =	sadd.s32 s5, s14;
	[sflag:s9] =	ssyncadd.s32 $0xFFFFF000  }
0xc2: {  	[tilespmem:s21], [sflag:$0x2] =	stream.linear.gather [hbm4b:s17+s16], $0x80, $0x38;
	[tilespmem:$0x4480] =	vst v63  }
0xc3: {  	s14 =	sadd.s32 s6, s14  }
0xc4: {  	[tilespmem:s22], [sflag:$0x4] =	stream.linear.gather [hbm4b:s14+s16], $0x80, $0x38;
	[tilespmem:$0x4480] =	vst v63  }
0xc5: {  	_ =	swait.ge [sflag:s23], $0x80  }
0xc6: {  	[sflag:s23] =	ssyncset.done $0x0  }
0xc7: {  	[sflag:s23] =	ssyncadd.s32 $0xFFFFFF80  }
0xc8: {  	_ =	swait.ge [sflag:s24], $0x80  }
0xc9: {  	[sflag:s24] =	ssyncset.done $0x0  }
0xca: {  	[sflag:s24] =	ssyncadd.s32 $0xFFFFFF80  }
0xcb: {  	[tilespmem:s25], [sflag:$0x5] =	stream.indirect.gather [hbm4b:s3+s21], $0x20, s20, s21, $0xb8;
	[tilespmem:$0x4480] =	vst v63  }
0xcc: {  	s14 =	simm.s32 $0x4310  }
0xcd: {  	[tilespmem:s26], [sflag:$0x7] =	stream.indirect.gather [hbm4b:s4+s21], $0x20, s16, s21, $0xb8;
	[tilespmem:$0x4480] =	vst v63  }
.LBB2_5:
0xce: {  	s17 =	sshra.s32 s16, $0x2  }
0xcf: {  	v8 =	vld [tilespmem:s17+$0x1200]  }
0xd0: {  	v9 =	vld [tilespmem:s17+$0x3200]  }
0xd1: {  	v10 =	vld [tilespmem:s17+$0x1220]  }
0xd2: {  	v11 =	vld [tilespmem:s17+$0x3220]  }
0xd3: {  	v30 =	vld [tilespmem:s17+$0x1240]  }
0xd4: {  	v13 =	vld [tilespmem:s17+$0x3240]  }
0xd5: {  	v32 =	vld [tilespmem:s17+$0x1260]  }
0xd6: {  	v37 =	vld [tilespmem:s17+$0x1280]  }
0xd7: {  	v38 =	vld [tilespmem:s17+$0x3280];
	v8 =	vadd.bf16 v9, v8  }
0xd8: {  	v34 =	vld [tilespmem:s17+$0x3260];
	v10 =	vadd.bf16 v11, v10  }
0xd9: {  	v42 =	vld [tilespmem:s17+$0x12A0];
	v9 =	vadd.bf16 v13, v30;
	v12 =	vunpack.i.l.bf16.f32 v8  }
0xda: {  	v44 =	vld [tilespmem:s17+$0x32A0];
	v14 =	vunpack.i.u.bf16.f32 v8;
	v33 =	vunpack.i.l.bf16.f32 v10;
	v35 =	vunpack.i.u.bf16.f32 v10  }
0xdb: {  	v8 =	vmax.bf16 v8, v10;
	v39 =	vunpack.i.u.bf16.f32 v9;
	v40 =	vunpack.i.l.bf16.f32 v9  }
0xdc: {  	v10 =	vadd.bf16 v38, v37;
	v15 =	vmul.f32 v12, v12;
	v31 =	vmul.f32 v14, v14  }
0xdd: {  	v47 =	vld [tilespmem:s17+$0x12C0];
	v6 =	vadd.f32 v12, v6;
	v16 =	vmul.f32 v33, v33;
	v36 =	vmul.f32 v35, v35  }
0xde: {  	v48 =	vld [tilespmem:s17+$0x32C0];
	v7 =	vadd.f32 v14, v7;
	v41 =	vmul.f32 v40, v40;
	v17 =	vmul.f32 v39, v39  }
0xdf: {  	v52 =	vld [tilespmem:s17+$0x12E0];
	v12 =	vadd.bf16 v34, v32;
	v8 =	vmax.bf16 v8, v9;
	v9 =	vadd.bf16 v44, v42  }
0xe0: {  	v53 =	vld [tilespmem:s17+$0x32E0];
	v13 =	vunpack.i.l.bf16.f32 v10;
	v5 =	vadd.f32 v15, v5;
	v4 =	vadd.f32 v31, v4  }
0xe1: {  	v49 =	vunpack.i.u.bf16.f32 v10;
	v6 =	vadd.f32 v33, v6;
	v7 =	vadd.f32 v35, v7  }
0xe2: {  	v58 =	vld [tilespmem:s17+$0x1300];
	v43 =	vunpack.i.l.bf16.f32 v12;
	v15 =	vunpack.i.u.bf16.f32 v12;
	v8 =	vmax.bf16 v8, v12  }
0xe3: {  	v60 =	vld [tilespmem:s17+$0x3300];
	v50 =	vmul.f32 v13, v13;
	v51 =	vmul.f32 v49, v49;
	v54 =	vunpack.i.u.bf16.f32 v9  }
0xe4: {  	v55 =	vunpack.i.l.bf16.f32 v9;
	v12 =	vadd.bf16 v48, v47;
	v45 =	vmul.f32 v43, v43  }
0xe5: {  	v63 =	vld [tilespmem:s17+$0x1320];
	v46 =	vmul.f32 v15, v15;
	v8 =	vmax.bf16 v8, v10;
	v10 =	vadd.bf16 v53, v52  }
0xe6: {  	v20 =	vld [tilespmem:s17+$0x3320];
	v56 =	vmul.f32 v55, v55;
	v5 =	vadd.f32 v16, v5;
	v4 =	vadd.f32 v36, v4  }
0xe7: {  	v24 =	vld [tilespmem:s17+$0x1340];
	v57 =	vmul.f32 v54, v54;
	v6 =	vadd.f32 v40, v6;
	v7 =	vadd.f32 v39, v7  }
0xe8: {  	v25 =	vld [tilespmem:s17+$0x3340];
	v8 =	vmax.bf16 v8, v9;
	v59 =	vunpack.i.l.bf16.f32 v12;
	v9 =	vadd.bf16 v60, v58  }
0xe9: {  	v30 =	vld [tilespmem:s17+$0x1360];
	v61 =	vmul.f32 v59, v59;
	v8 =	vmax.bf16 v8, v12;
	v14 =	vunpack.i.l.bf16.f32 v10  }
0xea: {  	v31 =	vld [tilespmem:s17+$0x3360];
	v21 =	vunpack.i.u.bf16.f32 v10;
	v5 =	vadd.f32 v41, v5;
	v4 =	vadd.f32 v17, v4  }
0xeb: {  	v6 =	vadd.f32 v43, v6;
	v7 =	vadd.f32 v15, v7;
	v15 =	vunpack.i.u.bf16.f32 v12  }
0xec: {  	v37 =	vld [tilespmem:s17+$0x13A0];
	v22 =	vmul.f32 v14, v14;
	v23 =	vmul.f32 v21, v21;
	v8 =	vmax.bf16 v8, v10  }
0xed: {  	v33 =	vld [tilespmem:s17+$0x1380];
	v26 =	vunpack.i.u.bf16.f32 v9;
	v27 =	vunpack.i.l.bf16.f32 v9;
	v12 =	vadd.bf16 v20, v63  }
0xee: {  	v36 =	vld [tilespmem:s17+$0x3380];
	v10 =	vadd.bf16 v25, v24;
	v62 =	vmul.f32 v15, v15;
	v28 =	vmul.f32 v27, v27  }
0xef: {  	v40 =	vld [tilespmem:s17+$0x33A0];
	v8 =	vmax.bf16 v8, v9;
	v9 =	vadd.bf16 v31, v30;
	v5 =	vadd.f32 v45, v5  }
0xf0: {  	v29 =	vmul.f32 v26, v26;
	v4 =	vadd.f32 v46, v4;
	v6 =	vadd.f32 v13, v6  }
0xf1: {  	v7 =	vadd.f32 v49, v7;
	v32 =	vunpack.i.l.bf16.f32 v12;
	v34 =	vunpack.i.u.bf16.f32 v12  }
0xf2: {  	v8 =	vmax.bf16 v8, v12;
	v39 =	vunpack.i.l.bf16.f32 v10;
	v18 =	vunpack.i.u.bf16.f32 v10  }
0xf3: {  	v35 =	vmul.f32 v32, v32;
	v38 =	vmul.f32 v34, v34;
	v47 =	vadd.bf16 v36, v33  }
0xf4: {  	v19 =	vmul.f32 v39, v39;
	v48 =	vadd.bf16 v40, v37;
	v7 =	vadd.f32 v54, v7  }
0xf5: {  	v41 =	vld [tilespmem:s17+$0x13C0];
	v42 =	vmul.f32 v18, v18;
	v5 =	vadd.f32 v50, v5;
	v4 =	vadd.f32 v51, v4  }
0xf6: {  	v43 =	vld [tilespmem:s17+$0x33C0];
	v44 =	vunpack.i.l.bf16.f32 v9;
	v6 =	vadd.f32 v55, v6;
	v7 =	vadd.f32 v15, v7  }
0xf7: {  	v45 =	vld [tilespmem:s17+$0x13E0];
	v46 =	vunpack.i.u.bf16.f32 v9;
	v5 =	vadd.f32 v56, v5;
	v4 =	vadd.f32 v57, v4  }
0xf8: {  	v8 =	vmax.bf16 v8, v10;
	v6 =	vadd.f32 v59, v6;
	v7 =	vadd.f32 v21, v7;
	v21 =	vld [tilespmem:s17+$0x33E0]  }
0xf9: {  	v20 =	vmul.f32 v44, v44;
	v12 =	vmul.f32 v46, v46;
	v5 =	vadd.f32 v61, v5  }
0xfa: {  	v8 =	vmax.bf16 v8, v9;
	v4 =	vadd.f32 v62, v4;
	v6 =	vadd.f32 v14, v6  }
0xfb: {  	v8 =	vmax.bf16 v8, v47;
	v50 =	vadd.bf16 v43, v41;
	v5 =	vadd.f32 v22, v5  }
0xfc: {  	v49 =	vunpack.i.u.bf16.f32 v47;
	v4 =	vadd.f32 v23, v4;
	v6 =	vadd.f32 v27, v6  }
0xfd: {  	v8 =	vmax.bf16 v8, v48;
	v7 =	vadd.f32 v26, v7;
	v51 =	vadd.bf16 v21, v45  }
0xfe: {  	v8 =	vmax.bf16 v8, v50;
	v5 =	vadd.f32 v28, v5;
	v4 =	vadd.f32 v29, v4  }
0xff: {  	v6 =	vadd.f32 v32, v6;
	v7 =	vadd.f32 v34, v7;
	v8 =	vmax.bf16 v8, v51  }
0x100: {  	v10 =	vunpack.i.l.bf16.f32 v47;
	v5 =	vadd.f32 v35, v5;
	v4 =	vadd.f32 v38, v4;
	[tilespmem:s14+$0xFFFFFFF0] =	vst v8  }
0x101: {  	v54 =	vunpack.i.l.bf16.f32 v48;
	v6 =	vadd.f32 v39, v6;
	v7 =	vadd.f32 v18, v7;
	v56 =	vld [tilespmem:s17+$0x1210]  }
0x102: {  	v52 =	vmul.f32 v10, v10;
	v5 =	vadd.f32 v19, v5;
	v4 =	vadd.f32 v42, v4;
	v58 =	vld [tilespmem:s17+$0x3210]  }
0x103: {  	v53 =	vmul.f32 v49, v49;
	v6 =	vadd.f32 v44, v6;
	v7 =	vadd.f32 v46, v7;
	v61 =	vld [tilespmem:s17+$0x1230]  }
0x104: {  	v55 =	vmul.f32 v54, v54;
	v63 =	vld [tilespmem:s17+$0x3230];
	v5 =	vadd.f32 v20, v5;
	v4 =	vadd.f32 v12, v4  }
0x105: {  	v57 =	vunpack.i.l.bf16.f32 v50;
	v27 =	vld [tilespmem:s17+$0x1270];
	v6 =	vadd.f32 v10, v6;
	v7 =	vadd.f32 v49, v7  }
0x106: {  	v8 =	vunpack.i.u.bf16.f32 v48;
	v28 =	vld [tilespmem:s17+$0x3270];
	v5 =	vadd.f32 v52, v5;
	v4 =	vadd.f32 v53, v4  }
0x107: {  	v6 =	vadd.f32 v54, v6;
	v7 =	vadd.f32 v8, v7;
	v8 =	vmul.f32 v8, v8  }
0x108: {  	v59 =	vunpack.i.u.bf16.f32 v50;
	v60 =	vmul.f32 v57, v57;
	v5 =	vadd.f32 v55, v5  }
0x109: {  	v62 =	vunpack.i.l.bf16.f32 v51;
	v4 =	vadd.f32 v8, v4;
	v6 =	vadd.f32 v57, v6  }
0x10a: {  	v8 =	vmul.f32 v59, v59;
	v7 =	vadd.f32 v59, v7;
	v10 =	vadd.bf16 v58, v56  }
0x10b: {  	v20 =	vmul.f32 v62, v62;
	v11 =	vadd.bf16 v63, v61;
	v9 =	vadd.bf16 v28, v27  }
0x10c: {  	v5 =	vadd.f32 v60, v5;
	v4 =	vadd.f32 v8, v4;
	v8 =	vunpack.i.u.bf16.f32 v51  }
0x10d: {  	v22 =	vld [tilespmem:s17+$0x1250];
	v6 =	vadd.f32 v62, v6;
	v23 =	vunpack.i.u.bf16.f32 v10;
	v24 =	vunpack.i.l.bf16.f32 v10  }
0x10e: {  	v32 =	vld [tilespmem:s17+$0x1290];
	v12 =	vunpack.i.l.bf16.f32 v11;
	v29 =	vunpack.i.u.bf16.f32 v11;
	v10 =	vmax.bf16 v10, v11  }
0x10f: {  	v33 =	vld [tilespmem:s17+$0x3290];
	v39 =	vunpack.i.u.bf16.f32 v9;
	v40 =	vunpack.i.l.bf16.f32 v9;
	v21 =	vmul.f32 v8, v8  }
0x110: {  	v7 =	vadd.f32 v8, v7;
	v8 =	vld [tilespmem:s17+$0x3250];
	v25 =	vmul.f32 v24, v24;
	v3 =	vadd.f32 v24, v3  }
0x111: {  	v37 =	vld [tilespmem:s17+$0x12B0];
	v26 =	vmul.f32 v23, v23;
	v1 =	vadd.f32 v23, v1;
	v5 =	vadd.f32 v20, v5  }
0x112: {  	v38 =	vld [tilespmem:s17+$0x32B0];
	v30 =	vmul.f32 v12, v12;
	v4 =	vadd.f32 v21, v4;
	v2 =	vadd.f32 v25, v2  }
0x113: {  	v43 =	vld [tilespmem:s17+$0x12D0];
	v31 =	vmul.f32 v29, v29;
	v0 =	vadd.f32 v26, v0;
	v3 =	vadd.f32 v12, v3  }
0x114: {  	v45 =	vld [tilespmem:s17+$0x32D0];
	v41 =	vmul.f32 v40, v40;
	v1 =	vadd.f32 v29, v1;
	v12 =	vadd.bf16 v33, v32  }
0x115: {  	v50 =	vld [tilespmem:s17+$0x32F0];
	v42 =	vmul.f32 v39, v39;
	v2 =	vadd.f32 v30, v2;
	v8 =	vadd.bf16 v8, v22  }
0x116: {  	v49 =	vld [tilespmem:s17+$0x12F0];
	v0 =	vadd.f32 v31, v0;
	v44 =	vunpack.i.l.bf16.f32 v12;
	v46 =	vunpack.i.u.bf16.f32 v12  }
0x117: {  	v47 =	vmul.f32 v44, v44;
	v48 =	vmul.f32 v46, v46;
	v14 =	vunpack.i.l.bf16.f32 v8  }
0x118: {  	v54 =	vld [tilespmem:s17+$0x1310];
	v34 =	vunpack.i.u.bf16.f32 v8;
	v8 =	vmax.bf16 v10, v8;
	v10 =	vadd.bf16 v38, v37  }
0x119: {  	v55 =	vld [tilespmem:s17+$0x3310];
	v35 =	vmul.f32 v14, v14;
	v3 =	vadd.f32 v14, v3;
	v36 =	vmul.f32 v34, v34  }
0x11a: {  	v60 =	vld [tilespmem:s17+$0x1330];
	v1 =	vadd.f32 v34, v1;
	v8 =	vmax.bf16 v8, v9;
	v9 =	vadd.bf16 v45, v43  }
0x11b: {  	v62 =	vld [tilespmem:s17+$0x3330];
	v8 =	vmax.bf16 v8, v12;
	v13 =	vunpack.i.l.bf16.f32 v10;
	v12 =	vadd.bf16 v50, v49  }
0x11c: {  	v51 =	vunpack.i.u.bf16.f32 v10;
	v2 =	vadd.f32 v35, v2;
	v0 =	vadd.f32 v36, v0  }
0x11d: {  	v3 =	vadd.f32 v40, v3;
	v1 =	vadd.f32 v39, v1;
	v52 =	vmul.f32 v13, v13  }
0x11e: {  	v23 =	vld [tilespmem:s17+$0x3350];
	v53 =	vmul.f32 v51, v51;
	v8 =	vmax.bf16 v8, v10;
	v57 =	vunpack.i.l.bf16.f32 v9  }
0x11f: {  	v22 =	vld [tilespmem:s17+$0x1350];
	v56 =	vunpack.i.u.bf16.f32 v9;
	v10 =	vadd.bf16 v55, v54;
	v58 =	vmul.f32 v57, v57  }
0x120: {  	v27 =	vld [tilespmem:s17+$0x1370];
	v59 =	vmul.f32 v56, v56;
	v8 =	vmax.bf16 v8, v9;
	v9 =	vadd.bf16 v62, v60  }
0x121: {  	v28 =	vld [tilespmem:s17+$0x3370];
	v61 =	vunpack.i.l.bf16.f32 v12;
	v2 =	vadd.f32 v41, v2;
	v0 =	vadd.f32 v42, v0  }
0x122: {  	v63 =	vunpack.i.u.bf16.f32 v12;
	v3 =	vadd.f32 v44, v3;
	v1 =	vadd.f32 v46, v1  }
0x123: {  	v33 =	vld [tilespmem:s17+$0x1390];
	v20 =	vmul.f32 v61, v61;
	v8 =	vmax.bf16 v8, v12;
	v21 =	vmul.f32 v63, v63  }
0x124: {  	v35 =	vld [tilespmem:s17+$0x3390];
	v14 =	vunpack.i.l.bf16.f32 v10;
	v24 =	vunpack.i.u.bf16.f32 v10;
	v12 =	vadd.bf16 v23, v22  }
0x125: {  	v39 =	vld [tilespmem:s17+$0x13B0];
	v25 =	vmul.f32 v14, v14;
	v26 =	vmul.f32 v24, v24;
	v8 =	vmax.bf16 v8, v10  }
0x126: {  	v40 =	vld [tilespmem:s17+$0x33B0];
	v29 =	vunpack.i.u.bf16.f32 v9;
	v10 =	vadd.bf16 v28, v27;
	v2 =	vadd.f32 v47, v2  }
0x127: {  	v30 =	vunpack.i.l.bf16.f32 v9;
	v0 =	vadd.f32 v48, v0;
	v3 =	vadd.f32 v13, v3  }
0x128: {  	v1 =	vadd.f32 v51, v1;
	v31 =	vmul.f32 v30, v30;
	v32 =	vmul.f32 v29, v29  }
0x129: {  	v45 =	vld [tilespmem:s17+$0x33D0];
	v8 =	vmax.bf16 v8, v9;
	v34 =	vunpack.i.l.bf16.f32 v12;
	v36 =	vunpack.i.u.bf16.f32 v12  }
0x12a: {  	v44 =	vld [tilespmem:s17+$0x13D0];
	v37 =	vmul.f32 v34, v34;
	v8 =	vmax.bf16 v8, v12;
	v38 =	vmul.f32 v36, v36  }
0x12b: {  	v13 =	vunpack.i.l.bf16.f32 v10;
	v9 =	vadd.bf16 v35, v33;
	v12 =	vadd.bf16 v40, v39  }
0x12c: {  	v41 =	vunpack.i.u.bf16.f32 v10;
	v2 =	vadd.f32 v52, v2;
	v0 =	vadd.f32 v53, v0  }
0x12d: {  	v50 =	vld [tilespmem:s17+$0x13F0];
	v3 =	vadd.f32 v57, v3;
	v1 =	vadd.f32 v56, v1;
	v42 =	vmul.f32 v13, v13  }
0x12e: {  	v43 =	vmul.f32 v41, v41;
	v8 =	vmax.bf16 v8, v10;
	v52 =	vld [tilespmem:s17+$0x33F0];
	v46 =	vunpack.i.u.bf16.f32 v9  }
0x12f: {  	v47 =	vunpack.i.l.bf16.f32 v9;
	v10 =	vadd.bf16 v45, v44;
	v2 =	vadd.f32 v58, v2  }
0x130: {  	v8 =	vmax.bf16 v8, v9;
	v0 =	vadd.f32 v59, v0;
	v3 =	vadd.f32 v61, v3  }
0x131: {  	v51 =	vunpack.i.l.bf16.f32 v12;
	v1 =	vadd.f32 v63, v1;
	v2 =	vadd.f32 v20, v2  }
0x132: {  	v53 =	vunpack.i.u.bf16.f32 v12;
	v0 =	vadd.f32 v21, v0;
	v3 =	vadd.f32 v14, v3  }
0x133: {  	v48 =	vmul.f32 v47, v47;
	v1 =	vadd.f32 v24, v1;
	v9 =	vadd.bf16 v52, v50  }
0x134: {  	v49 =	vmul.f32 v46, v46;
	v2 =	vadd.f32 v25, v2;
	v0 =	vadd.f32 v26, v0  }
0x135: {  	v54 =	vmul.f32 v51, v51;
	v3 =	vadd.f32 v30, v3;
	v1 =	vadd.f32 v29, v1  }
0x136: {  	v8 =	vmax.bf16 v8, v12;
	v2 =	vadd.f32 v31, v2;
	v0 =	vadd.f32 v32, v0  }
0x137: {  	v55 =	vmul.f32 v53, v53;
	v3 =	vadd.f32 v34, v3;
	v1 =	vadd.f32 v36, v1  }
0x138: {  	v56 =	vunpack.i.l.bf16.f32 v10;
	v2 =	vadd.f32 v37, v2;
	v0 =	vadd.f32 v38, v0  }
0x139: {  	v57 =	vunpack.i.u.bf16.f32 v10;
	v3 =	vadd.f32 v13, v3;
	v1 =	vadd.f32 v41, v1  }
0x13a: {  	v8 =	vmax.bf16 v8, v10;
	v2 =	vadd.f32 v42, v2;
	v0 =	vadd.f32 v43, v0  }
0x13b: {  	v58 =	vmul.f32 v56, v56;
	v3 =	vadd.f32 v47, v3;
	v1 =	vadd.f32 v46, v1  }
0x13c: {  	v59 =	vmul.f32 v57, v57;
	v2 =	vadd.f32 v48, v2;
	v0 =	vadd.f32 v49, v0  }
0x13d: {  	p0 =	sne.s32 s16, $0x3800;
	v60 =	vunpack.i.u.bf16.f32 v9;
	v3 =	vadd.f32 v51, v3;
	v1 =	vadd.f32 v53, v1  }
.Ltmp1:
0x13e: {  	v61 =	vunpack.i.l.bf16.f32 v9;
	v2 =	vadd.f32 v54, v2;
	v0 =	vadd.f32 v55, v0;
	(pc) =	sbr.rel @p0 .LBB2_5-.Ltmp1, $4  }
0x13f: {  	v62 =	vmul.f32 v61, v61;
	v3 =	vadd.f32 v56, v3;
	v1 =	vadd.f32 v57, v1  }
0x140: {  	v63 =	vmul.f32 v60, v60;
	v2 =	vadd.f32 v58, v2;
	v0 =	vadd.f32 v59, v0  }
0x141: {  	v8 =	vmax.bf16 v8, v9;
	v3 =	vadd.f32 v61, v3;
	v1 =	vadd.f32 v60, v1  }
0x142: {  	s16 =	sadd.s32 $0x800, s16;
	[tilespmem:s14+$0x0] =	vst v8;
	s14 =	sadd.s32 $0x20, s14;
	v2 =	vadd.f32 v62, v2;
	v0 =	vadd.f32 v63, v0  }
0x143: {  	s18 =	sadd.s32 $0x1, s18  }
0x144: {  	p0 =	sne.s32 s18, $0x61  }
.Ltmp2:
0x145: {  	_ = 	snop;
	(pc) =	sbr.rel @p0 .LBB2_2-.Ltmp2, $3  }
0x146: {  	_ =	sdelay $0x1  }
0x147: {  	s14 =	sadd.s32 s19, s15  }
0x148: {  	[hbm4b:s14+s2] =	stream.linear.scatter [tilespmem:s10], [sflag:$0xA], $0x100, $0x38;
	[tilespmem:$0x4480] =	vst v63  }
0x149: {  	s17 =	simm.s32 $0x9  }
0x14a: {  	_ =	swait.ge [sflag:s17], $0x100  }
0x14b: {  	[sflag:s17] =	ssyncset.done $0x0  }
0x14c: {  	s18 =	simm.s32 $0xA;
	[sflag:s17] =	ssyncadd.s32 $0xFFFFFF00  }
0x14d: {  	_ =	swait.ge [sflag:s18], $0x100  }
0x14e: {  	[sflag:s18] =	ssyncset.done $0x0  }
0x14f: {  	[sflag:s18] =	ssyncadd.s32 $0xFFFFFF00  }
0x150: {  	_ =	swait.ge [sflag:s28], $0x1000  }
0x151: {  	[sflag:s28] =	ssyncset.done $0x0  }
0x152: {  	[sflag:s28] =	ssyncadd.s32 $0xFFFFF000  }
0x153: {  	_ =	swait.ge [sflag:s29], $0x1000  }
0x154: {  	[sflag:s29] =	ssyncset.done $0x0  }
0x155: {  	[sflag:s29] =	ssyncadd.s32 $0xFFFFF000  }
0x156: {  	_ =	swait.ge [sflag:s30], $0x80  }
0x157: {  	[sflag:s30] =	ssyncset.done $0x0  }
0x158: {  	[sflag:s30] =	ssyncadd.s32 $0xFFFFFF80  }
0x159: {  	_ =	swait.ge [sflag:s31], $0x80  }
0x15a: {  	[sflag:s31] =	ssyncset.done $0x0  }
0x15b: {  	[sflag:s31] =	ssyncadd.s32 $0xFFFFFF80  }
0x15c: {  	[tilespmem:s0], [sflag:$0x6] =	stream.indirect.gather [hbm4b:s3+s21], $0x20, s22, s21, $0xb8;
	[tilespmem:$0x4480] =	vst v63  }
0x15d: {  	s14 =	simm.s32 $0x0;
	s15 =	simm.s32 $0x4210  }
0x15e: {  	[tilespmem:s1], [sflag:$0x8] =	stream.indirect.gather [hbm4b:s4+s21], $0x20, s21, s21, $0xb8;
	[tilespmem:$0x4480] =	vst v63  }
.LBB2_8:
0x15f: {  	s16 =	sshra.s32 s14, $0x2  }
0x160: {  	v8 =	vld [tilespmem:s16+$0x200]  }
0x161: {  	v9 =	vld [tilespmem:s16+$0x2200]  }
0x162: {  	v10 =	vld [tilespmem:s16+$0x220]  }
0x163: {  	v11 =	vld [tilespmem:s16+$0x2220]  }
0x164: {  	v30 =	vld [tilespmem:s16+$0x240]  }
0x165: {  	v13 =	vld [tilespmem:s16+$0x2240]  }
0x166: {  	v32 =	vld [tilespmem:s16+$0x260]  }
0x167: {  	v37 =	vld [tilespmem:s16+$0x280]  }
0x168: {  	v38 =	vld [tilespmem:s16+$0x2280];
	v8 =	vadd.bf16 v9, v8  }
0x169: {  	v34 =	vld [tilespmem:s16+$0x2260];
	v10 =	vadd.bf16 v11, v10  }
0x16a: {  	v42 =	vld [tilespmem:s16+$0x2A0];
	v9 =	vadd.bf16 v13, v30;
	v12 =	vunpack.i.l.bf16.f32 v8  }
0x16b: {  	v44 =	vld [tilespmem:s16+$0x22A0];
	v14 =	vunpack.i.u.bf16.f32 v8;
	v33 =	vunpack.i.l.bf16.f32 v10;
	v35 =	vunpack.i.u.bf16.f32 v10  }
0x16c: {  	v8 =	vmax.bf16 v8, v10;
	v39 =	vunpack.i.u.bf16.f32 v9;
	v40 =	vunpack.i.l.bf16.f32 v9  }
0x16d: {  	v10 =	vadd.bf16 v38, v37;
	v15 =	vmul.f32 v12, v12;
	v31 =	vmul.f32 v14, v14  }
0x16e: {  	v47 =	vld [tilespmem:s16+$0x2C0];
	v6 =	vadd.f32 v12, v6;
	v16 =	vmul.f32 v33, v33;
	v36 =	vmul.f32 v35, v35  }
0x16f: {  	v48 =	vld [tilespmem:s16+$0x22C0];
	v7 =	vadd.f32 v14, v7;
	v41 =	vmul.f32 v40, v40;
	v17 =	vmul.f32 v39, v39  }
0x170: {  	v52 =	vld [tilespmem:s16+$0x2E0];
	v12 =	vadd.bf16 v34, v32;
	v8 =	vmax.bf16 v8, v9;
	v9 =	vadd.bf16 v44, v42  }
0x171: {  	v53 =	vld [tilespmem:s16+$0x22E0];
	v13 =	vunpack.i.l.bf16.f32 v10;
	v5 =	vadd.f32 v15, v5;
	v4 =	vadd.f32 v31, v4  }
0x172: {  	v49 =	vunpack.i.u.bf16.f32 v10;
	v6 =	vadd.f32 v33, v6;
	v7 =	vadd.f32 v35, v7  }
0x173: {  	v58 =	vld [tilespmem:s16+$0x300];
	v43 =	vunpack.i.l.bf16.f32 v12;
	v15 =	vunpack.i.u.bf16.f32 v12;
	v8 =	vmax.bf16 v8, v12  }
0x174: {  	v60 =	vld [tilespmem:s16+$0x2300];
	v50 =	vmul.f32 v13, v13;
	v51 =	vmul.f32 v49, v49;
	v54 =	vunpack.i.u.bf16.f32 v9  }
0x175: {  	v55 =	vunpack.i.l.bf16.f32 v9;
	v12 =	vadd.bf16 v48, v47;
	v45 =	vmul.f32 v43, v43  }
0x176: {  	v63 =	vld [tilespmem:s16+$0x320];
	v46 =	vmul.f32 v15, v15;
	v8 =	vmax.bf16 v8, v10;
	v10 =	vadd.bf16 v53, v52  }
0x177: {  	v20 =	vld [tilespmem:s16+$0x2320];
	v56 =	vmul.f32 v55, v55;
	v5 =	vadd.f32 v16, v5;
	v4 =	vadd.f32 v36, v4  }
0x178: {  	v24 =	vld [tilespmem:s16+$0x340];
	v57 =	vmul.f32 v54, v54;
	v6 =	vadd.f32 v40, v6;
	v7 =	vadd.f32 v39, v7  }
0x179: {  	v25 =	vld [tilespmem:s16+$0x2340];
	v8 =	vmax.bf16 v8, v9;
	v59 =	vunpack.i.l.bf16.f32 v12;
	v9 =	vadd.bf16 v60, v58  }
0x17a: {  	v30 =	vld [tilespmem:s16+$0x360];
	v61 =	vmul.f32 v59, v59;
	v8 =	vmax.bf16 v8, v12;
	v14 =	vunpack.i.l.bf16.f32 v10  }
0x17b: {  	v31 =	vld [tilespmem:s16+$0x2360];
	v21 =	vunpack.i.u.bf16.f32 v10;
	v5 =	vadd.f32 v41, v5;
	v4 =	vadd.f32 v17, v4  }
0x17c: {  	v6 =	vadd.f32 v43, v6;
	v7 =	vadd.f32 v15, v7;
	v15 =	vunpack.i.u.bf16.f32 v12  }
0x17d: {  	v37 =	vld [tilespmem:s16+$0x3A0];
	v22 =	vmul.f32 v14, v14;
	v23 =	vmul.f32 v21, v21;
	v8 =	vmax.bf16 v8, v10  }
0x17e: {  	v33 =	vld [tilespmem:s16+$0x380];
	v26 =	vunpack.i.u.bf16.f32 v9;
	v27 =	vunpack.i.l.bf16.f32 v9;
	v12 =	vadd.bf16 v20, v63  }
0x17f: {  	v36 =	vld [tilespmem:s16+$0x2380];
	v10 =	vadd.bf16 v25, v24;
	v62 =	vmul.f32 v15, v15;
	v28 =	vmul.f32 v27, v27  }
0x180: {  	v40 =	vld [tilespmem:s16+$0x23A0];
	v8 =	vmax.bf16 v8, v9;
	v9 =	vadd.bf16 v31, v30;
	v5 =	vadd.f32 v45, v5  }
0x181: {  	v29 =	vmul.f32 v26, v26;
	v4 =	vadd.f32 v46, v4;
	v6 =	vadd.f32 v13, v6  }
0x182: {  	v7 =	vadd.f32 v49, v7;
	v32 =	vunpack.i.l.bf16.f32 v12;
	v34 =	vunpack.i.u.bf16.f32 v12  }
0x183: {  	v8 =	vmax.bf16 v8, v12;
	v39 =	vunpack.i.l.bf16.f32 v10;
	v18 =	vunpack.i.u.bf16.f32 v10  }
0x184: {  	v35 =	vmul.f32 v32, v32;
	v38 =	vmul.f32 v34, v34;
	v47 =	vadd.bf16 v36, v33  }
0x185: {  	v19 =	vmul.f32 v39, v39;
	v48 =	vadd.bf16 v40, v37;
	v7 =	vadd.f32 v54, v7  }
0x186: {  	v41 =	vld [tilespmem:s16+$0x3C0];
	v42 =	vmul.f32 v18, v18;
	v5 =	vadd.f32 v50, v5;
	v4 =	vadd.f32 v51, v4  }
0x187: {  	v43 =	vld [tilespmem:s16+$0x23C0];
	v44 =	vunpack.i.l.bf16.f32 v9;
	v6 =	vadd.f32 v55, v6;
	v7 =	vadd.f32 v15, v7  }
0x188: {  	v45 =	vld [tilespmem:s16+$0x3E0];
	v46 =	vunpack.i.u.bf16.f32 v9;
	v5 =	vadd.f32 v56, v5;
	v4 =	vadd.f32 v57, v4  }
0x189: {  	v8 =	vmax.bf16 v8, v10;
	v6 =	vadd.f32 v59, v6;
	v7 =	vadd.f32 v21, v7;
	v21 =	vld [tilespmem:s16+$0x23E0]  }
0x18a: {  	v20 =	vmul.f32 v44, v44;
	v12 =	vmul.f32 v46, v46;
	v5 =	vadd.f32 v61, v5  }
0x18b: {  	v8 =	vmax.bf16 v8, v9;
	v4 =	vadd.f32 v62, v4;
	v6 =	vadd.f32 v14, v6  }
0x18c: {  	v8 =	vmax.bf16 v8, v47;
	v50 =	vadd.bf16 v43, v41;
	v5 =	vadd.f32 v22, v5  }
0x18d: {  	v49 =	vunpack.i.u.bf16.f32 v47;
	v4 =	vadd.f32 v23, v4;
	v6 =	vadd.f32 v27, v6  }
0x18e: {  	v8 =	vmax.bf16 v8, v48;
	v7 =	vadd.f32 v26, v7;
	v51 =	vadd.bf16 v21, v45  }
0x18f: {  	v8 =	vmax.bf16 v8, v50;
	v5 =	vadd.f32 v28, v5;
	v4 =	vadd.f32 v29, v4  }
0x190: {  	v6 =	vadd.f32 v32, v6;
	v7 =	vadd.f32 v34, v7;
	v8 =	vmax.bf16 v8, v51  }
0x191: {  	v10 =	vunpack.i.l.bf16.f32 v47;
	v5 =	vadd.f32 v35, v5;
	v4 =	vadd.f32 v38, v4;
	[tilespmem:s15+$0xFFFFFFF0] =	vst v8  }
0x192: {  	v54 =	vunpack.i.l.bf16.f32 v48;
	v6 =	vadd.f32 v39, v6;
	v7 =	vadd.f32 v18, v7;
	v56 =	vld [tilespmem:s16+$0x210]  }
0x193: {  	v52 =	vmul.f32 v10, v10;
	v5 =	vadd.f32 v19, v5;
	v4 =	vadd.f32 v42, v4;
	v58 =	vld [tilespmem:s16+$0x2210]  }
0x194: {  	v53 =	vmul.f32 v49, v49;
	v6 =	vadd.f32 v44, v6;
	v7 =	vadd.f32 v46, v7;
	v61 =	vld [tilespmem:s16+$0x230]  }
0x195: {  	v55 =	vmul.f32 v54, v54;
	v63 =	vld [tilespmem:s16+$0x2230];
	v5 =	vadd.f32 v20, v5;
	v4 =	vadd.f32 v12, v4  }
0x196: {  	v57 =	vunpack.i.l.bf16.f32 v50;
	v27 =	vld [tilespmem:s16+$0x270];
	v6 =	vadd.f32 v10, v6;
	v7 =	vadd.f32 v49, v7  }
0x197: {  	v8 =	vunpack.i.u.bf16.f32 v48;
	v28 =	vld [tilespmem:s16+$0x2270];
	v5 =	vadd.f32 v52, v5;
	v4 =	vadd.f32 v53, v4  }
0x198: {  	v6 =	vadd.f32 v54, v6;
	v7 =	vadd.f32 v8, v7;
	v8 =	vmul.f32 v8, v8  }
0x199: {  	v59 =	vunpack.i.u.bf16.f32 v50;
	v60 =	vmul.f32 v57, v57;
	v5 =	vadd.f32 v55, v5  }
0x19a: {  	v62 =	vunpack.i.l.bf16.f32 v51;
	v4 =	vadd.f32 v8, v4;
	v6 =	vadd.f32 v57, v6  }
0x19b: {  	v8 =	vmul.f32 v59, v59;
	v7 =	vadd.f32 v59, v7;
	v10 =	vadd.bf16 v58, v56  }
0x19c: {  	v20 =	vmul.f32 v62, v62;
	v11 =	vadd.bf16 v63, v61;
	v9 =	vadd.bf16 v28, v27  }
0x19d: {  	v5 =	vadd.f32 v60, v5;
	v4 =	vadd.f32 v8, v4;
	v8 =	vunpack.i.u.bf16.f32 v51  }
0x19e: {  	v22 =	vld [tilespmem:s16+$0x250];
	v6 =	vadd.f32 v62, v6;
	v23 =	vunpack.i.u.bf16.f32 v10;
	v24 =	vunpack.i.l.bf16.f32 v10  }
0x19f: {  	v32 =	vld [tilespmem:s16+$0x290];
	v12 =	vunpack.i.l.bf16.f32 v11;
	v29 =	vunpack.i.u.bf16.f32 v11;
	v10 =	vmax.bf16 v10, v11  }
0x1a0: {  	v33 =	vld [tilespmem:s16+$0x2290];
	v39 =	vunpack.i.u.bf16.f32 v9;
	v40 =	vunpack.i.l.bf16.f32 v9;
	v21 =	vmul.f32 v8, v8  }
0x1a1: {  	v7 =	vadd.f32 v8, v7;
	v8 =	vld [tilespmem:s16+$0x2250];
	v25 =	vmul.f32 v24, v24;
	v3 =	vadd.f32 v24, v3  }
0x1a2: {  	v37 =	vld [tilespmem:s16+$0x2B0];
	v26 =	vmul.f32 v23, v23;
	v1 =	vadd.f32 v23, v1;
	v5 =	vadd.f32 v20, v5  }
0x1a3: {  	v38 =	vld [tilespmem:s16+$0x22B0];
	v30 =	vmul.f32 v12, v12;
	v4 =	vadd.f32 v21, v4;
	v2 =	vadd.f32 v25, v2  }
0x1a4: {  	v43 =	vld [tilespmem:s16+$0x2D0];
	v31 =	vmul.f32 v29, v29;
	v0 =	vadd.f32 v26, v0;
	v3 =	vadd.f32 v12, v3  }
0x1a5: {  	v45 =	vld [tilespmem:s16+$0x22D0];
	v41 =	vmul.f32 v40, v40;
	v1 =	vadd.f32 v29, v1;
	v12 =	vadd.bf16 v33, v32  }
0x1a6: {  	v50 =	vld [tilespmem:s16+$0x22F0];
	v42 =	vmul.f32 v39, v39;
	v2 =	vadd.f32 v30, v2;
	v8 =	vadd.bf16 v8, v22  }
0x1a7: {  	v49 =	vld [tilespmem:s16+$0x2F0];
	v0 =	vadd.f32 v31, v0;
	v44 =	vunpack.i.l.bf16.f32 v12;
	v46 =	vunpack.i.u.bf16.f32 v12  }
0x1a8: {  	v47 =	vmul.f32 v44, v44;
	v48 =	vmul.f32 v46, v46;
	v14 =	vunpack.i.l.bf16.f32 v8  }
0x1a9: {  	v54 =	vld [tilespmem:s16+$0x310];
	v34 =	vunpack.i.u.bf16.f32 v8;
	v8 =	vmax.bf16 v10, v8;
	v10 =	vadd.bf16 v38, v37  }
0x1aa: {  	v55 =	vld [tilespmem:s16+$0x2310];
	v35 =	vmul.f32 v14, v14;
	v3 =	vadd.f32 v14, v3;
	v36 =	vmul.f32 v34, v34  }
0x1ab: {  	v60 =	vld [tilespmem:s16+$0x330];
	v1 =	vadd.f32 v34, v1;
	v8 =	vmax.bf16 v8, v9;
	v9 =	vadd.bf16 v45, v43  }
0x1ac: {  	v62 =	vld [tilespmem:s16+$0x2330];
	v8 =	vmax.bf16 v8, v12;
	v13 =	vunpack.i.l.bf16.f32 v10;
	v12 =	vadd.bf16 v50, v49  }
0x1ad: {  	v51 =	vunpack.i.u.bf16.f32 v10;
	v2 =	vadd.f32 v35, v2;
	v0 =	vadd.f32 v36, v0  }
0x1ae: {  	v3 =	vadd.f32 v40, v3;
	v1 =	vadd.f32 v39, v1;
	v52 =	vmul.f32 v13, v13  }
0x1af: {  	v23 =	vld [tilespmem:s16+$0x2350];
	v53 =	vmul.f32 v51, v51;
	v8 =	vmax.bf16 v8, v10;
	v57 =	vunpack.i.l.bf16.f32 v9  }
0x1b0: {  	v22 =	vld [tilespmem:s16+$0x350];
	v56 =	vunpack.i.u.bf16.f32 v9;
	v10 =	vadd.bf16 v55, v54;
	v58 =	vmul.f32 v57, v57  }
0x1b1: {  	v27 =	vld [tilespmem:s16+$0x370];
	v59 =	vmul.f32 v56, v56;
	v8 =	vmax.bf16 v8, v9;
	v9 =	vadd.bf16 v62, v60  }
0x1b2: {  	v28 =	vld [tilespmem:s16+$0x2370];
	v61 =	vunpack.i.l.bf16.f32 v12;
	v2 =	vadd.f32 v41, v2;
	v0 =	vadd.f32 v42, v0  }
0x1b3: {  	v63 =	vunpack.i.u.bf16.f32 v12;
	v3 =	vadd.f32 v44, v3;
	v1 =	vadd.f32 v46, v1  }
0x1b4: {  	v33 =	vld [tilespmem:s16+$0x390];
	v20 =	vmul.f32 v61, v61;
	v8 =	vmax.bf16 v8, v12;
	v21 =	vmul.f32 v63, v63  }
0x1b5: {  	v35 =	vld [tilespmem:s16+$0x2390];
	v14 =	vunpack.i.l.bf16.f32 v10;
	v24 =	vunpack.i.u.bf16.f32 v10;
	v12 =	vadd.bf16 v23, v22  }
0x1b6: {  	v39 =	vld [tilespmem:s16+$0x3B0];
	v25 =	vmul.f32 v14, v14;
	v26 =	vmul.f32 v24, v24;
	v8 =	vmax.bf16 v8, v10  }
0x1b7: {  	v40 =	vld [tilespmem:s16+$0x23B0];
	v29 =	vunpack.i.u.bf16.f32 v9;
	v10 =	vadd.bf16 v28, v27;
	v2 =	vadd.f32 v47, v2  }
0x1b8: {  	v30 =	vunpack.i.l.bf16.f32 v9;
	v0 =	vadd.f32 v48, v0;
	v3 =	vadd.f32 v13, v3  }
0x1b9: {  	v1 =	vadd.f32 v51, v1;
	v31 =	vmul.f32 v30, v30;
	v32 =	vmul.f32 v29, v29  }
0x1ba: {  	v45 =	vld [tilespmem:s16+$0x23D0];
	v8 =	vmax.bf16 v8, v9;
	v34 =	vunpack.i.l.bf16.f32 v12;
	v36 =	vunpack.i.u.bf16.f32 v12  }
0x1bb: {  	v44 =	vld [tilespmem:s16+$0x3D0];
	v37 =	vmul.f32 v34, v34;
	v8 =	vmax.bf16 v8, v12;
	v38 =	vmul.f32 v36, v36  }
0x1bc: {  	v13 =	vunpack.i.l.bf16.f32 v10;
	v9 =	vadd.bf16 v35, v33;
	v12 =	vadd.bf16 v40, v39  }
0x1bd: {  	v41 =	vunpack.i.u.bf16.f32 v10;
	v2 =	vadd.f32 v52, v2;
	v0 =	vadd.f32 v53, v0  }
0x1be: {  	v50 =	vld [tilespmem:s16+$0x3F0];
	v3 =	vadd.f32 v57, v3;
	v1 =	vadd.f32 v56, v1;
	v42 =	vmul.f32 v13, v13  }
0x1bf: {  	v43 =	vmul.f32 v41, v41;
	v8 =	vmax.bf16 v8, v10;
	v52 =	vld [tilespmem:s16+$0x23F0];
	v46 =	vunpack.i.u.bf16.f32 v9  }
0x1c0: {  	v47 =	vunpack.i.l.bf16.f32 v9;
	v10 =	vadd.bf16 v45, v44;
	v2 =	vadd.f32 v58, v2  }
0x1c1: {  	v8 =	vmax.bf16 v8, v9;
	v0 =	vadd.f32 v59, v0;
	v3 =	vadd.f32 v61, v3  }
0x1c2: {  	v51 =	vunpack.i.l.bf16.f32 v12;
	v1 =	vadd.f32 v63, v1;
	v2 =	vadd.f32 v20, v2  }
0x1c3: {  	v53 =	vunpack.i.u.bf16.f32 v12;
	v0 =	vadd.f32 v21, v0;
	v3 =	vadd.f32 v14, v3  }
0x1c4: {  	v48 =	vmul.f32 v47, v47;
	v1 =	vadd.f32 v24, v1;
	v9 =	vadd.bf16 v52, v50  }
0x1c5: {  	v49 =	vmul.f32 v46, v46;
	v2 =	vadd.f32 v25, v2;
	v0 =	vadd.f32 v26, v0  }
0x1c6: {  	v54 =	vmul.f32 v51, v51;
	v3 =	vadd.f32 v30, v3;
	v1 =	vadd.f32 v29, v1  }
0x1c7: {  	v8 =	vmax.bf16 v8, v12;
	v2 =	vadd.f32 v31, v2;
	v0 =	vadd.f32 v32, v0  }
0x1c8: {  	v55 =	vmul.f32 v53, v53;
	v3 =	vadd.f32 v34, v3;
	v1 =	vadd.f32 v36, v1  }
0x1c9: {  	v56 =	vunpack.i.l.bf16.f32 v10;
	v2 =	vadd.f32 v37, v2;
	v0 =	vadd.f32 v38, v0  }
0x1ca: {  	v57 =	vunpack.i.u.bf16.f32 v10;
	v3 =	vadd.f32 v13, v3;
	v1 =	vadd.f32 v41, v1  }
0x1cb: {  	v8 =	vmax.bf16 v8, v10;
	v2 =	vadd.f32 v42, v2;
	v0 =	vadd.f32 v43, v0  }
0x1cc: {  	v58 =	vmul.f32 v56, v56;
	v3 =	vadd.f32 v47, v3;
	v1 =	vadd.f32 v46, v1  }
0x1cd: {  	v59 =	vmul.f32 v57, v57;
	v2 =	vadd.f32 v48, v2;
	v0 =	vadd.f32 v49, v0  }
0x1ce: {  	p0 =	sne.s32 s14, $0x3800;
	v60 =	vunpack.i.u.bf16.f32 v9;
	v3 =	vadd.f32 v51, v3;
	v1 =	vadd.f32 v53, v1  }
.Ltmp3:
0x1cf: {  	v61 =	vunpack.i.l.bf16.f32 v9;
	v2 =	vadd.f32 v54, v2;
	v0 =	vadd.f32 v55, v0;
	(pc) =	sbr.rel @p0 .LBB2_8-.Ltmp3, $4  }
0x1d0: {  	v62 =	vmul.f32 v61, v61;
	v3 =	vadd.f32 v56, v3;
	v1 =	vadd.f32 v57, v1  }
0x1d1: {  	v63 =	vmul.f32 v60, v60;
	v2 =	vadd.f32 v58, v2;
	v0 =	vadd.f32 v59, v0  }
0x1d2: {  	v8 =	vmax.bf16 v8, v9;
	v3 =	vadd.f32 v61, v3;
	v1 =	vadd.f32 v60, v1  }
0x1d3: {  	s14 =	sadd.s32 $0x800, s14;
	[tilespmem:s15+$0x0] =	vst v8;
	s15 =	sadd.s32 $0x20, s15;
	v2 =	vadd.f32 v62, v2;
	v0 =	vadd.f32 v63, v0  }
0x1d4: {  	s14 =	simm.s32 $0x0;
	s15 =	rddreg [dreg:$0x7]  }
0x1d5: {  	[hbm4b:s15+s14] =	stream.linear.scatter [tilespmem:s7], [sflag:$0x9], $0x100, $0x38;
	[tilespmem:$0x4480] =	vst v63  }
0x1d6: {  	_ =	swait.ge [sflag:s8], $0x1000  }
0x1d7: {  	[sflag:s8] =	ssyncset.done $0x0  }
0x1d8: {  	[sflag:s8] =	ssyncadd.s32 $0xFFFFF000  }
0x1d9: {  	_ =	swait.ge [sflag:s9], $0x1000  }
0x1da: {  	[sflag:s9] =	ssyncset.done $0x0  }
0x1db: {  	s15 =	simm.s32 $0x4310;
	[sflag:s9] =	ssyncadd.s32 $0xFFFFF000  }
.LBB2_10:
0x1dc: {  	s16 =	sshra.s32 s14, $0x2  }
0x1dd: {  	v8 =	vld [tilespmem:s16+$0x1200]  }
0x1de: {  	v9 =	vld [tilespmem:s16+$0x3200]  }
0x1df: {  	v10 =	vld [tilespmem:s16+$0x1220]  }
0x1e0: {  	v11 =	vld [tilespmem:s16+$0x3220]  }
0x1e1: {  	v30 =	vld [tilespmem:s16+$0x1240]  }
0x1e2: {  	v13 =	vld [tilespmem:s16+$0x3240]  }
0x1e3: {  	v32 =	vld [tilespmem:s16+$0x1260]  }
0x1e4: {  	v37 =	vld [tilespmem:s16+$0x1280]  }
0x1e5: {  	v38 =	vld [tilespmem:s16+$0x3280];
	v8 =	vadd.bf16 v9, v8  }
0x1e6: {  	v34 =	vld [tilespmem:s16+$0x3260];
	v10 =	vadd.bf16 v11, v10  }
0x1e7: {  	v42 =	vld [tilespmem:s16+$0x12A0];
	v9 =	vadd.bf16 v13, v30;
	v12 =	vunpack.i.l.bf16.f32 v8  }
0x1e8: {  	v44 =	vld [tilespmem:s16+$0x32A0];
	v14 =	vunpack.i.u.bf16.f32 v8;
	v33 =	vunpack.i.l.bf16.f32 v10;
	v35 =	vunpack.i.u.bf16.f32 v10  }
0x1e9: {  	v8 =	vmax.bf16 v8, v10;
	v39 =	vunpack.i.u.bf16.f32 v9;
	v40 =	vunpack.i.l.bf16.f32 v9  }
0x1ea: {  	v10 =	vadd.bf16 v38, v37;
	v15 =	vmul.f32 v12, v12;
	v31 =	vmul.f32 v14, v14  }
0x1eb: {  	v47 =	vld [tilespmem:s16+$0x12C0];
	v6 =	vadd.f32 v12, v6;
	v16 =	vmul.f32 v33, v33;
	v36 =	vmul.f32 v35, v35  }
0x1ec: {  	v48 =	vld [tilespmem:s16+$0x32C0];
	v7 =	vadd.f32 v14, v7;
	v41 =	vmul.f32 v40, v40;
	v17 =	vmul.f32 v39, v39  }
0x1ed: {  	v52 =	vld [tilespmem:s16+$0x12E0];
	v12 =	vadd.bf16 v34, v32;
	v8 =	vmax.bf16 v8, v9;
	v9 =	vadd.bf16 v44, v42  }
0x1ee: {  	v53 =	vld [tilespmem:s16+$0x32E0];
	v13 =	vunpack.i.l.bf16.f32 v10;
	v5 =	vadd.f32 v15, v5;
	v4 =	vadd.f32 v31, v4  }
0x1ef: {  	v49 =	vunpack.i.u.bf16.f32 v10;
	v6 =	vadd.f32 v33, v6;
	v7 =	vadd.f32 v35, v7  }
0x1f0: {  	v58 =	vld [tilespmem:s16+$0x1300];
	v43 =	vunpack.i.l.bf16.f32 v12;
	v15 =	vunpack.i.u.bf16.f32 v12;
	v8 =	vmax.bf16 v8, v12  }
0x1f1: {  	v60 =	vld [tilespmem:s16+$0x3300];
	v50 =	vmul.f32 v13, v13;
	v51 =	vmul.f32 v49, v49;
	v54 =	vunpack.i.u.bf16.f32 v9  }
0x1f2: {  	v55 =	vunpack.i.l.bf16.f32 v9;
	v12 =	vadd.bf16 v48, v47;
	v45 =	vmul.f32 v43, v43  }
0x1f3: {  	v63 =	vld [tilespmem:s16+$0x1320];
	v46 =	vmul.f32 v15, v15;
	v8 =	vmax.bf16 v8, v10;
	v10 =	vadd.bf16 v53, v52  }
0x1f4: {  	v20 =	vld [tilespmem:s16+$0x3320];
	v56 =	vmul.f32 v55, v55;
	v5 =	vadd.f32 v16, v5;
	v4 =	vadd.f32 v36, v4  }
0x1f5: {  	v24 =	vld [tilespmem:s16+$0x1340];
	v57 =	vmul.f32 v54, v54;
	v6 =	vadd.f32 v40, v6;
	v7 =	vadd.f32 v39, v7  }
0x1f6: {  	v25 =	vld [tilespmem:s16+$0x3340];
	v8 =	vmax.bf16 v8, v9;
	v59 =	vunpack.i.l.bf16.f32 v12;
	v9 =	vadd.bf16 v60, v58  }
0x1f7: {  	v30 =	vld [tilespmem:s16+$0x1360];
	v61 =	vmul.f32 v59, v59;
	v8 =	vmax.bf16 v8, v12;
	v14 =	vunpack.i.l.bf16.f32 v10  }
0x1f8: {  	v31 =	vld [tilespmem:s16+$0x3360];
	v21 =	vunpack.i.u.bf16.f32 v10;
	v5 =	vadd.f32 v41, v5;
	v4 =	vadd.f32 v17, v4  }
0x1f9: {  	v6 =	vadd.f32 v43, v6;
	v7 =	vadd.f32 v15, v7;
	v15 =	vunpack.i.u.bf16.f32 v12  }
0x1fa: {  	v37 =	vld [tilespmem:s16+$0x13A0];
	v22 =	vmul.f32 v14, v14;
	v23 =	vmul.f32 v21, v21;
	v8 =	vmax.bf16 v8, v10  }
0x1fb: {  	v33 =	vld [tilespmem:s16+$0x1380];
	v26 =	vunpack.i.u.bf16.f32 v9;
	v27 =	vunpack.i.l.bf16.f32 v9;
	v12 =	vadd.bf16 v20, v63  }
0x1fc: {  	v36 =	vld [tilespmem:s16+$0x3380];
	v10 =	vadd.bf16 v25, v24;
	v62 =	vmul.f32 v15, v15;
	v28 =	vmul.f32 v27, v27  }
0x1fd: {  	v40 =	vld [tilespmem:s16+$0x33A0];
	v8 =	vmax.bf16 v8, v9;
	v9 =	vadd.bf16 v31, v30;
	v5 =	vadd.f32 v45, v5  }
0x1fe: {  	v29 =	vmul.f32 v26, v26;
	v4 =	vadd.f32 v46, v4;
	v6 =	vadd.f32 v13, v6  }
0x1ff: {  	v7 =	vadd.f32 v49, v7;
	v32 =	vunpack.i.l.bf16.f32 v12;
	v34 =	vunpack.i.u.bf16.f32 v12  }
0x200: {  	v8 =	vmax.bf16 v8, v12;
	v39 =	vunpack.i.l.bf16.f32 v10;
	v18 =	vunpack.i.u.bf16.f32 v10  }
0x201: {  	v35 =	vmul.f32 v32, v32;
	v38 =	vmul.f32 v34, v34;
	v47 =	vadd.bf16 v36, v33  }
0x202: {  	v19 =	vmul.f32 v39, v39;
	v48 =	vadd.bf16 v40, v37;
	v7 =	vadd.f32 v54, v7  }
0x203: {  	v41 =	vld [tilespmem:s16+$0x13C0];
	v42 =	vmul.f32 v18, v18;
	v5 =	vadd.f32 v50, v5;
	v4 =	vadd.f32 v51, v4  }
0x204: {  	v43 =	vld [tilespmem:s16+$0x33C0];
	v44 =	vunpack.i.l.bf16.f32 v9;
	v6 =	vadd.f32 v55, v6;
	v7 =	vadd.f32 v15, v7  }
0x205: {  	v45 =	vld [tilespmem:s16+$0x13E0];
	v46 =	vunpack.i.u.bf16.f32 v9;
	v5 =	vadd.f32 v56, v5;
	v4 =	vadd.f32 v57, v4  }
0x206: {  	v8 =	vmax.bf16 v8, v10;
	v6 =	vadd.f32 v59, v6;
	v7 =	vadd.f32 v21, v7;
	v21 =	vld [tilespmem:s16+$0x33E0]  }
0x207: {  	v20 =	vmul.f32 v44, v44;
	v12 =	vmul.f32 v46, v46;
	v5 =	vadd.f32 v61, v5  }
0x208: {  	v8 =	vmax.bf16 v8, v9;
	v4 =	vadd.f32 v62, v4;
	v6 =	vadd.f32 v14, v6  }
0x209: {  	v8 =	vmax.bf16 v8, v47;
	v50 =	vadd.bf16 v43, v41;
	v5 =	vadd.f32 v22, v5  }
0x20a: {  	v49 =	vunpack.i.u.bf16.f32 v47;
	v4 =	vadd.f32 v23, v4;
	v6 =	vadd.f32 v27, v6  }
0x20b: {  	v8 =	vmax.bf16 v8, v48;
	v7 =	vadd.f32 v26, v7;
	v51 =	vadd.bf16 v21, v45  }
0x20c: {  	v8 =	vmax.bf16 v8, v50;
	v5 =	vadd.f32 v28, v5;
	v4 =	vadd.f32 v29, v4  }
0x20d: {  	v6 =	vadd.f32 v32, v6;
	v7 =	vadd.f32 v34, v7;
	v8 =	vmax.bf16 v8, v51  }
0x20e: {  	v10 =	vunpack.i.l.bf16.f32 v47;
	v5 =	vadd.f32 v35, v5;
	v4 =	vadd.f32 v38, v4;
	[tilespmem:s15+$0xFFFFFFF0] =	vst v8  }
0x20f: {  	v54 =	vunpack.i.l.bf16.f32 v48;
	v6 =	vadd.f32 v39, v6;
	v7 =	vadd.f32 v18, v7;
	v56 =	vld [tilespmem:s16+$0x1210]  }
0x210: {  	v52 =	vmul.f32 v10, v10;
	v5 =	vadd.f32 v19, v5;
	v4 =	vadd.f32 v42, v4;
	v58 =	vld [tilespmem:s16+$0x3210]  }
0x211: {  	v53 =	vmul.f32 v49, v49;
	v6 =	vadd.f32 v44, v6;
	v7 =	vadd.f32 v46, v7;
	v61 =	vld [tilespmem:s16+$0x1230]  }
0x212: {  	v55 =	vmul.f32 v54, v54;
	v63 =	vld [tilespmem:s16+$0x3230];
	v5 =	vadd.f32 v20, v5;
	v4 =	vadd.f32 v12, v4  }
0x213: {  	v57 =	vunpack.i.l.bf16.f32 v50;
	v27 =	vld [tilespmem:s16+$0x1270];
	v6 =	vadd.f32 v10, v6;
	v7 =	vadd.f32 v49, v7  }
0x214: {  	v8 =	vunpack.i.u.bf16.f32 v48;
	v28 =	vld [tilespmem:s16+$0x3270];
	v5 =	vadd.f32 v52, v5;
	v4 =	vadd.f32 v53, v4  }
0x215: {  	v6 =	vadd.f32 v54, v6;
	v7 =	vadd.f32 v8, v7;
	v8 =	vmul.f32 v8, v8  }
0x216: {  	v59 =	vunpack.i.u.bf16.f32 v50;
	v60 =	vmul.f32 v57, v57;
	v5 =	vadd.f32 v55, v5  }
0x217: {  	v62 =	vunpack.i.l.bf16.f32 v51;
	v4 =	vadd.f32 v8, v4;
	v6 =	vadd.f32 v57, v6  }
0x218: {  	v8 =	vmul.f32 v59, v59;
	v7 =	vadd.f32 v59, v7;
	v10 =	vadd.bf16 v58, v56  }
0x219: {  	v20 =	vmul.f32 v62, v62;
	v11 =	vadd.bf16 v63, v61;
	v9 =	vadd.bf16 v28, v27  }
0x21a: {  	v5 =	vadd.f32 v60, v5;
	v4 =	vadd.f32 v8, v4;
	v8 =	vunpack.i.u.bf16.f32 v51  }
0x21b: {  	v22 =	vld [tilespmem:s16+$0x1250];
	v6 =	vadd.f32 v62, v6;
	v23 =	vunpack.i.u.bf16.f32 v10;
	v24 =	vunpack.i.l.bf16.f32 v10  }
0x21c: {  	v32 =	vld [tilespmem:s16+$0x1290];
	v12 =	vunpack.i.l.bf16.f32 v11;
	v29 =	vunpack.i.u.bf16.f32 v11;
	v10 =	vmax.bf16 v10, v11  }
0x21d: {  	v33 =	vld [tilespmem:s16+$0x3290];
	v39 =	vunpack.i.u.bf16.f32 v9;
	v40 =	vunpack.i.l.bf16.f32 v9;
	v21 =	vmul.f32 v8, v8  }
0x21e: {  	v7 =	vadd.f32 v8, v7;
	v8 =	vld [tilespmem:s16+$0x3250];
	v25 =	vmul.f32 v24, v24;
	v3 =	vadd.f32 v24, v3  }
0x21f: {  	v37 =	vld [tilespmem:s16+$0x12B0];
	v26 =	vmul.f32 v23, v23;
	v1 =	vadd.f32 v23, v1;
	v5 =	vadd.f32 v20, v5  }
0x220: {  	v38 =	vld [tilespmem:s16+$0x32B0];
	v30 =	vmul.f32 v12, v12;
	v4 =	vadd.f32 v21, v4;
	v2 =	vadd.f32 v25, v2  }
0x221: {  	v43 =	vld [tilespmem:s16+$0x12D0];
	v31 =	vmul.f32 v29, v29;
	v0 =	vadd.f32 v26, v0;
	v3 =	vadd.f32 v12, v3  }
0x222: {  	v45 =	vld [tilespmem:s16+$0x32D0];
	v41 =	vmul.f32 v40, v40;
	v1 =	vadd.f32 v29, v1;
	v12 =	vadd.bf16 v33, v32  }
0x223: {  	v50 =	vld [tilespmem:s16+$0x32F0];
	v42 =	vmul.f32 v39, v39;
	v2 =	vadd.f32 v30, v2;
	v8 =	vadd.bf16 v8, v22  }
0x224: {  	v49 =	vld [tilespmem:s16+$0x12F0];
	v0 =	vadd.f32 v31, v0;
	v44 =	vunpack.i.l.bf16.f32 v12;
	v46 =	vunpack.i.u.bf16.f32 v12  }
0x225: {  	v47 =	vmul.f32 v44, v44;
	v48 =	vmul.f32 v46, v46;
	v14 =	vunpack.i.l.bf16.f32 v8  }
0x226: {  	v54 =	vld [tilespmem:s16+$0x1310];
	v34 =	vunpack.i.u.bf16.f32 v8;
	v8 =	vmax.bf16 v10, v8;
	v10 =	vadd.bf16 v38, v37  }
0x227: {  	v55 =	vld [tilespmem:s16+$0x3310];
	v35 =	vmul.f32 v14, v14;
	v3 =	vadd.f32 v14, v3;
	v36 =	vmul.f32 v34, v34  }
0x228: {  	v60 =	vld [tilespmem:s16+$0x1330];
	v1 =	vadd.f32 v34, v1;
	v8 =	vmax.bf16 v8, v9;
	v9 =	vadd.bf16 v45, v43  }
0x229: {  	v62 =	vld [tilespmem:s16+$0x3330];
	v8 =	vmax.bf16 v8, v12;
	v13 =	vunpack.i.l.bf16.f32 v10;
	v12 =	vadd.bf16 v50, v49  }
0x22a: {  	v51 =	vunpack.i.u.bf16.f32 v10;
	v2 =	vadd.f32 v35, v2;
	v0 =	vadd.f32 v36, v0  }
0x22b: {  	v3 =	vadd.f32 v40, v3;
	v1 =	vadd.f32 v39, v1;
	v52 =	vmul.f32 v13, v13  }
0x22c: {  	v23 =	vld [tilespmem:s16+$0x3350];
	v53 =	vmul.f32 v51, v51;
	v8 =	vmax.bf16 v8, v10;
	v57 =	vunpack.i.l.bf16.f32 v9  }
0x22d: {  	v22 =	vld [tilespmem:s16+$0x1350];
	v56 =	vunpack.i.u.bf16.f32 v9;
	v10 =	vadd.bf16 v55, v54;
	v58 =	vmul.f32 v57, v57  }
0x22e: {  	v27 =	vld [tilespmem:s16+$0x1370];
	v59 =	vmul.f32 v56, v56;
	v8 =	vmax.bf16 v8, v9;
	v9 =	vadd.bf16 v62, v60  }
0x22f: {  	v28 =	vld [tilespmem:s16+$0x3370];
	v61 =	vunpack.i.l.bf16.f32 v12;
	v2 =	vadd.f32 v41, v2;
	v0 =	vadd.f32 v42, v0  }
0x230: {  	v63 =	vunpack.i.u.bf16.f32 v12;
	v3 =	vadd.f32 v44, v3;
	v1 =	vadd.f32 v46, v1  }
0x231: {  	v33 =	vld [tilespmem:s16+$0x1390];
	v20 =	vmul.f32 v61, v61;
	v8 =	vmax.bf16 v8, v12;
	v21 =	vmul.f32 v63, v63  }
0x232: {  	v35 =	vld [tilespmem:s16+$0x3390];
	v14 =	vunpack.i.l.bf16.f32 v10;
	v24 =	vunpack.i.u.bf16.f32 v10;
	v12 =	vadd.bf16 v23, v22  }
0x233: {  	v39 =	vld [tilespmem:s16+$0x13B0];
	v25 =	vmul.f32 v14, v14;
	v26 =	vmul.f32 v24, v24;
	v8 =	vmax.bf16 v8, v10  }
0x234: {  	v40 =	vld [tilespmem:s16+$0x33B0];
	v29 =	vunpack.i.u.bf16.f32 v9;
	v10 =	vadd.bf16 v28, v27;
	v2 =	vadd.f32 v47, v2  }
0x235: {  	v30 =	vunpack.i.l.bf16.f32 v9;
	v0 =	vadd.f32 v48, v0;
	v3 =	vadd.f32 v13, v3  }
0x236: {  	v1 =	vadd.f32 v51, v1;
	v31 =	vmul.f32 v30, v30;
	v32 =	vmul.f32 v29, v29  }
0x237: {  	v45 =	vld [tilespmem:s16+$0x33D0];
	v8 =	vmax.bf16 v8, v9;
	v34 =	vunpack.i.l.bf16.f32 v12;
	v36 =	vunpack.i.u.bf16.f32 v12  }
0x238: {  	v44 =	vld [tilespmem:s16+$0x13D0];
	v37 =	vmul.f32 v34, v34;
	v8 =	vmax.bf16 v8, v12;
	v38 =	vmul.f32 v36, v36  }
0x239: {  	v13 =	vunpack.i.l.bf16.f32 v10;
	v9 =	vadd.bf16 v35, v33;
	v12 =	vadd.bf16 v40, v39  }
0x23a: {  	v41 =	vunpack.i.u.bf16.f32 v10;
	v2 =	vadd.f32 v52, v2;
	v0 =	vadd.f32 v53, v0  }
0x23b: {  	v50 =	vld [tilespmem:s16+$0x13F0];
	v3 =	vadd.f32 v57, v3;
	v1 =	vadd.f32 v56, v1;
	v42 =	vmul.f32 v13, v13  }
0x23c: {  	v43 =	vmul.f32 v41, v41;
	v8 =	vmax.bf16 v8, v10;
	v52 =	vld [tilespmem:s16+$0x33F0];
	v46 =	vunpack.i.u.bf16.f32 v9  }
0x23d: {  	v47 =	vunpack.i.l.bf16.f32 v9;
	v10 =	vadd.bf16 v45, v44;
	v2 =	vadd.f32 v58, v2  }
0x23e: {  	v8 =	vmax.bf16 v8, v9;
	v0 =	vadd.f32 v59, v0;
	v3 =	vadd.f32 v61, v3  }
0x23f: {  	v51 =	vunpack.i.l.bf16.f32 v12;
	v1 =	vadd.f32 v63, v1;
	v2 =	vadd.f32 v20, v2  }
0x240: {  	v53 =	vunpack.i.u.bf16.f32 v12;
	v0 =	vadd.f32 v21, v0;
	v3 =	vadd.f32 v14, v3  }
0x241: {  	v48 =	vmul.f32 v47, v47;
	v1 =	vadd.f32 v24, v1;
	v9 =	vadd.bf16 v52, v50  }
0x242: {  	v49 =	vmul.f32 v46, v46;
	v2 =	vadd.f32 v25, v2;
	v0 =	vadd.f32 v26, v0  }
0x243: {  	v54 =	vmul.f32 v51, v51;
	v3 =	vadd.f32 v30, v3;
	v1 =	vadd.f32 v29, v1  }
0x244: {  	v8 =	vmax.bf16 v8, v12;
	v2 =	vadd.f32 v31, v2;
	v0 =	vadd.f32 v32, v0  }
0x245: {  	v55 =	vmul.f32 v53, v53;
	v3 =	vadd.f32 v34, v3;
	v1 =	vadd.f32 v36, v1  }
0x246: {  	v56 =	vunpack.i.l.bf16.f32 v10;
	v2 =	vadd.f32 v37, v2;
	v0 =	vadd.f32 v38, v0  }
0x247: {  	v57 =	vunpack.i.u.bf16.f32 v10;
	v3 =	vadd.f32 v13, v3;
	v1 =	vadd.f32 v41, v1  }
0x248: {  	v8 =	vmax.bf16 v8, v10;
	v2 =	vadd.f32 v42, v2;
	v0 =	vadd.f32 v43, v0  }
0x249: {  	v58 =	vmul.f32 v56, v56;
	v3 =	vadd.f32 v47, v3;
	v1 =	vadd.f32 v46, v1  }
0x24a: {  	v59 =	vmul.f32 v57, v57;
	v2 =	vadd.f32 v48, v2;
	v0 =	vadd.f32 v49, v0  }
0x24b: {  	p0 =	sne.s32 s14, $0x3800;
	v60 =	vunpack.i.u.bf16.f32 v9;
	v3 =	vadd.f32 v51, v3;
	v1 =	vadd.f32 v53, v1  }
.Ltmp4:
0x24c: {  	v61 =	vunpack.i.l.bf16.f32 v9;
	v2 =	vadd.f32 v54, v2;
	v0 =	vadd.f32 v55, v0;
	(pc) =	sbr.rel @p0 .LBB2_10-.Ltmp4, $4  }
0x24d: {  	v62 =	vmul.f32 v61, v61;
	v3 =	vadd.f32 v56, v3;
	v1 =	vadd.f32 v57, v1  }
0x24e: {  	v63 =	vmul.f32 v60, v60;
	v2 =	vadd.f32 v58, v2;
	v0 =	vadd.f32 v59, v0  }
0x24f: {  	v8 =	vmax.bf16 v8, v9;
	v3 =	vadd.f32 v61, v3;
	v1 =	vadd.f32 v60, v1  }
0x250: {  	s14 =	sadd.s32 $0x800, s14;
	[tilespmem:s15+$0x0] =	vst v8;
	s15 =	sadd.s32 $0x20, s15;
	v2 =	vadd.f32 v62, v2;
	v0 =	vadd.f32 v63, v0  }
0x251: {  	s14 =	rddreg [dreg:$0x8]  }
0x252: {  	[hbm4b:s14+s2] =	stream.linear.scatter [tilespmem:s10], [sflag:$0xA], $0x100, $0x38;
	[tilespmem:$0x4480] =	vst v63  }
0x253: {  	_ =	swait.ge [sflag:s17], $0x100  }
0x254: {  	[sflag:s17] =	ssyncset.done $0x0  }
0x255: {  	[sflag:s17] =	ssyncadd.s32 $0xFFFFFF00  }
0x256: {  	_ =	swait.ge [sflag:s18], $0x100  }
0x257: {  	[sflag:s18] =	ssyncset.done $0x0  }
0x258: {  	[sflag:s18] =	ssyncadd.s32 $0xFFFFFF00  }
0x259: {  	[tilespmem:$0x4400] =	vst v6  }
0x25a: {  	[tilespmem:$0x4440] =	vst v5  }
0x25b: {  	[tilespmem:$0x4410] =	vst v7  }
0x25c: {  	[tilespmem:$0x4450] =	vst v4  }
0x25d: {  	[tilespmem:$0x4420] =	vst v3  }
0x25e: {  	[tilespmem:$0x4460] =	vst v2  }
0x25f: {  	[tilespmem:$0x4430] =	vst v1  }
0x260: {  	s15 =	simm.s32 $0x4400;
	s17 =	rddreg [dreg:$0x9];
	[tilespmem:$0x4470] =	vst v0  }
0x261: {  	[hbm4b:s17+s2] =	stream.linear.scatter [tilespmem:s15], [sflag:$0xB], $0x40, $0x38;
	[tilespmem:$0x4480] =	vst v63  }
0x262: {  	s15 =	simm.s32 $0xB  }
0x263: {  	_ =	swait.ge [sflag:s15], $0x40  }
0x264: {  	[sflag:s15] =	ssyncset.done $0x0  }
0x265: {  	s16 =	simm.s32 $0x4440;
	s18 =	rddreg [dreg:$0xa];
	[sflag:s15] =	ssyncadd.s32 $0xFFFFFFC0  }
0x266: {  	[hbm4b:s18+s2] =	stream.linear.scatter [tilespmem:s16], [sflag:$0xB], $0x40, $0x38;
	[tilespmem:$0x4480] =	vst v63  }
0x267: {  	_ =	swait.ge [sflag:s15], $0x40  }
0x268: {  	s17 =	rddreg [dreg:$0xc]  }
0x269: {  	s18 =	rddreg [dreg:$0xb];
	s16 =	sadd.s32 $0x1, s17  }
0x26a: {  	p0 =	sne.s32 s16, s18  }
.Ltmp5:
0x26b: {  	_ = 	snop;
	(pc) =	sbr.rel @p0 .LBB2_1-.Ltmp5, $3  }
0x26c: {  	_ =	sdelay $0x1  }
0x26d: {  	[sflag:s15] =	ssyncset.done $0x0  }
0x26e: {  	[sflag:s15] =	ssyncadd.s32 $0xFFFFFFC0  }
0x26f: {  	_ =	sfence.sel $0x180000  }
0x270: {  	[bflag:$0x0] =	sbarrier.arrive $0xFFFF  }
0x271: {  	_ =	strace $0x90000047  }
0x272: {  	s0 =	stileid.u32;
	[bflag:$0x2] =	sbarrier.arrive $0xFFFF  }
0x273: {  	p0 =	sne.s32 s0, $0x0;
	s0 =	rddreg [dreg:$0x2]  }
0x274: {  	s0 =	sadd.s32 @!p0 $0x100000, s0  }
0x275: {  	[sflag:s0] =	ssyncadd.tile.s32 @!p0 $0x1;
	_ =	shalt  }
.Lfunc_end2:
_tile_overlayer_lowered:
.L_overlay_start_2:
0x276: {  	(tag) =	ssettag $0x2  }
0x277: {  	s0 =	rddreg [dreg:$0x0];
	s2 =	stileid.u32  }
0x278: {  	s1 =	rddreg [dreg:$0x1];
	p0 =	sne.s32 s2, $0x0  }
0x279: {  	s3 =	rddreg [dreg:$0x2];
	[bflag:$0x3] =	sbarrier.arrive $0xFFFF;
	s2 =	simm.s32 @!p0 $0x1C0B  }
0x27a: {  	[timem:s3], [sflag:s2] =	dma.local @!p0 [hbm:s0], s1  }
0x27b: {  	s0 =	simm.s32 @!p0 $0xB  }
0x27c: {  	_ =	swait.ge @!p0 [sflag:s0], s1  }
0x27d: {  	s1 =	ssub.s32 @!p0 $0x0, s1;
	[sflag:s0] =	ssyncset.done @!p0 $0x0  }
0x27e: {  	[sflag:s0] =	ssyncadd.s32 @!p0 s1  }
0x27f: {  	[bflag:$0x3] =	sbarrier.arrive $0xFFFF  }
0x280: {  	_ =	shalt  }

</sc_bundles>
